<compile_context>
chip_gen: v7x
topology: tpu7x:2x2x1
jax: 0.10.2.dev20260603
libtpu: 0.0.44.dev20260713+nightly
codegen_flags: <defaults>
</compile_context>

<pallas_src>
import functools

import jax
import jax.numpy as jnp
from jax import lax
from jax.experimental import pallas as pl
from jax.experimental.pallas import tpu as pltpu
from jax.experimental.pallas import tpu_sc as plsc

_D = 1024
_S = 2048
_NCORE = 2
_NSUB = 16
_NW = _NCORE * _NSUB
_RPW = _S // _NW
_CH = 16
_NCH = _RPW // _CH

_mesh = plsc.VectorSubcoreMesh(
    core_axis_name="c", subcore_axis_name="s",
    num_cores=_NCORE, num_subcores=_NSUB,
)


@functools.partial(
    pl.kernel,
    out_type=jax.ShapeDtypeStruct((_S + 1, 2, _D), jnp.float32),
    mesh=_mesh,
    scratch_types=[
        pltpu.VMEM((_CH, 2, _D), jnp.float32),
        pltpu.VMEM((_CH, 2, _D), jnp.float32),
        pltpu.VMEM((8,), jnp.int32),
        pltpu.VMEM((8,), jnp.int32),
        pltpu.VMEM((8, _D), jnp.float32),
        pltpu.VMEM((8, _D), jnp.float32),
        pltpu.VMEM((1, 2, _D), jnp.float32),
        pltpu.SemaphoreType.DMA,
        pltpu.SemaphoreType.DMA,
        pltpu.SemaphoreType.DMA,
        pltpu.SemaphoreType.DMA,
        pltpu.SemaphoreType.DMA,
    ],
)
def _sc_fused(bos_hbm, emb_hbm, idx_hbm, spe_hbm, pos_hbm, out_hbm,
              bufa, bufb, bi_v, pi_v, spe_v, pos_v, row_v,
              sem_ia, sem_ib, sem_oa, sem_ob, sem_g):
    c = lax.axis_index("c")
    s = lax.axis_index("s")
    w = s * _NCORE + c
    r0 = w * _RPW

    bufs = (bufa, bufb)
    sem_in = (sem_ia, sem_ib)
    sem_out = (sem_oa, sem_ob)

    d_in = [
        tuple(
            pltpu.make_async_copy(
                emb_hbm.at[b, pl.ds(r0 + t * _CH, _CH), :],
                bufs[t % 2].at[:, b, :], sem_in[t % 2])
            for b in (0, 1))
        for t in range(_NCH)
    ]
    d_out = [
        pltpu.make_async_copy(
            bufs[t % 2], out_hbm.at[pl.ds(r0 + t * _CH, _CH), :, :],
            sem_out[t % 2])
        for t in range(_NCH)
    ]

    is_row_worker = w == _NW - 1

    d_bos = pltpu.make_async_copy(bos_hbm, bi_v, sem_g)
    d_idx = pltpu.make_async_copy(idx_hbm, pi_v, sem_g)
    d_g1 = pltpu.make_async_copy(spe_hbm.at[bi_v], spe_v, sem_g)
    d_g2 = pltpu.make_async_copy(pos_hbm.at[pi_v], pos_v, sem_g)
    d_rw = pltpu.make_async_copy(row_v, out_hbm.at[pl.ds(_S, 1), :, :], sem_g)

    d_in[0][0].start()
    d_in[0][1].start()
    d_in[1][0].start()
    d_in[1][1].start()

    @pl.when(is_row_worker)
    def _row0():
        d_bos.start()
        d_idx.start()

    for t in range(_NCH):
        d_in[t][0].wait()
        d_in[t][1].wait()
        d_out[t].start()

        if t == 0:
            @pl.when(is_row_worker)
            def _row1():
                d_bos.wait()
                d_idx.wait()
                d_g1.start()
                d_g2.start()
        if t == 2:
            @pl.when(is_row_worker)
            def _row2():
                d_g1.wait()
                d_g2.wait()
                for j in range(_D // 16):
                    sl = pl.ds(16 * j, 16)
                    r = spe_v[0, sl] + pos_v[0, sl]
                    row_v[0, 0, sl] = r
                    row_v[0, 1, sl] = r
                d_rw.start()

        d_out[t].wait()
        if t + 2 < _NCH:
            d_in[t + 2][0].start()
            d_in[t + 2][1].start()

    @pl.when(is_row_worker)
    def _row3():
        d_rw.wait()


def kernel(bos_token, embeds, idx, speech_emb, pos_emb):
    bos8 = jnp.broadcast_to(bos_token.reshape(1).astype(jnp.int32), (8,))
    idx8 = jnp.broadcast_to(idx.reshape(1).astype(jnp.int32), (8,))
    out2 = _sc_fused(bos8, embeds, idx8, speech_emb, pos_emb)
    return jnp.swapaxes(out2, 0, 1)

# --- scband reference (transcript-rebuilt; emitter-appended) ---
"""Pipeline reference for scband-speech-encoder-16930761081114 (READ-ONLY COPY).

The authoritative reference and input builder live on the scoring server;
editing this copy changes nothing except your own understanding.
"""

import jax, jax.numpy as jnp
import numpy as np

SPEECH_VOCAB = 8194
D_MODEL = 1024
MAX_POS = 4096


def setup_inputs(seed: int = 0) -> dict:
    key = jax.random.key(seed)
    k1, k2, k3, k4, k5 = jax.random.split(key, 5)
    bos_token = jax.random.randint(k1, (1, 1), 0, SPEECH_VOCAB, dtype=jnp.int64 if jax.config.jax_enable_x64 else jnp.int32).astype(jnp.int32)
    embeds = jax.random.normal(k2, (2, 2048, D_MODEL), dtype=jnp.float32)
    idx = jax.random.randint(k3, (1,), 0, MAX_POS).astype(jnp.int32)
    speech_emb = jax.random.normal(k4, (SPEECH_VOCAB, D_MODEL), dtype=jnp.float32) * 0.02
    pos_emb = jax.random.normal(k5, (MAX_POS, D_MODEL), dtype=jnp.float32) * 0.02
    return {"bos_token": bos_token, "embeds": embeds, "idx": idx, "speech_emb": speech_emb, "pos_emb": pos_emb}


def reference(bos_token, embeds, idx, speech_emb, pos_emb):
    # bos_embed = self.speech_emb(bos_token)  -> gather
    bos_embed = jnp.take(speech_emb, bos_token, axis=0)  # [1, 1, d]
    # idx = torch.atleast_2d(idx); pos lookup
    idx2 = jnp.atleast_2d(idx)  # [1, 1]
    pos = jnp.take(pos_emb, idx2, axis=0)  # [1, 1, d]
    bos_embed = bos_embed + pos
    # duplicate along batch (CFG-style 2-way)
    bos_embed = jnp.concatenate([bos_embed, bos_embed], axis=0)  # [2, 1, d]
    inputs_embeds = jnp.concatenate([embeds, bos_embed], axis=1)  # [2, S+1, d]
    return inputs_embeds

if __name__ == "__main__":
    import jax
    _d = setup_inputs()
    print(jax.jit(kernel)(*tuple(_d.values())))

</pallas_src>

<mosaic_0001>
#map = affine_map<(d0, d1) -> (0)>
#map1 = affine_map<(d0, d1) -> (0, 0, 0)>
#map2 = affine_map<(d0, d1) -> (0, 0)>
module attributes {stable_mosaic.version = 14 : i64} {
  func.func @_sc_fused(%arg0: i32, %arg1: i32, %arg2: memref<8xi32, #tpu.memory_space<hbm>>, %arg3: memref<2x2048x1024xf32, #tpu.memory_space<hbm>>, %arg4: memref<8xi32, #tpu.memory_space<hbm>>, %arg5: memref<8194x1024xf32, #tpu.memory_space<hbm>>, %arg6: memref<4096x1024xf32, #tpu.memory_space<hbm>>, %arg7: memref<2049x2x1024xf32, #tpu.memory_space<hbm>>, %arg8: memref<16x2x1024xf32, #tpu.memory_space<vmem>>, %arg9: memref<16x2x1024xf32, #tpu.memory_space<vmem>>, %arg10: memref<8xi32, #tpu.memory_space<vmem>>, %arg11: memref<8xi32, #tpu.memory_space<vmem>>, %arg12: memref<8x1024xf32, #tpu.memory_space<vmem>>, %arg13: memref<8x1024xf32, #tpu.memory_space<vmem>>, %arg14: memref<1x2x1024xf32, #tpu.memory_space<vmem>>, %arg15: memref<!tpu.dma_semaphore, #tpu.memory_space<semaphore_mem>>, %arg16: memref<!tpu.dma_semaphore, #tpu.memory_space<semaphore_mem>>, %arg17: memref<!tpu.dma_semaphore, #tpu.memory_space<semaphore_mem>>, %arg18: memref<!tpu.dma_semaphore, #tpu.memory_space<semaphore_mem>>, %arg19: memref<!tpu.dma_semaphore, #tpu.memory_space<semaphore_mem>>) attributes {dimension_semantics = [#tpu.dimension_semantics<core_parallel>, #tpu.dimension_semantics<subcore_parallel>], iteration_bounds = array<i64: 2, 16>, scalar_prefetch = 0 : i64, scratch_operands = 12 : i64, tpu.core_type = #tpu.core_type<sc_vector_subcore>, window_params = [{transform_indices = #map}, {transform_indices = #map1}, {transform_indices = #map}, {transform_indices = #map2}, {transform_indices = #map2}, {transform_indices = #map1}]} {
    %mul3A = arith.constant 2 : i32
    %mul3A_0 = arith.muli %arg1, %mul3A : i32
    %add3A = arith.addi %mul3A_0, %arg0 : i32
    %mul3A_1 = arith.constant 64 : i32
    %mul3A_2 = arith.muli %add3A, %mul3A_1 : i32
    %add3A_3 = arith.constant 0 : i32
    %add3A_4 = arith.addi %mul3A_2, %add3A_3 : i32
    %add3A_5 = arith.constant 0 : i32
    %add3A_6 = arith.addi %mul3A_2, %add3A_5 : i32
    %add3A_7 = arith.constant 16 : i32
    %add3A_8 = arith.addi %mul3A_2, %add3A_7 : i32
    %add3A_9 = arith.constant 16 : i32
    %add3A_10 = arith.addi %mul3A_2, %add3A_9 : i32
    %add3A_11 = arith.constant 32 : i32
    %add3A_12 = arith.addi %mul3A_2, %add3A_11 : i32
    %add3A_13 = arith.constant 32 : i32
    %add3A_14 = arith.addi %mul3A_2, %add3A_13 : i32
    %add3A_15 = arith.constant 48 : i32
    %add3A_16 = arith.addi %mul3A_2, %add3A_15 : i32
    %add3A_17 = arith.constant 48 : i32
    %add3A_18 = arith.addi %mul3A_2, %add3A_17 : i32
    %add3A_19 = arith.constant 0 : i32
    %add3A_20 = arith.addi %mul3A_2, %add3A_19 : i32
    %add3A_21 = arith.constant 16 : i32
    %add3A_22 = arith.addi %mul3A_2, %add3A_21 : i32
    %add3A_23 = arith.constant 32 : i32
    %add3A_24 = arith.addi %mul3A_2, %add3A_23 : i32
    %add3A_25 = arith.constant 48 : i32
    %add3A_26 = arith.addi %mul3A_2, %add3A_25 : i32
    %eq3A = arith.constant 31 : i32
    %eq3A_27 = arith.cmpi eq, %add3A, %eq3A : i32
    %dma_start3A = arith.constant 0 : i32
    %dma_start3A_28 = arith.constant 0 : i32
    %dma_start3A_29 = arith.constant 0 : i32
    %dma_start3A_30 = arith.constant 0 : i32
    %dma_start3A_31 = tpu.memref_slice %arg8[%dma_start3A_29, %dma_start3A_28, %dma_start3A_30] : memref<16x2x1024xf32, #tpu.memory_space<vmem>> -> memref<16x1x1024xf32, #tpu.memory_space<vmem>>
    %dma_start3A_32 = tpu.memref_squeeze %dma_start3A_31 : memref<16x1x1024xf32, #tpu.memory_space<vmem>> -> memref<16x1024xf32, #tpu.memory_space<vmem>>
    %dma_start3A_33 = arith.constant 0 : i32
    %dma_start3A_34 = tpu.memref_slice %arg3[%dma_start3A, %add3A_4, %dma_start3A_33] : memref<2x2048x1024xf32, #tpu.memory_space<hbm>> -> memref<1x16x1024xf32, #tpu.memory_space<hbm>>
    %dma_start3A_35 = tpu.memref_squeeze %dma_start3A_34 : memref<1x16x1024xf32, #tpu.memory_space<hbm>> -> memref<16x1024xf32, #tpu.memory_space<hbm>>
    %dma_start3A_36 = arith.constant 0 : i32
    %dma_start3A_37 = arith.constant 0 : i32
    %dma_start3A_38 = tpu.memref_slice %arg8[%dma_start3A_36, %dma_start3A_28, %dma_start3A_37] : memref<16x2x1024xf32, #tpu.memory_space<vmem>> -> memref<16x1x1024xf32, #tpu.memory_space<vmem>>
    %dma_start3A_39 = tpu.memref_squeeze %dma_start3A_38 : memref<16x1x1024xf32, #tpu.memory_space<vmem>> -> memref<16x1024xf32, #tpu.memory_space<vmem>>
    %dma_start3A_40 = arith.constant 0 : i32
    %dma_start3A_41 = tpu.memref_slice %arg3[%dma_start3A, %add3A_4, %dma_start3A_40] : memref<2x2048x1024xf32, #tpu.memory_space<hbm>> -> memref<1x16x1024xf32, #tpu.memory_space<hbm>>
    %dma_start3A_42 = tpu.memref_squeeze %dma_start3A_41 : memref<1x16x1024xf32, #tpu.memory_space<hbm>> -> memref<16x1024xf32, #tpu.memory_space<hbm>>
    tpu.enqueue_dma source(%dma_start3A_42 : memref<16x1024xf32, #tpu.memory_space<hbm>>) target(%dma_start3A_39 : memref<16x1024xf32, #tpu.memory_space<vmem>>) target_semaphore(%arg15 : memref<!tpu.dma_semaphore, #tpu.memory_space<semaphore_mem>>)
    %dma_start3A_43 = arith.constant 1 : i32
    %dma_start3A_44 = arith.constant 1 : i32
    %dma_start3A_45 = arith.constant 0 : i32
    %dma_start3A_46 = arith.constant 0 : i32
    %dma_start3A_47 = tpu.memref_slice %arg8[%dma_start3A_45, %dma_start3A_44, %dma_start3A_46] : memref<16x2x1024xf32, #tpu.memory_space<vmem>> -> memref<16x1x1024xf32, #tpu.memory_space<vmem>>
    %dma_start3A_48 = tpu.memref_squeeze %dma_start3A_47 : memref<16x1x1024xf32, #tpu.memory_space<vmem>> -> memref<16x1024xf32, #tpu.memory_space<vmem>>
    %dma_start3A_49 = arith.constant 0 : i32
    %dma_start3A_50 = tpu.memref_slice %arg3[%dma_start3A_43, %add3A_6, %dma_start3A_49] : memref<2x2048x1024xf32, #tpu.memory_space<hbm>> -> memref<1x16x1024xf32, #tpu.memory_space<hbm>>
    %dma_start3A_51 = tpu.memref_squeeze %dma_start3A_50 : memref<1x16x1024xf32, #tpu.memory_space<hbm>> -> memref<16x1024xf32, #tpu.memory_space<hbm>>
    %dma_start3A_52 = arith.constant 0 : i32
    %dma_start3A_53 = arith.constant 0 : i32
    %dma_start3A_54 = tpu.memref_slice %arg8[%dma_start3A_52, %dma_start3A_44, %dma_start3A_53] : memref<16x2x1024xf32, #tpu.memory_space<vmem>> -> memref<16x1x1024xf32, #tpu.memory_space<vmem>>
    %dma_start3A_55 = tpu.memref_squeeze %dma_start3A_54 : memref<16x1x1024xf32, #tpu.memory_space<vmem>> -> memref<16x1024xf32, #tpu.memory_space<vmem>>
    %dma_start3A_56 = arith.constant 0 : i32
    %dma_start3A_57 = tpu.memref_slice %arg3[%dma_start3A_43, %add3A_6, %dma_start3A_56] : memref<2x2048x1024xf32, #tpu.memory_space<hbm>> -> memref<1x16x1024xf32, #tpu.memory_space<hbm>>
    %dma_start3A_58 = tpu.memref_squeeze %dma_start3A_57 : memref<1x16x1024xf32, #tpu.memory_space<hbm>> -> memref<16x1024xf32, #tpu.memory_space<hbm>>
    tpu.enqueue_dma source(%dma_start3A_58 : memref<16x1024xf32, #tpu.memory_space<hbm>>) target(%dma_start3A_55 : memref<16x1024xf32, #tpu.memory_space<vmem>>) target_semaphore(%arg15 : memref<!tpu.dma_semaphore, #tpu.memory_space<semaphore_mem>>)
    %dma_start3A_59 = arith.constant 0 : i32
    %dma_start3A_60 = arith.constant 0 : i32
    %dma_start3A_61 = arith.constant 0 : i32
    %dma_start3A_62 = arith.constant 0 : i32
    %dma_start3A_63 = tpu.memref_slice %arg9[%dma_start3A_61, %dma_start3A_60, %dma_start3A_62] : memref<16x2x1024xf32, #tpu.memory_space<vmem>> -> memref<16x1x1024xf32, #tpu.memory_space<vmem>>
    %dma_start3A_64 = tpu.memref_squeeze %dma_start3A_63 : memref<16x1x1024xf32, #tpu.memory_space<vmem>> -> memref<16x1024xf32, #tpu.memory_space<vmem>>
    %dma_start3A_65 = arith.constant 0 : i32
    %dma_start3A_66 = tpu.memref_slice %arg3[%dma_start3A_59, %add3A_8, %dma_start3A_65] : memref<2x2048x1024xf32, #tpu.memory_space<hbm>> -> memref<1x16x1024xf32, #tpu.memory_space<hbm>>
    %dma_start3A_67 = tpu.memref_squeeze %dma_start3A_66 : memref<1x16x1024xf32, #tpu.memory_space<hbm>> -> memref<16x1024xf32, #tpu.memory_space<hbm>>
    %dma_start3A_68 = arith.constant 0 : i32
    %dma_start3A_69 = arith.constant 0 : i32
    %dma_start3A_70 = tpu.memref_slice %arg9[%dma_start3A_68, %dma_start3A_60, %dma_start3A_69] : memref<16x2x1024xf32, #tpu.memory_space<vmem>> -> memref<16x1x1024xf32, #tpu.memory_space<vmem>>
    %dma_start3A_71 = tpu.memref_squeeze %dma_start3A_70 : memref<16x1x1024xf32, #tpu.memory_space<vmem>> -> memref<16x1024xf32, #tpu.memory_space<vmem>>
    %dma_start3A_72 = arith.constant 0 : i32
    %dma_start3A_73 = tpu.memref_slice %arg3[%dma_start3A_59, %add3A_8, %dma_start3A_72] : memref<2x2048x1024xf32, #tpu.memory_space<hbm>> -> memref<1x16x1024xf32, #tpu.memory_space<hbm>>
    %dma_start3A_74 = tpu.memref_squeeze %dma_start3A_73 : memref<1x16x1024xf32, #tpu.memory_space<hbm>> -> memref<16x1024xf32, #tpu.memory_space<hbm>>
    tpu.enqueue_dma source(%dma_start3A_74 : memref<16x1024xf32, #tpu.memory_space<hbm>>) target(%dma_start3A_71 : memref<16x1024xf32, #tpu.memory_space<vmem>>) target_semaphore(%arg16 : memref<!tpu.dma_semaphore, #tpu.memory_space<semaphore_mem>>)
    %dma_start3A_75 = arith.constant 1 : i32
    %dma_start3A_76 = arith.constant 1 : i32
    %dma_start3A_77 = arith.constant 0 : i32
    %dma_start3A_78 = arith.constant 0 : i32
    %dma_start3A_79 = tpu.memref_slice %arg9[%dma_start3A_77, %dma_start3A_76, %dma_start3A_78] : memref<16x2x1024xf32, #tpu.memory_space<vmem>> -> memref<16x1x1024xf32, #tpu.memory_space<vmem>>
    %dma_start3A_80 = tpu.memref_squeeze %dma_start3A_79 : memref<16x1x1024xf32, #tpu.memory_space<vmem>> -> memref<16x1024xf32, #tpu.memory_space<vmem>>
    %dma_start3A_81 = arith.constant 0 : i32
    %dma_start3A_82 = tpu.memref_slice %arg3[%dma_start3A_75, %add3A_10, %dma_start3A_81] : memref<2x2048x1024xf32, #tpu.memory_space<hbm>> -> memref<1x16x1024xf32, #tpu.memory_space<hbm>>
    %dma_start3A_83 = tpu.memref_squeeze %dma_start3A_82 : memref<1x16x1024xf32, #tpu.memory_space<hbm>> -> memref<16x1024xf32, #tpu.memory_space<hbm>>
    %dma_start3A_84 = arith.constant 0 : i32
    %dma_start3A_85 = arith.constant 0 : i32
    %dma_start3A_86 = tpu.memref_slice %arg9[%dma_start3A_84, %dma_start3A_76, %dma_start3A_85] : memref<16x2x1024xf32, #tpu.memory_space<vmem>> -> memref<16x1x1024xf32, #tpu.memory_space<vmem>>
    %dma_start3A_87 = tpu.memref_squeeze %dma_start3A_86 : memref<16x1x1024xf32, #tpu.memory_space<vmem>> -> memref<16x1024xf32, #tpu.memory_space<vmem>>
    %dma_start3A_88 = arith.constant 0 : i32
    %dma_start3A_89 = tpu.memref_slice %arg3[%dma_start3A_75, %add3A_10, %dma_start3A_88] : memref<2x2048x1024xf32, #tpu.memory_space<hbm>> -> memref<1x16x1024xf32, #tpu.memory_space<hbm>>
    %dma_start3A_90 = tpu.memref_squeeze %dma_start3A_89 : memref<1x16x1024xf32, #tpu.memory_space<hbm>> -> memref<16x1024xf32, #tpu.memory_space<hbm>>
    tpu.enqueue_dma source(%dma_start3A_90 : memref<16x1024xf32, #tpu.memory_space<hbm>>) target(%dma_start3A_87 : memref<16x1024xf32, #tpu.memory_space<vmem>>) target_semaphore(%arg16 : memref<!tpu.dma_semaphore, #tpu.memory_space<semaphore_mem>>)
    %convert_element_type3A = arith.extui %eq3A_27 : i1 to i32
    %cond3A = arith.constant 0 : i32
    %cond3A_91 = arith.cmpi ne, %convert_element_type3A, %cond3A : i32
    scf.if %cond3A_91 {
      tpu.enqueue_dma source(%arg2 : memref<8xi32, #tpu.memory_space<hbm>>) target(%arg10 : memref<8xi32, #tpu.memory_space<vmem>>) target_semaphore(%arg19 : memref<!tpu.dma_semaphore, #tpu.memory_space<semaphore_mem>>)
      tpu.enqueue_dma source(%arg4 : memref<8xi32, #tpu.memory_space<hbm>>) target(%arg11 : memref<8xi32, #tpu.memory_space<vmem>>) target_semaphore(%arg19 : memref<!tpu.dma_semaphore, #tpu.memory_space<semaphore_mem>>)
    } else {
    }
    %dma_wait3A = arith.constant 0 : i32
    %dma_wait3A_92 = arith.constant 0 : i32
    %dma_wait3A_93 = arith.constant 0 : i32
    %dma_wait3A_94 = arith.constant 0 : i32
    %dma_wait3A_95 = tpu.memref_slice %arg8[%dma_wait3A_93, %dma_wait3A_92, %dma_wait3A_94] : memref<16x2x1024xf32, #tpu.memory_space<vmem>> -> memref<16x1x1024xf32, #tpu.memory_space<vmem>>
    %dma_wait3A_96 = tpu.memref_squeeze %dma_wait3A_95 : memref<16x1x1024xf32, #tpu.memory_space<vmem>> -> memref<16x1024xf32, #tpu.memory_space<vmem>>
    %dma_wait3A_97 = arith.constant 0 : i32
    %dma_wait3A_98 = tpu.memref_slice %arg3[%dma_wait3A, %add3A_4, %dma_wait3A_97] : memref<2x2048x1024xf32, #tpu.memory_space<hbm>> -> memref<1x16x1024xf32, #tpu.memory_space<hbm>>
    %dma_wait3A_99 = tpu.memref_squeeze %dma_wait3A_98 : memref<1x16x1024xf32, #tpu.memory_space<hbm>> -> memref<16x1024xf32, #tpu.memory_space<hbm>>
    %dma_wait3A_100 = arith.constant 0 : i32
    %dma_wait3A_101 = arith.constant 0 : i32
    %dma_wait3A_102 = tpu.memref_slice %arg8[%dma_wait3A_100, %dma_wait3A_92, %dma_wait3A_101] : memref<16x2x1024xf32, #tpu.memory_space<vmem>> -> memref<16x1x1024xf32, #tpu.memory_space<vmem>>
    %dma_wait3A_103 = tpu.memref_squeeze %dma_wait3A_102 : memref<16x1x1024xf32, #tpu.memory_space<vmem>> -> memref<16x1024xf32, #tpu.memory_space<vmem>>
    %dma_wait3A_104 = arith.constant 0 : i32
    %dma_wait3A_105 = tpu.memref_slice %arg3[%dma_wait3A, %add3A_4, %dma_wait3A_104] : memref<2x2048x1024xf32, #tpu.memory_space<hbm>> -> memref<1x16x1024xf32, #tpu.memory_space<hbm>>
    %dma_wait3A_106 = tpu.memref_squeeze %dma_wait3A_105 : memref<1x16x1024xf32, #tpu.memory_space<hbm>> -> memref<16x1024xf32, #tpu.memory_space<hbm>>
    tpu.wait_dma2 semaphore(%arg15 : memref<!tpu.dma_semaphore, #tpu.memory_space<semaphore_mem>>) src(%dma_wait3A_106 : memref<16x1024xf32, #tpu.memory_space<hbm>>) dst(%dma_wait3A_103 : memref<16x1024xf32, #tpu.memory_space<vmem>>)
    %dma_wait3A_107 = arith.constant 1 : i32
    %dma_wait3A_108 = arith.constant 1 : i32
    %dma_wait3A_109 = arith.constant 0 : i32
    %dma_wait3A_110 = arith.constant 0 : i32
    %dma_wait3A_111 = tpu.memref_slice %arg8[%dma_wait3A_109, %dma_wait3A_108, %dma_wait3A_110] : memref<16x2x1024xf32, #tpu.memory_space<vmem>> -> memref<16x1x1024xf32, #tpu.memory_space<vmem>>
    %dma_wait3A_112 = tpu.memref_squeeze %dma_wait3A_111 : memref<16x1x1024xf32, #tpu.memory_space<vmem>> -> memref<16x1024xf32, #tpu.memory_space<vmem>>
    %dma_wait3A_113 = arith.constant 0 : i32
    %dma_wait3A_114 = tpu.memref_slice %arg3[%dma_wait3A_107, %add3A_6, %dma_wait3A_113] : memref<2x2048x1024xf32, #tpu.memory_space<hbm>> -> memref<1x16x1024xf32, #tpu.memory_space<hbm>>
    %dma_wait3A_115 = tpu.memref_squeeze %dma_wait3A_114 : memref<1x16x1024xf32, #tpu.memory_space<hbm>> -> memref<16x1024xf32, #tpu.memory_space<hbm>>
    %dma_wait3A_116 = arith.constant 0 : i32
    %dma_wait3A_117 = arith.constant 0 : i32
    %dma_wait3A_118 = tpu.memref_slice %arg8[%dma_wait3A_116, %dma_wait3A_108, %dma_wait3A_117] : memref<16x2x1024xf32, #tpu.memory_space<vmem>> -> memref<16x1x1024xf32, #tpu.memory_space<vmem>>
    %dma_wait3A_119 = tpu.memref_squeeze %dma_wait3A_118 : memref<16x1x1024xf32, #tpu.memory_space<vmem>> -> memref<16x1024xf32, #tpu.memory_space<vmem>>
    %dma_wait3A_120 = arith.constant 0 : i32
    %dma_wait3A_121 = tpu.memref_slice %arg3[%dma_wait3A_107, %add3A_6, %dma_wait3A_120] : memref<2x2048x1024xf32, #tpu.memory_space<hbm>> -> memref<1x16x1024xf32, #tpu.memory_space<hbm>>
    %dma_wait3A_122 = tpu.memref_squeeze %dma_wait3A_121 : memref<1x16x1024xf32, #tpu.memory_space<hbm>> -> memref<16x1024xf32, #tpu.memory_space<hbm>>
    tpu.wait_dma2 semaphore(%arg15 : memref<!tpu.dma_semaphore, #tpu.memory_space<semaphore_mem>>) src(%dma_wait3A_122 : memref<16x1024xf32, #tpu.memory_space<hbm>>) dst(%dma_wait3A_119 : memref<16x1024xf32, #tpu.memory_space<vmem>>)
    %dma_start3A_123 = arith.constant 0 : i32
    %dma_start3A_124 = arith.constant 0 : i32
    %dma_start3A_125 = tpu.memref_slice %arg7[%add3A_20, %dma_start3A_123, %dma_start3A_124] : memref<2049x2x1024xf32, #tpu.memory_space<hbm>> -> memref<16x2x1024xf32, #tpu.memory_space<hbm>>
    %dma_start3A_126 = arith.constant 0 : i32
    %dma_start3A_127 = arith.constant 0 : i32
    %dma_start3A_128 = tpu.memref_slice %arg7[%add3A_20, %dma_start3A_126, %dma_start3A_127] : memref<2049x2x1024xf32, #tpu.memory_space<hbm>> -> memref<16x2x1024xf32, #tpu.memory_space<hbm>>
    tpu.enqueue_dma source(%arg8 : memref<16x2x1024xf32, #tpu.memory_space<vmem>>) target(%dma_start3A_128 : memref<16x2x1024xf32, #tpu.memory_space<hbm>>) target_semaphore(%arg17 : memref<!tpu.dma_semaphore, #tpu.memory_space<semaphore_mem>>)
    %convert_element_type3A_129 = arith.extui %eq3A_27 : i1 to i32
    %cond3A_130 = arith.constant 0 : i32
    %cond3A_131 = arith.cmpi ne, %convert_element_type3A_129, %cond3A_130 : i32
    scf.if %cond3A_131 {
      tpu.wait_dma2 semaphore(%arg19 : memref<!tpu.dma_semaphore, #tpu.memory_space<semaphore_mem>>) src(%arg2 : memref<8xi32, #tpu.memory_space<hbm>>) dst(%arg10 : memref<8xi32, #tpu.memory_space<vmem>>)
      tpu.wait_dma2 semaphore(%arg19 : memref<!tpu.dma_semaphore, #tpu.memory_space<semaphore_mem>>) src(%arg4 : memref<8xi32, #tpu.memory_space<hbm>>) dst(%arg11 : memref<8xi32, #tpu.memory_space<vmem>>)
      %dma_start3A_340 = arith.constant 0 : i32
      %dma_start3A_341 = arith.constant 0 : i32
      %dma_start3A_342 = tpu.memref_slice %arg5[%dma_start3A_340, %dma_start3A_341] : memref<8194x1024xf32, #tpu.memory_space<hbm>> -> memref<8194x1024xf32, #tpu.memory_space<hbm>>
      tpu.enqueue_indirect_dma source(%dma_start3A_342 : memref<8194x1024xf32, #tpu.memory_space<hbm>>) target(%arg12 : memref<8x1024xf32, #tpu.memory_space<vmem>>) offsets(%arg10 : memref<8xi32, #tpu.memory_space<vmem>>) semaphore(%arg19 : memref<!tpu.dma_semaphore, #tpu.memory_space<semaphore_mem>>)
      %dma_start3A_343 = arith.constant 0 : i32
      %dma_start3A_344 = arith.constant 0 : i32
      %dma_start3A_345 = tpu.memref_slice %arg6[%dma_start3A_343, %dma_start3A_344] : memref<4096x1024xf32, #tpu.memory_space<hbm>> -> memref<4096x1024xf32, #tpu.memory_space<hbm>>
      tpu.enqueue_indirect_dma source(%dma_start3A_345 : memref<4096x1024xf32, #tpu.memory_space<hbm>>) target(%arg13 : memref<8x1024xf32, #tpu.memory_space<vmem>>) offsets(%arg11 : memref<8xi32, #tpu.memory_space<vmem>>) semaphore(%arg19 : memref<!tpu.dma_semaphore, #tpu.memory_space<semaphore_mem>>)
    } else {
    }
    %dma_wait3A_132 = arith.constant 0 : i32
    %dma_wait3A_133 = arith.constant 0 : i32
    %dma_wait3A_134 = tpu.memref_slice %arg7[%add3A_20, %dma_wait3A_132, %dma_wait3A_133] : memref<2049x2x1024xf32, #tpu.memory_space<hbm>> -> memref<16x2x1024xf32, #tpu.memory_space<hbm>>
    %dma_wait3A_135 = arith.constant 0 : i32
    %dma_wait3A_136 = arith.constant 0 : i32
    %dma_wait3A_137 = tpu.memref_slice %arg7[%add3A_20, %dma_wait3A_135, %dma_wait3A_136] : memref<2049x2x1024xf32, #tpu.memory_space<hbm>> -> memref<16x2x1024xf32, #tpu.memory_space<hbm>>
    tpu.wait_dma2 semaphore(%arg17 : memref<!tpu.dma_semaphore, #tpu.memory_space<semaphore_mem>>) src(%arg8 : memref<16x2x1024xf32, #tpu.memory_space<vmem>>) dst(%dma_wait3A_137 : memref<16x2x1024xf32, #tpu.memory_space<hbm>>)
    %dma_start3A_138 = arith.constant 0 : i32
    %dma_start3A_139 = arith.constant 0 : i32
    %dma_start3A_140 = arith.constant 0 : i32
    %dma_start3A_141 = arith.constant 0 : i32
    %dma_start3A_142 = tpu.memref_slice %arg8[%dma_start3A_140, %dma_start3A_139, %dma_start3A_141] : memref<16x2x1024xf32, #tpu.memory_space<vmem>> -> memref<16x1x1024xf32, #tpu.memory_space<vmem>>
    %dma_start3A_143 = tpu.memref_squeeze %dma_start3A_142 : memref<16x1x1024xf32, #tpu.memory_space<vmem>> -> memref<16x1024xf32, #tpu.memory_space<vmem>>
    %dma_start3A_144 = arith.constant 0 : i32
    %dma_start3A_145 = tpu.memref_slice %arg3[%dma_start3A_138, %add3A_12, %dma_start3A_144] : memref<2x2048x1024xf32, #tpu.memory_space<hbm>> -> memref<1x16x1024xf32, #tpu.memory_space<hbm>>
    %dma_start3A_146 = tpu.memref_squeeze %dma_start3A_145 : memref<1x16x1024xf32, #tpu.memory_space<hbm>> -> memref<16x1024xf32, #tpu.memory_space<hbm>>
    %dma_start3A_147 = arith.constant 0 : i32
    %dma_start3A_148 = arith.constant 0 : i32
    %dma_start3A_149 = tpu.memref_slice %arg8[%dma_start3A_147, %dma_start3A_139, %dma_start3A_148] : memref<16x2x1024xf32, #tpu.memory_space<vmem>> -> memref<16x1x1024xf32, #tpu.memory_space<vmem>>
    %dma_start3A_150 = tpu.memref_squeeze %dma_start3A_149 : memref<16x1x1024xf32, #tpu.memory_space<vmem>> -> memref<16x1024xf32, #tpu.memory_space<vmem>>
    %dma_start3A_151 = arith.constant 0 : i32
    %dma_start3A_152 = tpu.memref_slice %arg3[%dma_start3A_138, %add3A_12, %dma_start3A_151] : memref<2x2048x1024xf32, #tpu.memory_space<hbm>> -> memref<1x16x1024xf32, #tpu.memory_space<hbm>>
    %dma_start3A_153 = tpu.memref_squeeze %dma_start3A_152 : memref<1x16x1024xf32, #tpu.memory_space<hbm>> -> memref<16x1024xf32, #tpu.memory_space<hbm>>
    tpu.enqueue_dma source(%dma_start3A_153 : memref<16x1024xf32, #tpu.memory_space<hbm>>) target(%dma_start3A_150 : memref<16x1024xf32, #tpu.memory_space<vmem>>) target_semaphore(%arg15 : memref<!tpu.dma_semaphore, #tpu.memory_space<semaphore_mem>>)
    %dma_start3A_154 = arith.constant 1 : i32
    %dma_start3A_155 = arith.constant 1 : i32
    %dma_start3A_156 = arith.constant 0 : i32
    %dma_start3A_157 = arith.constant 0 : i32
    %dma_start3A_158 = tpu.memref_slice %arg8[%dma_start3A_156, %dma_start3A_155, %dma_start3A_157] : memref<16x2x1024xf32, #tpu.memory_space<vmem>> -> memref<16x1x1024xf32, #tpu.memory_space<vmem>>
    %dma_start3A_159 = tpu.memref_squeeze %dma_start3A_158 : memref<16x1x1024xf32, #tpu.memory_space<vmem>> -> memref<16x1024xf32, #tpu.memory_space<vmem>>
    %dma_start3A_160 = arith.constant 0 : i32
    %dma_start3A_161 = tpu.memref_slice %arg3[%dma_start3A_154, %add3A_14, %dma_start3A_160] : memref<2x2048x1024xf32, #tpu.memory_space<hbm>> -> memref<1x16x1024xf32, #tpu.memory_space<hbm>>
    %dma_start3A_162 = tpu.memref_squeeze %dma_start3A_161 : memref<1x16x1024xf32, #tpu.memory_space<hbm>> -> memref<16x1024xf32, #tpu.memory_space<hbm>>
    %dma_start3A_163 = arith.constant 0 : i32
    %dma_start3A_164 = arith.constant 0 : i32
    %dma_start3A_165 = tpu.memref_slice %arg8[%dma_start3A_163, %dma_start3A_155, %dma_start3A_164] : memref<16x2x1024xf32, #tpu.memory_space<vmem>> -> memref<16x1x1024xf32, #tpu.memory_space<vmem>>
    %dma_start3A_166 = tpu.memref_squeeze %dma_start3A_165 : memref<16x1x1024xf32, #tpu.memory_space<vmem>> -> memref<16x1024xf32, #tpu.memory_space<vmem>>
    %dma_start3A_167 = arith.constant 0 : i32
    %dma_start3A_168 = tpu.memref_slice %arg3[%dma_start3A_154, %add3A_14, %dma_start3A_167] : memref<2x2048x1024xf32, #tpu.memory_space<hbm>> -> memref<1x16x1024xf32, #tpu.memory_space<hbm>>
    %dma_start3A_169 = tpu.memref_squeeze %dma_start3A_168 : memref<1x16x1024xf32, #tpu.memory_space<hbm>> -> memref<16x1024xf32, #tpu.memory_space<hbm>>
    tpu.enqueue_dma source(%dma_start3A_169 : memref<16x1024xf32, #tpu.memory_space<hbm>>) target(%dma_start3A_166 : memref<16x1024xf32, #tpu.memory_space<vmem>>) target_semaphore(%arg15 : memref<!tpu.dma_semaphore, #tpu.memory_space<semaphore_mem>>)
    %dma_wait3A_170 = arith.constant 0 : i32
    %dma_wait3A_171 = arith.constant 0 : i32
    %dma_wait3A_172 = arith.constant 0 : i32
    %dma_wait3A_173 = arith.constant 0 : i32
    %dma_wait3A_174 = tpu.memref_slice %arg9[%dma_wait3A_172, %dma_wait3A_171, %dma_wait3A_173] : memref<16x2x1024xf32, #tpu.memory_space<vmem>> -> memref<16x1x1024xf32, #tpu.memory_space<vmem>>
    %dma_wait3A_175 = tpu.memref_squeeze %dma_wait3A_174 : memref<16x1x1024xf32, #tpu.memory_space<vmem>> -> memref<16x1024xf32, #tpu.memory_space<vmem>>
    %dma_wait3A_176 = arith.constant 0 : i32
    %dma_wait3A_177 = tpu.memref_slice %arg3[%dma_wait3A_170, %add3A_8, %dma_wait3A_176] : memref<2x2048x1024xf32, #tpu.memory_space<hbm>> -> memref<1x16x1024xf32, #tpu.memory_space<hbm>>
    %dma_wait3A_178 = tpu.memref_squeeze %dma_wait3A_177 : memref<1x16x1024xf32, #tpu.memory_space<hbm>> -> memref<16x1024xf32, #tpu.memory_space<hbm>>
    %dma_wait3A_179 = arith.constant 0 : i32
    %dma_wait3A_180 = arith.constant 0 : i32
    %dma_wait3A_181 = tpu.memref_slice %arg9[%dma_wait3A_179, %dma_wait3A_171, %dma_wait3A_180] : memref<16x2x1024xf32, #tpu.memory_space<vmem>> -> memref<16x1x1024xf32, #tpu.memory_space<vmem>>
    %dma_wait3A_182 = tpu.memref_squeeze %dma_wait3A_181 : memref<16x1x1024xf32, #tpu.memory_space<vmem>> -> memref<16x1024xf32, #tpu.memory_space<vmem>>
    %dma_wait3A_183 = arith.constant 0 : i32
    %dma_wait3A_184 = tpu.memref_slice %arg3[%dma_wait3A_170, %add3A_8, %dma_wait3A_183] : memref<2x2048x1024xf32, #tpu.memory_space<hbm>> -> memref<1x16x1024xf32, #tpu.memory_space<hbm>>
    %dma_wait3A_185 = tpu.memref_squeeze %dma_wait3A_184 : memref<1x16x1024xf32, #tpu.memory_space<hbm>> -> memref<16x1024xf32, #tpu.memory_space<hbm>>
    tpu.wait_dma2 semaphore(%arg16 : memref<!tpu.dma_semaphore, #tpu.memory_space<semaphore_mem>>) src(%dma_wait3A_185 : memref<16x1024xf32, #tpu.memory_space<hbm>>) dst(%dma_wait3A_182 : memref<16x1024xf32, #tpu.memory_space<vmem>>)
    %dma_wait3A_186 = arith.constant 1 : i32
    %dma_wait3A_187 = arith.constant 1 : i32
    %dma_wait3A_188 = arith.constant 0 : i32
    %dma_wait3A_189 = arith.constant 0 : i32
    %dma_wait3A_190 = tpu.memref_slice %arg9[%dma_wait3A_188, %dma_wait3A_187, %dma_wait3A_189] : memref<16x2x1024xf32, #tpu.memory_space<vmem>> -> memref<16x1x1024xf32, #tpu.memory_space<vmem>>
    %dma_wait3A_191 = tpu.memref_squeeze %dma_wait3A_190 : memref<16x1x1024xf32, #tpu.memory_space<vmem>> -> memref<16x1024xf32, #tpu.memory_space<vmem>>
    %dma_wait3A_192 = arith.constant 0 : i32
    %dma_wait3A_193 = tpu.memref_slice %arg3[%dma_wait3A_186, %add3A_10, %dma_wait3A_192] : memref<2x2048x1024xf32, #tpu.memory_space<hbm>> -> memref<1x16x1024xf32, #tpu.memory_space<hbm>>
    %dma_wait3A_194 = tpu.memref_squeeze %dma_wait3A_193 : memref<1x16x1024xf32, #tpu.memory_space<hbm>> -> memref<16x1024xf32, #tpu.memory_space<hbm>>
    %dma_wait3A_195 = arith.constant 0 : i32
    %dma_wait3A_196 = arith.constant 0 : i32
    %dma_wait3A_197 = tpu.memref_slice %arg9[%dma_wait3A_195, %dma_wait3A_187, %dma_wait3A_196] : memref<16x2x1024xf32, #tpu.memory_space<vmem>> -> memref<16x1x1024xf32, #tpu.memory_space<vmem>>
    %dma_wait3A_198 = tpu.memref_squeeze %dma_wait3A_197 : memref<16x1x1024xf32, #tpu.memory_space<vmem>> -> memref<16x1024xf32, #tpu.memory_space<vmem>>
    %dma_wait3A_199 = arith.constant 0 : i32
    %dma_wait3A_200 = tpu.memref_slice %arg3[%dma_wait3A_186, %add3A_10, %dma_wait3A_199] : memref<2x2048x1024xf32, #tpu.memory_space<hbm>> -> memref<1x16x1024xf32, #tpu.memory_space<hbm>>
    %dma_wait3A_201 = tpu.memref_squeeze %dma_wait3A_200 : memref<1x16x1024xf32, #tpu.memory_space<hbm>> -> memref<16x1024xf32, #tpu.memory_space<hbm>>
    tpu.wait_dma2 semaphore(%arg16 : memref<!tpu.dma_semaphore, #tpu.memory_space<semaphore_mem>>) src(%dma_wait3A_201 : memref<16x1024xf32, #tpu.memory_space<hbm>>) dst(%dma_wait3A_198 : memref<16x1024xf32, #tpu.memory_space<vmem>>)
    %dma_start3A_202 = arith.constant 0 : i32
    %dma_start3A_203 = arith.constant 0 : i32
    %dma_start3A_204 = tpu.memref_slice %arg7[%add3A_22, %dma_start3A_202, %dma_start3A_203] : memref<2049x2x1024xf32, #tpu.memory_space<hbm>> -> memref<16x2x1024xf32, #tpu.memory_space<hbm>>
    %dma_start3A_205 = arith.constant 0 : i32
    %dma_start3A_206 = arith.constant 0 : i32
    %dma_start3A_207 = tpu.memref_slice %arg7[%add3A_22, %dma_start3A_205, %dma_start3A_206] : memref<2049x2x1024xf32, #tpu.memory_space<hbm>> -> memref<16x2x1024xf32, #tpu.memory_space<hbm>>
    tpu.enqueue_dma source(%arg9 : memref<16x2x1024xf32, #tpu.memory_space<vmem>>) target(%dma_start3A_207 : memref<16x2x1024xf32, #tpu.memory_space<hbm>>) target_semaphore(%arg18 : memref<!tpu.dma_semaphore, #tpu.memory_space<semaphore_mem>>)
    %dma_wait3A_208 = arith.constant 0 : i32
    %dma_wait3A_209 = arith.constant 0 : i32
    %dma_wait3A_210 = tpu.memref_slice %arg7[%add3A_22, %dma_wait3A_208, %dma_wait3A_209] : memref<2049x2x1024xf32, #tpu.memory_space<hbm>> -> memref<16x2x1024xf32, #tpu.memory_space<hbm>>
    %dma_wait3A_211 = arith.constant 0 : i32
    %dma_wait3A_212 = arith.constant 0 : i32
    %dma_wait3A_213 = tpu.memref_slice %arg7[%add3A_22, %dma_wait3A_211, %dma_wait3A_212] : memref<2049x2x1024xf32, #tpu.memory_space<hbm>> -> memref<16x2x1024xf32, #tpu.memory_space<hbm>>
    tpu.wait_dma2 semaphore(%arg18 : memref<!tpu.dma_semaphore, #tpu.memory_space<semaphore_mem>>) src(%arg9 : memref<16x2x1024xf32, #tpu.memory_space<vmem>>) dst(%dma_wait3A_213 : memref<16x2x1024xf32, #tpu.memory_space<hbm>>)
    %dma_start3A_214 = arith.constant 0 : i32
    %dma_start3A_215 = arith.constant 0 : i32
    %dma_start3A_216 = arith.constant 0 : i32
    %dma_start3A_217 = arith.constant 0 : i32
    %dma_start3A_218 = tpu.memref_slice %arg9[%dma_start3A_216, %dma_start3A_215, %dma_start3A_217] : memref<16x2x1024xf32, #tpu.memory_space<vmem>> -> memref<16x1x1024xf32, #tpu.memory_space<vmem>>
    %dma_start3A_219 = tpu.memref_squeeze %dma_start3A_218 : memref<16x1x1024xf32, #tpu.memory_space<vmem>> -> memref<16x1024xf32, #tpu.memory_space<vmem>>
    %dma_start3A_220 = arith.constant 0 : i32
    %dma_start3A_221 = tpu.memref_slice %arg3[%dma_start3A_214, %add3A_16, %dma_start3A_220] : memref<2x2048x1024xf32, #tpu.memory_space<hbm>> -> memref<1x16x1024xf32, #tpu.memory_space<hbm>>
    %dma_start3A_222 = tpu.memref_squeeze %dma_start3A_221 : memref<1x16x1024xf32, #tpu.memory_space<hbm>> -> memref<16x1024xf32, #tpu.memory_space<hbm>>
    %dma_start3A_223 = arith.constant 0 : i32
    %dma_start3A_224 = arith.constant 0 : i32
    %dma_start3A_225 = tpu.memref_slice %arg9[%dma_start3A_223, %dma_start3A_215, %dma_start3A_224] : memref<16x2x1024xf32, #tpu.memory_space<vmem>> -> memref<16x1x1024xf32, #tpu.memory_space<vmem>>
    %dma_start3A_226 = tpu.memref_squeeze %dma_start3A_225 : memref<16x1x1024xf32, #tpu.memory_space<vmem>> -> memref<16x1024xf32, #tpu.memory_space<vmem>>
    %dma_start3A_227 = arith.constant 0 : i32
    %dma_start3A_228 = tpu.memref_slice %arg3[%dma_start3A_214, %add3A_16, %dma_start3A_227] : memref<2x2048x1024xf32, #tpu.memory_space<hbm>> -> memref<1x16x1024xf32, #tpu.memory_space<hbm>>
    %dma_start3A_229 = tpu.memref_squeeze %dma_start3A_228 : memref<1x16x1024xf32, #tpu.memory_space<hbm>> -> memref<16x1024xf32, #tpu.memory_space<hbm>>
    tpu.enqueue_dma source(%dma_start3A_229 : memref<16x1024xf32, #tpu.memory_space<hbm>>) target(%dma_start3A_226 : memref<16x1024xf32, #tpu.memory_space<vmem>>) target_semaphore(%arg16 : memref<!tpu.dma_semaphore, #tpu.memory_space<semaphore_mem>>)
    %dma_start3A_230 = arith.constant 1 : i32
    %dma_start3A_231 = arith.constant 1 : i32
    %dma_start3A_232 = arith.constant 0 : i32
    %dma_start3A_233 = arith.constant 0 : i32
    %dma_start3A_234 = tpu.memref_slice %arg9[%dma_start3A_232, %dma_start3A_231, %dma_start3A_233] : memref<16x2x1024xf32, #tpu.memory_space<vmem>> -> memref<16x1x1024xf32, #tpu.memory_space<vmem>>
    %dma_start3A_235 = tpu.memref_squeeze %dma_start3A_234 : memref<16x1x1024xf32, #tpu.memory_space<vmem>> -> memref<16x1024xf32, #tpu.memory_space<vmem>>
    %dma_start3A_236 = arith.constant 0 : i32
    %dma_start3A_237 = tpu.memref_slice %arg3[%dma_start3A_230, %add3A_18, %dma_start3A_236] : memref<2x2048x1024xf32, #tpu.memory_space<hbm>> -> memref<1x16x1024xf32, #tpu.memory_space<hbm>>
    %dma_start3A_238 = tpu.memref_squeeze %dma_start3A_237 : memref<1x16x1024xf32, #tpu.memory_space<hbm>> -> memref<16x1024xf32, #tpu.memory_space<hbm>>
    %dma_start3A_239 = arith.constant 0 : i32
    %dma_start3A_240 = arith.constant 0 : i32
    %dma_start3A_241 = tpu.memref_slice %arg9[%dma_start3A_239, %dma_start3A_231, %dma_start3A_240] : memref<16x2x1024xf32, #tpu.memory_space<vmem>> -> memref<16x1x1024xf32, #tpu.memory_space<vmem>>
    %dma_start3A_242 = tpu.memref_squeeze %dma_start3A_241 : memref<16x1x1024xf32, #tpu.memory_space<vmem>> -> memref<16x1024xf32, #tpu.memory_space<vmem>>
    %dma_start3A_243 = arith.constant 0 : i32
    %dma_start3A_244 = tpu.memref_slice %arg3[%dma_start3A_230, %add3A_18, %dma_start3A_243] : memref<2x2048x1024xf32, #tpu.memory_space<hbm>> -> memref<1x16x1024xf32, #tpu.memory_space<hbm>>
    %dma_start3A_245 = tpu.memref_squeeze %dma_start3A_244 : memref<1x16x1024xf32, #tpu.memory_space<hbm>> -> memref<16x1024xf32, #tpu.memory_space<hbm>>
    tpu.enqueue_dma source(%dma_start3A_245 : memref<16x1024xf32, #tpu.memory_space<hbm>>) target(%dma_start3A_242 : memref<16x1024xf32, #tpu.memory_space<vmem>>) target_semaphore(%arg16 : memref<!tpu.dma_semaphore, #tpu.memory_space<semaphore_mem>>)
    %dma_wait3A_246 = arith.constant 0 : i32
    %dma_wait3A_247 = arith.constant 0 : i32
    %dma_wait3A_248 = arith.constant 0 : i32
    %dma_wait3A_249 = arith.constant 0 : i32
    %dma_wait3A_250 = tpu.memref_slice %arg8[%dma_wait3A_248, %dma_wait3A_247, %dma_wait3A_249] : memref<16x2x1024xf32, #tpu.memory_space<vmem>> -> memref<16x1x1024xf32, #tpu.memory_space<vmem>>
    %dma_wait3A_251 = tpu.memref_squeeze %dma_wait3A_250 : memref<16x1x1024xf32, #tpu.memory_space<vmem>> -> memref<16x1024xf32, #tpu.memory_space<vmem>>
    %dma_wait3A_252 = arith.constant 0 : i32
    %dma_wait3A_253 = tpu.memref_slice %arg3[%dma_wait3A_246, %add3A_12, %dma_wait3A_252] : memref<2x2048x1024xf32, #tpu.memory_space<hbm>> -> memref<1x16x1024xf32, #tpu.memory_space<hbm>>
    %dma_wait3A_254 = tpu.memref_squeeze %dma_wait3A_253 : memref<1x16x1024xf32, #tpu.memory_space<hbm>> -> memref<16x1024xf32, #tpu.memory_space<hbm>>
    %dma_wait3A_255 = arith.constant 0 : i32
    %dma_wait3A_256 = arith.constant 0 : i32
    %dma_wait3A_257 = tpu.memref_slice %arg8[%dma_wait3A_255, %dma_wait3A_247, %dma_wait3A_256] : memref<16x2x1024xf32, #tpu.memory_space<vmem>> -> memref<16x1x1024xf32, #tpu.memory_space<vmem>>
    %dma_wait3A_258 = tpu.memref_squeeze %dma_wait3A_257 : memref<16x1x1024xf32, #tpu.memory_space<vmem>> -> memref<16x1024xf32, #tpu.memory_space<vmem>>
    %dma_wait3A_259 = arith.constant 0 : i32
    %dma_wait3A_260 = tpu.memref_slice %arg3[%dma_wait3A_246, %add3A_12, %dma_wait3A_259] : memref<2x2048x1024xf32, #tpu.memory_space<hbm>> -> memref<1x16x1024xf32, #tpu.memory_space<hbm>>
    %dma_wait3A_261 = tpu.memref_squeeze %dma_wait3A_260 : memref<1x16x1024xf32, #tpu.memory_space<hbm>> -> memref<16x1024xf32, #tpu.memory_space<hbm>>
    tpu.wait_dma2 semaphore(%arg15 : memref<!tpu.dma_semaphore, #tpu.memory_space<semaphore_mem>>) src(%dma_wait3A_261 : memref<16x1024xf32, #tpu.memory_space<hbm>>) dst(%dma_wait3A_258 : memref<16x1024xf32, #tpu.memory_space<vmem>>)
    %dma_wait3A_262 = arith.constant 1 : i32
    %dma_wait3A_263 = arith.constant 1 : i32
    %dma_wait3A_264 = arith.constant 0 : i32
    %dma_wait3A_265 = arith.constant 0 : i32
    %dma_wait3A_266 = tpu.memref_slice %arg8[%dma_wait3A_264, %dma_wait3A_263, %dma_wait3A_265] : memref<16x2x1024xf32, #tpu.memory_space<vmem>> -> memref<16x1x1024xf32, #tpu.memory_space<vmem>>
    %dma_wait3A_267 = tpu.memref_squeeze %dma_wait3A_266 : memref<16x1x1024xf32, #tpu.memory_space<vmem>> -> memref<16x1024xf32, #tpu.memory_space<vmem>>
    %dma_wait3A_268 = arith.constant 0 : i32
    %dma_wait3A_269 = tpu.memref_slice %arg3[%dma_wait3A_262, %add3A_14, %dma_wait3A_268] : memref<2x2048x1024xf32, #tpu.memory_space<hbm>> -> memref<1x16x1024xf32, #tpu.memory_space<hbm>>
    %dma_wait3A_270 = tpu.memref_squeeze %dma_wait3A_269 : memref<1x16x1024xf32, #tpu.memory_space<hbm>> -> memref<16x1024xf32, #tpu.memory_space<hbm>>
    %dma_wait3A_271 = arith.constant 0 : i32
    %dma_wait3A_272 = arith.constant 0 : i32
    %dma_wait3A_273 = tpu.memref_slice %arg8[%dma_wait3A_271, %dma_wait3A_263, %dma_wait3A_272] : memref<16x2x1024xf32, #tpu.memory_space<vmem>> -> memref<16x1x1024xf32, #tpu.memory_space<vmem>>
    %dma_wait3A_274 = tpu.memref_squeeze %dma_wait3A_273 : memref<16x1x1024xf32, #tpu.memory_space<vmem>> -> memref<16x1024xf32, #tpu.memory_space<vmem>>
    %dma_wait3A_275 = arith.constant 0 : i32
    %dma_wait3A_276 = tpu.memref_slice %arg3[%dma_wait3A_262, %add3A_14, %dma_wait3A_275] : memref<2x2048x1024xf32, #tpu.memory_space<hbm>> -> memref<1x16x1024xf32, #tpu.memory_space<hbm>>
    %dma_wait3A_277 = tpu.memref_squeeze %dma_wait3A_276 : memref<1x16x1024xf32, #tpu.memory_space<hbm>> -> memref<16x1024xf32, #tpu.memory_space<hbm>>
    tpu.wait_dma2 semaphore(%arg15 : memref<!tpu.dma_semaphore, #tpu.memory_space<semaphore_mem>>) src(%dma_wait3A_277 : memref<16x1024xf32, #tpu.memory_space<hbm>>) dst(%dma_wait3A_274 : memref<16x1024xf32, #tpu.memory_space<vmem>>)
    %dma_start3A_278 = arith.constant 0 : i32
    %dma_start3A_279 = arith.constant 0 : i32
    %dma_start3A_280 = tpu.memref_slice %arg7[%add3A_24, %dma_start3A_278, %dma_start3A_279] : memref<2049x2x1024xf32, #tpu.memory_space<hbm>> -> memref<16x2x1024xf32, #tpu.memory_space<hbm>>
    %dma_start3A_281 = arith.constant 0 : i32
    %dma_start3A_282 = arith.constant 0 : i32
    %dma_start3A_283 = tpu.memref_slice %arg7[%add3A_24, %dma_start3A_281, %dma_start3A_282] : memref<2049x2x1024xf32, #tpu.memory_space<hbm>> -> memref<16x2x1024xf32, #tpu.memory_space<hbm>>
    tpu.enqueue_dma source(%arg8 : memref<16x2x1024xf32, #tpu.memory_space<vmem>>) target(%dma_start3A_283 : memref<16x2x1024xf32, #tpu.memory_space<hbm>>) target_semaphore(%arg17 : memref<!tpu.dma_semaphore, #tpu.memory_space<semaphore_mem>>)
    %convert_element_type3A_284 = arith.extui %eq3A_27 : i1 to i32
    %cond3A_285 = arith.constant 0 : i32
    %cond3A_286 = arith.cmpi ne, %convert_element_type3A_284, %cond3A_285 : i32
    scf.if %cond3A_286 {
      %dma_wait3A_340 = arith.constant 0 : i32
      %dma_wait3A_341 = arith.constant 0 : i32
      %dma_wait3A_342 = tpu.memref_slice %arg5[%dma_wait3A_340, %dma_wait3A_341] : memref<8194x1024xf32, #tpu.memory_space<hbm>> -> memref<8194x1024xf32, #tpu.memory_space<hbm>>
      tpu.wait_indirect_dma semaphore(%arg19 : memref<!tpu.dma_semaphore, #tpu.memory_space<semaphore_mem>>) src(%dma_wait3A_342 : memref<8194x1024xf32, #tpu.memory_space<hbm>>) dst(%arg12 : memref<8x1024xf32, #tpu.memory_space<vmem>>)
      %dma_wait3A_343 = arith.constant 0 : i32
      %dma_wait3A_344 = arith.constant 0 : i32
      %dma_wait3A_345 = tpu.memref_slice %arg6[%dma_wait3A_343, %dma_wait3A_344] : memref<4096x1024xf32, #tpu.memory_space<hbm>> -> memref<4096x1024xf32, #tpu.memory_space<hbm>>
      tpu.wait_indirect_dma semaphore(%arg19 : memref<!tpu.dma_semaphore, #tpu.memory_space<semaphore_mem>>) src(%dma_wait3A_345 : memref<4096x1024xf32, #tpu.memory_space<hbm>>) dst(%arg13 : memref<8x1024xf32, #tpu.memory_space<vmem>>)
      %get3A = arith.constant 0 : i32
      %get3A_346 = arith.index_cast %get3A : i32 to index
      %get3A_347 = arith.constant 0 : index
      %get3A_348 = tpu.vector_load %arg12[%get3A_346, %get3A_347] {strides = array<i32>} : memref<8x1024xf32, #tpu.memory_space<vmem>>, vector<1x16xf32>,
      %get3A_349 = vector.shape_cast %get3A_348 : vector<1x16xf32> to vector<16xf32>
      %get3A_350 = arith.constant 0 : i32
      %get3A_351 = arith.index_cast %get3A_350 : i32 to index
      %get3A_352 = arith.constant 0 : index
      %get3A_353 = tpu.vector_load %arg13[%get3A_351, %get3A_352] {strides = array<i32>} : memref<8x1024xf32, #tpu.memory_space<vmem>>, vector<1x16xf32>,
      %get3A_354 = vector.shape_cast %get3A_353 : vector<1x16xf32> to vector<16xf32>
      %add3A_355 = arith.addf %get3A_349, %get3A_354 : vector<16xf32>
      %swap3A = arith.constant 0 : i32
      %swap3A_356 = arith.constant 0 : i32
      %swap3A_357 = arith.index_cast %swap3A : i32 to index
      %swap3A_358 = arith.index_cast %swap3A_356 : i32 to index
      %swap3A_359 = arith.constant 0 : index
      %swap3A_360 = tpu.vector_load %arg14[%swap3A_357, %swap3A_358, %swap3A_359] {strides = array<i32>} : memref<1x2x1024xf32, #tpu.memory_space<vmem>>, vector<1x1x16xf32>,
      %swap3A_361 = vector.shape_cast %swap3A_360 : vector<1x1x16xf32> to vector<16xf32>
      %swap3A_362 = vector.shape_cast %add3A_355 : vector<16xf32> to vector<1x1x16xf32>
      tpu.vector_store %arg14[%swap3A_357, %swap3A_358, %swap3A_359], %swap3A_362 {strides = array<i32>} : memref<1x2x1024xf32, #tpu.memory_space<vmem>>, vector<1x1x16xf32>,
      %swap3A_363 = arith.constant 0 : i32
      %swap3A_364 = arith.constant 1 : i32
      %swap3A_365 = arith.index_cast %swap3A_363 : i32 to index
      %swap3A_366 = arith.index_cast %swap3A_364 : i32 to index
      %swap3A_367 = arith.constant 0 : index
      %swap3A_368 = tpu.vector_load %arg14[%swap3A_365, %swap3A_366, %swap3A_367] {strides = array<i32>} : memref<1x2x1024xf32, #tpu.memory_space<vmem>>, vector<1x1x16xf32>,
      %swap3A_369 = vector.shape_cast %swap3A_368 : vector<1x1x16xf32> to vector<16xf32>
      %swap3A_370 = vector.shape_cast %add3A_355 : vector<16xf32> to vector<1x1x16xf32>
      tpu.vector_store %arg14[%swap3A_365, %swap3A_366, %swap3A_367], %swap3A_370 {strides = array<i32>} : memref<1x2x1024xf32, #tpu.memory_space<vmem>>, vector<1x1x16xf32>,
      %get3A_371 = arith.constant 0 : i32
      %get3A_372 = arith.index_cast %get3A_371 : i32 to index
      %get3A_373 = arith.constant 16 : index
      %get3A_374 = tpu.vector_load %arg12[%get3A_372, %get3A_373] {strides = array<i32>} : memref<8x1024xf32, #tpu.memory_space<vmem>>, vector<1x16xf32>,
      %get3A_375 = vector.shape_cast %get3A_374 : vector<1x16xf32> to vector<16xf32>
      %get3A_376 = arith.constant 0 : i32
      %get3A_377 = arith.index_cast %get3A_376 : i32 to index
      %get3A_378 = arith.constant 16 : index
      %get3A_379 = tpu.vector_load %arg13[%get3A_377, %get3A_378] {strides = array<i32>} : memref<8x1024xf32, #tpu.memory_space<vmem>>, vector<1x16xf32>,
      %get3A_380 = vector.shape_cast %get3A_379 : vector<1x16xf32> to vector<16xf32>
      %add3A_381 = arith.addf %get3A_375, %get3A_380 : vector<16xf32>
      %swap3A_382 = arith.constant 0 : i32
      %swap3A_383 = arith.constant 0 : i32
      %swap3A_384 = arith.index_cast %swap3A_382 : i32 to index
      %swap3A_385 = arith.index_cast %swap3A_383 : i32 to index
      %swap3A_386 = arith.constant 16 : index
      %swap3A_387 = tpu.vector_load %arg14[%swap3A_384, %swap3A_385, %swap3A_386] {strides = array<i32>} : memref<1x2x1024xf32, #tpu.memory_space<vmem>>, vector<1x1x16xf32>,
      %swap3A_388 = vector.shape_cast %swap3A_387 : vector<1x1x16xf32> to vector<16xf32>
      %swap3A_389 = vector.shape_cast %add3A_381 : vector<16xf32> to vector<1x1x16xf32>
      tpu.vector_store %arg14[%swap3A_384, %swap3A_385, %swap3A_386], %swap3A_389 {strides = array<i32>} : memref<1x2x1024xf32, #tpu.memory_space<vmem>>, vector<1x1x16xf32>,
      %swap3A_390 = arith.constant 0 : i32
      %swap3A_391 = arith.constant 1 : i32
      %swap3A_392 = arith.index_cast %swap3A_390 : i32 to index
      %swap3A_393 = arith.index_cast %swap3A_391 : i32 to index
      %swap3A_394 = arith.constant 16 : index
      %swap3A_395 = tpu.vector_load %arg14[%swap3A_392, %swap3A_393, %swap3A_394] {strides = array<i32>} : memref<1x2x1024xf32, #tpu.memory_space<vmem>>, vector<1x1x16xf32>,
      %swap3A_396 = vector.shape_cast %swap3A_395 : vector<1x1x16xf32> to vector<16xf32>
      %swap3A_397 = vector.shape_cast %add3A_381 : vector<16xf32> to vector<1x1x16xf32>
      tpu.vector_store %arg14[%swap3A_392, %swap3A_393, %swap3A_394], %swap3A_397 {strides = array<i32>} : memref<1x2x1024xf32, #tpu.memory_space<vmem>>, vector<1x1x16xf32>,
      %get3A_398 = arith.constant 0 : i32
      %get3A_399 = arith.index_cast %get3A_398 : i32 to index
      %get3A_400 = arith.constant 32 : index
      %get3A_401 = tpu.vector_load %arg12[%get3A_399, %get3A_400] {strides = array<i32>} : memref<8x1024xf32, #tpu.memory_space<vmem>>, vector<1x16xf32>,
      %get3A_402 = vector.shape_cast %get3A_401 : vector<1x16xf32> to vector<16xf32>
      %get3A_403 = arith.constant 0 : i32
      %get3A_404 = arith.index_cast %get3A_403 : i32 to index
      %get3A_405 = arith.constant 32 : index
      %get3A_406 = tpu.vector_load %arg13[%get3A_404, %get3A_405] {strides = array<i32>} : memref<8x1024xf32, #tpu.memory_space<vmem>>, vector<1x16xf32>,
      %get3A_407 = vector.shape_cast %get3A_406 : vector<1x16xf32> to vector<16xf32>
      %add3A_408 = arith.addf %get3A_402, %get3A_407 : vector<16xf32>
      %swap3A_409 = arith.constant 0 : i32
      %swap3A_410 = arith.constant 0 : i32
      %swap3A_411 = arith.index_cast %swap3A_409 : i32 to index
      %swap3A_412 = arith.index_cast %swap3A_410 : i32 to index
      %swap3A_413 = arith.constant 32 : index
      %swap3A_414 = tpu.vector_load %arg14[%swap3A_411, %swap3A_412, %swap3A_413] {strides = array<i32>} : memref<1x2x1024xf32, #tpu.memory_space<vmem>>, vector<1x1x16xf32>,
      %swap3A_415 = vector.shape_cast %swap3A_414 : vector<1x1x16xf32> to vector<16xf32>
      %swap3A_416 = vector.shape_cast %add3A_408 : vector<16xf32> to vector<1x1x16xf32>
      tpu.vector_store %arg14[%swap3A_411, %swap3A_412, %swap3A_413], %swap3A_416 {strides = array<i32>} : memref<1x2x1024xf32, #tpu.memory_space<vmem>>, vector<1x1x16xf32>,
      %swap3A_417 = arith.constant 0 : i32
      %swap3A_418 = arith.constant 1 : i32
      %swap3A_419 = arith.index_cast %swap3A_417 : i32 to index
      %swap3A_420 = arith.index_cast %swap3A_418 : i32 to index
      %swap3A_421 = arith.constant 32 : index
      %swap3A_422 = tpu.vector_load %arg14[%swap3A_419, %swap3A_420, %swap3A_421] {strides = array<i32>} : memref<1x2x1024xf32, #tpu.memory_space<vmem>>, vector<1x1x16xf32>,
      %swap3A_423 = vector.shape_cast %swap3A_422 : vector<1x1x16xf32> to vector<16xf32>
      %swap3A_424 = vector.shape_cast %add3A_408 : vector<16xf32> to vector<1x1x16xf32>
      tpu.vector_store %arg14[%swap3A_419, %swap3A_420, %swap3A_421], %swap3A_424 {strides = array<i32>} : memref<1x2x1024xf32, #tpu.memory_space<vmem>>, vector<1x1x16xf32>,
      %get3A_425 = arith.constant 0 : i32
      %get3A_426 = arith.index_cast %get3A_425 : i32 to index
      %get3A_427 = arith.constant 48 : index
      %get3A_428 = tpu.vector_load %arg12[%get3A_426, %get3A_427] {strides = array<i32>} : memref<8x1024xf32, #tpu.memory_space<vmem>>, vector<1x16xf32>,
      %get3A_429 = vector.shape_cast %get3A_428 : vector<1x16xf32> to vector<16xf32>
      %get3A_430 = arith.constant 0 : i32
      %get3A_431 = arith.index_cast %get3A_430 : i32 to index
      %get3A_432 = arith.constant 48 : index
      %get3A_433 = tpu.vector_load %arg13[%get3A_431, %get3A_432] {strides = array<i32>} : memref<8x1024xf32, #tpu.memory_space<vmem>>, vector<1x16xf32>,
      %get3A_434 = vector.shape_cast %get3A_433 : vector<1x16xf32> to vector<16xf32>
      %add3A_435 = arith.addf %get3A_429, %get3A_434 : vector<16xf32>
      %swap3A_436 = arith.constant 0 : i32
      %swap3A_437 = arith.constant 0 : i32
      %swap3A_438 = arith.index_cast %swap3A_436 : i32 to index
      %swap3A_439 = arith.index_cast %swap3A_437 : i32 to index
      %swap3A_440 = arith.constant 48 : index
      %swap3A_441 = tpu.vector_load %arg14[%swap3A_438, %swap3A_439, %swap3A_440] {strides = array<i32>} : memref<1x2x1024xf32, #tpu.memory_space<vmem>>, vector<1x1x16xf32>,
      %swap3A_442 = vector.shape_cast %swap3A_441 : vector<1x1x16xf32> to vector<16xf32>
      %swap3A_443 = vector.shape_cast %add3A_435 : vector<16xf32> to vector<1x1x16xf32>
      tpu.vector_store %arg14[%swap3A_438, %swap3A_439, %swap3A_440], %swap3A_443 {strides = array<i32>} : memref<1x2x1024xf32, #tpu.memory_space<vmem>>, vector<1x1x16xf32>,
      %swap3A_444 = arith.constant 0 : i32
      %swap3A_445 = arith.constant 1 : i32
      %swap3A_446 = arith.index_cast %swap3A_444 : i32 to index
      %swap3A_447 = arith.index_cast %swap3A_445 : i32 to index
      %swap3A_448 = arith.constant 48 : index
      %swap3A_449 = tpu.vector_load %arg14[%swap3A_446, %swap3A_447, %swap3A_448] {strides = array<i32>} : memref<1x2x1024xf32, #tpu.memory_space<vmem>>, vector<1x1x16xf32>,
      %swap3A_450 = vector.shape_cast %swap3A_449 : vector<1x1x16xf32> to vector<16xf32>
      %swap3A_451 = vector.shape_cast %add3A_435 : vector<16xf32> to vector<1x1x16xf32>
      tpu.vector_store %arg14[%swap3A_446, %swap3A_447, %swap3A_448], %swap3A_451 {strides = array<i32>} : memref<1x2x1024xf32, #tpu.memory_space<vmem>>, vector<1x1x16xf32>,
      %get3A_452 = arith.constant 0 : i32
      %get3A_453 = arith.index_cast %get3A_452 : i32 to index
      %get3A_454 = arith.constant 64 : index
      %get3A_455 = tpu.vector_load %arg12[%get3A_453, %get3A_454] {strides = array<i32>} : memref<8x1024xf32, #tpu.memory_space<vmem>>, vector<1x16xf32>,
      %get3A_456 = vector.shape_cast %get3A_455 : vector<1x16xf32> to vector<16xf32>
      %get3A_457 = arith.constant 0 : i32
      %get3A_458 = arith.index_cast %get3A_457 : i32 to index
      %get3A_459 = arith.constant 64 : index
      %get3A_460 = tpu.vector_load %arg13[%get3A_458, %get3A_459] {strides = array<i32>} : memref<8x1024xf32, #tpu.memory_space<vmem>>, vector<1x16xf32>,
      %get3A_461 = vector.shape_cast %get3A_460 : vector<1x16xf32> to vector<16xf32>
      %add3A_462 = arith.addf %get3A_456, %get3A_461 : vector<16xf32>
      %swap3A_463 = arith.constant 0 : i32
      %swap3A_464 = arith.constant 0 : i32
      %swap3A_465 = arith.index_cast %swap3A_463 : i32 to index
      %swap3A_466 = arith.index_cast %swap3A_464 : i32 to index
      %swap3A_467 = arith.constant 64 : index
      %swap3A_468 = tpu.vector_load %arg14[%swap3A_465, %swap3A_466, %swap3A_467] {strides = array<i32>} : memref<1x2x1024xf32, #tpu.memory_space<vmem>>, vector<1x1x16xf32>,
      %swap3A_469 = vector.shape_cast %swap3A_468 : vector<1x1x16xf32> to vector<16xf32>
      %swap3A_470 = vector.shape_cast %add3A_462 : vector<16xf32> to vector<1x1x16xf32>
      tpu.vector_store %arg14[%swap3A_465, %swap3A_466, %swap3A_467], %swap3A_470 {strides = array<i32>} : memref<1x2x1024xf32, #tpu.memory_space<vmem>>, vector<1x1x16xf32>,
      %swap3A_471 = arith.constant 0 : i32
      %swap3A_472 = arith.constant 1 : i32
      %swap3A_473 = arith.index_cast %swap3A_471 : i32 to index
      %swap3A_474 = arith.index_cast %swap3A_472 : i32 to index
      %swap3A_475 = arith.constant 64 : index
      %swap3A_476 = tpu.vector_load %arg14[%swap3A_473, %swap3A_474, %swap3A_475] {strides = array<i32>} : memref<1x2x1024xf32, #tpu.memory_space<vmem>>, vector<1x1x16xf32>,
      %swap3A_477 = vector.shape_cast %swap3A_476 : vector<1x1x16xf32> to vector<16xf32>
      %swap3A_478 = vector.shape_cast %add3A_462 : vector<16xf32> to vector<1x1x16xf32>
      tpu.vector_store %arg14[%swap3A_473, %swap3A_474, %swap3A_475], %swap3A_478 {strides = array<i32>} : memref<1x2x1024xf32, #tpu.memory_space<vmem>>, vector<1x1x16xf32>,
      %get3A_479 = arith.constant 0 : i32
      %get3A_480 = arith.index_cast %get3A_479 : i32 to index
      %get3A_481 = arith.constant 80 : index
      %get3A_482 = tpu.vector_load %arg12[%get3A_480, %get3A_481] {strides = array<i32>} : memref<8x1024xf32, #tpu.memory_space<vmem>>, vector<1x16xf32>,
      %get3A_483 = vector.shape_cast %get3A_482 : vector<1x16xf32> to vector<16xf32>
      %get3A_484 = arith.constant 0 : i32
      %get3A_485 = arith.index_cast %get3A_484 : i32 to index
      %get3A_486 = arith.constant 80 : index
      %get3A_487 = tpu.vector_load %arg13[%get3A_485, %get3A_486] {strides = array<i32>} : memref<8x1024xf32, #tpu.memory_space<vmem>>, vector<1x16xf32>,
      %get3A_488 = vector.shape_cast %get3A_487 : vector<1x16xf32> to vector<16xf32>
      %add3A_489 = arith.addf %get3A_483, %get3A_488 : vector<16xf32>
      %swap3A_490 = arith.constant 0 : i32
      %swap3A_491 = arith.constant 0 : i32
      %swap3A_492 = arith.index_cast %swap3A_490 : i32 to index
      %swap3A_493 = arith.index_cast %swap3A_491 : i32 to index
      %swap3A_494 = arith.constant 80 : index
      %swap3A_495 = tpu.vector_load %arg14[%swap3A_492, %swap3A_493, %swap3A_494] {strides = array<i32>} : memref<1x2x1024xf32, #tpu.memory_space<vmem>>, vector<1x1x16xf32>,
      %swap3A_496 = vector.shape_cast %swap3A_495 : vector<1x1x16xf32> to vector<16xf32>
      %swap3A_497 = vector.shape_cast %add3A_489 : vector<16xf32> to vector<1x1x16xf32>
      tpu.vector_store %arg14[%swap3A_492, %swap3A_493, %swap3A_494], %swap3A_497 {strides = array<i32>} : memref<1x2x1024xf32, #tpu.memory_space<vmem>>, vector<1x1x16xf32>,
      %swap3A_498 = arith.constant 0 : i32
      %swap3A_499 = arith.constant 1 : i32
      %swap3A_500 = arith.index_cast %swap3A_498 : i32 to index
      %swap3A_501 = arith.index_cast %swap3A_499 : i32 to index
      %swap3A_502 = arith.constant 80 : index
      %swap3A_503 = tpu.vector_load %arg14[%swap3A_500, %swap3A_501, %swap3A_502] {strides = array<i32>} : memref<1x2x1024xf32, #tpu.memory_space<vmem>>, vector<1x1x16xf32>,
      %swap3A_504 = vector.shape_cast %swap3A_503 : vector<1x1x16xf32> to vector<16xf32>
      %swap3A_505 = vector.shape_cast %add3A_489 : vector<16xf32> to vector<1x1x16xf32>
      tpu.vector_store %arg14[%swap3A_500, %swap3A_501, %swap3A_502], %swap3A_505 {strides = array<i32>} : memref<1x2x1024xf32, #tpu.memory_space<vmem>>, vector<1x1x16xf32>,
      %get3A_506 = arith.constant 0 : i32
      %get3A_507 = arith.index_cast %get3A_506 : i32 to index
      %get3A_508 = arith.constant 96 : index
      %get3A_509 = tpu.vector_load %arg12[%get3A_507, %get3A_508] {strides = array<i32>} : memref<8x1024xf32, #tpu.memory_space<vmem>>, vector<1x16xf32>,
      %get3A_510 = vector.shape_cast %get3A_509 : vector<1x16xf32> to vector<16xf32>
      %get3A_511 = arith.constant 0 : i32
      %get3A_512 = arith.index_cast %get3A_511 : i32 to index
      %get3A_513 = arith.constant 96 : index
      %get3A_514 = tpu.vector_load %arg13[%get3A_512, %get3A_513] {strides = array<i32>} : memref<8x1024xf32, #tpu.memory_space<vmem>>, vector<1x16xf32>,
      %get3A_515 = vector.shape_cast %get3A_514 : vector<1x16xf32> to vector<16xf32>
      %add3A_516 = arith.addf %get3A_510, %get3A_515 : vector<16xf32>
      %swap3A_517 = arith.constant 0 : i32
      %swap3A_518 = arith.constant 0 : i32
      %swap3A_519 = arith.index_cast %swap3A_517 : i32 to index
      %swap3A_520 = arith.index_cast %swap3A_518 : i32 to index
      %swap3A_521 = arith.constant 96 : index
      %swap3A_522 = tpu.vector_load %arg14[%swap3A_519, %swap3A_520, %swap3A_521] {strides = array<i32>} : memref<1x2x1024xf32, #tpu.memory_space<vmem>>, vector<1x1x16xf32>,
      %swap3A_523 = vector.shape_cast %swap3A_522 : vector<1x1x16xf32> to vector<16xf32>
      %swap3A_524 = vector.shape_cast %add3A_516 : vector<16xf32> to vector<1x1x16xf32>
      tpu.vector_store %arg14[%swap3A_519, %swap3A_520, %swap3A_521], %swap3A_524 {strides = array<i32>} : memref<1x2x1024xf32, #tpu.memory_space<vmem>>, vector<1x1x16xf32>,
      %swap3A_525 = arith.constant 0 : i32
      %swap3A_526 = arith.constant 1 : i32
      %swap3A_527 = arith.index_cast %swap3A_525 : i32 to index
      %swap3A_528 = arith.index_cast %swap3A_526 : i32 to index
      %swap3A_529 = arith.constant 96 : index
      %swap3A_530 = tpu.vector_load %arg14[%swap3A_527, %swap3A_528, %swap3A_529] {strides = array<i32>} : memref<1x2x1024xf32, #tpu.memory_space<vmem>>, vector<1x1x16xf32>,
      %swap3A_531 = vector.shape_cast %swap3A_530 : vector<1x1x16xf32> to vector<16xf32>
      %swap3A_532 = vector.shape_cast %add3A_516 : vector<16xf32> to vector<1x1x16xf32>
      tpu.vector_store %arg14[%swap3A_527, %swap3A_528, %swap3A_529], %swap3A_532 {strides = array<i32>} : memref<1x2x1024xf32, #tpu.memory_space<vmem>>, vector<1x1x16xf32>,
      %get3A_533 = arith.constant 0 : i32
      %get3A_534 = arith.index_cast %get3A_533 : i32 to index
      %get3A_535 = arith.constant 112 : index
      %get3A_536 = tpu.vector_load %arg12[%get3A_534, %get3A_535] {strides = array<i32>} : memref<8x1024xf32, #tpu.memory_space<vmem>>, vector<1x16xf32>,
      %get3A_537 = vector.shape_cast %get3A_536 : vector<1x16xf32> to vector<16xf32>
      %get3A_538 = arith.constant 0 : i32
      %get3A_539 = arith.index_cast %get3A_538 : i32 to index
      %get3A_540 = arith.constant 112 : index
      %get3A_541 = tpu.vector_load %arg13[%get3A_539, %get3A_540] {strides = array<i32>} : memref<8x1024xf32, #tpu.memory_space<vmem>>, vector<1x16xf32>,
      %get3A_542 = vector.shape_cast %get3A_541 : vector<1x16xf32> to vector<16xf32>
      %add3A_543 = arith.addf %get3A_537, %get3A_542 : vector<16xf32>
      %swap3A_544 = arith.constant 0 : i32
      %swap3A_545 = arith.constant 0 : i32
      %swap3A_546 = arith.index_cast %swap3A_544 : i32 to index
      %swap3A_547 = arith.index_cast %swap3A_545 : i32 to index
      %swap3A_548 = arith.constant 112 : index
      %swap3A_549 = tpu.vector_load %arg14[%swap3A_546, %swap3A_547, %swap3A_548] {strides = array<i32>} : memref<1x2x1024xf32, #tpu.memory_space<vmem>>, vector<1x1x16xf32>,
      %swap3A_550 = vector.shape_cast %swap3A_549 : vector<1x1x16xf32> to vector<16xf32>
      %swap3A_551 = vector.shape_cast %add3A_543 : vector<16xf32> to vector<1x1x16xf32>
      tpu.vector_store %arg14[%swap3A_546, %swap3A_547, %swap3A_548], %swap3A_551 {strides = array<i32>} : memref<1x2x1024xf32, #tpu.memory_space<vmem>>, vector<1x1x16xf32>,
      %swap3A_552 = arith.constant 0 : i32
      %swap3A_553 = arith.constant 1 : i32
      %swap3A_554 = arith.index_cast %swap3A_552 : i32 to index
      %swap3A_555 = arith.index_cast %swap3A_553 : i32 to index
      %swap3A_556 = arith.constant 112 : index
      %swap3A_557 = tpu.vector_load %arg14[%swap3A_554, %swap3A_555, %swap3A_556] {strides = array<i32>} : memref<1x2x1024xf32, #tpu.memory_space<vmem>>, vector<1x1x16xf32>,
      %swap3A_558 = vector.shape_cast %swap3A_557 : vector<1x1x16xf32> to vector<16xf32>
      %swap3A_559 = vector.shape_cast %add3A_543 : vector<16xf32> to vector<1x1x16xf32>
      tpu.vector_store %arg14[%swap3A_554, %swap3A_555, %swap3A_556], %swap3A_559 {strides = array<i32>} : memref<1x2x1024xf32, #tpu.memory_space<vmem>>, vector<1x1x16xf32>,
      %get3A_560 = arith.constant 0 : i32
      %get3A_561 = arith.index_cast %get3A_560 : i32 to index
      %get3A_562 = arith.constant 128 : index
      %get3A_563 = tpu.vector_load %arg12[%get3A_561, %get3A_562] {strides = array<i32>} : memref<8x1024xf32, #tpu.memory_space<vmem>>, vector<1x16xf32>,
      %get3A_564 = vector.shape_cast %get3A_563 : vector<1x16xf32> to vector<16xf32>
      %get3A_565 = arith.constant 0 : i32
      %get3A_566 = arith.index_cast %get3A_565 : i32 to index
      %get3A_567 = arith.constant 128 : index
      %get3A_568 = tpu.vector_load %arg13[%get3A_566, %get3A_567] {strides = array<i32>} : memref<8x1024xf32, #tpu.memory_space<vmem>>, vector<1x16xf32>,
      %get3A_569 = vector.shape_cast %get3A_568 : vector<1x16xf32> to vector<16xf32>
      %add3A_570 = arith.addf %get3A_564, %get3A_569 : vector<16xf32>
      %swap3A_571 = arith.constant 0 : i32
      %swap3A_572 = arith.constant 0 : i32
      %swap3A_573 = arith.index_cast %swap3A_571 : i32 to index
      %swap3A_574 = arith.index_cast %swap3A_572 : i32 to index
      %swap3A_575 = arith.constant 128 : index
      %swap3A_576 = tpu.vector_load %arg14[%swap3A_573, %swap3A_574, %swap3A_575] {strides = array<i32>} : memref<1x2x1024xf32, #tpu.memory_space<vmem>>, vector<1x1x16xf32>,
      %swap3A_577 = vector.shape_cast %swap3A_576 : vector<1x1x16xf32> to vector<16xf32>
      %swap3A_578 = vector.shape_cast %add3A_570 : vector<16xf32> to vector<1x1x16xf32>
      tpu.vector_store %arg14[%swap3A_573, %swap3A_574, %swap3A_575], %swap3A_578 {strides = array<i32>} : memref<1x2x1024xf32, #tpu.memory_space<vmem>>, vector<1x1x16xf32>,
      %swap3A_579 = arith.constant 0 : i32
      %swap3A_580 = arith.constant 1 : i32
      %swap3A_581 = arith.index_cast %swap3A_579 : i32 to index
      %swap3A_582 = arith.index_cast %swap3A_580 : i32 to index
      %swap3A_583 = arith.constant 128 : index
      %swap3A_584 = tpu.vector_load %arg14[%swap3A_581, %swap3A_582, %swap3A_583] {strides = array<i32>} : memref<1x2x1024xf32, #tpu.memory_space<vmem>>, vector<1x1x16xf32>,
      %swap3A_585 = vector.shape_cast %swap3A_584 : vector<1x1x16xf32> to vector<16xf32>
      %swap3A_586 = vector.shape_cast %add3A_570 : vector<16xf32> to vector<1x1x16xf32>
      tpu.vector_store %arg14[%swap3A_581, %swap3A_582, %swap3A_583], %swap3A_586 {strides = array<i32>} : memref<1x2x1024xf32, #tpu.memory_space<vmem>>, vector<1x1x16xf32>,
      %get3A_587 = arith.constant 0 : i32
      %get3A_588 = arith.index_cast %get3A_587 : i32 to index
      %get3A_589 = arith.constant 144 : index
      %get3A_590 = tpu.vector_load %arg12[%get3A_588, %get3A_589] {strides = array<i32>} : memref<8x1024xf32, #tpu.memory_space<vmem>>, vector<1x16xf32>,
      %get3A_591 = vector.shape_cast %get3A_590 : vector<1x16xf32> to vector<16xf32>
      %get3A_592 = arith.constant 0 : i32
      %get3A_593 = arith.index_cast %get3A_592 : i32 to index
      %get3A_594 = arith.constant 144 : index
      %get3A_595 = tpu.vector_load %arg13[%get3A_593, %get3A_594] {strides = array<i32>} : memref<8x1024xf32, #tpu.memory_space<vmem>>, vector<1x16xf32>,
      %get3A_596 = vector.shape_cast %get3A_595 : vector<1x16xf32> to vector<16xf32>
      %add3A_597 = arith.addf %get3A_591, %get3A_596 : vector<16xf32>
      %swap3A_598 = arith.constant 0 : i32
      %swap3A_599 = arith.constant 0 : i32
      %swap3A_600 = arith.index_cast %swap3A_598 : i32 to index
      %swap3A_601 = arith.index_cast %swap3A_599 : i32 to index
      %swap3A_602 = arith.constant 144 : index
      %swap3A_603 = tpu.vector_load %arg14[%swap3A_600, %swap3A_601, %swap3A_602] {strides = array<i32>} : memref<1x2x1024xf32, #tpu.memory_space<vmem>>, vector<1x1x16xf32>,
      %swap3A_604 = vector.shape_cast %swap3A_603 : vector<1x1x16xf32> to vector<16xf32>
      %swap3A_605 = vector.shape_cast %add3A_597 : vector<16xf32> to vector<1x1x16xf32>
      tpu.vector_store %arg14[%swap3A_600, %swap3A_601, %swap3A_602], %swap3A_605 {strides = array<i32>} : memref<1x2x1024xf32, #tpu.memory_space<vmem>>, vector<1x1x16xf32>,
      %swap3A_606 = arith.constant 0 : i32
      %swap3A_607 = arith.constant 1 : i32
      %swap3A_608 = arith.index_cast %swap3A_606 : i32 to index
      %swap3A_609 = arith.index_cast %swap3A_607 : i32 to index
      %swap3A_610 = arith.constant 144 : index
      %swap3A_611 = tpu.vector_load %arg14[%swap3A_608, %swap3A_609, %swap3A_610] {strides = array<i32>} : memref<1x2x1024xf32, #tpu.memory_space<vmem>>, vector<1x1x16xf32>,
      %swap3A_612 = vector.shape_cast %swap3A_611 : vector<1x1x16xf32> to vector<16xf32>
      %swap3A_613 = vector.shape_cast %add3A_597 : vector<16xf32> to vector<1x1x16xf32>
      tpu.vector_store %arg14[%swap3A_608, %swap3A_609, %swap3A_610], %swap3A_613 {strides = array<i32>} : memref<1x2x1024xf32, #tpu.memory_space<vmem>>, vector<1x1x16xf32>,
      %get3A_614 = arith.constant 0 : i32
      %get3A_615 = arith.index_cast %get3A_614 : i32 to index
      %get3A_616 = arith.constant 160 : index
      %get3A_617 = tpu.vector_load %arg12[%get3A_615, %get3A_616] {strides = array<i32>} : memref<8x1024xf32, #tpu.memory_space<vmem>>, vector<1x16xf32>,
      %get3A_618 = vector.shape_cast %get3A_617 : vector<1x16xf32> to vector<16xf32>
      %get3A_619 = arith.constant 0 : i32
      %get3A_620 = arith.index_cast %get3A_619 : i32 to index
      %get3A_621 = arith.constant 160 : index
      %get3A_622 = tpu.vector_load %arg13[%get3A_620, %get3A_621] {strides = array<i32>} : memref<8x1024xf32, #tpu.memory_space<vmem>>, vector<1x16xf32>,
      %get3A_623 = vector.shape_cast %get3A_622 : vector<1x16xf32> to vector<16xf32>
      %add3A_624 = arith.addf %get3A_618, %get3A_623 : vector<16xf32>
      %swap3A_625 = arith.constant 0 : i32
      %swap3A_626 = arith.constant 0 : i32
      %swap3A_627 = arith.index_cast %swap3A_625 : i32 to index
      %swap3A_628 = arith.index_cast %swap3A_626 : i32 to index
      %swap3A_629 = arith.constant 160 : index
      %swap3A_630 = tpu.vector_load %arg14[%swap3A_627, %swap3A_628, %swap3A_629] {strides = array<i32>} : memref<1x2x1024xf32, #tpu.memory_space<vmem>>, vector<1x1x16xf32>,
      %swap3A_631 = vector.shape_cast %swap3A_630 : vector<1x1x16xf32> to vector<16xf32>
      %swap3A_632 = vector.shape_cast %add3A_624 : vector<16xf32> to vector<1x1x16xf32>
      tpu.vector_store %arg14[%swap3A_627, %swap3A_628, %swap3A_629], %swap3A_632 {strides = array<i32>} : memref<1x2x1024xf32, #tpu.memory_space<vmem>>, vector<1x1x16xf32>,
      %swap3A_633 = arith.constant 0 : i32
      %swap3A_634 = arith.constant 1 : i32
      %swap3A_635 = arith.index_cast %swap3A_633 : i32 to index
      %swap3A_636 = arith.index_cast %swap3A_634 : i32 to index
      %swap3A_637 = arith.constant 160 : index
      %swap3A_638 = tpu.vector_load %arg14[%swap3A_635, %swap3A_636, %swap3A_637] {strides = array<i32>} : memref<1x2x1024xf32, #tpu.memory_space<vmem>>, vector<1x1x16xf32>,
      %swap3A_639 = vector.shape_cast %swap3A_638 : vector<1x1x16xf32> to vector<16xf32>
      %swap3A_640 = vector.shape_cast %add3A_624 : vector<16xf32> to vector<1x1x16xf32>
      tpu.vector_store %arg14[%swap3A_635, %swap3A_636, %swap3A_637], %swap3A_640 {strides = array<i32>} : memref<1x2x1024xf32, #tpu.memory_space<vmem>>, vector<1x1x16xf32>,
      %get3A_641 = arith.constant 0 : i32
      %get3A_642 = arith.index_cast %get3A_641 : i32 to index
      %get3A_643 = arith.constant 176 : index
      %get3A_644 = tpu.vector_load %arg12[%get3A_642, %get3A_643] {strides = array<i32>} : memref<8x1024xf32, #tpu.memory_space<vmem>>, vector<1x16xf32>,
      %get3A_645 = vector.shape_cast %get3A_644 : vector<1x16xf32> to vector<16xf32>
      %get3A_646 = arith.constant 0 : i32
      %get3A_647 = arith.index_cast %get3A_646 : i32 to index
      %get3A_648 = arith.constant 176 : index
      %get3A_649 = tpu.vector_load %arg13[%get3A_647, %get3A_648] {strides = array<i32>} : memref<8x1024xf32, #tpu.memory_space<vmem>>, vector<1x16xf32>,
      %get3A_650 = vector.shape_cast %get3A_649 : vector<1x16xf32> to vector<16xf32>
      %add3A_651 = arith.addf %get3A_645, %get3A_650 : vector<16xf32>
      %swap3A_652 = arith.constant 0 : i32
      %swap3A_653 = arith.constant 0 : i32
      %swap3A_654 = arith.index_cast %swap3A_652 : i32 to index
      %swap3A_655 = arith.index_cast %swap3A_653 : i32 to index
      %swap3A_656 = arith.constant 176 : index
      %swap3A_657 = tpu.vector_load %arg14[%swap3A_654, %swap3A_655, %swap3A_656] {strides = array<i32>} : memref<1x2x1024xf32, #tpu.memory_space<vmem>>, vector<1x1x16xf32>,
      %swap3A_658 = vector.shape_cast %swap3A_657 : vector<1x1x16xf32> to vector<16xf32>
      %swap3A_659 = vector.shape_cast %add3A_651 : vector<16xf32> to vector<1x1x16xf32>
      tpu.vector_store %arg14[%swap3A_654, %swap3A_655, %swap3A_656], %swap3A_659 {strides = array<i32>} : memref<1x2x1024xf32, #tpu.memory_space<vmem>>, vector<1x1x16xf32>,
      %swap3A_660 = arith.constant 0 : i32
      %swap3A_661 = arith.constant 1 : i32
      %swap3A_662 = arith.index_cast %swap3A_660 : i32 to index
      %swap3A_663 = arith.index_cast %swap3A_661 : i32 to index
      %swap3A_664 = arith.constant 176 : index
      %swap3A_665 = tpu.vector_load %arg14[%swap3A_662, %swap3A_663, %swap3A_664] {strides = array<i32>} : memref<1x2x1024xf32, #tpu.memory_space<vmem>>, vector<1x1x16xf32>,
      %swap3A_666 = vector.shape_cast %swap3A_665 : vector<1x1x16xf32> to vector<16xf32>
      %swap3A_667 = vector.shape_cast %add3A_651 : vector<16xf32> to vector<1x1x16xf32>
      tpu.vector_store %arg14[%swap3A_662, %swap3A_663, %swap3A_664], %swap3A_667 {strides = array<i32>} : memref<1x2x1024xf32, #tpu.memory_space<vmem>>, vector<1x1x16xf32>,
      %get3A_668 = arith.constant 0 : i32
      %get3A_669 = arith.index_cast %get3A_668 : i32 to index
      %get3A_670 = arith.constant 192 : index
      %get3A_671 = tpu.vector_load %arg12[%get3A_669, %get3A_670] {strides = array<i32>} : memref<8x1024xf32, #tpu.memory_space<vmem>>, vector<1x16xf32>,
      %get3A_672 = vector.shape_cast %get3A_671 : vector<1x16xf32> to vector<16xf32>
      %get3A_673 = arith.constant 0 : i32
      %get3A_674 = arith.index_cast %get3A_673 : i32 to index
      %get3A_675 = arith.constant 192 : index
      %get3A_676 = tpu.vector_load %arg13[%get3A_674, %get3A_675] {strides = array<i32>} : memref<8x1024xf32, #tpu.memory_space<vmem>>, vector<1x16xf32>,
      %get3A_677 = vector.shape_cast %get3A_676 : vector<1x16xf32> to vector<16xf32>
      %add3A_678 = arith.addf %get3A_672, %get3A_677 : vector<16xf32>
      %swap3A_679 = arith.constant 0 : i32
      %swap3A_680 = arith.constant 0 : i32
      %swap3A_681 = arith.index_cast %swap3A_679 : i32 to index
      %swap3A_682 = arith.index_cast %swap3A_680 : i32 to index
      %swap3A_683 = arith.constant 192 : index
      %swap3A_684 = tpu.vector_load %arg14[%swap3A_681, %swap3A_682, %swap3A_683] {strides = array<i32>} : memref<1x2x1024xf32, #tpu.memory_space<vmem>>, vector<1x1x16xf32>,
      %swap3A_685 = vector.shape_cast %swap3A_684 : vector<1x1x16xf32> to vector<16xf32>
      %swap3A_686 = vector.shape_cast %add3A_678 : vector<16xf32> to vector<1x1x16xf32>
      tpu.vector_store %arg14[%swap3A_681, %swap3A_682, %swap3A_683], %swap3A_686 {strides = array<i32>} : memref<1x2x1024xf32, #tpu.memory_space<vmem>>, vector<1x1x16xf32>,
      %swap3A_687 = arith.constant 0 : i32
      %swap3A_688 = arith.constant 1 : i32
      %swap3A_689 = arith.index_cast %swap3A_687 : i32 to index
      %swap3A_690 = arith.index_cast %swap3A_688 : i32 to index
      %swap3A_691 = arith.constant 192 : index
      %swap3A_692 = tpu.vector_load %arg14[%swap3A_689, %swap3A_690, %swap3A_691] {strides = array<i32>} : memref<1x2x1024xf32, #tpu.memory_space<vmem>>, vector<1x1x16xf32>,
      %swap3A_693 = vector.shape_cast %swap3A_692 : vector<1x1x16xf32> to vector<16xf32>
      %swap3A_694 = vector.shape_cast %add3A_678 : vector<16xf32> to vector<1x1x16xf32>
      tpu.vector_store %arg14[%swap3A_689, %swap3A_690, %swap3A_691], %swap3A_694 {strides = array<i32>} : memref<1x2x1024xf32, #tpu.memory_space<vmem>>, vector<1x1x16xf32>,
      %get3A_695 = arith.constant 0 : i32
      %get3A_696 = arith.index_cast %get3A_695 : i32 to index
      %get3A_697 = arith.constant 208 : index
      %get3A_698 = tpu.vector_load %arg12[%get3A_696, %get3A_697] {strides = array<i32>} : memref<8x1024xf32, #tpu.memory_space<vmem>>, vector<1x16xf32>,
      %get3A_699 = vector.shape_cast %get3A_698 : vector<1x16xf32> to vector<16xf32>
      %get3A_700 = arith.constant 0 : i32
      %get3A_701 = arith.index_cast %get3A_700 : i32 to index
      %get3A_702 = arith.constant 208 : index
      %get3A_703 = tpu.vector_load %arg13[%get3A_701, %get3A_702] {strides = array<i32>} : memref<8x1024xf32, #tpu.memory_space<vmem>>, vector<1x16xf32>,
      %get3A_704 = vector.shape_cast %get3A_703 : vector<1x16xf32> to vector<16xf32>
      %add3A_705 = arith.addf %get3A_699, %get3A_704 : vector<16xf32>
      %swap3A_706 = arith.constant 0 : i32
      %swap3A_707 = arith.constant 0 : i32
      %swap3A_708 = arith.index_cast %swap3A_706 : i32 to index
      %swap3A_709 = arith.index_cast %swap3A_707 : i32 to index
      %swap3A_710 = arith.constant 208 : index
      %swap3A_711 = tpu.vector_load %arg14[%swap3A_708, %swap3A_709, %swap3A_710] {strides = array<i32>} : memref<1x2x1024xf32, #tpu.memory_space<vmem>>, vector<1x1x16xf32>,
      %swap3A_712 = vector.shape_cast %swap3A_711 : vector<1x1x16xf32> to vector<16xf32>
      %swap3A_713 = vector.shape_cast %add3A_705 : vector<16xf32> to vector<1x1x16xf32>
      tpu.vector_store %arg14[%swap3A_708, %swap3A_709, %swap3A_710], %swap3A_713 {strides = array<i32>} : memref<1x2x1024xf32, #tpu.memory_space<vmem>>, vector<1x1x16xf32>,
      %swap3A_714 = arith.constant 0 : i32
      %swap3A_715 = arith.constant 1 : i32
      %swap3A_716 = arith.index_cast %swap3A_714 : i32 to index
      %swap3A_717 = arith.index_cast %swap3A_715 : i32 to index
      %swap3A_718 = arith.constant 208 : index
      %swap3A_719 = tpu.vector_load %arg14[%swap3A_716, %swap3A_717, %swap3A_718] {strides = array<i32>} : memref<1x2x1024xf32, #tpu.memory_space<vmem>>, vector<1x1x16xf32>,
      %swap3A_720 = vector.shape_cast %swap3A_719 : vector<1x1x16xf32> to vector<16xf32>
      %swap3A_721 = vector.shape_cast %add3A_705 : vector<16xf32> to vector<1x1x16xf32>
      tpu.vector_store %arg14[%swap3A_716, %swap3A_717, %swap3A_718], %swap3A_721 {strides = array<i32>} : memref<1x2x1024xf32, #tpu.memory_space<vmem>>, vector<1x1x16xf32>,
      %get3A_722 = arith.constant 0 : i32
      %get3A_723 = arith.index_cast %get3A_722 : i32 to index
      %get3A_724 = arith.constant 224 : index
      %get3A_725 = tpu.vector_load %arg12[%get3A_723, %get3A_724] {strides = array<i32>} : memref<8x1024xf32, #tpu.memory_space<vmem>>, vector<1x16xf32>,
      %get3A_726 = vector.shape_cast %get3A_725 : vector<1x16xf32> to vector<16xf32>
      %get3A_727 = arith.constant 0 : i32
      %get3A_728 = arith.index_cast %get3A_727 : i32 to index
      %get3A_729 = arith.constant 224 : index
      %get3A_730 = tpu.vector_load %arg13[%get3A_728, %get3A_729] {strides = array<i32>} : memref<8x1024xf32, #tpu.memory_space<vmem>>, vector<1x16xf32>,
      %get3A_731 = vector.shape_cast %get3A_730 : vector<1x16xf32> to vector<16xf32>
      %add3A_732 = arith.addf %get3A_726, %get3A_731 : vector<16xf32>
      %swap3A_733 = arith.constant 0 : i32
      %swap3A_734 = arith.constant 0 : i32
      %swap3A_735 = arith.index_cast %swap3A_733 : i32 to index
      %swap3A_736 = arith.index_cast %swap3A_734 : i32 to index
      %swap3A_737 = arith.constant 224 : index
      %swap3A_738 = tpu.vector_load %arg14[%swap3A_735, %swap3A_736, %swap3A_737] {strides = array<i32>} : memref<1x2x1024xf32, #tpu.memory_space<vmem>>, vector<1x1x16xf32>,
      %swap3A_739 = vector.shape_cast %swap3A_738 : vector<1x1x16xf32> to vector<16xf32>
      %swap3A_740 = vector.shape_cast %add3A_732 : vector<16xf32> to vector<1x1x16xf32>
      tpu.vector_store %arg14[%swap3A_735, %swap3A_736, %swap3A_737], %swap3A_740 {strides = array<i32>} : memref<1x2x1024xf32, #tpu.memory_space<vmem>>, vector<1x1x16xf32>,
      %swap3A_741 = arith.constant 0 : i32
      %swap3A_742 = arith.constant 1 : i32
      %swap3A_743 = arith.index_cast %swap3A_741 : i32 to index
      %swap3A_744 = arith.index_cast %swap3A_742 : i32 to index
      %swap3A_745 = arith.constant 224 : index
      %swap3A_746 = tpu.vector_load %arg14[%swap3A_743, %swap3A_744, %swap3A_745] {strides = array<i32>} : memref<1x2x1024xf32, #tpu.memory_space<vmem>>, vector<1x1x16xf32>,
      %swap3A_747 = vector.shape_cast %swap3A_746 : vector<1x1x16xf32> to vector<16xf32>
      %swap3A_748 = vector.shape_cast %add3A_732 : vector<16xf32> to vector<1x1x16xf32>
      tpu.vector_store %arg14[%swap3A_743, %swap3A_744, %swap3A_745], %swap3A_748 {strides = array<i32>} : memref<1x2x1024xf32, #tpu.memory_space<vmem>>, vector<1x1x16xf32>,
      %get3A_749 = arith.constant 0 : i32
      %get3A_750 = arith.index_cast %get3A_749 : i32 to index
      %get3A_751 = arith.constant 240 : index
      %get3A_752 = tpu.vector_load %arg12[%get3A_750, %get3A_751] {strides = array<i32>} : memref<8x1024xf32, #tpu.memory_space<vmem>>, vector<1x16xf32>,
      %get3A_753 = vector.shape_cast %get3A_752 : vector<1x16xf32> to vector<16xf32>
      %get3A_754 = arith.constant 0 : i32
      %get3A_755 = arith.index_cast %get3A_754 : i32 to index
      %get3A_756 = arith.constant 240 : index
      %get3A_757 = tpu.vector_load %arg13[%get3A_755, %get3A_756] {strides = array<i32>} : memref<8x1024xf32, #tpu.memory_space<vmem>>, vector<1x16xf32>,
      %get3A_758 = vector.shape_cast %get3A_757 : vector<1x16xf32> to vector<16xf32>
      %add3A_759 = arith.addf %get3A_753, %get3A_758 : vector<16xf32>
      %swap3A_760 = arith.constant 0 : i32
      %swap3A_761 = arith.constant 0 : i32
      %swap3A_762 = arith.index_cast %swap3A_760 : i32 to index
      %swap3A_763 = arith.index_cast %swap3A_761 : i32 to index
      %swap3A_764 = arith.constant 240 : index
      %swap3A_765 = tpu.vector_load %arg14[%swap3A_762, %swap3A_763, %swap3A_764] {strides = array<i32>} : memref<1x2x1024xf32, #tpu.memory_space<vmem>>, vector<1x1x16xf32>,
      %swap3A_766 = vector.shape_cast %swap3A_765 : vector<1x1x16xf32> to vector<16xf32>
      %swap3A_767 = vector.shape_cast %add3A_759 : vector<16xf32> to vector<1x1x16xf32>
      tpu.vector_store %arg14[%swap3A_762, %swap3A_763, %swap3A_764], %swap3A_767 {strides = array<i32>} : memref<1x2x1024xf32, #tpu.memory_space<vmem>>, vector<1x1x16xf32>,
      %swap3A_768 = arith.constant 0 : i32
      %swap3A_769 = arith.constant 1 : i32
      %swap3A_770 = arith.index_cast %swap3A_768 : i32 to index
      %swap3A_771 = arith.index_cast %swap3A_769 : i32 to index
      %swap3A_772 = arith.constant 240 : index
      %swap3A_773 = tpu.vector_load %arg14[%swap3A_770, %swap3A_771, %swap3A_772] {strides = array<i32>} : memref<1x2x1024xf32, #tpu.memory_space<vmem>>, vector<1x1x16xf32>,
      %swap3A_774 = vector.shape_cast %swap3A_773 : vector<1x1x16xf32> to vector<16xf32>
      %swap3A_775 = vector.shape_cast %add3A_759 : vector<16xf32> to vector<1x1x16xf32>
      tpu.vector_store %arg14[%swap3A_770, %swap3A_771, %swap3A_772], %swap3A_775 {strides = array<i32>} : memref<1x2x1024xf32, #tpu.memory_space<vmem>>, vector<1x1x16xf32>,
      %get3A_776 = arith.constant 0 : i32
      %get3A_777 = arith.index_cast %get3A_776 : i32 to index
      %get3A_778 = arith.constant 256 : index
      %get3A_779 = tpu.vector_load %arg12[%get3A_777, %get3A_778] {strides = array<i32>} : memref<8x1024xf32, #tpu.memory_space<vmem>>, vector<1x16xf32>,
      %get3A_780 = vector.shape_cast %get3A_779 : vector<1x16xf32> to vector<16xf32>
      %get3A_781 = arith.constant 0 : i32
      %get3A_782 = arith.index_cast %get3A_781 : i32 to index
      %get3A_783 = arith.constant 256 : index
      %get3A_784 = tpu.vector_load %arg13[%get3A_782, %get3A_783] {strides = array<i32>} : memref<8x1024xf32, #tpu.memory_space<vmem>>, vector<1x16xf32>,
      %get3A_785 = vector.shape_cast %get3A_784 : vector<1x16xf32> to vector<16xf32>
      %add3A_786 = arith.addf %get3A_780, %get3A_785 : vector<16xf32>
      %swap3A_787 = arith.constant 0 : i32
      %swap3A_788 = arith.constant 0 : i32
      %swap3A_789 = arith.index_cast %swap3A_787 : i32 to index
      %swap3A_790 = arith.index_cast %swap3A_788 : i32 to index
      %swap3A_791 = arith.constant 256 : index
      %swap3A_792 = tpu.vector_load %arg14[%swap3A_789, %swap3A_790, %swap3A_791] {strides = array<i32>} : memref<1x2x1024xf32, #tpu.memory_space<vmem>>, vector<1x1x16xf32>,
      %swap3A_793 = vector.shape_cast %swap3A_792 : vector<1x1x16xf32> to vector<16xf32>
      %swap3A_794 = vector.shape_cast %add3A_786 : vector<16xf32> to vector<1x1x16xf32>
      tpu.vector_store %arg14[%swap3A_789, %swap3A_790, %swap3A_791], %swap3A_794 {strides = array<i32>} : memref<1x2x1024xf32, #tpu.memory_space<vmem>>, vector<1x1x16xf32>,
      %swap3A_795 = arith.constant 0 : i32
      %swap3A_796 = arith.constant 1 : i32
      %swap3A_797 = arith.index_cast %swap3A_795 : i32 to index
      %swap3A_798 = arith.index_cast %swap3A_796 : i32 to index
      %swap3A_799 = arith.constant 256 : index
      %swap3A_800 = tpu.vector_load %arg14[%swap3A_797, %swap3A_798, %swap3A_799] {strides = array<i32>} : memref<1x2x1024xf32, #tpu.memory_space<vmem>>, vector<1x1x16xf32>,
      %swap3A_801 = vector.shape_cast %swap3A_800 : vector<1x1x16xf32> to vector<16xf32>
      %swap3A_802 = vector.shape_cast %add3A_786 : vector<16xf32> to vector<1x1x16xf32>
      tpu.vector_store %arg14[%swap3A_797, %swap3A_798, %swap3A_799], %swap3A_802 {strides = array<i32>} : memref<1x2x1024xf32, #tpu.memory_space<vmem>>, vector<1x1x16xf32>,
      %get3A_803 = arith.constant 0 : i32
      %get3A_804 = arith.index_cast %get3A_803 : i32 to index
      %get3A_805 = arith.constant 272 : index
      %get3A_806 = tpu.vector_load %arg12[%get3A_804, %get3A_805] {strides = array<i32>} : memref<8x1024xf32, #tpu.memory_space<vmem>>, vector<1x16xf32>,
      %get3A_807 = vector.shape_cast %get3A_806 : vector<1x16xf32> to vector<16xf32>
      %get3A_808 = arith.constant 0 : i32
      %get3A_809 = arith.index_cast %get3A_808 : i32 to index
      %get3A_810 = arith.constant 272 : index
      %get3A_811 = tpu.vector_load %arg13[%get3A_809, %get3A_810] {strides = array<i32>} : memref<8x1024xf32, #tpu.memory_space<vmem>>, vector<1x16xf32>,
      %get3A_812 = vector.shape_cast %get3A_811 : vector<1x16xf32> to vector<16xf32>
      %add3A_813 = arith.addf %get3A_807, %get3A_812 : vector<16xf32>
      %swap3A_814 = arith.constant 0 : i32
      %swap3A_815 = arith.constant 0 : i32
      %swap3A_816 = arith.index_cast %swap3A_814 : i32 to index
      %swap3A_817 = arith.index_cast %swap3A_815 : i32 to index
      %swap3A_818 = arith.constant 272 : index
      %swap3A_819 = tpu.vector_load %arg14[%swap3A_816, %swap3A_817, %swap3A_818] {strides = array<i32>} : memref<1x2x1024xf32, #tpu.memory_space<vmem>>, vector<1x1x16xf32>,
      %swap3A_820 = vector.shape_cast %swap3A_819 : vector<1x1x16xf32> to vector<16xf32>
      %swap3A_821 = vector.shape_cast %add3A_813 : vector<16xf32> to vector<1x1x16xf32>
      tpu.vector_store %arg14[%swap3A_816, %swap3A_817, %swap3A_818], %swap3A_821 {strides = array<i32>} : memref<1x2x1024xf32, #tpu.memory_space<vmem>>, vector<1x1x16xf32>,
      %swap3A_822 = arith.constant 0 : i32
      %swap3A_823 = arith.constant 1 : i32
      %swap3A_824 = arith.index_cast %swap3A_822 : i32 to index
      %swap3A_825 = arith.index_cast %swap3A_823 : i32 to index
      %swap3A_826 = arith.constant 272 : index
      %swap3A_827 = tpu.vector_load %arg14[%swap3A_824, %swap3A_825, %swap3A_826] {strides = array<i32>} : memref<1x2x1024xf32, #tpu.memory_space<vmem>>, vector<1x1x16xf32>,
      %swap3A_828 = vector.shape_cast %swap3A_827 : vector<1x1x16xf32> to vector<16xf32>
      %swap3A_829 = vector.shape_cast %add3A_813 : vector<16xf32> to vector<1x1x16xf32>
      tpu.vector_store %arg14[%swap3A_824, %swap3A_825, %swap3A_826], %swap3A_829 {strides = array<i32>} : memref<1x2x1024xf32, #tpu.memory_space<vmem>>, vector<1x1x16xf32>,
      %get3A_830 = arith.constant 0 : i32
      %get3A_831 = arith.index_cast %get3A_830 : i32 to index
      %get3A_832 = arith.constant 288 : index
      %get3A_833 = tpu.vector_load %arg12[%get3A_831, %get3A_832] {strides = array<i32>} : memref<8x1024xf32, #tpu.memory_space<vmem>>, vector<1x16xf32>,
      %get3A_834 = vector.shape_cast %get3A_833 : vector<1x16xf32> to vector<16xf32>
      %get3A_835 = arith.constant 0 : i32
      %get3A_836 = arith.index_cast %get3A_835 : i32 to index
      %get3A_837 = arith.constant 288 : index
      %get3A_838 = tpu.vector_load %arg13[%get3A_836, %get3A_837] {strides = array<i32>} : memref<8x1024xf32, #tpu.memory_space<vmem>>, vector<1x16xf32>,
      %get3A_839 = vector.shape_cast %get3A_838 : vector<1x16xf32> to vector<16xf32>
      %add3A_840 = arith.addf %get3A_834, %get3A_839 : vector<16xf32>
      %swap3A_841 = arith.constant 0 : i32
      %swap3A_842 = arith.constant 0 : i32
      %swap3A_843 = arith.index_cast %swap3A_841 : i32 to index
      %swap3A_844 = arith.index_cast %swap3A_842 : i32 to index
      %swap3A_845 = arith.constant 288 : index
      %swap3A_846 = tpu.vector_load %arg14[%swap3A_843, %swap3A_844, %swap3A_845] {strides = array<i32>} : memref<1x2x1024xf32, #tpu.memory_space<vmem>>, vector<1x1x16xf32>,
      %swap3A_847 = vector.shape_cast %swap3A_846 : vector<1x1x16xf32> to vector<16xf32>
      %swap3A_848 = vector.shape_cast %add3A_840 : vector<16xf32> to vector<1x1x16xf32>
      tpu.vector_store %arg14[%swap3A_843, %swap3A_844, %swap3A_845], %swap3A_848 {strides = array<i32>} : memref<1x2x1024xf32, #tpu.memory_space<vmem>>, vector<1x1x16xf32>,
      %swap3A_849 = arith.constant 0 : i32
      %swap3A_850 = arith.constant 1 : i32
      %swap3A_851 = arith.index_cast %swap3A_849 : i32 to index
      %swap3A_852 = arith.index_cast %swap3A_850 : i32 to index
      %swap3A_853 = arith.constant 288 : index
      %swap3A_854 = tpu.vector_load %arg14[%swap3A_851, %swap3A_852, %swap3A_853] {strides = array<i32>} : memref<1x2x1024xf32, #tpu.memory_space<vmem>>, vector<1x1x16xf32>,
      %swap3A_855 = vector.shape_cast %swap3A_854 : vector<1x1x16xf32> to vector<16xf32>
      %swap3A_856 = vector.shape_cast %add3A_840 : vector<16xf32> to vector<1x1x16xf32>
      tpu.vector_store %arg14[%swap3A_851, %swap3A_852, %swap3A_853], %swap3A_856 {strides = array<i32>} : memref<1x2x1024xf32, #tpu.memory_space<vmem>>, vector<1x1x16xf32>,
      %get3A_857 = arith.constant 0 : i32
      %get3A_858 = arith.index_cast %get3A_857 : i32 to index
      %get3A_859 = arith.constant 304 : index
      %get3A_860 = tpu.vector_load %arg12[%get3A_858, %get3A_859] {strides = array<i32>} : memref<8x1024xf32, #tpu.memory_space<vmem>>, vector<1x16xf32>,
      %get3A_861 = vector.shape_cast %get3A_860 : vector<1x16xf32> to vector<16xf32>
      %get3A_862 = arith.constant 0 : i32
      %get3A_863 = arith.index_cast %get3A_862 : i32 to index
      %get3A_864 = arith.constant 304 : index
      %get3A_865 = tpu.vector_load %arg13[%get3A_863, %get3A_864] {strides = array<i32>} : memref<8x1024xf32, #tpu.memory_space<vmem>>, vector<1x16xf32>,
      %get3A_866 = vector.shape_cast %get3A_865 : vector<1x16xf32> to vector<16xf32>
      %add3A_867 = arith.addf %get3A_861, %get3A_866 : vector<16xf32>
      %swap3A_868 = arith.constant 0 : i32
      %swap3A_869 = arith.constant 0 : i32
      %swap3A_870 = arith.index_cast %swap3A_868 : i32 to index
      %swap3A_871 = arith.index_cast %swap3A_869 : i32 to index
      %swap3A_872 = arith.constant 304 : index
      %swap3A_873 = tpu.vector_load %arg14[%swap3A_870, %swap3A_871, %swap3A_872] {strides = array<i32>} : memref<1x2x1024xf32, #tpu.memory_space<vmem>>, vector<1x1x16xf32>,
      %swap3A_874 = vector.shape_cast %swap3A_873 : vector<1x1x16xf32> to vector<16xf32>
      %swap3A_875 = vector.shape_cast %add3A_867 : vector<16xf32> to vector<1x1x16xf32>
      tpu.vector_store %arg14[%swap3A_870, %swap3A_871, %swap3A_872], %swap3A_875 {strides = array<i32>} : memref<1x2x1024xf32, #tpu.memory_space<vmem>>, vector<1x1x16xf32>,
      %swap3A_876 = arith.constant 0 : i32
      %swap3A_877 = arith.constant 1 : i32
      %swap3A_878 = arith.index_cast %swap3A_876 : i32 to index
      %swap3A_879 = arith.index_cast %swap3A_877 : i32 to index
      %swap3A_880 = arith.constant 304 : index
      %swap3A_881 = tpu.vector_load %arg14[%swap3A_878, %swap3A_879, %swap3A_880] {strides = array<i32>} : memref<1x2x1024xf32, #tpu.memory_space<vmem>>, vector<1x1x16xf32>,
      %swap3A_882 = vector.shape_cast %swap3A_881 : vector<1x1x16xf32> to vector<16xf32>
      %swap3A_883 = vector.shape_cast %add3A_867 : vector<16xf32> to vector<1x1x16xf32>
      tpu.vector_store %arg14[%swap3A_878, %swap3A_879, %swap3A_880], %swap3A_883 {strides = array<i32>} : memref<1x2x1024xf32, #tpu.memory_space<vmem>>, vector<1x1x16xf32>,
      %get3A_884 = arith.constant 0 : i32
      %get3A_885 = arith.index_cast %get3A_884 : i32 to index
      %get3A_886 = arith.constant 320 : index
      %get3A_887 = tpu.vector_load %arg12[%get3A_885, %get3A_886] {strides = array<i32>} : memref<8x1024xf32, #tpu.memory_space<vmem>>, vector<1x16xf32>,
      %get3A_888 = vector.shape_cast %get3A_887 : vector<1x16xf32> to vector<16xf32>
      %get3A_889 = arith.constant 0 : i32
      %get3A_890 = arith.index_cast %get3A_889 : i32 to index
      %get3A_891 = arith.constant 320 : index
      %get3A_892 = tpu.vector_load %arg13[%get3A_890, %get3A_891] {strides = array<i32>} : memref<8x1024xf32, #tpu.memory_space<vmem>>, vector<1x16xf32>,
      %get3A_893 = vector.shape_cast %get3A_892 : vector<1x16xf32> to vector<16xf32>
      %add3A_894 = arith.addf %get3A_888, %get3A_893 : vector<16xf32>
      %swap3A_895 = arith.constant 0 : i32
      %swap3A_896 = arith.constant 0 : i32
      %swap3A_897 = arith.index_cast %swap3A_895 : i32 to index
      %swap3A_898 = arith.index_cast %swap3A_896 : i32 to index
      %swap3A_899 = arith.constant 320 : index
      %swap3A_900 = tpu.vector_load %arg14[%swap3A_897, %swap3A_898, %swap3A_899] {strides = array<i32>} : memref<1x2x1024xf32, #tpu.memory_space<vmem>>, vector<1x1x16xf32>,
      %swap3A_901 = vector.shape_cast %swap3A_900 : vector<1x1x16xf32> to vector<16xf32>
      %swap3A_902 = vector.shape_cast %add3A_894 : vector<16xf32> to vector<1x1x16xf32>
      tpu.vector_store %arg14[%swap3A_897, %swap3A_898, %swap3A_899], %swap3A_902 {strides = array<i32>} : memref<1x2x1024xf32, #tpu.memory_space<vmem>>, vector<1x1x16xf32>,
      %swap3A_903 = arith.constant 0 : i32
      %swap3A_904 = arith.constant 1 : i32
      %swap3A_905 = arith.index_cast %swap3A_903 : i32 to index
      %swap3A_906 = arith.index_cast %swap3A_904 : i32 to index
      %swap3A_907 = arith.constant 320 : index
      %swap3A_908 = tpu.vector_load %arg14[%swap3A_905, %swap3A_906, %swap3A_907] {strides = array<i32>} : memref<1x2x1024xf32, #tpu.memory_space<vmem>>, vector<1x1x16xf32>,
      %swap3A_909 = vector.shape_cast %swap3A_908 : vector<1x1x16xf32> to vector<16xf32>
      %swap3A_910 = vector.shape_cast %add3A_894 : vector<16xf32> to vector<1x1x16xf32>
      tpu.vector_store %arg14[%swap3A_905, %swap3A_906, %swap3A_907], %swap3A_910 {strides = array<i32>} : memref<1x2x1024xf32, #tpu.memory_space<vmem>>, vector<1x1x16xf32>,
      %get3A_911 = arith.constant 0 : i32
      %get3A_912 = arith.index_cast %get3A_911 : i32 to index
      %get3A_913 = arith.constant 336 : index
      %get3A_914 = tpu.vector_load %arg12[%get3A_912, %get3A_913] {strides = array<i32>} : memref<8x1024xf32, #tpu.memory_space<vmem>>, vector<1x16xf32>,
      %get3A_915 = vector.shape_cast %get3A_914 : vector<1x16xf32> to vector<16xf32>
      %get3A_916 = arith.constant 0 : i32
      %get3A_917 = arith.index_cast %get3A_916 : i32 to index
      %get3A_918 = arith.constant 336 : index
      %get3A_919 = tpu.vector_load %arg13[%get3A_917, %get3A_918] {strides = array<i32>} : memref<8x1024xf32, #tpu.memory_space<vmem>>, vector<1x16xf32>,
      %get3A_920 = vector.shape_cast %get3A_919 : vector<1x16xf32> to vector<16xf32>
      %add3A_921 = arith.addf %get3A_915, %get3A_920 : vector<16xf32>
      %swap3A_922 = arith.constant 0 : i32
      %swap3A_923 = arith.constant 0 : i32
      %swap3A_924 = arith.index_cast %swap3A_922 : i32 to index
      %swap3A_925 = arith.index_cast %swap3A_923 : i32 to index
      %swap3A_926 = arith.constant 336 : index
      %swap3A_927 = tpu.vector_load %arg14[%swap3A_924, %swap3A_925, %swap3A_926] {strides = array<i32>} : memref<1x2x1024xf32, #tpu.memory_space<vmem>>, vector<1x1x16xf32>,
      %swap3A_928 = vector.shape_cast %swap3A_927 : vector<1x1x16xf32> to vector<16xf32>
      %swap3A_929 = vector.shape_cast %add3A_921 : vector<16xf32> to vector<1x1x16xf32>
      tpu.vector_store %arg14[%swap3A_924, %swap3A_925, %swap3A_926], %swap3A_929 {strides = array<i32>} : memref<1x2x1024xf32, #tpu.memory_space<vmem>>, vector<1x1x16xf32>,
      %swap3A_930 = arith.constant 0 : i32
      %swap3A_931 = arith.constant 1 : i32
      %swap3A_932 = arith.index_cast %swap3A_930 : i32 to index
      %swap3A_933 = arith.index_cast %swap3A_931 : i32 to index
      %swap3A_934 = arith.constant 336 : index
      %swap3A_935 = tpu.vector_load %arg14[%swap3A_932, %swap3A_933, %swap3A_934] {strides = array<i32>} : memref<1x2x1024xf32, #tpu.memory_space<vmem>>, vector<1x1x16xf32>,
      %swap3A_936 = vector.shape_cast %swap3A_935 : vector<1x1x16xf32> to vector<16xf32>
      %swap3A_937 = vector.shape_cast %add3A_921 : vector<16xf32> to vector<1x1x16xf32>
      tpu.vector_store %arg14[%swap3A_932, %swap3A_933, %swap3A_934], %swap3A_937 {strides = array<i32>} : memref<1x2x1024xf32, #tpu.memory_space<vmem>>, vector<1x1x16xf32>,
      %get3A_938 = arith.constant 0 : i32
      %get3A_939 = arith.index_cast %get3A_938 : i32 to index
      %get3A_940 = arith.constant 352 : index
      %get3A_941 = tpu.vector_load %arg12[%get3A_939, %get3A_940] {strides = array<i32>} : memref<8x1024xf32, #tpu.memory_space<vmem>>, vector<1x16xf32>,
      %get3A_942 = vector.shape_cast %get3A_941 : vector<1x16xf32> to vector<16xf32>
      %get3A_943 = arith.constant 0 : i32
      %get3A_944 = arith.index_cast %get3A_943 : i32 to index
      %get3A_945 = arith.constant 352 : index
      %get3A_946 = tpu.vector_load %arg13[%get3A_944, %get3A_945] {strides = array<i32>} : memref<8x1024xf32, #tpu.memory_space<vmem>>, vector<1x16xf32>,
      %get3A_947 = vector.shape_cast %get3A_946 : vector<1x16xf32> to vector<16xf32>
      %add3A_948 = arith.addf %get3A_942, %get3A_947 : vector<16xf32>
      %swap3A_949 = arith.constant 0 : i32
      %swap3A_950 = arith.constant 0 : i32
      %swap3A_951 = arith.index_cast %swap3A_949 : i32 to index
      %swap3A_952 = arith.index_cast %swap3A_950 : i32 to index
      %swap3A_953 = arith.constant 352 : index
      %swap3A_954 = tpu.vector_load %arg14[%swap3A_951, %swap3A_952, %swap3A_953] {strides = array<i32>} : memref<1x2x1024xf32, #tpu.memory_space<vmem>>, vector<1x1x16xf32>,
      %swap3A_955 = vector.shape_cast %swap3A_954 : vector<1x1x16xf32> to vector<16xf32>
      %swap3A_956 = vector.shape_cast %add3A_948 : vector<16xf32> to vector<1x1x16xf32>
      tpu.vector_store %arg14[%swap3A_951, %swap3A_952, %swap3A_953], %swap3A_956 {strides = array<i32>} : memref<1x2x1024xf32, #tpu.memory_space<vmem>>, vector<1x1x16xf32>,
      %swap3A_957 = arith.constant 0 : i32
      %swap3A_958 = arith.constant 1 : i32
      %swap3A_959 = arith.index_cast %swap3A_957 : i32 to index
      %swap3A_960 = arith.index_cast %swap3A_958 : i32 to index
      %swap3A_961 = arith.constant 352 : index
      %swap3A_962 = tpu.vector_load %arg14[%swap3A_959, %swap3A_960, %swap3A_961] {strides = array<i32>} : memref<1x2x1024xf32, #tpu.memory_space<vmem>>, vector<1x1x16xf32>,
      %swap3A_963 = vector.shape_cast %swap3A_962 : vector<1x1x16xf32> to vector<16xf32>
      %swap3A_964 = vector.shape_cast %add3A_948 : vector<16xf32> to vector<1x1x16xf32>
      tpu.vector_store %arg14[%swap3A_959, %swap3A_960, %swap3A_961], %swap3A_964 {strides = array<i32>} : memref<1x2x1024xf32, #tpu.memory_space<vmem>>, vector<1x1x16xf32>,
      %get3A_965 = arith.constant 0 : i32
      %get3A_966 = arith.index_cast %get3A_965 : i32 to index
      %get3A_967 = arith.constant 368 : index
      %get3A_968 = tpu.vector_load %arg12[%get3A_966, %get3A_967] {strides = array<i32>} : memref<8x1024xf32, #tpu.memory_space<vmem>>, vector<1x16xf32>,
      %get3A_969 = vector.shape_cast %get3A_968 : vector<1x16xf32> to vector<16xf32>
      %get3A_970 = arith.constant 0 : i32
      %get3A_971 = arith.index_cast %get3A_970 : i32 to index
      %get3A_972 = arith.constant 368 : index
      %get3A_973 = tpu.vector_load %arg13[%get3A_971, %get3A_972] {strides = array<i32>} : memref<8x1024xf32, #tpu.memory_space<vmem>>, vector<1x16xf32>,
      %get3A_974 = vector.shape_cast %get3A_973 : vector<1x16xf32> to vector<16xf32>
      %add3A_975 = arith.addf %get3A_969, %get3A_974 : vector<16xf32>
      %swap3A_976 = arith.constant 0 : i32
      %swap3A_977 = arith.constant 0 : i32
      %swap3A_978 = arith.index_cast %swap3A_976 : i32 to index
      %swap3A_979 = arith.index_cast %swap3A_977 : i32 to index
      %swap3A_980 = arith.constant 368 : index
      %swap3A_981 = tpu.vector_load %arg14[%swap3A_978, %swap3A_979, %swap3A_980] {strides = array<i32>} : memref<1x2x1024xf32, #tpu.memory_space<vmem>>, vector<1x1x16xf32>,
      %swap3A_982 = vector.shape_cast %swap3A_981 : vector<1x1x16xf32> to vector<16xf32>
      %swap3A_983 = vector.shape_cast %add3A_975 : vector<16xf32> to vector<1x1x16xf32>
      tpu.vector_store %arg14[%swap3A_978, %swap3A_979, %swap3A_980], %swap3A_983 {strides = array<i32>} : memref<1x2x1024xf32, #tpu.memory_space<vmem>>, vector<1x1x16xf32>,
      %swap3A_984 = arith.constant 0 : i32
      %swap3A_985 = arith.constant 1 : i32
      %swap3A_986 = arith.index_cast %swap3A_984 : i32 to index
      %swap3A_987 = arith.index_cast %swap3A_985 : i32 to index
      %swap3A_988 = arith.constant 368 : index
      %swap3A_989 = tpu.vector_load %arg14[%swap3A_986, %swap3A_987, %swap3A_988] {strides = array<i32>} : memref<1x2x1024xf32, #tpu.memory_space<vmem>>, vector<1x1x16xf32>,
      %swap3A_990 = vector.shape_cast %swap3A_989 : vector<1x1x16xf32> to vector<16xf32>
      %swap3A_991 = vector.shape_cast %add3A_975 : vector<16xf32> to vector<1x1x16xf32>
      tpu.vector_store %arg14[%swap3A_986, %swap3A_987, %swap3A_988], %swap3A_991 {strides = array<i32>} : memref<1x2x1024xf32, #tpu.memory_space<vmem>>, vector<1x1x16xf32>,
      %get3A_992 = arith.constant 0 : i32
      %get3A_993 = arith.index_cast %get3A_992 : i32 to index
      %get3A_994 = arith.constant 384 : index
      %get3A_995 = tpu.vector_load %arg12[%get3A_993, %get3A_994] {strides = array<i32>} : memref<8x1024xf32, #tpu.memory_space<vmem>>, vector<1x16xf32>,
      %get3A_996 = vector.shape_cast %get3A_995 : vector<1x16xf32> to vector<16xf32>
      %get3A_997 = arith.constant 0 : i32
      %get3A_998 = arith.index_cast %get3A_997 : i32 to index
      %get3A_999 = arith.constant 384 : index
      %get3A_1000 = tpu.vector_load %arg13[%get3A_998, %get3A_999] {strides = array<i32>} : memref<8x1024xf32, #tpu.memory_space<vmem>>, vector<1x16xf32>,
      %get3A_1001 = vector.shape_cast %get3A_1000 : vector<1x16xf32> to vector<16xf32>
      %add3A_1002 = arith.addf %get3A_996, %get3A_1001 : vector<16xf32>
      %swap3A_1003 = arith.constant 0 : i32
      %swap3A_1004 = arith.constant 0 : i32
      %swap3A_1005 = arith.index_cast %swap3A_1003 : i32 to index
      %swap3A_1006 = arith.index_cast %swap3A_1004 : i32 to index
      %swap3A_1007 = arith.constant 384 : index
      %swap3A_1008 = tpu.vector_load %arg14[%swap3A_1005, %swap3A_1006, %swap3A_1007] {strides = array<i32>} : memref<1x2x1024xf32, #tpu.memory_space<vmem>>, vector<1x1x16xf32>,
      %swap3A_1009 = vector.shape_cast %swap3A_1008 : vector<1x1x16xf32> to vector<16xf32>
      %swap3A_1010 = vector.shape_cast %add3A_1002 : vector<16xf32> to vector<1x1x16xf32>
      tpu.vector_store %arg14[%swap3A_1005, %swap3A_1006, %swap3A_1007], %swap3A_1010 {strides = array<i32>} : memref<1x2x1024xf32, #tpu.memory_space<vmem>>, vector<1x1x16xf32>,
      %swap3A_1011 = arith.constant 0 : i32
      %swap3A_1012 = arith.constant 1 : i32
      %swap3A_1013 = arith.index_cast %swap3A_1011 : i32 to index
      %swap3A_1014 = arith.index_cast %swap3A_1012 : i32 to index
      %swap3A_1015 = arith.constant 384 : index
      %swap3A_1016 = tpu.vector_load %arg14[%swap3A_1013, %swap3A_1014, %swap3A_1015] {strides = array<i32>} : memref<1x2x1024xf32, #tpu.memory_space<vmem>>, vector<1x1x16xf32>,
      %swap3A_1017 = vector.shape_cast %swap3A_1016 : vector<1x1x16xf32> to vector<16xf32>
      %swap3A_1018 = vector.shape_cast %add3A_1002 : vector<16xf32> to vector<1x1x16xf32>
      tpu.vector_store %arg14[%swap3A_1013, %swap3A_1014, %swap3A_1015], %swap3A_1018 {strides = array<i32>} : memref<1x2x1024xf32, #tpu.memory_space<vmem>>, vector<1x1x16xf32>,
      %get3A_1019 = arith.constant 0 : i32
      %get3A_1020 = arith.index_cast %get3A_1019 : i32 to index
      %get3A_1021 = arith.constant 400 : index
      %get3A_1022 = tpu.vector_load %arg12[%get3A_1020, %get3A_1021] {strides = array<i32>} : memref<8x1024xf32, #tpu.memory_space<vmem>>, vector<1x16xf32>,
      %get3A_1023 = vector.shape_cast %get3A_1022 : vector<1x16xf32> to vector<16xf32>
      %get3A_1024 = arith.constant 0 : i32
      %get3A_1025 = arith.index_cast %get3A_1024 : i32 to index
      %get3A_1026 = arith.constant 400 : index
      %get3A_1027 = tpu.vector_load %arg13[%get3A_1025, %get3A_1026] {strides = array<i32>} : memref<8x1024xf32, #tpu.memory_space<vmem>>, vector<1x16xf32>,
      %get3A_1028 = vector.shape_cast %get3A_1027 : vector<1x16xf32> to vector<16xf32>
      %add3A_1029 = arith.addf %get3A_1023, %get3A_1028 : vector<16xf32>
      %swap3A_1030 = arith.constant 0 : i32
      %swap3A_1031 = arith.constant 0 : i32
      %swap3A_1032 = arith.index_cast %swap3A_1030 : i32 to index
      %swap3A_1033 = arith.index_cast %swap3A_1031 : i32 to index
      %swap3A_1034 = arith.constant 400 : index
      %swap3A_1035 = tpu.vector_load %arg14[%swap3A_1032, %swap3A_1033, %swap3A_1034] {strides = array<i32>} : memref<1x2x1024xf32, #tpu.memory_space<vmem>>, vector<1x1x16xf32>,
      %swap3A_1036 = vector.shape_cast %swap3A_1035 : vector<1x1x16xf32> to vector<16xf32>
      %swap3A_1037 = vector.shape_cast %add3A_1029 : vector<16xf32> to vector<1x1x16xf32>
      tpu.vector_store %arg14[%swap3A_1032, %swap3A_1033, %swap3A_1034], %swap3A_1037 {strides = array<i32>} : memref<1x2x1024xf32, #tpu.memory_space<vmem>>, vector<1x1x16xf32>,
      %swap3A_1038 = arith.constant 0 : i32
      %swap3A_1039 = arith.constant 1 : i32
      %swap3A_1040 = arith.index_cast %swap3A_1038 : i32 to index
      %swap3A_1041 = arith.index_cast %swap3A_1039 : i32 to index
      %swap3A_1042 = arith.constant 400 : index
      %swap3A_1043 = tpu.vector_load %arg14[%swap3A_1040, %swap3A_1041, %swap3A_1042] {strides = array<i32>} : memref<1x2x1024xf32, #tpu.memory_space<vmem>>, vector<1x1x16xf32>,
      %swap3A_1044 = vector.shape_cast %swap3A_1043 : vector<1x1x16xf32> to vector<16xf32>
      %swap3A_1045 = vector.shape_cast %add3A_1029 : vector<16xf32> to vector<1x1x16xf32>
      tpu.vector_store %arg14[%swap3A_1040, %swap3A_1041, %swap3A_1042], %swap3A_1045 {strides = array<i32>} : memref<1x2x1024xf32, #tpu.memory_space<vmem>>, vector<1x1x16xf32>,
      %get3A_1046 = arith.constant 0 : i32
      %get3A_1047 = arith.index_cast %get3A_1046 : i32 to index
      %get3A_1048 = arith.constant 416 : index
      %get3A_1049 = tpu.vector_load %arg12[%get3A_1047, %get3A_1048] {strides = array<i32>} : memref<8x1024xf32, #tpu.memory_space<vmem>>, vector<1x16xf32>,
      %get3A_1050 = vector.shape_cast %get3A_1049 : vector<1x16xf32> to vector<16xf32>
      %get3A_1051 = arith.constant 0 : i32
      %get3A_1052 = arith.index_cast %get3A_1051 : i32 to index
      %get3A_1053 = arith.constant 416 : index
      %get3A_1054 = tpu.vector_load %arg13[%get3A_1052, %get3A_1053] {strides = array<i32>} : memref<8x1024xf32, #tpu.memory_space<vmem>>, vector<1x16xf32>,
      %get3A_1055 = vector.shape_cast %get3A_1054 : vector<1x16xf32> to vector<16xf32>
      %add3A_1056 = arith.addf %get3A_1050, %get3A_1055 : vector<16xf32>
      %swap3A_1057 = arith.constant 0 : i32
      %swap3A_1058 = arith.constant 0 : i32
      %swap3A_1059 = arith.index_cast %swap3A_1057 : i32 to index
      %swap3A_1060 = arith.index_cast %swap3A_1058 : i32 to index
      %swap3A_1061 = arith.constant 416 : index
      %swap3A_1062 = tpu.vector_load %arg14[%swap3A_1059, %swap3A_1060, %swap3A_1061] {strides = array<i32>} : memref<1x2x1024xf32, #tpu.memory_space<vmem>>, vector<1x1x16xf32>,
      %swap3A_1063 = vector.shape_cast %swap3A_1062 : vector<1x1x16xf32> to vector<16xf32>
      %swap3A_1064 = vector.shape_cast %add3A_1056 : vector<16xf32> to vector<1x1x16xf32>
      tpu.vector_store %arg14[%swap3A_1059, %swap3A_1060, %swap3A_1061], %swap3A_1064 {strides = array<i32>} : memref<1x2x1024xf32, #tpu.memory_space<vmem>>, vector<1x1x16xf32>,
      %swap3A_1065 = arith.constant 0 : i32
      %swap3A_1066 = arith.constant 1 : i32
      %swap3A_1067 = arith.index_cast %swap3A_1065 : i32 to index
      %swap3A_1068 = arith.index_cast %swap3A_1066 : i32 to index
      %swap3A_1069 = arith.constant 416 : index
      %swap3A_1070 = tpu.vector_load %arg14[%swap3A_1067, %swap3A_1068, %swap3A_1069] {strides = array<i32>} : memref<1x2x1024xf32, #tpu.memory_space<vmem>>, vector<1x1x16xf32>,
      %swap3A_1071 = vector.shape_cast %swap3A_1070 : vector<1x1x16xf32> to vector<16xf32>
      %swap3A_1072 = vector.shape_cast %add3A_1056 : vector<16xf32> to vector<1x1x16xf32>
      tpu.vector_store %arg14[%swap3A_1067, %swap3A_1068, %swap3A_1069], %swap3A_1072 {strides = array<i32>} : memref<1x2x1024xf32, #tpu.memory_space<vmem>>, vector<1x1x16xf32>,
      %get3A_1073 = arith.constant 0 : i32
      %get3A_1074 = arith.index_cast %get3A_1073 : i32 to index
      %get3A_1075 = arith.constant 432 : index
      %get3A_1076 = tpu.vector_load %arg12[%get3A_1074, %get3A_1075] {strides = array<i32>} : memref<8x1024xf32, #tpu.memory_space<vmem>>, vector<1x16xf32>,
      %get3A_1077 = vector.shape_cast %get3A_1076 : vector<1x16xf32> to vector<16xf32>
      %get3A_1078 = arith.constant 0 : i32
      %get3A_1079 = arith.index_cast %get3A_1078 : i32 to index
      %get3A_1080 = arith.constant 432 : index
      %get3A_1081 = tpu.vector_load %arg13[%get3A_1079, %get3A_1080] {strides = array<i32>} : memref<8x1024xf32, #tpu.memory_space<vmem>>, vector<1x16xf32>,
      %get3A_1082 = vector.shape_cast %get3A_1081 : vector<1x16xf32> to vector<16xf32>
      %add3A_1083 = arith.addf %get3A_1077, %get3A_1082 : vector<16xf32>
      %swap3A_1084 = arith.constant 0 : i32
      %swap3A_1085 = arith.constant 0 : i32
      %swap3A_1086 = arith.index_cast %swap3A_1084 : i32 to index
      %swap3A_1087 = arith.index_cast %swap3A_1085 : i32 to index
      %swap3A_1088 = arith.constant 432 : index
      %swap3A_1089 = tpu.vector_load %arg14[%swap3A_1086, %swap3A_1087, %swap3A_1088] {strides = array<i32>} : memref<1x2x1024xf32, #tpu.memory_space<vmem>>, vector<1x1x16xf32>,
      %swap3A_1090 = vector.shape_cast %swap3A_1089 : vector<1x1x16xf32> to vector<16xf32>
      %swap3A_1091 = vector.shape_cast %add3A_1083 : vector<16xf32> to vector<1x1x16xf32>
      tpu.vector_store %arg14[%swap3A_1086, %swap3A_1087, %swap3A_1088], %swap3A_1091 {strides = array<i32>} : memref<1x2x1024xf32, #tpu.memory_space<vmem>>, vector<1x1x16xf32>,
      %swap3A_1092 = arith.constant 0 : i32
      %swap3A_1093 = arith.constant 1 : i32
      %swap3A_1094 = arith.index_cast %swap3A_1092 : i32 to index
      %swap3A_1095 = arith.index_cast %swap3A_1093 : i32 to index
      %swap3A_1096 = arith.constant 432 : index
      %swap3A_1097 = tpu.vector_load %arg14[%swap3A_1094, %swap3A_1095, %swap3A_1096] {strides = array<i32>} : memref<1x2x1024xf32, #tpu.memory_space<vmem>>, vector<1x1x16xf32>,
      %swap3A_1098 = vector.shape_cast %swap3A_1097 : vector<1x1x16xf32> to vector<16xf32>
      %swap3A_1099 = vector.shape_cast %add3A_1083 : vector<16xf32> to vector<1x1x16xf32>
      tpu.vector_store %arg14[%swap3A_1094, %swap3A_1095, %swap3A_1096], %swap3A_1099 {strides = array<i32>} : memref<1x2x1024xf32, #tpu.memory_space<vmem>>, vector<1x1x16xf32>,
      %get3A_1100 = arith.constant 0 : i32
      %get3A_1101 = arith.index_cast %get3A_1100 : i32 to index
      %get3A_1102 = arith.constant 448 : index
      %get3A_1103 = tpu.vector_load %arg12[%get3A_1101, %get3A_1102] {strides = array<i32>} : memref<8x1024xf32, #tpu.memory_space<vmem>>, vector<1x16xf32>,
      %get3A_1104 = vector.shape_cast %get3A_1103 : vector<1x16xf32> to vector<16xf32>
      %get3A_1105 = arith.constant 0 : i32
      %get3A_1106 = arith.index_cast %get3A_1105 : i32 to index
      %get3A_1107 = arith.constant 448 : index
      %get3A_1108 = tpu.vector_load %arg13[%get3A_1106, %get3A_1107] {strides = array<i32>} : memref<8x1024xf32, #tpu.memory_space<vmem>>, vector<1x16xf32>,
      %get3A_1109 = vector.shape_cast %get3A_1108 : vector<1x16xf32> to vector<16xf32>
      %add3A_1110 = arith.addf %get3A_1104, %get3A_1109 : vector<16xf32>
      %swap3A_1111 = arith.constant 0 : i32
      %swap3A_1112 = arith.constant 0 : i32
      %swap3A_1113 = arith.index_cast %swap3A_1111 : i32 to index
      %swap3A_1114 = arith.index_cast %swap3A_1112 : i32 to index
      %swap3A_1115 = arith.constant 448 : index
      %swap3A_1116 = tpu.vector_load %arg14[%swap3A_1113, %swap3A_1114, %swap3A_1115] {strides = array<i32>} : memref<1x2x1024xf32, #tpu.memory_space<vmem>>, vector<1x1x16xf32>,
      %swap3A_1117 = vector.shape_cast %swap3A_1116 : vector<1x1x16xf32> to vector<16xf32>
      %swap3A_1118 = vector.shape_cast %add3A_1110 : vector<16xf32> to vector<1x1x16xf32>
      tpu.vector_store %arg14[%swap3A_1113, %swap3A_1114, %swap3A_1115], %swap3A_1118 {strides = array<i32>} : memref<1x2x1024xf32, #tpu.memory_space<vmem>>, vector<1x1x16xf32>,
      %swap3A_1119 = arith.constant 0 : i32
      %swap3A_1120 = arith.constant 1 : i32
      %swap3A_1121 = arith.index_cast %swap3A_1119 : i32 to index
      %swap3A_1122 = arith.index_cast %swap3A_1120 : i32 to index
      %swap3A_1123 = arith.constant 448 : index
      %swap3A_1124 = tpu.vector_load %arg14[%swap3A_1121, %swap3A_1122, %swap3A_1123] {strides = array<i32>} : memref<1x2x1024xf32, #tpu.memory_space<vmem>>, vector<1x1x16xf32>,
      %swap3A_1125 = vector.shape_cast %swap3A_1124 : vector<1x1x16xf32> to vector<16xf32>
      %swap3A_1126 = vector.shape_cast %add3A_1110 : vector<16xf32> to vector<1x1x16xf32>
      tpu.vector_store %arg14[%swap3A_1121, %swap3A_1122, %swap3A_1123], %swap3A_1126 {strides = array<i32>} : memref<1x2x1024xf32, #tpu.memory_space<vmem>>, vector<1x1x16xf32>,
      %get3A_1127 = arith.constant 0 : i32
      %get3A_1128 = arith.index_cast %get3A_1127 : i32 to index
      %get3A_1129 = arith.constant 464 : index
      %get3A_1130 = tpu.vector_load %arg12[%get3A_1128, %get3A_1129] {strides = array<i32>} : memref<8x1024xf32, #tpu.memory_space<vmem>>, vector<1x16xf32>,
      %get3A_1131 = vector.shape_cast %get3A_1130 : vector<1x16xf32> to vector<16xf32>
      %get3A_1132 = arith.constant 0 : i32
      %get3A_1133 = arith.index_cast %get3A_1132 : i32 to index
      %get3A_1134 = arith.constant 464 : index
      %get3A_1135 = tpu.vector_load %arg13[%get3A_1133, %get3A_1134] {strides = array<i32>} : memref<8x1024xf32, #tpu.memory_space<vmem>>, vector<1x16xf32>,
      %get3A_1136 = vector.shape_cast %get3A_1135 : vector<1x16xf32> to vector<16xf32>
      %add3A_1137 = arith.addf %get3A_1131, %get3A_1136 : vector<16xf32>
      %swap3A_1138 = arith.constant 0 : i32
      %swap3A_1139 = arith.constant 0 : i32
      %swap3A_1140 = arith.index_cast %swap3A_1138 : i32 to index
      %swap3A_1141 = arith.index_cast %swap3A_1139 : i32 to index
      %swap3A_1142 = arith.constant 464 : index
      %swap3A_1143 = tpu.vector_load %arg14[%swap3A_1140, %swap3A_1141, %swap3A_1142] {strides = array<i32>} : memref<1x2x1024xf32, #tpu.memory_space<vmem>>, vector<1x1x16xf32>,
      %swap3A_1144 = vector.shape_cast %swap3A_1143 : vector<1x1x16xf32> to vector<16xf32>
      %swap3A_1145 = vector.shape_cast %add3A_1137 : vector<16xf32> to vector<1x1x16xf32>
      tpu.vector_store %arg14[%swap3A_1140, %swap3A_1141, %swap3A_1142], %swap3A_1145 {strides = array<i32>} : memref<1x2x1024xf32, #tpu.memory_space<vmem>>, vector<1x1x16xf32>,
      %swap3A_1146 = arith.constant 0 : i32
      %swap3A_1147 = arith.constant 1 : i32
      %swap3A_1148 = arith.index_cast %swap3A_1146 : i32 to index
      %swap3A_1149 = arith.index_cast %swap3A_1147 : i32 to index
      %swap3A_1150 = arith.constant 464 : index
      %swap3A_1151 = tpu.vector_load %arg14[%swap3A_1148, %swap3A_1149, %swap3A_1150] {strides = array<i32>} : memref<1x2x1024xf32, #tpu.memory_space<vmem>>, vector<1x1x16xf32>,
      %swap3A_1152 = vector.shape_cast %swap3A_1151 : vector<1x1x16xf32> to vector<16xf32>
      %swap3A_1153 = vector.shape_cast %add3A_1137 : vector<16xf32> to vector<1x1x16xf32>
      tpu.vector_store %arg14[%swap3A_1148, %swap3A_1149, %swap3A_1150], %swap3A_1153 {strides = array<i32>} : memref<1x2x1024xf32, #tpu.memory_space<vmem>>, vector<1x1x16xf32>,
      %get3A_1154 = arith.constant 0 : i32
      %get3A_1155 = arith.index_cast %get3A_1154 : i32 to index
      %get3A_1156 = arith.constant 480 : index
      %get3A_1157 = tpu.vector_load %arg12[%get3A_1155, %get3A_1156] {strides = array<i32>} : memref<8x1024xf32, #tpu.memory_space<vmem>>, vector<1x16xf32>,
      %get3A_1158 = vector.shape_cast %get3A_1157 : vector<1x16xf32> to vector<16xf32>
      %get3A_1159 = arith.constant 0 : i32
      %get3A_1160 = arith.index_cast %get3A_1159 : i32 to index
      %get3A_1161 = arith.constant 480 : index
      %get3A_1162 = tpu.vector_load %arg13[%get3A_1160, %get3A_1161] {strides = array<i32>} : memref<8x1024xf32, #tpu.memory_space<vmem>>, vector<1x16xf32>,
      %get3A_1163 = vector.shape_cast %get3A_1162 : vector<1x16xf32> to vector<16xf32>
      %add3A_1164 = arith.addf %get3A_1158, %get3A_1163 : vector<16xf32>
      %swap3A_1165 = arith.constant 0 : i32
      %swap3A_1166 = arith.constant 0 : i32
      %swap3A_1167 = arith.index_cast %swap3A_1165 : i32 to index
      %swap3A_1168 = arith.index_cast %swap3A_1166 : i32 to index
      %swap3A_1169 = arith.constant 480 : index
      %swap3A_1170 = tpu.vector_load %arg14[%swap3A_1167, %swap3A_1168, %swap3A_1169] {strides = array<i32>} : memref<1x2x1024xf32, #tpu.memory_space<vmem>>, vector<1x1x16xf32>,
      %swap3A_1171 = vector.shape_cast %swap3A_1170 : vector<1x1x16xf32> to vector<16xf32>
      %swap3A_1172 = vector.shape_cast %add3A_1164 : vector<16xf32> to vector<1x1x16xf32>
      tpu.vector_store %arg14[%swap3A_1167, %swap3A_1168, %swap3A_1169], %swap3A_1172 {strides = array<i32>} : memref<1x2x1024xf32, #tpu.memory_space<vmem>>, vector<1x1x16xf32>,
      %swap3A_1173 = arith.constant 0 : i32
      %swap3A_1174 = arith.constant 1 : i32
      %swap3A_1175 = arith.index_cast %swap3A_1173 : i32 to index
      %swap3A_1176 = arith.index_cast %swap3A_1174 : i32 to index
      %swap3A_1177 = arith.constant 480 : index
      %swap3A_1178 = tpu.vector_load %arg14[%swap3A_1175, %swap3A_1176, %swap3A_1177] {strides = array<i32>} : memref<1x2x1024xf32, #tpu.memory_space<vmem>>, vector<1x1x16xf32>,
      %swap3A_1179 = vector.shape_cast %swap3A_1178 : vector<1x1x16xf32> to vector<16xf32>
      %swap3A_1180 = vector.shape_cast %add3A_1164 : vector<16xf32> to vector<1x1x16xf32>
      tpu.vector_store %arg14[%swap3A_1175, %swap3A_1176, %swap3A_1177], %swap3A_1180 {strides = array<i32>} : memref<1x2x1024xf32, #tpu.memory_space<vmem>>, vector<1x1x16xf32>,
      %get3A_1181 = arith.constant 0 : i32
      %get3A_1182 = arith.index_cast %get3A_1181 : i32 to index
      %get3A_1183 = arith.constant 496 : index
      %get3A_1184 = tpu.vector_load %arg12[%get3A_1182, %get3A_1183] {strides = array<i32>} : memref<8x1024xf32, #tpu.memory_space<vmem>>, vector<1x16xf32>,
      %get3A_1185 = vector.shape_cast %get3A_1184 : vector<1x16xf32> to vector<16xf32>
      %get3A_1186 = arith.constant 0 : i32
      %get3A_1187 = arith.index_cast %get3A_1186 : i32 to index
      %get3A_1188 = arith.constant 496 : index
      %get3A_1189 = tpu.vector_load %arg13[%get3A_1187, %get3A_1188] {strides = array<i32>} : memref<8x1024xf32, #tpu.memory_space<vmem>>, vector<1x16xf32>,
      %get3A_1190 = vector.shape_cast %get3A_1189 : vector<1x16xf32> to vector<16xf32>
      %add3A_1191 = arith.addf %get3A_1185, %get3A_1190 : vector<16xf32>
      %swap3A_1192 = arith.constant 0 : i32
      %swap3A_1193 = arith.constant 0 : i32
      %swap3A_1194 = arith.index_cast %swap3A_1192 : i32 to index
      %swap3A_1195 = arith.index_cast %swap3A_1193 : i32 to index
      %swap3A_1196 = arith.constant 496 : index
      %swap3A_1197 = tpu.vector_load %arg14[%swap3A_1194, %swap3A_1195, %swap3A_1196] {strides = array<i32>} : memref<1x2x1024xf32, #tpu.memory_space<vmem>>, vector<1x1x16xf32>,
      %swap3A_1198 = vector.shape_cast %swap3A_1197 : vector<1x1x16xf32> to vector<16xf32>
      %swap3A_1199 = vector.shape_cast %add3A_1191 : vector<16xf32> to vector<1x1x16xf32>
      tpu.vector_store %arg14[%swap3A_1194, %swap3A_1195, %swap3A_1196], %swap3A_1199 {strides = array<i32>} : memref<1x2x1024xf32, #tpu.memory_space<vmem>>, vector<1x1x16xf32>,
      %swap3A_1200 = arith.constant 0 : i32
      %swap3A_1201 = arith.constant 1 : i32
      %swap3A_1202 = arith.index_cast %swap3A_1200 : i32 to index
      %swap3A_1203 = arith.index_cast %swap3A_1201 : i32 to index
      %swap3A_1204 = arith.constant 496 : index
      %swap3A_1205 = tpu.vector_load %arg14[%swap3A_1202, %swap3A_1203, %swap3A_1204] {strides = array<i32>} : memref<1x2x1024xf32, #tpu.memory_space<vmem>>, vector<1x1x16xf32>,
      %swap3A_1206 = vector.shape_cast %swap3A_1205 : vector<1x1x16xf32> to vector<16xf32>
      %swap3A_1207 = vector.shape_cast %add3A_1191 : vector<16xf32> to vector<1x1x16xf32>
      tpu.vector_store %arg14[%swap3A_1202, %swap3A_1203, %swap3A_1204], %swap3A_1207 {strides = array<i32>} : memref<1x2x1024xf32, #tpu.memory_space<vmem>>, vector<1x1x16xf32>,
      %get3A_1208 = arith.constant 0 : i32
      %get3A_1209 = arith.index_cast %get3A_1208 : i32 to index
      %get3A_1210 = arith.constant 512 : index
      %get3A_1211 = tpu.vector_load %arg12[%get3A_1209, %get3A_1210] {strides = array<i32>} : memref<8x1024xf32, #tpu.memory_space<vmem>>, vector<1x16xf32>,
      %get3A_1212 = vector.shape_cast %get3A_1211 : vector<1x16xf32> to vector<16xf32>
      %get3A_1213 = arith.constant 0 : i32
      %get3A_1214 = arith.index_cast %get3A_1213 : i32 to index
      %get3A_1215 = arith.constant 512 : index
      %get3A_1216 = tpu.vector_load %arg13[%get3A_1214, %get3A_1215] {strides = array<i32>} : memref<8x1024xf32, #tpu.memory_space<vmem>>, vector<1x16xf32>,
      %get3A_1217 = vector.shape_cast %get3A_1216 : vector<1x16xf32> to vector<16xf32>
      %add3A_1218 = arith.addf %get3A_1212, %get3A_1217 : vector<16xf32>
      %swap3A_1219 = arith.constant 0 : i32
      %swap3A_1220 = arith.constant 0 : i32
      %swap3A_1221 = arith.index_cast %swap3A_1219 : i32 to index
      %swap3A_1222 = arith.index_cast %swap3A_1220 : i32 to index
      %swap3A_1223 = arith.constant 512 : index
      %swap3A_1224 = tpu.vector_load %arg14[%swap3A_1221, %swap3A_1222, %swap3A_1223] {strides = array<i32>} : memref<1x2x1024xf32, #tpu.memory_space<vmem>>, vector<1x1x16xf32>,
      %swap3A_1225 = vector.shape_cast %swap3A_1224 : vector<1x1x16xf32> to vector<16xf32>
      %swap3A_1226 = vector.shape_cast %add3A_1218 : vector<16xf32> to vector<1x1x16xf32>
      tpu.vector_store %arg14[%swap3A_1221, %swap3A_1222, %swap3A_1223], %swap3A_1226 {strides = array<i32>} : memref<1x2x1024xf32, #tpu.memory_space<vmem>>, vector<1x1x16xf32>,
      %swap3A_1227 = arith.constant 0 : i32
      %swap3A_1228 = arith.constant 1 : i32
      %swap3A_1229 = arith.index_cast %swap3A_1227 : i32 to index
      %swap3A_1230 = arith.index_cast %swap3A_1228 : i32 to index
      %swap3A_1231 = arith.constant 512 : index
      %swap3A_1232 = tpu.vector_load %arg14[%swap3A_1229, %swap3A_1230, %swap3A_1231] {strides = array<i32>} : memref<1x2x1024xf32, #tpu.memory_space<vmem>>, vector<1x1x16xf32>,
      %swap3A_1233 = vector.shape_cast %swap3A_1232 : vector<1x1x16xf32> to vector<16xf32>
      %swap3A_1234 = vector.shape_cast %add3A_1218 : vector<16xf32> to vector<1x1x16xf32>
      tpu.vector_store %arg14[%swap3A_1229, %swap3A_1230, %swap3A_1231], %swap3A_1234 {strides = array<i32>} : memref<1x2x1024xf32, #tpu.memory_space<vmem>>, vector<1x1x16xf32>,
      %get3A_1235 = arith.constant 0 : i32
      %get3A_1236 = arith.index_cast %get3A_1235 : i32 to index
      %get3A_1237 = arith.constant 528 : index
      %get3A_1238 = tpu.vector_load %arg12[%get3A_1236, %get3A_1237] {strides = array<i32>} : memref<8x1024xf32, #tpu.memory_space<vmem>>, vector<1x16xf32>,
      %get3A_1239 = vector.shape_cast %get3A_1238 : vector<1x16xf32> to vector<16xf32>
      %get3A_1240 = arith.constant 0 : i32
      %get3A_1241 = arith.index_cast %get3A_1240 : i32 to index
      %get3A_1242 = arith.constant 528 : index
      %get3A_1243 = tpu.vector_load %arg13[%get3A_1241, %get3A_1242] {strides = array<i32>} : memref<8x1024xf32, #tpu.memory_space<vmem>>, vector<1x16xf32>,
      %get3A_1244 = vector.shape_cast %get3A_1243 : vector<1x16xf32> to vector<16xf32>
      %add3A_1245 = arith.addf %get3A_1239, %get3A_1244 : vector<16xf32>
      %swap3A_1246 = arith.constant 0 : i32
      %swap3A_1247 = arith.constant 0 : i32
      %swap3A_1248 = arith.index_cast %swap3A_1246 : i32 to index
      %swap3A_1249 = arith.index_cast %swap3A_1247 : i32 to index
      %swap3A_1250 = arith.constant 528 : index
      %swap3A_1251 = tpu.vector_load %arg14[%swap3A_1248, %swap3A_1249, %swap3A_1250] {strides = array<i32>} : memref<1x2x1024xf32, #tpu.memory_space<vmem>>, vector<1x1x16xf32>,
      %swap3A_1252 = vector.shape_cast %swap3A_1251 : vector<1x1x16xf32> to vector<16xf32>
      %swap3A_1253 = vector.shape_cast %add3A_1245 : vector<16xf32> to vector<1x1x16xf32>
      tpu.vector_store %arg14[%swap3A_1248, %swap3A_1249, %swap3A_1250], %swap3A_1253 {strides = array<i32>} : memref<1x2x1024xf32, #tpu.memory_space<vmem>>, vector<1x1x16xf32>,
      %swap3A_1254 = arith.constant 0 : i32
      %swap3A_1255 = arith.constant 1 : i32
      %swap3A_1256 = arith.index_cast %swap3A_1254 : i32 to index
      %swap3A_1257 = arith.index_cast %swap3A_1255 : i32 to index
      %swap3A_1258 = arith.constant 528 : index
      %swap3A_1259 = tpu.vector_load %arg14[%swap3A_1256, %swap3A_1257, %swap3A_1258] {strides = array<i32>} : memref<1x2x1024xf32, #tpu.memory_space<vmem>>, vector<1x1x16xf32>,
      %swap3A_1260 = vector.shape_cast %swap3A_1259 : vector<1x1x16xf32> to vector<16xf32>
      %swap3A_1261 = vector.shape_cast %add3A_1245 : vector<16xf32> to vector<1x1x16xf32>
      tpu.vector_store %arg14[%swap3A_1256, %swap3A_1257, %swap3A_1258], %swap3A_1261 {strides = array<i32>} : memref<1x2x1024xf32, #tpu.memory_space<vmem>>, vector<1x1x16xf32>,
      %get3A_1262 = arith.constant 0 : i32
      %get3A_1263 = arith.index_cast %get3A_1262 : i32 to index
      %get3A_1264 = arith.constant 544 : index
      %get3A_1265 = tpu.vector_load %arg12[%get3A_1263, %get3A_1264] {strides = array<i32>} : memref<8x1024xf32, #tpu.memory_space<vmem>>, vector<1x16xf32>,
      %get3A_1266 = vector.shape_cast %get3A_1265 : vector<1x16xf32> to vector<16xf32>
      %get3A_1267 = arith.constant 0 : i32
      %get3A_1268 = arith.index_cast %get3A_1267 : i32 to index
      %get3A_1269 = arith.constant 544 : index
      %get3A_1270 = tpu.vector_load %arg13[%get3A_1268, %get3A_1269] {strides = array<i32>} : memref<8x1024xf32, #tpu.memory_space<vmem>>, vector<1x16xf32>,
      %get3A_1271 = vector.shape_cast %get3A_1270 : vector<1x16xf32> to vector<16xf32>
      %add3A_1272 = arith.addf %get3A_1266, %get3A_1271 : vector<16xf32>
      %swap3A_1273 = arith.constant 0 : i32
      %swap3A_1274 = arith.constant 0 : i32
      %swap3A_1275 = arith.index_cast %swap3A_1273 : i32 to index
      %swap3A_1276 = arith.index_cast %swap3A_1274 : i32 to index
      %swap3A_1277 = arith.constant 544 : index
      %swap3A_1278 = tpu.vector_load %arg14[%swap3A_1275, %swap3A_1276, %swap3A_1277] {strides = array<i32>} : memref<1x2x1024xf32, #tpu.memory_space<vmem>>, vector<1x1x16xf32>,
      %swap3A_1279 = vector.shape_cast %swap3A_1278 : vector<1x1x16xf32> to vector<16xf32>
      %swap3A_1280 = vector.shape_cast %add3A_1272 : vector<16xf32> to vector<1x1x16xf32>
      tpu.vector_store %arg14[%swap3A_1275, %swap3A_1276, %swap3A_1277], %swap3A_1280 {strides = array<i32>} : memref<1x2x1024xf32, #tpu.memory_space<vmem>>, vector<1x1x16xf32>,
      %swap3A_1281 = arith.constant 0 : i32
      %swap3A_1282 = arith.constant 1 : i32
      %swap3A_1283 = arith.index_cast %swap3A_1281 : i32 to index
      %swap3A_1284 = arith.index_cast %swap3A_1282 : i32 to index
      %swap3A_1285 = arith.constant 544 : index
      %swap3A_1286 = tpu.vector_load %arg14[%swap3A_1283, %swap3A_1284, %swap3A_1285] {strides = array<i32>} : memref<1x2x1024xf32, #tpu.memory_space<vmem>>, vector<1x1x16xf32>,
      %swap3A_1287 = vector.shape_cast %swap3A_1286 : vector<1x1x16xf32> to vector<16xf32>
      %swap3A_1288 = vector.shape_cast %add3A_1272 : vector<16xf32> to vector<1x1x16xf32>
      tpu.vector_store %arg14[%swap3A_1283, %swap3A_1284, %swap3A_1285], %swap3A_1288 {strides = array<i32>} : memref<1x2x1024xf32, #tpu.memory_space<vmem>>, vector<1x1x16xf32>,
      %get3A_1289 = arith.constant 0 : i32
      %get3A_1290 = arith.index_cast %get3A_1289 : i32 to index
      %get3A_1291 = arith.constant 560 : index
      %get3A_1292 = tpu.vector_load %arg12[%get3A_1290, %get3A_1291] {strides = array<i32>} : memref<8x1024xf32, #tpu.memory_space<vmem>>, vector<1x16xf32>,
      %get3A_1293 = vector.shape_cast %get3A_1292 : vector<1x16xf32> to vector<16xf32>
      %get3A_1294 = arith.constant 0 : i32
      %get3A_1295 = arith.index_cast %get3A_1294 : i32 to index
      %get3A_1296 = arith.constant 560 : index
      %get3A_1297 = tpu.vector_load %arg13[%get3A_1295, %get3A_1296] {strides = array<i32>} : memref<8x1024xf32, #tpu.memory_space<vmem>>, vector<1x16xf32>,
      %get3A_1298 = vector.shape_cast %get3A_1297 : vector<1x16xf32> to vector<16xf32>
      %add3A_1299 = arith.addf %get3A_1293, %get3A_1298 : vector<16xf32>
      %swap3A_1300 = arith.constant 0 : i32
      %swap3A_1301 = arith.constant 0 : i32
      %swap3A_1302 = arith.index_cast %swap3A_1300 : i32 to index
      %swap3A_1303 = arith.index_cast %swap3A_1301 : i32 to index
      %swap3A_1304 = arith.constant 560 : index
      %swap3A_1305 = tpu.vector_load %arg14[%swap3A_1302, %swap3A_1303, %swap3A_1304] {strides = array<i32>} : memref<1x2x1024xf32, #tpu.memory_space<vmem>>, vector<1x1x16xf32>,
      %swap3A_1306 = vector.shape_cast %swap3A_1305 : vector<1x1x16xf32> to vector<16xf32>
      %swap3A_1307 = vector.shape_cast %add3A_1299 : vector<16xf32> to vector<1x1x16xf32>
      tpu.vector_store %arg14[%swap3A_1302, %swap3A_1303, %swap3A_1304], %swap3A_1307 {strides = array<i32>} : memref<1x2x1024xf32, #tpu.memory_space<vmem>>, vector<1x1x16xf32>,
      %swap3A_1308 = arith.constant 0 : i32
      %swap3A_1309 = arith.constant 1 : i32
      %swap3A_1310 = arith.index_cast %swap3A_1308 : i32 to index
      %swap3A_1311 = arith.index_cast %swap3A_1309 : i32 to index
      %swap3A_1312 = arith.constant 560 : index
      %swap3A_1313 = tpu.vector_load %arg14[%swap3A_1310, %swap3A_1311, %swap3A_1312] {strides = array<i32>} : memref<1x2x1024xf32, #tpu.memory_space<vmem>>, vector<1x1x16xf32>,
      %swap3A_1314 = vector.shape_cast %swap3A_1313 : vector<1x1x16xf32> to vector<16xf32>
      %swap3A_1315 = vector.shape_cast %add3A_1299 : vector<16xf32> to vector<1x1x16xf32>
      tpu.vector_store %arg14[%swap3A_1310, %swap3A_1311, %swap3A_1312], %swap3A_1315 {strides = array<i32>} : memref<1x2x1024xf32, #tpu.memory_space<vmem>>, vector<1x1x16xf32>,
      %get3A_1316 = arith.constant 0 : i32
      %get3A_1317 = arith.index_cast %get3A_1316 : i32 to index
      %get3A_1318 = arith.constant 576 : index
      %get3A_1319 = tpu.vector_load %arg12[%get3A_1317, %get3A_1318] {strides = array<i32>} : memref<8x1024xf32, #tpu.memory_space<vmem>>, vector<1x16xf32>,
      %get3A_1320 = vector.shape_cast %get3A_1319 : vector<1x16xf32> to vector<16xf32>
      %get3A_1321 = arith.constant 0 : i32
      %get3A_1322 = arith.index_cast %get3A_1321 : i32 to index
      %get3A_1323 = arith.constant 576 : index
      %get3A_1324 = tpu.vector_load %arg13[%get3A_1322, %get3A_1323] {strides = array<i32>} : memref<8x1024xf32, #tpu.memory_space<vmem>>, vector<1x16xf32>,
      %get3A_1325 = vector.shape_cast %get3A_1324 : vector<1x16xf32> to vector<16xf32>
      %add3A_1326 = arith.addf %get3A_1320, %get3A_1325 : vector<16xf32>
      %swap3A_1327 = arith.constant 0 : i32
      %swap3A_1328 = arith.constant 0 : i32
      %swap3A_1329 = arith.index_cast %swap3A_1327 : i32 to index
      %swap3A_1330 = arith.index_cast %swap3A_1328 : i32 to index
      %swap3A_1331 = arith.constant 576 : index
      %swap3A_1332 = tpu.vector_load %arg14[%swap3A_1329, %swap3A_1330, %swap3A_1331] {strides = array<i32>} : memref<1x2x1024xf32, #tpu.memory_space<vmem>>, vector<1x1x16xf32>,
      %swap3A_1333 = vector.shape_cast %swap3A_1332 : vector<1x1x16xf32> to vector<16xf32>
      %swap3A_1334 = vector.shape_cast %add3A_1326 : vector<16xf32> to vector<1x1x16xf32>
      tpu.vector_store %arg14[%swap3A_1329, %swap3A_1330, %swap3A_1331], %swap3A_1334 {strides = array<i32>} : memref<1x2x1024xf32, #tpu.memory_space<vmem>>, vector<1x1x16xf32>,
      %swap3A_1335 = arith.constant 0 : i32
      %swap3A_1336 = arith.constant 1 : i32
      %swap3A_1337 = arith.index_cast %swap3A_1335 : i32 to index
      %swap3A_1338 = arith.index_cast %swap3A_1336 : i32 to index
      %swap3A_1339 = arith.constant 576 : index
      %swap3A_1340 = tpu.vector_load %arg14[%swap3A_1337, %swap3A_1338, %swap3A_1339] {strides = array<i32>} : memref<1x2x1024xf32, #tpu.memory_space<vmem>>, vector<1x1x16xf32>,
      %swap3A_1341 = vector.shape_cast %swap3A_1340 : vector<1x1x16xf32> to vector<16xf32>
      %swap3A_1342 = vector.shape_cast %add3A_1326 : vector<16xf32> to vector<1x1x16xf32>
      tpu.vector_store %arg14[%swap3A_1337, %swap3A_1338, %swap3A_1339], %swap3A_1342 {strides = array<i32>} : memref<1x2x1024xf32, #tpu.memory_space<vmem>>, vector<1x1x16xf32>,
      %get3A_1343 = arith.constant 0 : i32
      %get3A_1344 = arith.index_cast %get3A_1343 : i32 to index
      %get3A_1345 = arith.constant 592 : index
      %get3A_1346 = tpu.vector_load %arg12[%get3A_1344, %get3A_1345] {strides = array<i32>} : memref<8x1024xf32, #tpu.memory_space<vmem>>, vector<1x16xf32>,
      %get3A_1347 = vector.shape_cast %get3A_1346 : vector<1x16xf32> to vector<16xf32>
      %get3A_1348 = arith.constant 0 : i32
      %get3A_1349 = arith.index_cast %get3A_1348 : i32 to index
      %get3A_1350 = arith.constant 592 : index
      %get3A_1351 = tpu.vector_load %arg13[%get3A_1349, %get3A_1350] {strides = array<i32>} : memref<8x1024xf32, #tpu.memory_space<vmem>>, vector<1x16xf32>,
      %get3A_1352 = vector.shape_cast %get3A_1351 : vector<1x16xf32> to vector<16xf32>
      %add3A_1353 = arith.addf %get3A_1347, %get3A_1352 : vector<16xf32>
      %swap3A_1354 = arith.constant 0 : i32
      %swap3A_1355 = arith.constant 0 : i32
      %swap3A_1356 = arith.index_cast %swap3A_1354 : i32 to index
      %swap3A_1357 = arith.index_cast %swap3A_1355 : i32 to index
      %swap3A_1358 = arith.constant 592 : index
      %swap3A_1359 = tpu.vector_load %arg14[%swap3A_1356, %swap3A_1357, %swap3A_1358] {strides = array<i32>} : memref<1x2x1024xf32, #tpu.memory_space<vmem>>, vector<1x1x16xf32>,
      %swap3A_1360 = vector.shape_cast %swap3A_1359 : vector<1x1x16xf32> to vector<16xf32>
      %swap3A_1361 = vector.shape_cast %add3A_1353 : vector<16xf32> to vector<1x1x16xf32>
      tpu.vector_store %arg14[%swap3A_1356, %swap3A_1357, %swap3A_1358], %swap3A_1361 {strides = array<i32>} : memref<1x2x1024xf32, #tpu.memory_space<vmem>>, vector<1x1x16xf32>,
      %swap3A_1362 = arith.constant 0 : i32
      %swap3A_1363 = arith.constant 1 : i32
      %swap3A_1364 = arith.index_cast %swap3A_1362 : i32 to index
      %swap3A_1365 = arith.index_cast %swap3A_1363 : i32 to index
      %swap3A_1366 = arith.constant 592 : index
      %swap3A_1367 = tpu.vector_load %arg14[%swap3A_1364, %swap3A_1365, %swap3A_1366] {strides = array<i32>} : memref<1x2x1024xf32, #tpu.memory_space<vmem>>, vector<1x1x16xf32>,
      %swap3A_1368 = vector.shape_cast %swap3A_1367 : vector<1x1x16xf32> to vector<16xf32>
      %swap3A_1369 = vector.shape_cast %add3A_1353 : vector<16xf32> to vector<1x1x16xf32>
      tpu.vector_store %arg14[%swap3A_1364, %swap3A_1365, %swap3A_1366], %swap3A_1369 {strides = array<i32>} : memref<1x2x1024xf32, #tpu.memory_space<vmem>>, vector<1x1x16xf32>,
      %get3A_1370 = arith.constant 0 : i32
      %get3A_1371 = arith.index_cast %get3A_1370 : i32 to index
      %get3A_1372 = arith.constant 608 : index
      %get3A_1373 = tpu.vector_load %arg12[%get3A_1371, %get3A_1372] {strides = array<i32>} : memref<8x1024xf32, #tpu.memory_space<vmem>>, vector<1x16xf32>,
      %get3A_1374 = vector.shape_cast %get3A_1373 : vector<1x16xf32> to vector<16xf32>
      %get3A_1375 = arith.constant 0 : i32
      %get3A_1376 = arith.index_cast %get3A_1375 : i32 to index
      %get3A_1377 = arith.constant 608 : index
      %get3A_1378 = tpu.vector_load %arg13[%get3A_1376, %get3A_1377] {strides = array<i32>} : memref<8x1024xf32, #tpu.memory_space<vmem>>, vector<1x16xf32>,
      %get3A_1379 = vector.shape_cast %get3A_1378 : vector<1x16xf32> to vector<16xf32>
      %add3A_1380 = arith.addf %get3A_1374, %get3A_1379 : vector<16xf32>
      %swap3A_1381 = arith.constant 0 : i32
      %swap3A_1382 = arith.constant 0 : i32
      %swap3A_1383 = arith.index_cast %swap3A_1381 : i32 to index
      %swap3A_1384 = arith.index_cast %swap3A_1382 : i32 to index
      %swap3A_1385 = arith.constant 608 : index
      %swap3A_1386 = tpu.vector_load %arg14[%swap3A_1383, %swap3A_1384, %swap3A_1385] {strides = array<i32>} : memref<1x2x1024xf32, #tpu.memory_space<vmem>>, vector<1x1x16xf32>,
      %swap3A_1387 = vector.shape_cast %swap3A_1386 : vector<1x1x16xf32> to vector<16xf32>
      %swap3A_1388 = vector.shape_cast %add3A_1380 : vector<16xf32> to vector<1x1x16xf32>
      tpu.vector_store %arg14[%swap3A_1383, %swap3A_1384, %swap3A_1385], %swap3A_1388 {strides = array<i32>} : memref<1x2x1024xf32, #tpu.memory_space<vmem>>, vector<1x1x16xf32>,
      %swap3A_1389 = arith.constant 0 : i32
      %swap3A_1390 = arith.constant 1 : i32
      %swap3A_1391 = arith.index_cast %swap3A_1389 : i32 to index
      %swap3A_1392 = arith.index_cast %swap3A_1390 : i32 to index
      %swap3A_1393 = arith.constant 608 : index
      %swap3A_1394 = tpu.vector_load %arg14[%swap3A_1391, %swap3A_1392, %swap3A_1393] {strides = array<i32>} : memref<1x2x1024xf32, #tpu.memory_space<vmem>>, vector<1x1x16xf32>,
      %swap3A_1395 = vector.shape_cast %swap3A_1394 : vector<1x1x16xf32> to vector<16xf32>
      %swap3A_1396 = vector.shape_cast %add3A_1380 : vector<16xf32> to vector<1x1x16xf32>
      tpu.vector_store %arg14[%swap3A_1391, %swap3A_1392, %swap3A_1393], %swap3A_1396 {strides = array<i32>} : memref<1x2x1024xf32, #tpu.memory_space<vmem>>, vector<1x1x16xf32>,
      %get3A_1397 = arith.constant 0 : i32
      %get3A_1398 = arith.index_cast %get3A_1397 : i32 to index
      %get3A_1399 = arith.constant 624 : index
      %get3A_1400 = tpu.vector_load %arg12[%get3A_1398, %get3A_1399] {strides = array<i32>} : memref<8x1024xf32, #tpu.memory_space<vmem>>, vector<1x16xf32>,
      %get3A_1401 = vector.shape_cast %get3A_1400 : vector<1x16xf32> to vector<16xf32>
      %get3A_1402 = arith.constant 0 : i32
      %get3A_1403 = arith.index_cast %get3A_1402 : i32 to index
      %get3A_1404 = arith.constant 624 : index
      %get3A_1405 = tpu.vector_load %arg13[%get3A_1403, %get3A_1404] {strides = array<i32>} : memref<8x1024xf32, #tpu.memory_space<vmem>>, vector<1x16xf32>,
      %get3A_1406 = vector.shape_cast %get3A_1405 : vector<1x16xf32> to vector<16xf32>
      %add3A_1407 = arith.addf %get3A_1401, %get3A_1406 : vector<16xf32>
      %swap3A_1408 = arith.constant 0 : i32
      %swap3A_1409 = arith.constant 0 : i32
      %swap3A_1410 = arith.index_cast %swap3A_1408 : i32 to index
      %swap3A_1411 = arith.index_cast %swap3A_1409 : i32 to index
      %swap3A_1412 = arith.constant 624 : index
      %swap3A_1413 = tpu.vector_load %arg14[%swap3A_1410, %swap3A_1411, %swap3A_1412] {strides = array<i32>} : memref<1x2x1024xf32, #tpu.memory_space<vmem>>, vector<1x1x16xf32>,
      %swap3A_1414 = vector.shape_cast %swap3A_1413 : vector<1x1x16xf32> to vector<16xf32>
      %swap3A_1415 = vector.shape_cast %add3A_1407 : vector<16xf32> to vector<1x1x16xf32>
      tpu.vector_store %arg14[%swap3A_1410, %swap3A_1411, %swap3A_1412], %swap3A_1415 {strides = array<i32>} : memref<1x2x1024xf32, #tpu.memory_space<vmem>>, vector<1x1x16xf32>,
      %swap3A_1416 = arith.constant 0 : i32
      %swap3A_1417 = arith.constant 1 : i32
      %swap3A_1418 = arith.index_cast %swap3A_1416 : i32 to index
      %swap3A_1419 = arith.index_cast %swap3A_1417 : i32 to index
      %swap3A_1420 = arith.constant 624 : index
      %swap3A_1421 = tpu.vector_load %arg14[%swap3A_1418, %swap3A_1419, %swap3A_1420] {strides = array<i32>} : memref<1x2x1024xf32, #tpu.memory_space<vmem>>, vector<1x1x16xf32>,
      %swap3A_1422 = vector.shape_cast %swap3A_1421 : vector<1x1x16xf32> to vector<16xf32>
      %swap3A_1423 = vector.shape_cast %add3A_1407 : vector<16xf32> to vector<1x1x16xf32>
      tpu.vector_store %arg14[%swap3A_1418, %swap3A_1419, %swap3A_1420], %swap3A_1423 {strides = array<i32>} : memref<1x2x1024xf32, #tpu.memory_space<vmem>>, vector<1x1x16xf32>,
      %get3A_1424 = arith.constant 0 : i32
      %get3A_1425 = arith.index_cast %get3A_1424 : i32 to index
      %get3A_1426 = arith.constant 640 : index
      %get3A_1427 = tpu.vector_load %arg12[%get3A_1425, %get3A_1426] {strides = array<i32>} : memref<8x1024xf32, #tpu.memory_space<vmem>>, vector<1x16xf32>,
      %get3A_1428 = vector.shape_cast %get3A_1427 : vector<1x16xf32> to vector<16xf32>
      %get3A_1429 = arith.constant 0 : i32
      %get3A_1430 = arith.index_cast %get3A_1429 : i32 to index
      %get3A_1431 = arith.constant 640 : index
      %get3A_1432 = tpu.vector_load %arg13[%get3A_1430, %get3A_1431] {strides = array<i32>} : memref<8x1024xf32, #tpu.memory_space<vmem>>, vector<1x16xf32>,
      %get3A_1433 = vector.shape_cast %get3A_1432 : vector<1x16xf32> to vector<16xf32>
      %add3A_1434 = arith.addf %get3A_1428, %get3A_1433 : vector<16xf32>
      %swap3A_1435 = arith.constant 0 : i32
      %swap3A_1436 = arith.constant 0 : i32
      %swap3A_1437 = arith.index_cast %swap3A_1435 : i32 to index
      %swap3A_1438 = arith.index_cast %swap3A_1436 : i32 to index
      %swap3A_1439 = arith.constant 640 : index
      %swap3A_1440 = tpu.vector_load %arg14[%swap3A_1437, %swap3A_1438, %swap3A_1439] {strides = array<i32>} : memref<1x2x1024xf32, #tpu.memory_space<vmem>>, vector<1x1x16xf32>,
      %swap3A_1441 = vector.shape_cast %swap3A_1440 : vector<1x1x16xf32> to vector<16xf32>
      %swap3A_1442 = vector.shape_cast %add3A_1434 : vector<16xf32> to vector<1x1x16xf32>
      tpu.vector_store %arg14[%swap3A_1437, %swap3A_1438, %swap3A_1439], %swap3A_1442 {strides = array<i32>} : memref<1x2x1024xf32, #tpu.memory_space<vmem>>, vector<1x1x16xf32>,
      %swap3A_1443 = arith.constant 0 : i32
      %swap3A_1444 = arith.constant 1 : i32
      %swap3A_1445 = arith.index_cast %swap3A_1443 : i32 to index
      %swap3A_1446 = arith.index_cast %swap3A_1444 : i32 to index
      %swap3A_1447 = arith.constant 640 : index
      %swap3A_1448 = tpu.vector_load %arg14[%swap3A_1445, %swap3A_1446, %swap3A_1447] {strides = array<i32>} : memref<1x2x1024xf32, #tpu.memory_space<vmem>>, vector<1x1x16xf32>,
      %swap3A_1449 = vector.shape_cast %swap3A_1448 : vector<1x1x16xf32> to vector<16xf32>
      %swap3A_1450 = vector.shape_cast %add3A_1434 : vector<16xf32> to vector<1x1x16xf32>
      tpu.vector_store %arg14[%swap3A_1445, %swap3A_1446, %swap3A_1447], %swap3A_1450 {strides = array<i32>} : memref<1x2x1024xf32, #tpu.memory_space<vmem>>, vector<1x1x16xf32>,
      %get3A_1451 = arith.constant 0 : i32
      %get3A_1452 = arith.index_cast %get3A_1451 : i32 to index
      %get3A_1453 = arith.constant 656 : index
      %get3A_1454 = tpu.vector_load %arg12[%get3A_1452, %get3A_1453] {strides = array<i32>} : memref<8x1024xf32, #tpu.memory_space<vmem>>, vector<1x16xf32>,
      %get3A_1455 = vector.shape_cast %get3A_1454 : vector<1x16xf32> to vector<16xf32>
      %get3A_1456 = arith.constant 0 : i32
      %get3A_1457 = arith.index_cast %get3A_1456 : i32 to index
      %get3A_1458 = arith.constant 656 : index
      %get3A_1459 = tpu.vector_load %arg13[%get3A_1457, %get3A_1458] {strides = array<i32>} : memref<8x1024xf32, #tpu.memory_space<vmem>>, vector<1x16xf32>,
      %get3A_1460 = vector.shape_cast %get3A_1459 : vector<1x16xf32> to vector<16xf32>
      %add3A_1461 = arith.addf %get3A_1455, %get3A_1460 : vector<16xf32>
      %swap3A_1462 = arith.constant 0 : i32
      %swap3A_1463 = arith.constant 0 : i32
      %swap3A_1464 = arith.index_cast %swap3A_1462 : i32 to index
      %swap3A_1465 = arith.index_cast %swap3A_1463 : i32 to index
      %swap3A_1466 = arith.constant 656 : index
      %swap3A_1467 = tpu.vector_load %arg14[%swap3A_1464, %swap3A_1465, %swap3A_1466] {strides = array<i32>} : memref<1x2x1024xf32, #tpu.memory_space<vmem>>, vector<1x1x16xf32>,
      %swap3A_1468 = vector.shape_cast %swap3A_1467 : vector<1x1x16xf32> to vector<16xf32>
      %swap3A_1469 = vector.shape_cast %add3A_1461 : vector<16xf32> to vector<1x1x16xf32>
      tpu.vector_store %arg14[%swap3A_1464, %swap3A_1465, %swap3A_1466], %swap3A_1469 {strides = array<i32>} : memref<1x2x1024xf32, #tpu.memory_space<vmem>>, vector<1x1x16xf32>,
      %swap3A_1470 = arith.constant 0 : i32
      %swap3A_1471 = arith.constant 1 : i32
      %swap3A_1472 = arith.index_cast %swap3A_1470 : i32 to index
      %swap3A_1473 = arith.index_cast %swap3A_1471 : i32 to index
      %swap3A_1474 = arith.constant 656 : index
      %swap3A_1475 = tpu.vector_load %arg14[%swap3A_1472, %swap3A_1473, %swap3A_1474] {strides = array<i32>} : memref<1x2x1024xf32, #tpu.memory_space<vmem>>, vector<1x1x16xf32>,
      %swap3A_1476 = vector.shape_cast %swap3A_1475 : vector<1x1x16xf32> to vector<16xf32>
      %swap3A_1477 = vector.shape_cast %add3A_1461 : vector<16xf32> to vector<1x1x16xf32>
      tpu.vector_store %arg14[%swap3A_1472, %swap3A_1473, %swap3A_1474], %swap3A_1477 {strides = array<i32>} : memref<1x2x1024xf32, #tpu.memory_space<vmem>>, vector<1x1x16xf32>,
      %get3A_1478 = arith.constant 0 : i32
      %get3A_1479 = arith.index_cast %get3A_1478 : i32 to index
      %get3A_1480 = arith.constant 672 : index
      %get3A_1481 = tpu.vector_load %arg12[%get3A_1479, %get3A_1480] {strides = array<i32>} : memref<8x1024xf32, #tpu.memory_space<vmem>>, vector<1x16xf32>,
      %get3A_1482 = vector.shape_cast %get3A_1481 : vector<1x16xf32> to vector<16xf32>
      %get3A_1483 = arith.constant 0 : i32
      %get3A_1484 = arith.index_cast %get3A_1483 : i32 to index
      %get3A_1485 = arith.constant 672 : index
      %get3A_1486 = tpu.vector_load %arg13[%get3A_1484, %get3A_1485] {strides = array<i32>} : memref<8x1024xf32, #tpu.memory_space<vmem>>, vector<1x16xf32>,
      %get3A_1487 = vector.shape_cast %get3A_1486 : vector<1x16xf32> to vector<16xf32>
      %add3A_1488 = arith.addf %get3A_1482, %get3A_1487 : vector<16xf32>
      %swap3A_1489 = arith.constant 0 : i32
      %swap3A_1490 = arith.constant 0 : i32
      %swap3A_1491 = arith.index_cast %swap3A_1489 : i32 to index
      %swap3A_1492 = arith.index_cast %swap3A_1490 : i32 to index
      %swap3A_1493 = arith.constant 672 : index
      %swap3A_1494 = tpu.vector_load %arg14[%swap3A_1491, %swap3A_1492, %swap3A_1493] {strides = array<i32>} : memref<1x2x1024xf32, #tpu.memory_space<vmem>>, vector<1x1x16xf32>,
      %swap3A_1495 = vector.shape_cast %swap3A_1494 : vector<1x1x16xf32> to vector<16xf32>
      %swap3A_1496 = vector.shape_cast %add3A_1488 : vector<16xf32> to vector<1x1x16xf32>
      tpu.vector_store %arg14[%swap3A_1491, %swap3A_1492, %swap3A_1493], %swap3A_1496 {strides = array<i32>} : memref<1x2x1024xf32, #tpu.memory_space<vmem>>, vector<1x1x16xf32>,
      %swap3A_1497 = arith.constant 0 : i32
      %swap3A_1498 = arith.constant 1 : i32
      %swap3A_1499 = arith.index_cast %swap3A_1497 : i32 to index
      %swap3A_1500 = arith.index_cast %swap3A_1498 : i32 to index
      %swap3A_1501 = arith.constant 672 : index
      %swap3A_1502 = tpu.vector_load %arg14[%swap3A_1499, %swap3A_1500, %swap3A_1501] {strides = array<i32>} : memref<1x2x1024xf32, #tpu.memory_space<vmem>>, vector<1x1x16xf32>,
      %swap3A_1503 = vector.shape_cast %swap3A_1502 : vector<1x1x16xf32> to vector<16xf32>
      %swap3A_1504 = vector.shape_cast %add3A_1488 : vector<16xf32> to vector<1x1x16xf32>
      tpu.vector_store %arg14[%swap3A_1499, %swap3A_1500, %swap3A_1501], %swap3A_1504 {strides = array<i32>} : memref<1x2x1024xf32, #tpu.memory_space<vmem>>, vector<1x1x16xf32>,
      %get3A_1505 = arith.constant 0 : i32
      %get3A_1506 = arith.index_cast %get3A_1505 : i32 to index
      %get3A_1507 = arith.constant 688 : index
      %get3A_1508 = tpu.vector_load %arg12[%get3A_1506, %get3A_1507] {strides = array<i32>} : memref<8x1024xf32, #tpu.memory_space<vmem>>, vector<1x16xf32>,
      %get3A_1509 = vector.shape_cast %get3A_1508 : vector<1x16xf32> to vector<16xf32>
      %get3A_1510 = arith.constant 0 : i32
      %get3A_1511 = arith.index_cast %get3A_1510 : i32 to index
      %get3A_1512 = arith.constant 688 : index
      %get3A_1513 = tpu.vector_load %arg13[%get3A_1511, %get3A_1512] {strides = array<i32>} : memref<8x1024xf32, #tpu.memory_space<vmem>>, vector<1x16xf32>,
      %get3A_1514 = vector.shape_cast %get3A_1513 : vector<1x16xf32> to vector<16xf32>
      %add3A_1515 = arith.addf %get3A_1509, %get3A_1514 : vector<16xf32>
      %swap3A_1516 = arith.constant 0 : i32
      %swap3A_1517 = arith.constant 0 : i32
      %swap3A_1518 = arith.index_cast %swap3A_1516 : i32 to index
      %swap3A_1519 = arith.index_cast %swap3A_1517 : i32 to index
      %swap3A_1520 = arith.constant 688 : index
      %swap3A_1521 = tpu.vector_load %arg14[%swap3A_1518, %swap3A_1519, %swap3A_1520] {strides = array<i32>} : memref<1x2x1024xf32, #tpu.memory_space<vmem>>, vector<1x1x16xf32>,
      %swap3A_1522 = vector.shape_cast %swap3A_1521 : vector<1x1x16xf32> to vector<16xf32>
      %swap3A_1523 = vector.shape_cast %add3A_1515 : vector<16xf32> to vector<1x1x16xf32>
      tpu.vector_store %arg14[%swap3A_1518, %swap3A_1519, %swap3A_1520], %swap3A_1523 {strides = array<i32>} : memref<1x2x1024xf32, #tpu.memory_space<vmem>>, vector<1x1x16xf32>,
      %swap3A_1524 = arith.constant 0 : i32
      %swap3A_1525 = arith.constant 1 : i32
      %swap3A_1526 = arith.index_cast %swap3A_1524 : i32 to index
      %swap3A_1527 = arith.index_cast %swap3A_1525 : i32 to index
      %swap3A_1528 = arith.constant 688 : index
      %swap3A_1529 = tpu.vector_load %arg14[%swap3A_1526, %swap3A_1527, %swap3A_1528] {strides = array<i32>} : memref<1x2x1024xf32, #tpu.memory_space<vmem>>, vector<1x1x16xf32>,
      %swap3A_1530 = vector.shape_cast %swap3A_1529 : vector<1x1x16xf32> to vector<16xf32>
      %swap3A_1531 = vector.shape_cast %add3A_1515 : vector<16xf32> to vector<1x1x16xf32>
      tpu.vector_store %arg14[%swap3A_1526, %swap3A_1527, %swap3A_1528], %swap3A_1531 {strides = array<i32>} : memref<1x2x1024xf32, #tpu.memory_space<vmem>>, vector<1x1x16xf32>,
      %get3A_1532 = arith.constant 0 : i32
      %get3A_1533 = arith.index_cast %get3A_1532 : i32 to index
      %get3A_1534 = arith.constant 704 : index
      %get3A_1535 = tpu.vector_load %arg12[%get3A_1533, %get3A_1534] {strides = array<i32>} : memref<8x1024xf32, #tpu.memory_space<vmem>>, vector<1x16xf32>,
      %get3A_1536 = vector.shape_cast %get3A_1535 : vector<1x16xf32> to vector<16xf32>
      %get3A_1537 = arith.constant 0 : i32
      %get3A_1538 = arith.index_cast %get3A_1537 : i32 to index
      %get3A_1539 = arith.constant 704 : index
      %get3A_1540 = tpu.vector_load %arg13[%get3A_1538, %get3A_1539] {strides = array<i32>} : memref<8x1024xf32, #tpu.memory_space<vmem>>, vector<1x16xf32>,
      %get3A_1541 = vector.shape_cast %get3A_1540 : vector<1x16xf32> to vector<16xf32>
      %add3A_1542 = arith.addf %get3A_1536, %get3A_1541 : vector<16xf32>
      %swap3A_1543 = arith.constant 0 : i32
      %swap3A_1544 = arith.constant 0 : i32
      %swap3A_1545 = arith.index_cast %swap3A_1543 : i32 to index
      %swap3A_1546 = arith.index_cast %swap3A_1544 : i32 to index
      %swap3A_1547 = arith.constant 704 : index
      %swap3A_1548 = tpu.vector_load %arg14[%swap3A_1545, %swap3A_1546, %swap3A_1547] {strides = array<i32>} : memref<1x2x1024xf32, #tpu.memory_space<vmem>>, vector<1x1x16xf32>,
      %swap3A_1549 = vector.shape_cast %swap3A_1548 : vector<1x1x16xf32> to vector<16xf32>
      %swap3A_1550 = vector.shape_cast %add3A_1542 : vector<16xf32> to vector<1x1x16xf32>
      tpu.vector_store %arg14[%swap3A_1545, %swap3A_1546, %swap3A_1547], %swap3A_1550 {strides = array<i32>} : memref<1x2x1024xf32, #tpu.memory_space<vmem>>, vector<1x1x16xf32>,
      %swap3A_1551 = arith.constant 0 : i32
      %swap3A_1552 = arith.constant 1 : i32
      %swap3A_1553 = arith.index_cast %swap3A_1551 : i32 to index
      %swap3A_1554 = arith.index_cast %swap3A_1552 : i32 to index
      %swap3A_1555 = arith.constant 704 : index
      %swap3A_1556 = tpu.vector_load %arg14[%swap3A_1553, %swap3A_1554, %swap3A_1555] {strides = array<i32>} : memref<1x2x1024xf32, #tpu.memory_space<vmem>>, vector<1x1x16xf32>,
      %swap3A_1557 = vector.shape_cast %swap3A_1556 : vector<1x1x16xf32> to vector<16xf32>
      %swap3A_1558 = vector.shape_cast %add3A_1542 : vector<16xf32> to vector<1x1x16xf32>
      tpu.vector_store %arg14[%swap3A_1553, %swap3A_1554, %swap3A_1555], %swap3A_1558 {strides = array<i32>} : memref<1x2x1024xf32, #tpu.memory_space<vmem>>, vector<1x1x16xf32>,
      %get3A_1559 = arith.constant 0 : i32
      %get3A_1560 = arith.index_cast %get3A_1559 : i32 to index
      %get3A_1561 = arith.constant 720 : index
      %get3A_1562 = tpu.vector_load %arg12[%get3A_1560, %get3A_1561] {strides = array<i32>} : memref<8x1024xf32, #tpu.memory_space<vmem>>, vector<1x16xf32>,
      %get3A_1563 = vector.shape_cast %get3A_1562 : vector<1x16xf32> to vector<16xf32>
      %get3A_1564 = arith.constant 0 : i32
      %get3A_1565 = arith.index_cast %get3A_1564 : i32 to index
      %get3A_1566 = arith.constant 720 : index
      %get3A_1567 = tpu.vector_load %arg13[%get3A_1565, %get3A_1566] {strides = array<i32>} : memref<8x1024xf32, #tpu.memory_space<vmem>>, vector<1x16xf32>,
      %get3A_1568 = vector.shape_cast %get3A_1567 : vector<1x16xf32> to vector<16xf32>
      %add3A_1569 = arith.addf %get3A_1563, %get3A_1568 : vector<16xf32>
      %swap3A_1570 = arith.constant 0 : i32
      %swap3A_1571 = arith.constant 0 : i32
      %swap3A_1572 = arith.index_cast %swap3A_1570 : i32 to index
      %swap3A_1573 = arith.index_cast %swap3A_1571 : i32 to index
      %swap3A_1574 = arith.constant 720 : index
      %swap3A_1575 = tpu.vector_load %arg14[%swap3A_1572, %swap3A_1573, %swap3A_1574] {strides = array<i32>} : memref<1x2x1024xf32, #tpu.memory_space<vmem>>, vector<1x1x16xf32>,
      %swap3A_1576 = vector.shape_cast %swap3A_1575 : vector<1x1x16xf32> to vector<16xf32>
      %swap3A_1577 = vector.shape_cast %add3A_1569 : vector<16xf32> to vector<1x1x16xf32>
      tpu.vector_store %arg14[%swap3A_1572, %swap3A_1573, %swap3A_1574], %swap3A_1577 {strides = array<i32>} : memref<1x2x1024xf32, #tpu.memory_space<vmem>>, vector<1x1x16xf32>,
      %swap3A_1578 = arith.constant 0 : i32
      %swap3A_1579 = arith.constant 1 : i32
      %swap3A_1580 = arith.index_cast %swap3A_1578 : i32 to index
      %swap3A_1581 = arith.index_cast %swap3A_1579 : i32 to index
      %swap3A_1582 = arith.constant 720 : index
      %swap3A_1583 = tpu.vector_load %arg14[%swap3A_1580, %swap3A_1581, %swap3A_1582] {strides = array<i32>} : memref<1x2x1024xf32, #tpu.memory_space<vmem>>, vector<1x1x16xf32>,
      %swap3A_1584 = vector.shape_cast %swap3A_1583 : vector<1x1x16xf32> to vector<16xf32>
      %swap3A_1585 = vector.shape_cast %add3A_1569 : vector<16xf32> to vector<1x1x16xf32>
      tpu.vector_store %arg14[%swap3A_1580, %swap3A_1581, %swap3A_1582], %swap3A_1585 {strides = array<i32>} : memref<1x2x1024xf32, #tpu.memory_space<vmem>>, vector<1x1x16xf32>,
      %get3A_1586 = arith.constant 0 : i32
      %get3A_1587 = arith.index_cast %get3A_1586 : i32 to index
      %get3A_1588 = arith.constant 736 : index
      %get3A_1589 = tpu.vector_load %arg12[%get3A_1587, %get3A_1588] {strides = array<i32>} : memref<8x1024xf32, #tpu.memory_space<vmem>>, vector<1x16xf32>,
      %get3A_1590 = vector.shape_cast %get3A_1589 : vector<1x16xf32> to vector<16xf32>
      %get3A_1591 = arith.constant 0 : i32
      %get3A_1592 = arith.index_cast %get3A_1591 : i32 to index
      %get3A_1593 = arith.constant 736 : index
      %get3A_1594 = tpu.vector_load %arg13[%get3A_1592, %get3A_1593] {strides = array<i32>} : memref<8x1024xf32, #tpu.memory_space<vmem>>, vector<1x16xf32>,
      %get3A_1595 = vector.shape_cast %get3A_1594 : vector<1x16xf32> to vector<16xf32>
      %add3A_1596 = arith.addf %get3A_1590, %get3A_1595 : vector<16xf32>
      %swap3A_1597 = arith.constant 0 : i32
      %swap3A_1598 = arith.constant 0 : i32
      %swap3A_1599 = arith.index_cast %swap3A_1597 : i32 to index
      %swap3A_1600 = arith.index_cast %swap3A_1598 : i32 to index
      %swap3A_1601 = arith.constant 736 : index
      %swap3A_1602 = tpu.vector_load %arg14[%swap3A_1599, %swap3A_1600, %swap3A_1601] {strides = array<i32>} : memref<1x2x1024xf32, #tpu.memory_space<vmem>>, vector<1x1x16xf32>,
      %swap3A_1603 = vector.shape_cast %swap3A_1602 : vector<1x1x16xf32> to vector<16xf32>
      %swap3A_1604 = vector.shape_cast %add3A_1596 : vector<16xf32> to vector<1x1x16xf32>
      tpu.vector_store %arg14[%swap3A_1599, %swap3A_1600, %swap3A_1601], %swap3A_1604 {strides = array<i32>} : memref<1x2x1024xf32, #tpu.memory_space<vmem>>, vector<1x1x16xf32>,
      %swap3A_1605 = arith.constant 0 : i32
      %swap3A_1606 = arith.constant 1 : i32
      %swap3A_1607 = arith.index_cast %swap3A_1605 : i32 to index
      %swap3A_1608 = arith.index_cast %swap3A_1606 : i32 to index
      %swap3A_1609 = arith.constant 736 : index
      %swap3A_1610 = tpu.vector_load %arg14[%swap3A_1607, %swap3A_1608, %swap3A_1609] {strides = array<i32>} : memref<1x2x1024xf32, #tpu.memory_space<vmem>>, vector<1x1x16xf32>,
      %swap3A_1611 = vector.shape_cast %swap3A_1610 : vector<1x1x16xf32> to vector<16xf32>
      %swap3A_1612 = vector.shape_cast %add3A_1596 : vector<16xf32> to vector<1x1x16xf32>
      tpu.vector_store %arg14[%swap3A_1607, %swap3A_1608, %swap3A_1609], %swap3A_1612 {strides = array<i32>} : memref<1x2x1024xf32, #tpu.memory_space<vmem>>, vector<1x1x16xf32>,
      %get3A_1613 = arith.constant 0 : i32
      %get3A_1614 = arith.index_cast %get3A_1613 : i32 to index
      %get3A_1615 = arith.constant 752 : index
      %get3A_1616 = tpu.vector_load %arg12[%get3A_1614, %get3A_1615] {strides = array<i32>} : memref<8x1024xf32, #tpu.memory_space<vmem>>, vector<1x16xf32>,
      %get3A_1617 = vector.shape_cast %get3A_1616 : vector<1x16xf32> to vector<16xf32>
      %get3A_1618 = arith.constant 0 : i32
      %get3A_1619 = arith.index_cast %get3A_1618 : i32 to index
      %get3A_1620 = arith.constant 752 : index
      %get3A_1621 = tpu.vector_load %arg13[%get3A_1619, %get3A_1620] {strides = array<i32>} : memref<8x1024xf32, #tpu.memory_space<vmem>>, vector<1x16xf32>,
      %get3A_1622 = vector.shape_cast %get3A_1621 : vector<1x16xf32> to vector<16xf32>
      %add3A_1623 = arith.addf %get3A_1617, %get3A_1622 : vector<16xf32>
      %swap3A_1624 = arith.constant 0 : i32
      %swap3A_1625 = arith.constant 0 : i32
      %swap3A_1626 = arith.index_cast %swap3A_1624 : i32 to index
      %swap3A_1627 = arith.index_cast %swap3A_1625 : i32 to index
      %swap3A_1628 = arith.constant 752 : index
      %swap3A_1629 = tpu.vector_load %arg14[%swap3A_1626, %swap3A_1627, %swap3A_1628] {strides = array<i32>} : memref<1x2x1024xf32, #tpu.memory_space<vmem>>, vector<1x1x16xf32>,
      %swap3A_1630 = vector.shape_cast %swap3A_1629 : vector<1x1x16xf32> to vector<16xf32>
      %swap3A_1631 = vector.shape_cast %add3A_1623 : vector<16xf32> to vector<1x1x16xf32>
      tpu.vector_store %arg14[%swap3A_1626, %swap3A_1627, %swap3A_1628], %swap3A_1631 {strides = array<i32>} : memref<1x2x1024xf32, #tpu.memory_space<vmem>>, vector<1x1x16xf32>,
      %swap3A_1632 = arith.constant 0 : i32
      %swap3A_1633 = arith.constant 1 : i32
      %swap3A_1634 = arith.index_cast %swap3A_1632 : i32 to index
      %swap3A_1635 = arith.index_cast %swap3A_1633 : i32 to index
      %swap3A_1636 = arith.constant 752 : index
      %swap3A_1637 = tpu.vector_load %arg14[%swap3A_1634, %swap3A_1635, %swap3A_1636] {strides = array<i32>} : memref<1x2x1024xf32, #tpu.memory_space<vmem>>, vector<1x1x16xf32>,
      %swap3A_1638 = vector.shape_cast %swap3A_1637 : vector<1x1x16xf32> to vector<16xf32>
      %swap3A_1639 = vector.shape_cast %add3A_1623 : vector<16xf32> to vector<1x1x16xf32>
      tpu.vector_store %arg14[%swap3A_1634, %swap3A_1635, %swap3A_1636], %swap3A_1639 {strides = array<i32>} : memref<1x2x1024xf32, #tpu.memory_space<vmem>>, vector<1x1x16xf32>,
      %get3A_1640 = arith.constant 0 : i32
      %get3A_1641 = arith.index_cast %get3A_1640 : i32 to index
      %get3A_1642 = arith.constant 768 : index
      %get3A_1643 = tpu.vector_load %arg12[%get3A_1641, %get3A_1642] {strides = array<i32>} : memref<8x1024xf32, #tpu.memory_space<vmem>>, vector<1x16xf32>,
      %get3A_1644 = vector.shape_cast %get3A_1643 : vector<1x16xf32> to vector<16xf32>
      %get3A_1645 = arith.constant 0 : i32
      %get3A_1646 = arith.index_cast %get3A_1645 : i32 to index
      %get3A_1647 = arith.constant 768 : index
      %get3A_1648 = tpu.vector_load %arg13[%get3A_1646, %get3A_1647] {strides = array<i32>} : memref<8x1024xf32, #tpu.memory_space<vmem>>, vector<1x16xf32>,
      %get3A_1649 = vector.shape_cast %get3A_1648 : vector<1x16xf32> to vector<16xf32>
      %add3A_1650 = arith.addf %get3A_1644, %get3A_1649 : vector<16xf32>
      %swap3A_1651 = arith.constant 0 : i32
      %swap3A_1652 = arith.constant 0 : i32
      %swap3A_1653 = arith.index_cast %swap3A_1651 : i32 to index
      %swap3A_1654 = arith.index_cast %swap3A_1652 : i32 to index
      %swap3A_1655 = arith.constant 768 : index
      %swap3A_1656 = tpu.vector_load %arg14[%swap3A_1653, %swap3A_1654, %swap3A_1655] {strides = array<i32>} : memref<1x2x1024xf32, #tpu.memory_space<vmem>>, vector<1x1x16xf32>,
      %swap3A_1657 = vector.shape_cast %swap3A_1656 : vector<1x1x16xf32> to vector<16xf32>
      %swap3A_1658 = vector.shape_cast %add3A_1650 : vector<16xf32> to vector<1x1x16xf32>
      tpu.vector_store %arg14[%swap3A_1653, %swap3A_1654, %swap3A_1655], %swap3A_1658 {strides = array<i32>} : memref<1x2x1024xf32, #tpu.memory_space<vmem>>, vector<1x1x16xf32>,
      %swap3A_1659 = arith.constant 0 : i32
      %swap3A_1660 = arith.constant 1 : i32
      %swap3A_1661 = arith.index_cast %swap3A_1659 : i32 to index
      %swap3A_1662 = arith.index_cast %swap3A_1660 : i32 to index
      %swap3A_1663 = arith.constant 768 : index
      %swap3A_1664 = tpu.vector_load %arg14[%swap3A_1661, %swap3A_1662, %swap3A_1663] {strides = array<i32>} : memref<1x2x1024xf32, #tpu.memory_space<vmem>>, vector<1x1x16xf32>,
      %swap3A_1665 = vector.shape_cast %swap3A_1664 : vector<1x1x16xf32> to vector<16xf32>
      %swap3A_1666 = vector.shape_cast %add3A_1650 : vector<16xf32> to vector<1x1x16xf32>
      tpu.vector_store %arg14[%swap3A_1661, %swap3A_1662, %swap3A_1663], %swap3A_1666 {strides = array<i32>} : memref<1x2x1024xf32, #tpu.memory_space<vmem>>, vector<1x1x16xf32>,
      %get3A_1667 = arith.constant 0 : i32
      %get3A_1668 = arith.index_cast %get3A_1667 : i32 to index
      %get3A_1669 = arith.constant 784 : index
      %get3A_1670 = tpu.vector_load %arg12[%get3A_1668, %get3A_1669] {strides = array<i32>} : memref<8x1024xf32, #tpu.memory_space<vmem>>, vector<1x16xf32>,
      %get3A_1671 = vector.shape_cast %get3A_1670 : vector<1x16xf32> to vector<16xf32>
      %get3A_1672 = arith.constant 0 : i32
      %get3A_1673 = arith.index_cast %get3A_1672 : i32 to index
      %get3A_1674 = arith.constant 784 : index
      %get3A_1675 = tpu.vector_load %arg13[%get3A_1673, %get3A_1674] {strides = array<i32>} : memref<8x1024xf32, #tpu.memory_space<vmem>>, vector<1x16xf32>,
      %get3A_1676 = vector.shape_cast %get3A_1675 : vector<1x16xf32> to vector<16xf32>
      %add3A_1677 = arith.addf %get3A_1671, %get3A_1676 : vector<16xf32>
      %swap3A_1678 = arith.constant 0 : i32
      %swap3A_1679 = arith.constant 0 : i32
      %swap3A_1680 = arith.index_cast %swap3A_1678 : i32 to index
      %swap3A_1681 = arith.index_cast %swap3A_1679 : i32 to index
      %swap3A_1682 = arith.constant 784 : index
      %swap3A_1683 = tpu.vector_load %arg14[%swap3A_1680, %swap3A_1681, %swap3A_1682] {strides = array<i32>} : memref<1x2x1024xf32, #tpu.memory_space<vmem>>, vector<1x1x16xf32>,
      %swap3A_1684 = vector.shape_cast %swap3A_1683 : vector<1x1x16xf32> to vector<16xf32>
      %swap3A_1685 = vector.shape_cast %add3A_1677 : vector<16xf32> to vector<1x1x16xf32>
      tpu.vector_store %arg14[%swap3A_1680, %swap3A_1681, %swap3A_1682], %swap3A_1685 {strides = array<i32>} : memref<1x2x1024xf32, #tpu.memory_space<vmem>>, vector<1x1x16xf32>,
      %swap3A_1686 = arith.constant 0 : i32
      %swap3A_1687 = arith.constant 1 : i32
      %swap3A_1688 = arith.index_cast %swap3A_1686 : i32 to index
      %swap3A_1689 = arith.index_cast %swap3A_1687 : i32 to index
      %swap3A_1690 = arith.constant 784 : index
      %swap3A_1691 = tpu.vector_load %arg14[%swap3A_1688, %swap3A_1689, %swap3A_1690] {strides = array<i32>} : memref<1x2x1024xf32, #tpu.memory_space<vmem>>, vector<1x1x16xf32>,
      %swap3A_1692 = vector.shape_cast %swap3A_1691 : vector<1x1x16xf32> to vector<16xf32>
      %swap3A_1693 = vector.shape_cast %add3A_1677 : vector<16xf32> to vector<1x1x16xf32>
      tpu.vector_store %arg14[%swap3A_1688, %swap3A_1689, %swap3A_1690], %swap3A_1693 {strides = array<i32>} : memref<1x2x1024xf32, #tpu.memory_space<vmem>>, vector<1x1x16xf32>,
      %get3A_1694 = arith.constant 0 : i32
      %get3A_1695 = arith.index_cast %get3A_1694 : i32 to index
      %get3A_1696 = arith.constant 800 : index
      %get3A_1697 = tpu.vector_load %arg12[%get3A_1695, %get3A_1696] {strides = array<i32>} : memref<8x1024xf32, #tpu.memory_space<vmem>>, vector<1x16xf32>,
      %get3A_1698 = vector.shape_cast %get3A_1697 : vector<1x16xf32> to vector<16xf32>
      %get3A_1699 = arith.constant 0 : i32
      %get3A_1700 = arith.index_cast %get3A_1699 : i32 to index
      %get3A_1701 = arith.constant 800 : index
      %get3A_1702 = tpu.vector_load %arg13[%get3A_1700, %get3A_1701] {strides = array<i32>} : memref<8x1024xf32, #tpu.memory_space<vmem>>, vector<1x16xf32>,
      %get3A_1703 = vector.shape_cast %get3A_1702 : vector<1x16xf32> to vector<16xf32>
      %add3A_1704 = arith.addf %get3A_1698, %get3A_1703 : vector<16xf32>
      %swap3A_1705 = arith.constant 0 : i32
      %swap3A_1706 = arith.constant 0 : i32
      %swap3A_1707 = arith.index_cast %swap3A_1705 : i32 to index
      %swap3A_1708 = arith.index_cast %swap3A_1706 : i32 to index
      %swap3A_1709 = arith.constant 800 : index
      %swap3A_1710 = tpu.vector_load %arg14[%swap3A_1707, %swap3A_1708, %swap3A_1709] {strides = array<i32>} : memref<1x2x1024xf32, #tpu.memory_space<vmem>>, vector<1x1x16xf32>,
      %swap3A_1711 = vector.shape_cast %swap3A_1710 : vector<1x1x16xf32> to vector<16xf32>
      %swap3A_1712 = vector.shape_cast %add3A_1704 : vector<16xf32> to vector<1x1x16xf32>
      tpu.vector_store %arg14[%swap3A_1707, %swap3A_1708, %swap3A_1709], %swap3A_1712 {strides = array<i32>} : memref<1x2x1024xf32, #tpu.memory_space<vmem>>, vector<1x1x16xf32>,
      %swap3A_1713 = arith.constant 0 : i32
      %swap3A_1714 = arith.constant 1 : i32
      %swap3A_1715 = arith.index_cast %swap3A_1713 : i32 to index
      %swap3A_1716 = arith.index_cast %swap3A_1714 : i32 to index
      %swap3A_1717 = arith.constant 800 : index
      %swap3A_1718 = tpu.vector_load %arg14[%swap3A_1715, %swap3A_1716, %swap3A_1717] {strides = array<i32>} : memref<1x2x1024xf32, #tpu.memory_space<vmem>>, vector<1x1x16xf32>,
      %swap3A_1719 = vector.shape_cast %swap3A_1718 : vector<1x1x16xf32> to vector<16xf32>
      %swap3A_1720 = vector.shape_cast %add3A_1704 : vector<16xf32> to vector<1x1x16xf32>
      tpu.vector_store %arg14[%swap3A_1715, %swap3A_1716, %swap3A_1717], %swap3A_1720 {strides = array<i32>} : memref<1x2x1024xf32, #tpu.memory_space<vmem>>, vector<1x1x16xf32>,
      %get3A_1721 = arith.constant 0 : i32
      %get3A_1722 = arith.index_cast %get3A_1721 : i32 to index
      %get3A_1723 = arith.constant 816 : index
      %get3A_1724 = tpu.vector_load %arg12[%get3A_1722, %get3A_1723] {strides = array<i32>} : memref<8x1024xf32, #tpu.memory_space<vmem>>, vector<1x16xf32>,
      %get3A_1725 = vector.shape_cast %get3A_1724 : vector<1x16xf32> to vector<16xf32>
      %get3A_1726 = arith.constant 0 : i32
      %get3A_1727 = arith.index_cast %get3A_1726 : i32 to index
      %get3A_1728 = arith.constant 816 : index
      %get3A_1729 = tpu.vector_load %arg13[%get3A_1727, %get3A_1728] {strides = array<i32>} : memref<8x1024xf32, #tpu.memory_space<vmem>>, vector<1x16xf32>,
      %get3A_1730 = vector.shape_cast %get3A_1729 : vector<1x16xf32> to vector<16xf32>
      %add3A_1731 = arith.addf %get3A_1725, %get3A_1730 : vector<16xf32>
      %swap3A_1732 = arith.constant 0 : i32
      %swap3A_1733 = arith.constant 0 : i32
      %swap3A_1734 = arith.index_cast %swap3A_1732 : i32 to index
      %swap3A_1735 = arith.index_cast %swap3A_1733 : i32 to index
      %swap3A_1736 = arith.constant 816 : index
      %swap3A_1737 = tpu.vector_load %arg14[%swap3A_1734, %swap3A_1735, %swap3A_1736] {strides = array<i32>} : memref<1x2x1024xf32, #tpu.memory_space<vmem>>, vector<1x1x16xf32>,
      %swap3A_1738 = vector.shape_cast %swap3A_1737 : vector<1x1x16xf32> to vector<16xf32>
      %swap3A_1739 = vector.shape_cast %add3A_1731 : vector<16xf32> to vector<1x1x16xf32>
      tpu.vector_store %arg14[%swap3A_1734, %swap3A_1735, %swap3A_1736], %swap3A_1739 {strides = array<i32>} : memref<1x2x1024xf32, #tpu.memory_space<vmem>>, vector<1x1x16xf32>,
      %swap3A_1740 = arith.constant 0 : i32
      %swap3A_1741 = arith.constant 1 : i32
      %swap3A_1742 = arith.index_cast %swap3A_1740 : i32 to index
      %swap3A_1743 = arith.index_cast %swap3A_1741 : i32 to index
      %swap3A_1744 = arith.constant 816 : index
      %swap3A_1745 = tpu.vector_load %arg14[%swap3A_1742, %swap3A_1743, %swap3A_1744] {strides = array<i32>} : memref<1x2x1024xf32, #tpu.memory_space<vmem>>, vector<1x1x16xf32>,
      %swap3A_1746 = vector.shape_cast %swap3A_1745 : vector<1x1x16xf32> to vector<16xf32>
      %swap3A_1747 = vector.shape_cast %add3A_1731 : vector<16xf32> to vector<1x1x16xf32>
      tpu.vector_store %arg14[%swap3A_1742, %swap3A_1743, %swap3A_1744], %swap3A_1747 {strides = array<i32>} : memref<1x2x1024xf32, #tpu.memory_space<vmem>>, vector<1x1x16xf32>,
      %get3A_1748 = arith.constant 0 : i32
      %get3A_1749 = arith.index_cast %get3A_1748 : i32 to index
      %get3A_1750 = arith.constant 832 : index
      %get3A_1751 = tpu.vector_load %arg12[%get3A_1749, %get3A_1750] {strides = array<i32>} : memref<8x1024xf32, #tpu.memory_space<vmem>>, vector<1x16xf32>,
      %get3A_1752 = vector.shape_cast %get3A_1751 : vector<1x16xf32> to vector<16xf32>
      %get3A_1753 = arith.constant 0 : i32
      %get3A_1754 = arith.index_cast %get3A_1753 : i32 to index
      %get3A_1755 = arith.constant 832 : index
      %get3A_1756 = tpu.vector_load %arg13[%get3A_1754, %get3A_1755] {strides = array<i32>} : memref<8x1024xf32, #tpu.memory_space<vmem>>, vector<1x16xf32>,
      %get3A_1757 = vector.shape_cast %get3A_1756 : vector<1x16xf32> to vector<16xf32>
      %add3A_1758 = arith.addf %get3A_1752, %get3A_1757 : vector<16xf32>
      %swap3A_1759 = arith.constant 0 : i32
      %swap3A_1760 = arith.constant 0 : i32
      %swap3A_1761 = arith.index_cast %swap3A_1759 : i32 to index
      %swap3A_1762 = arith.index_cast %swap3A_1760 : i32 to index
      %swap3A_1763 = arith.constant 832 : index
      %swap3A_1764 = tpu.vector_load %arg14[%swap3A_1761, %swap3A_1762, %swap3A_1763] {strides = array<i32>} : memref<1x2x1024xf32, #tpu.memory_space<vmem>>, vector<1x1x16xf32>,
      %swap3A_1765 = vector.shape_cast %swap3A_1764 : vector<1x1x16xf32> to vector<16xf32>
      %swap3A_1766 = vector.shape_cast %add3A_1758 : vector<16xf32> to vector<1x1x16xf32>
      tpu.vector_store %arg14[%swap3A_1761, %swap3A_1762, %swap3A_1763], %swap3A_1766 {strides = array<i32>} : memref<1x2x1024xf32, #tpu.memory_space<vmem>>, vector<1x1x16xf32>,
      %swap3A_1767 = arith.constant 0 : i32
      %swap3A_1768 = arith.constant 1 : i32
      %swap3A_1769 = arith.index_cast %swap3A_1767 : i32 to index
      %swap3A_1770 = arith.index_cast %swap3A_1768 : i32 to index
      %swap3A_1771 = arith.constant 832 : index
      %swap3A_1772 = tpu.vector_load %arg14[%swap3A_1769, %swap3A_1770, %swap3A_1771] {strides = array<i32>} : memref<1x2x1024xf32, #tpu.memory_space<vmem>>, vector<1x1x16xf32>,
      %swap3A_1773 = vector.shape_cast %swap3A_1772 : vector<1x1x16xf32> to vector<16xf32>
      %swap3A_1774 = vector.shape_cast %add3A_1758 : vector<16xf32> to vector<1x1x16xf32>
      tpu.vector_store %arg14[%swap3A_1769, %swap3A_1770, %swap3A_1771], %swap3A_1774 {strides = array<i32>} : memref<1x2x1024xf32, #tpu.memory_space<vmem>>, vector<1x1x16xf32>,
      %get3A_1775 = arith.constant 0 : i32
      %get3A_1776 = arith.index_cast %get3A_1775 : i32 to index
      %get3A_1777 = arith.constant 848 : index
      %get3A_1778 = tpu.vector_load %arg12[%get3A_1776, %get3A_1777] {strides = array<i32>} : memref<8x1024xf32, #tpu.memory_space<vmem>>, vector<1x16xf32>,
      %get3A_1779 = vector.shape_cast %get3A_1778 : vector<1x16xf32> to vector<16xf32>
      %get3A_1780 = arith.constant 0 : i32
      %get3A_1781 = arith.index_cast %get3A_1780 : i32 to index
      %get3A_1782 = arith.constant 848 : index
      %get3A_1783 = tpu.vector_load %arg13[%get3A_1781, %get3A_1782] {strides = array<i32>} : memref<8x1024xf32, #tpu.memory_space<vmem>>, vector<1x16xf32>,
      %get3A_1784 = vector.shape_cast %get3A_1783 : vector<1x16xf32> to vector<16xf32>
      %add3A_1785 = arith.addf %get3A_1779, %get3A_1784 : vector<16xf32>
      %swap3A_1786 = arith.constant 0 : i32
      %swap3A_1787 = arith.constant 0 : i32
      %swap3A_1788 = arith.index_cast %swap3A_1786 : i32 to index
      %swap3A_1789 = arith.index_cast %swap3A_1787 : i32 to index
      %swap3A_1790 = arith.constant 848 : index
      %swap3A_1791 = tpu.vector_load %arg14[%swap3A_1788, %swap3A_1789, %swap3A_1790] {strides = array<i32>} : memref<1x2x1024xf32, #tpu.memory_space<vmem>>, vector<1x1x16xf32>,
      %swap3A_1792 = vector.shape_cast %swap3A_1791 : vector<1x1x16xf32> to vector<16xf32>
      %swap3A_1793 = vector.shape_cast %add3A_1785 : vector<16xf32> to vector<1x1x16xf32>
      tpu.vector_store %arg14[%swap3A_1788, %swap3A_1789, %swap3A_1790], %swap3A_1793 {strides = array<i32>} : memref<1x2x1024xf32, #tpu.memory_space<vmem>>, vector<1x1x16xf32>,
      %swap3A_1794 = arith.constant 0 : i32
      %swap3A_1795 = arith.constant 1 : i32
      %swap3A_1796 = arith.index_cast %swap3A_1794 : i32 to index
      %swap3A_1797 = arith.index_cast %swap3A_1795 : i32 to index
      %swap3A_1798 = arith.constant 848 : index
      %swap3A_1799 = tpu.vector_load %arg14[%swap3A_1796, %swap3A_1797, %swap3A_1798] {strides = array<i32>} : memref<1x2x1024xf32, #tpu.memory_space<vmem>>, vector<1x1x16xf32>,
      %swap3A_1800 = vector.shape_cast %swap3A_1799 : vector<1x1x16xf32> to vector<16xf32>
      %swap3A_1801 = vector.shape_cast %add3A_1785 : vector<16xf32> to vector<1x1x16xf32>
      tpu.vector_store %arg14[%swap3A_1796, %swap3A_1797, %swap3A_1798], %swap3A_1801 {strides = array<i32>} : memref<1x2x1024xf32, #tpu.memory_space<vmem>>, vector<1x1x16xf32>,
      %get3A_1802 = arith.constant 0 : i32
      %get3A_1803 = arith.index_cast %get3A_1802 : i32 to index
      %get3A_1804 = arith.constant 864 : index
      %get3A_1805 = tpu.vector_load %arg12[%get3A_1803, %get3A_1804] {strides = array<i32>} : memref<8x1024xf32, #tpu.memory_space<vmem>>, vector<1x16xf32>,
      %get3A_1806 = vector.shape_cast %get3A_1805 : vector<1x16xf32> to vector<16xf32>
      %get3A_1807 = arith.constant 0 : i32
      %get3A_1808 = arith.index_cast %get3A_1807 : i32 to index
      %get3A_1809 = arith.constant 864 : index
      %get3A_1810 = tpu.vector_load %arg13[%get3A_1808, %get3A_1809] {strides = array<i32>} : memref<8x1024xf32, #tpu.memory_space<vmem>>, vector<1x16xf32>,
      %get3A_1811 = vector.shape_cast %get3A_1810 : vector<1x16xf32> to vector<16xf32>
      %add3A_1812 = arith.addf %get3A_1806, %get3A_1811 : vector<16xf32>
      %swap3A_1813 = arith.constant 0 : i32
      %swap3A_1814 = arith.constant 0 : i32
      %swap3A_1815 = arith.index_cast %swap3A_1813 : i32 to index
      %swap3A_1816 = arith.index_cast %swap3A_1814 : i32 to index
      %swap3A_1817 = arith.constant 864 : index
      %swap3A_1818 = tpu.vector_load %arg14[%swap3A_1815, %swap3A_1816, %swap3A_1817] {strides = array<i32>} : memref<1x2x1024xf32, #tpu.memory_space<vmem>>, vector<1x1x16xf32>,
      %swap3A_1819 = vector.shape_cast %swap3A_1818 : vector<1x1x16xf32> to vector<16xf32>
      %swap3A_1820 = vector.shape_cast %add3A_1812 : vector<16xf32> to vector<1x1x16xf32>
      tpu.vector_store %arg14[%swap3A_1815, %swap3A_1816, %swap3A_1817], %swap3A_1820 {strides = array<i32>} : memref<1x2x1024xf32, #tpu.memory_space<vmem>>, vector<1x1x16xf32>,
      %swap3A_1821 = arith.constant 0 : i32
      %swap3A_1822 = arith.constant 1 : i32
      %swap3A_1823 = arith.index_cast %swap3A_1821 : i32 to index
      %swap3A_1824 = arith.index_cast %swap3A_1822 : i32 to index
      %swap3A_1825 = arith.constant 864 : index
      %swap3A_1826 = tpu.vector_load %arg14[%swap3A_1823, %swap3A_1824, %swap3A_1825] {strides = array<i32>} : memref<1x2x1024xf32, #tpu.memory_space<vmem>>, vector<1x1x16xf32>,
      %swap3A_1827 = vector.shape_cast %swap3A_1826 : vector<1x1x16xf32> to vector<16xf32>
      %swap3A_1828 = vector.shape_cast %add3A_1812 : vector<16xf32> to vector<1x1x16xf32>
      tpu.vector_store %arg14[%swap3A_1823, %swap3A_1824, %swap3A_1825], %swap3A_1828 {strides = array<i32>} : memref<1x2x1024xf32, #tpu.memory_space<vmem>>, vector<1x1x16xf32>,
      %get3A_1829 = arith.constant 0 : i32
      %get3A_1830 = arith.index_cast %get3A_1829 : i32 to index
      %get3A_1831 = arith.constant 880 : index
      %get3A_1832 = tpu.vector_load %arg12[%get3A_1830, %get3A_1831] {strides = array<i32>} : memref<8x1024xf32, #tpu.memory_space<vmem>>, vector<1x16xf32>,
      %get3A_1833 = vector.shape_cast %get3A_1832 : vector<1x16xf32> to vector<16xf32>
      %get3A_1834 = arith.constant 0 : i32
      %get3A_1835 = arith.index_cast %get3A_1834 : i32 to index
      %get3A_1836 = arith.constant 880 : index
      %get3A_1837 = tpu.vector_load %arg13[%get3A_1835, %get3A_1836] {strides = array<i32>} : memref<8x1024xf32, #tpu.memory_space<vmem>>, vector<1x16xf32>,
      %get3A_1838 = vector.shape_cast %get3A_1837 : vector<1x16xf32> to vector<16xf32>
      %add3A_1839 = arith.addf %get3A_1833, %get3A_1838 : vector<16xf32>
      %swap3A_1840 = arith.constant 0 : i32
      %swap3A_1841 = arith.constant 0 : i32
      %swap3A_1842 = arith.index_cast %swap3A_1840 : i32 to index
      %swap3A_1843 = arith.index_cast %swap3A_1841 : i32 to index
      %swap3A_1844 = arith.constant 880 : index
      %swap3A_1845 = tpu.vector_load %arg14[%swap3A_1842, %swap3A_1843, %swap3A_1844] {strides = array<i32>} : memref<1x2x1024xf32, #tpu.memory_space<vmem>>, vector<1x1x16xf32>,
      %swap3A_1846 = vector.shape_cast %swap3A_1845 : vector<1x1x16xf32> to vector<16xf32>
      %swap3A_1847 = vector.shape_cast %add3A_1839 : vector<16xf32> to vector<1x1x16xf32>
      tpu.vector_store %arg14[%swap3A_1842, %swap3A_1843, %swap3A_1844], %swap3A_1847 {strides = array<i32>} : memref<1x2x1024xf32, #tpu.memory_space<vmem>>, vector<1x1x16xf32>,
      %swap3A_1848 = arith.constant 0 : i32
      %swap3A_1849 = arith.constant 1 : i32
      %swap3A_1850 = arith.index_cast %swap3A_1848 : i32 to index
      %swap3A_1851 = arith.index_cast %swap3A_1849 : i32 to index
      %swap3A_1852 = arith.constant 880 : index
      %swap3A_1853 = tpu.vector_load %arg14[%swap3A_1850, %swap3A_1851, %swap3A_1852] {strides = array<i32>} : memref<1x2x1024xf32, #tpu.memory_space<vmem>>, vector<1x1x16xf32>,
      %swap3A_1854 = vector.shape_cast %swap3A_1853 : vector<1x1x16xf32> to vector<16xf32>
      %swap3A_1855 = vector.shape_cast %add3A_1839 : vector<16xf32> to vector<1x1x16xf32>
      tpu.vector_store %arg14[%swap3A_1850, %swap3A_1851, %swap3A_1852], %swap3A_1855 {strides = array<i32>} : memref<1x2x1024xf32, #tpu.memory_space<vmem>>, vector<1x1x16xf32>,
      %get3A_1856 = arith.constant 0 : i32
      %get3A_1857 = arith.index_cast %get3A_1856 : i32 to index
      %get3A_1858 = arith.constant 896 : index
      %get3A_1859 = tpu.vector_load %arg12[%get3A_1857, %get3A_1858] {strides = array<i32>} : memref<8x1024xf32, #tpu.memory_space<vmem>>, vector<1x16xf32>,
      %get3A_1860 = vector.shape_cast %get3A_1859 : vector<1x16xf32> to vector<16xf32>
      %get3A_1861 = arith.constant 0 : i32
      %get3A_1862 = arith.index_cast %get3A_1861 : i32 to index
      %get3A_1863 = arith.constant 896 : index
      %get3A_1864 = tpu.vector_load %arg13[%get3A_1862, %get3A_1863] {strides = array<i32>} : memref<8x1024xf32, #tpu.memory_space<vmem>>, vector<1x16xf32>,
      %get3A_1865 = vector.shape_cast %get3A_1864 : vector<1x16xf32> to vector<16xf32>
      %add3A_1866 = arith.addf %get3A_1860, %get3A_1865 : vector<16xf32>
      %swap3A_1867 = arith.constant 0 : i32
      %swap3A_1868 = arith.constant 0 : i32
      %swap3A_1869 = arith.index_cast %swap3A_1867 : i32 to index
      %swap3A_1870 = arith.index_cast %swap3A_1868 : i32 to index
      %swap3A_1871 = arith.constant 896 : index
      %swap3A_1872 = tpu.vector_load %arg14[%swap3A_1869, %swap3A_1870, %swap3A_1871] {strides = array<i32>} : memref<1x2x1024xf32, #tpu.memory_space<vmem>>, vector<1x1x16xf32>,
      %swap3A_1873 = vector.shape_cast %swap3A_1872 : vector<1x1x16xf32> to vector<16xf32>
      %swap3A_1874 = vector.shape_cast %add3A_1866 : vector<16xf32> to vector<1x1x16xf32>
      tpu.vector_store %arg14[%swap3A_1869, %swap3A_1870, %swap3A_1871], %swap3A_1874 {strides = array<i32>} : memref<1x2x1024xf32, #tpu.memory_space<vmem>>, vector<1x1x16xf32>,
      %swap3A_1875 = arith.constant 0 : i32
      %swap3A_1876 = arith.constant 1 : i32
      %swap3A_1877 = arith.index_cast %swap3A_1875 : i32 to index
      %swap3A_1878 = arith.index_cast %swap3A_1876 : i32 to index
      %swap3A_1879 = arith.constant 896 : index
      %swap3A_1880 = tpu.vector_load %arg14[%swap3A_1877, %swap3A_1878, %swap3A_1879] {strides = array<i32>} : memref<1x2x1024xf32, #tpu.memory_space<vmem>>, vector<1x1x16xf32>,
      %swap3A_1881 = vector.shape_cast %swap3A_1880 : vector<1x1x16xf32> to vector<16xf32>
      %swap3A_1882 = vector.shape_cast %add3A_1866 : vector<16xf32> to vector<1x1x16xf32>
      tpu.vector_store %arg14[%swap3A_1877, %swap3A_1878, %swap3A_1879], %swap3A_1882 {strides = array<i32>} : memref<1x2x1024xf32, #tpu.memory_space<vmem>>, vector<1x1x16xf32>,
      %get3A_1883 = arith.constant 0 : i32
      %get3A_1884 = arith.index_cast %get3A_1883 : i32 to index
      %get3A_1885 = arith.constant 912 : index
      %get3A_1886 = tpu.vector_load %arg12[%get3A_1884, %get3A_1885] {strides = array<i32>} : memref<8x1024xf32, #tpu.memory_space<vmem>>, vector<1x16xf32>,
      %get3A_1887 = vector.shape_cast %get3A_1886 : vector<1x16xf32> to vector<16xf32>
      %get3A_1888 = arith.constant 0 : i32
      %get3A_1889 = arith.index_cast %get3A_1888 : i32 to index
      %get3A_1890 = arith.constant 912 : index
      %get3A_1891 = tpu.vector_load %arg13[%get3A_1889, %get3A_1890] {strides = array<i32>} : memref<8x1024xf32, #tpu.memory_space<vmem>>, vector<1x16xf32>,
      %get3A_1892 = vector.shape_cast %get3A_1891 : vector<1x16xf32> to vector<16xf32>
      %add3A_1893 = arith.addf %get3A_1887, %get3A_1892 : vector<16xf32>
      %swap3A_1894 = arith.constant 0 : i32
      %swap3A_1895 = arith.constant 0 : i32
      %swap3A_1896 = arith.index_cast %swap3A_1894 : i32 to index
      %swap3A_1897 = arith.index_cast %swap3A_1895 : i32 to index
      %swap3A_1898 = arith.constant 912 : index
      %swap3A_1899 = tpu.vector_load %arg14[%swap3A_1896, %swap3A_1897, %swap3A_1898] {strides = array<i32>} : memref<1x2x1024xf32, #tpu.memory_space<vmem>>, vector<1x1x16xf32>,
      %swap3A_1900 = vector.shape_cast %swap3A_1899 : vector<1x1x16xf32> to vector<16xf32>
      %swap3A_1901 = vector.shape_cast %add3A_1893 : vector<16xf32> to vector<1x1x16xf32>
      tpu.vector_store %arg14[%swap3A_1896, %swap3A_1897, %swap3A_1898], %swap3A_1901 {strides = array<i32>} : memref<1x2x1024xf32, #tpu.memory_space<vmem>>, vector<1x1x16xf32>,
      %swap3A_1902 = arith.constant 0 : i32
      %swap3A_1903 = arith.constant 1 : i32
      %swap3A_1904 = arith.index_cast %swap3A_1902 : i32 to index
      %swap3A_1905 = arith.index_cast %swap3A_1903 : i32 to index
      %swap3A_1906 = arith.constant 912 : index
      %swap3A_1907 = tpu.vector_load %arg14[%swap3A_1904, %swap3A_1905, %swap3A_1906] {strides = array<i32>} : memref<1x2x1024xf32, #tpu.memory_space<vmem>>, vector<1x1x16xf32>,
      %swap3A_1908 = vector.shape_cast %swap3A_1907 : vector<1x1x16xf32> to vector<16xf32>
      %swap3A_1909 = vector.shape_cast %add3A_1893 : vector<16xf32> to vector<1x1x16xf32>
      tpu.vector_store %arg14[%swap3A_1904, %swap3A_1905, %swap3A_1906], %swap3A_1909 {strides = array<i32>} : memref<1x2x1024xf32, #tpu.memory_space<vmem>>, vector<1x1x16xf32>,
      %get3A_1910 = arith.constant 0 : i32
      %get3A_1911 = arith.index_cast %get3A_1910 : i32 to index
      %get3A_1912 = arith.constant 928 : index
      %get3A_1913 = tpu.vector_load %arg12[%get3A_1911, %get3A_1912] {strides = array<i32>} : memref<8x1024xf32, #tpu.memory_space<vmem>>, vector<1x16xf32>,
      %get3A_1914 = vector.shape_cast %get3A_1913 : vector<1x16xf32> to vector<16xf32>
      %get3A_1915 = arith.constant 0 : i32
      %get3A_1916 = arith.index_cast %get3A_1915 : i32 to index
      %get3A_1917 = arith.constant 928 : index
      %get3A_1918 = tpu.vector_load %arg13[%get3A_1916, %get3A_1917] {strides = array<i32>} : memref<8x1024xf32, #tpu.memory_space<vmem>>, vector<1x16xf32>,
      %get3A_1919 = vector.shape_cast %get3A_1918 : vector<1x16xf32> to vector<16xf32>
      %add3A_1920 = arith.addf %get3A_1914, %get3A_1919 : vector<16xf32>
      %swap3A_1921 = arith.constant 0 : i32
      %swap3A_1922 = arith.constant 0 : i32
      %swap3A_1923 = arith.index_cast %swap3A_1921 : i32 to index
      %swap3A_1924 = arith.index_cast %swap3A_1922 : i32 to index
      %swap3A_1925 = arith.constant 928 : index
      %swap3A_1926 = tpu.vector_load %arg14[%swap3A_1923, %swap3A_1924, %swap3A_1925] {strides = array<i32>} : memref<1x2x1024xf32, #tpu.memory_space<vmem>>, vector<1x1x16xf32>,
      %swap3A_1927 = vector.shape_cast %swap3A_1926 : vector<1x1x16xf32> to vector<16xf32>
      %swap3A_1928 = vector.shape_cast %add3A_1920 : vector<16xf32> to vector<1x1x16xf32>
      tpu.vector_store %arg14[%swap3A_1923, %swap3A_1924, %swap3A_1925], %swap3A_1928 {strides = array<i32>} : memref<1x2x1024xf32, #tpu.memory_space<vmem>>, vector<1x1x16xf32>,
      %swap3A_1929 = arith.constant 0 : i32
      %swap3A_1930 = arith.constant 1 : i32
      %swap3A_1931 = arith.index_cast %swap3A_1929 : i32 to index
      %swap3A_1932 = arith.index_cast %swap3A_1930 : i32 to index
      %swap3A_1933 = arith.constant 928 : index
      %swap3A_1934 = tpu.vector_load %arg14[%swap3A_1931, %swap3A_1932, %swap3A_1933] {strides = array<i32>} : memref<1x2x1024xf32, #tpu.memory_space<vmem>>, vector<1x1x16xf32>,
      %swap3A_1935 = vector.shape_cast %swap3A_1934 : vector<1x1x16xf32> to vector<16xf32>
      %swap3A_1936 = vector.shape_cast %add3A_1920 : vector<16xf32> to vector<1x1x16xf32>
      tpu.vector_store %arg14[%swap3A_1931, %swap3A_1932, %swap3A_1933], %swap3A_1936 {strides = array<i32>} : memref<1x2x1024xf32, #tpu.memory_space<vmem>>, vector<1x1x16xf32>,
      %get3A_1937 = arith.constant 0 : i32
      %get3A_1938 = arith.index_cast %get3A_1937 : i32 to index
      %get3A_1939 = arith.constant 944 : index
      %get3A_1940 = tpu.vector_load %arg12[%get3A_1938, %get3A_1939] {strides = array<i32>} : memref<8x1024xf32, #tpu.memory_space<vmem>>, vector<1x16xf32>,
      %get3A_1941 = vector.shape_cast %get3A_1940 : vector<1x16xf32> to vector<16xf32>
      %get3A_1942 = arith.constant 0 : i32
      %get3A_1943 = arith.index_cast %get3A_1942 : i32 to index
      %get3A_1944 = arith.constant 944 : index
      %get3A_1945 = tpu.vector_load %arg13[%get3A_1943, %get3A_1944] {strides = array<i32>} : memref<8x1024xf32, #tpu.memory_space<vmem>>, vector<1x16xf32>,
      %get3A_1946 = vector.shape_cast %get3A_1945 : vector<1x16xf32> to vector<16xf32>
      %add3A_1947 = arith.addf %get3A_1941, %get3A_1946 : vector<16xf32>
      %swap3A_1948 = arith.constant 0 : i32
      %swap3A_1949 = arith.constant 0 : i32
      %swap3A_1950 = arith.index_cast %swap3A_1948 : i32 to index
      %swap3A_1951 = arith.index_cast %swap3A_1949 : i32 to index
      %swap3A_1952 = arith.constant 944 : index
      %swap3A_1953 = tpu.vector_load %arg14[%swap3A_1950, %swap3A_1951, %swap3A_1952] {strides = array<i32>} : memref<1x2x1024xf32, #tpu.memory_space<vmem>>, vector<1x1x16xf32>,
      %swap3A_1954 = vector.shape_cast %swap3A_1953 : vector<1x1x16xf32> to vector<16xf32>
      %swap3A_1955 = vector.shape_cast %add3A_1947 : vector<16xf32> to vector<1x1x16xf32>
      tpu.vector_store %arg14[%swap3A_1950, %swap3A_1951, %swap3A_1952], %swap3A_1955 {strides = array<i32>} : memref<1x2x1024xf32, #tpu.memory_space<vmem>>, vector<1x1x16xf32>,
      %swap3A_1956 = arith.constant 0 : i32
      %swap3A_1957 = arith.constant 1 : i32
      %swap3A_1958 = arith.index_cast %swap3A_1956 : i32 to index
      %swap3A_1959 = arith.index_cast %swap3A_1957 : i32 to index
      %swap3A_1960 = arith.constant 944 : index
      %swap3A_1961 = tpu.vector_load %arg14[%swap3A_1958, %swap3A_1959, %swap3A_1960] {strides = array<i32>} : memref<1x2x1024xf32, #tpu.memory_space<vmem>>, vector<1x1x16xf32>,
      %swap3A_1962 = vector.shape_cast %swap3A_1961 : vector<1x1x16xf32> to vector<16xf32>
      %swap3A_1963 = vector.shape_cast %add3A_1947 : vector<16xf32> to vector<1x1x16xf32>
      tpu.vector_store %arg14[%swap3A_1958, %swap3A_1959, %swap3A_1960], %swap3A_1963 {strides = array<i32>} : memref<1x2x1024xf32, #tpu.memory_space<vmem>>, vector<1x1x16xf32>,
      %get3A_1964 = arith.constant 0 : i32
      %get3A_1965 = arith.index_cast %get3A_1964 : i32 to index
      %get3A_1966 = arith.constant 960 : index
      %get3A_1967 = tpu.vector_load %arg12[%get3A_1965, %get3A_1966] {strides = array<i32>} : memref<8x1024xf32, #tpu.memory_space<vmem>>, vector<1x16xf32>,
      %get3A_1968 = vector.shape_cast %get3A_1967 : vector<1x16xf32> to vector<16xf32>
      %get3A_1969 = arith.constant 0 : i32
      %get3A_1970 = arith.index_cast %get3A_1969 : i32 to index
      %get3A_1971 = arith.constant 960 : index
      %get3A_1972 = tpu.vector_load %arg13[%get3A_1970, %get3A_1971] {strides = array<i32>} : memref<8x1024xf32, #tpu.memory_space<vmem>>, vector<1x16xf32>,
      %get3A_1973 = vector.shape_cast %get3A_1972 : vector<1x16xf32> to vector<16xf32>
      %add3A_1974 = arith.addf %get3A_1968, %get3A_1973 : vector<16xf32>
      %swap3A_1975 = arith.constant 0 : i32
      %swap3A_1976 = arith.constant 0 : i32
      %swap3A_1977 = arith.index_cast %swap3A_1975 : i32 to index
      %swap3A_1978 = arith.index_cast %swap3A_1976 : i32 to index
      %swap3A_1979 = arith.constant 960 : index
      %swap3A_1980 = tpu.vector_load %arg14[%swap3A_1977, %swap3A_1978, %swap3A_1979] {strides = array<i32>} : memref<1x2x1024xf32, #tpu.memory_space<vmem>>, vector<1x1x16xf32>,
      %swap3A_1981 = vector.shape_cast %swap3A_1980 : vector<1x1x16xf32> to vector<16xf32>
      %swap3A_1982 = vector.shape_cast %add3A_1974 : vector<16xf32> to vector<1x1x16xf32>
      tpu.vector_store %arg14[%swap3A_1977, %swap3A_1978, %swap3A_1979], %swap3A_1982 {strides = array<i32>} : memref<1x2x1024xf32, #tpu.memory_space<vmem>>, vector<1x1x16xf32>,
      %swap3A_1983 = arith.constant 0 : i32
      %swap3A_1984 = arith.constant 1 : i32
      %swap3A_1985 = arith.index_cast %swap3A_1983 : i32 to index
      %swap3A_1986 = arith.index_cast %swap3A_1984 : i32 to index
      %swap3A_1987 = arith.constant 960 : index
      %swap3A_1988 = tpu.vector_load %arg14[%swap3A_1985, %swap3A_1986, %swap3A_1987] {strides = array<i32>} : memref<1x2x1024xf32, #tpu.memory_space<vmem>>, vector<1x1x16xf32>,
      %swap3A_1989 = vector.shape_cast %swap3A_1988 : vector<1x1x16xf32> to vector<16xf32>
      %swap3A_1990 = vector.shape_cast %add3A_1974 : vector<16xf32> to vector<1x1x16xf32>
      tpu.vector_store %arg14[%swap3A_1985, %swap3A_1986, %swap3A_1987], %swap3A_1990 {strides = array<i32>} : memref<1x2x1024xf32, #tpu.memory_space<vmem>>, vector<1x1x16xf32>,
      %get3A_1991 = arith.constant 0 : i32
      %get3A_1992 = arith.index_cast %get3A_1991 : i32 to index
      %get3A_1993 = arith.constant 976 : index
      %get3A_1994 = tpu.vector_load %arg12[%get3A_1992, %get3A_1993] {strides = array<i32>} : memref<8x1024xf32, #tpu.memory_space<vmem>>, vector<1x16xf32>,
      %get3A_1995 = vector.shape_cast %get3A_1994 : vector<1x16xf32> to vector<16xf32>
      %get3A_1996 = arith.constant 0 : i32
      %get3A_1997 = arith.index_cast %get3A_1996 : i32 to index
      %get3A_1998 = arith.constant 976 : index
      %get3A_1999 = tpu.vector_load %arg13[%get3A_1997, %get3A_1998] {strides = array<i32>} : memref<8x1024xf32, #tpu.memory_space<vmem>>, vector<1x16xf32>,
      %get3A_2000 = vector.shape_cast %get3A_1999 : vector<1x16xf32> to vector<16xf32>
      %add3A_2001 = arith.addf %get3A_1995, %get3A_2000 : vector<16xf32>
      %swap3A_2002 = arith.constant 0 : i32
      %swap3A_2003 = arith.constant 0 : i32
      %swap3A_2004 = arith.index_cast %swap3A_2002 : i32 to index
      %swap3A_2005 = arith.index_cast %swap3A_2003 : i32 to index
      %swap3A_2006 = arith.constant 976 : index
      %swap3A_2007 = tpu.vector_load %arg14[%swap3A_2004, %swap3A_2005, %swap3A_2006] {strides = array<i32>} : memref<1x2x1024xf32, #tpu.memory_space<vmem>>, vector<1x1x16xf32>,
      %swap3A_2008 = vector.shape_cast %swap3A_2007 : vector<1x1x16xf32> to vector<16xf32>
      %swap3A_2009 = vector.shape_cast %add3A_2001 : vector<16xf32> to vector<1x1x16xf32>
      tpu.vector_store %arg14[%swap3A_2004, %swap3A_2005, %swap3A_2006], %swap3A_2009 {strides = array<i32>} : memref<1x2x1024xf32, #tpu.memory_space<vmem>>, vector<1x1x16xf32>,
      %swap3A_2010 = arith.constant 0 : i32
      %swap3A_2011 = arith.constant 1 : i32
      %swap3A_2012 = arith.index_cast %swap3A_2010 : i32 to index
      %swap3A_2013 = arith.index_cast %swap3A_2011 : i32 to index
      %swap3A_2014 = arith.constant 976 : index
      %swap3A_2015 = tpu.vector_load %arg14[%swap3A_2012, %swap3A_2013, %swap3A_2014] {strides = array<i32>} : memref<1x2x1024xf32, #tpu.memory_space<vmem>>, vector<1x1x16xf32>,
      %swap3A_2016 = vector.shape_cast %swap3A_2015 : vector<1x1x16xf32> to vector<16xf32>
      %swap3A_2017 = vector.shape_cast %add3A_2001 : vector<16xf32> to vector<1x1x16xf32>
      tpu.vector_store %arg14[%swap3A_2012, %swap3A_2013, %swap3A_2014], %swap3A_2017 {strides = array<i32>} : memref<1x2x1024xf32, #tpu.memory_space<vmem>>, vector<1x1x16xf32>,
      %get3A_2018 = arith.constant 0 : i32
      %get3A_2019 = arith.index_cast %get3A_2018 : i32 to index
      %get3A_2020 = arith.constant 992 : index
      %get3A_2021 = tpu.vector_load %arg12[%get3A_2019, %get3A_2020] {strides = array<i32>} : memref<8x1024xf32, #tpu.memory_space<vmem>>, vector<1x16xf32>,
      %get3A_2022 = vector.shape_cast %get3A_2021 : vector<1x16xf32> to vector<16xf32>
      %get3A_2023 = arith.constant 0 : i32
      %get3A_2024 = arith.index_cast %get3A_2023 : i32 to index
      %get3A_2025 = arith.constant 992 : index
      %get3A_2026 = tpu.vector_load %arg13[%get3A_2024, %get3A_2025] {strides = array<i32>} : memref<8x1024xf32, #tpu.memory_space<vmem>>, vector<1x16xf32>,
      %get3A_2027 = vector.shape_cast %get3A_2026 : vector<1x16xf32> to vector<16xf32>
      %add3A_2028 = arith.addf %get3A_2022, %get3A_2027 : vector<16xf32>
      %swap3A_2029 = arith.constant 0 : i32
      %swap3A_2030 = arith.constant 0 : i32
      %swap3A_2031 = arith.index_cast %swap3A_2029 : i32 to index
      %swap3A_2032 = arith.index_cast %swap3A_2030 : i32 to index
      %swap3A_2033 = arith.constant 992 : index
      %swap3A_2034 = tpu.vector_load %arg14[%swap3A_2031, %swap3A_2032, %swap3A_2033] {strides = array<i32>} : memref<1x2x1024xf32, #tpu.memory_space<vmem>>, vector<1x1x16xf32>,
      %swap3A_2035 = vector.shape_cast %swap3A_2034 : vector<1x1x16xf32> to vector<16xf32>
      %swap3A_2036 = vector.shape_cast %add3A_2028 : vector<16xf32> to vector<1x1x16xf32>
      tpu.vector_store %arg14[%swap3A_2031, %swap3A_2032, %swap3A_2033], %swap3A_2036 {strides = array<i32>} : memref<1x2x1024xf32, #tpu.memory_space<vmem>>, vector<1x1x16xf32>,
      %swap3A_2037 = arith.constant 0 : i32
      %swap3A_2038 = arith.constant 1 : i32
      %swap3A_2039 = arith.index_cast %swap3A_2037 : i32 to index
      %swap3A_2040 = arith.index_cast %swap3A_2038 : i32 to index
      %swap3A_2041 = arith.constant 992 : index
      %swap3A_2042 = tpu.vector_load %arg14[%swap3A_2039, %swap3A_2040, %swap3A_2041] {strides = array<i32>} : memref<1x2x1024xf32, #tpu.memory_space<vmem>>, vector<1x1x16xf32>,
      %swap3A_2043 = vector.shape_cast %swap3A_2042 : vector<1x1x16xf32> to vector<16xf32>
      %swap3A_2044 = vector.shape_cast %add3A_2028 : vector<16xf32> to vector<1x1x16xf32>
      tpu.vector_store %arg14[%swap3A_2039, %swap3A_2040, %swap3A_2041], %swap3A_2044 {strides = array<i32>} : memref<1x2x1024xf32, #tpu.memory_space<vmem>>, vector<1x1x16xf32>,
      %get3A_2045 = arith.constant 0 : i32
      %get3A_2046 = arith.index_cast %get3A_2045 : i32 to index
      %get3A_2047 = arith.constant 1008 : index
      %get3A_2048 = tpu.vector_load %arg12[%get3A_2046, %get3A_2047] {strides = array<i32>} : memref<8x1024xf32, #tpu.memory_space<vmem>>, vector<1x16xf32>,
      %get3A_2049 = vector.shape_cast %get3A_2048 : vector<1x16xf32> to vector<16xf32>
      %get3A_2050 = arith.constant 0 : i32
      %get3A_2051 = arith.index_cast %get3A_2050 : i32 to index
      %get3A_2052 = arith.constant 1008 : index
      %get3A_2053 = tpu.vector_load %arg13[%get3A_2051, %get3A_2052] {strides = array<i32>} : memref<8x1024xf32, #tpu.memory_space<vmem>>, vector<1x16xf32>,
      %get3A_2054 = vector.shape_cast %get3A_2053 : vector<1x16xf32> to vector<16xf32>
      %add3A_2055 = arith.addf %get3A_2049, %get3A_2054 : vector<16xf32>
      %swap3A_2056 = arith.constant 0 : i32
      %swap3A_2057 = arith.constant 0 : i32
      %swap3A_2058 = arith.index_cast %swap3A_2056 : i32 to index
      %swap3A_2059 = arith.index_cast %swap3A_2057 : i32 to index
      %swap3A_2060 = arith.constant 1008 : index
      %swap3A_2061 = tpu.vector_load %arg14[%swap3A_2058, %swap3A_2059, %swap3A_2060] {strides = array<i32>} : memref<1x2x1024xf32, #tpu.memory_space<vmem>>, vector<1x1x16xf32>,
      %swap3A_2062 = vector.shape_cast %swap3A_2061 : vector<1x1x16xf32> to vector<16xf32>
      %swap3A_2063 = vector.shape_cast %add3A_2055 : vector<16xf32> to vector<1x1x16xf32>
      tpu.vector_store %arg14[%swap3A_2058, %swap3A_2059, %swap3A_2060], %swap3A_2063 {strides = array<i32>} : memref<1x2x1024xf32, #tpu.memory_space<vmem>>, vector<1x1x16xf32>,
      %swap3A_2064 = arith.constant 0 : i32
      %swap3A_2065 = arith.constant 1 : i32
      %swap3A_2066 = arith.index_cast %swap3A_2064 : i32 to index
      %swap3A_2067 = arith.index_cast %swap3A_2065 : i32 to index
      %swap3A_2068 = arith.constant 1008 : index
      %swap3A_2069 = tpu.vector_load %arg14[%swap3A_2066, %swap3A_2067, %swap3A_2068] {strides = array<i32>} : memref<1x2x1024xf32, #tpu.memory_space<vmem>>, vector<1x1x16xf32>,
      %swap3A_2070 = vector.shape_cast %swap3A_2069 : vector<1x1x16xf32> to vector<16xf32>
      %swap3A_2071 = vector.shape_cast %add3A_2055 : vector<16xf32> to vector<1x1x16xf32>
      tpu.vector_store %arg14[%swap3A_2066, %swap3A_2067, %swap3A_2068], %swap3A_2071 {strides = array<i32>} : memref<1x2x1024xf32, #tpu.memory_space<vmem>>, vector<1x1x16xf32>,
      %dma_start3A_2072 = arith.constant 2048 : i32
      %dma_start3A_2073 = arith.constant 0 : i32
      %dma_start3A_2074 = arith.constant 0 : i32
      %dma_start3A_2075 = tpu.memref_slice %arg7[%dma_start3A_2072, %dma_start3A_2073, %dma_start3A_2074] : memref<2049x2x1024xf32, #tpu.memory_space<hbm>> -> memref<1x2x1024xf32, #tpu.memory_space<hbm>>
      %dma_start3A_2076 = arith.constant 2048 : i32
      %dma_start3A_2077 = arith.constant 0 : i32
      %dma_start3A_2078 = arith.constant 0 : i32
      %dma_start3A_2079 = tpu.memref_slice %arg7[%dma_start3A_2076, %dma_start3A_2077, %dma_start3A_2078] : memref<2049x2x1024xf32, #tpu.memory_space<hbm>> -> memref<1x2x1024xf32, #tpu.memory_space<hbm>>
      tpu.enqueue_dma source(%arg14 : memref<1x2x1024xf32, #tpu.memory_space<vmem>>) target(%dma_start3A_2079 : memref<1x2x1024xf32, #tpu.memory_space<hbm>>) target_semaphore(%arg19 : memref<!tpu.dma_semaphore, #tpu.memory_space<semaphore_mem>>)
    } else {
    }
    %dma_wait3A_287 = arith.constant 0 : i32
    %dma_wait3A_288 = arith.constant 0 : i32
    %dma_wait3A_289 = tpu.memref_slice %arg7[%add3A_24, %dma_wait3A_287, %dma_wait3A_288] : memref<2049x2x1024xf32, #tpu.memory_space<hbm>> -> memref<16x2x1024xf32, #tpu.memory_space<hbm>>
    %dma_wait3A_290 = arith.constant 0 : i32
    %dma_wait3A_291 = arith.constant 0 : i32
    %dma_wait3A_292 = tpu.memref_slice %arg7[%add3A_24, %dma_wait3A_290, %dma_wait3A_291] : memref<2049x2x1024xf32, #tpu.memory_space<hbm>> -> memref<16x2x1024xf32, #tpu.memory_space<hbm>>
    tpu.wait_dma2 semaphore(%arg17 : memref<!tpu.dma_semaphore, #tpu.memory_space<semaphore_mem>>) src(%arg8 : memref<16x2x1024xf32, #tpu.memory_space<vmem>>) dst(%dma_wait3A_292 : memref<16x2x1024xf32, #tpu.memory_space<hbm>>)
    %dma_wait3A_293 = arith.constant 0 : i32
    %dma_wait3A_294 = arith.constant 0 : i32
    %dma_wait3A_295 = arith.constant 0 : i32
    %dma_wait3A_296 = arith.constant 0 : i32
    %dma_wait3A_297 = tpu.memref_slice %arg9[%dma_wait3A_295, %dma_wait3A_294, %dma_wait3A_296] : memref<16x2x1024xf32, #tpu.memory_space<vmem>> -> memref<16x1x1024xf32, #tpu.memory_space<vmem>>
    %dma_wait3A_298 = tpu.memref_squeeze %dma_wait3A_297 : memref<16x1x1024xf32, #tpu.memory_space<vmem>> -> memref<16x1024xf32, #tpu.memory_space<vmem>>
    %dma_wait3A_299 = arith.constant 0 : i32
    %dma_wait3A_300 = tpu.memref_slice %arg3[%dma_wait3A_293, %add3A_16, %dma_wait3A_299] : memref<2x2048x1024xf32, #tpu.memory_space<hbm>> -> memref<1x16x1024xf32, #tpu.memory_space<hbm>>
    %dma_wait3A_301 = tpu.memref_squeeze %dma_wait3A_300 : memref<1x16x1024xf32, #tpu.memory_space<hbm>> -> memref<16x1024xf32, #tpu.memory_space<hbm>>
    %dma_wait3A_302 = arith.constant 0 : i32
    %dma_wait3A_303 = arith.constant 0 : i32
    %dma_wait3A_304 = tpu.memref_slice %arg9[%dma_wait3A_302, %dma_wait3A_294, %dma_wait3A_303] : memref<16x2x1024xf32, #tpu.memory_space<vmem>> -> memref<16x1x1024xf32, #tpu.memory_space<vmem>>
    %dma_wait3A_305 = tpu.memref_squeeze %dma_wait3A_304 : memref<16x1x1024xf32, #tpu.memory_space<vmem>> -> memref<16x1024xf32, #tpu.memory_space<vmem>>
    %dma_wait3A_306 = arith.constant 0 : i32
    %dma_wait3A_307 = tpu.memref_slice %arg3[%dma_wait3A_293, %add3A_16, %dma_wait3A_306] : memref<2x2048x1024xf32, #tpu.memory_space<hbm>> -> memref<1x16x1024xf32, #tpu.memory_space<hbm>>
    %dma_wait3A_308 = tpu.memref_squeeze %dma_wait3A_307 : memref<1x16x1024xf32, #tpu.memory_space<hbm>> -> memref<16x1024xf32, #tpu.memory_space<hbm>>
    tpu.wait_dma2 semaphore(%arg16 : memref<!tpu.dma_semaphore, #tpu.memory_space<semaphore_mem>>) src(%dma_wait3A_308 : memref<16x1024xf32, #tpu.memory_space<hbm>>) dst(%dma_wait3A_305 : memref<16x1024xf32, #tpu.memory_space<vmem>>)
    %dma_wait3A_309 = arith.constant 1 : i32
    %dma_wait3A_310 = arith.constant 1 : i32
    %dma_wait3A_311 = arith.constant 0 : i32
    %dma_wait3A_312 = arith.constant 0 : i32
    %dma_wait3A_313 = tpu.memref_slice %arg9[%dma_wait3A_311, %dma_wait3A_310, %dma_wait3A_312] : memref<16x2x1024xf32, #tpu.memory_space<vmem>> -> memref<16x1x1024xf32, #tpu.memory_space<vmem>>
    %dma_wait3A_314 = tpu.memref_squeeze %dma_wait3A_313 : memref<16x1x1024xf32, #tpu.memory_space<vmem>> -> memref<16x1024xf32, #tpu.memory_space<vmem>>
    %dma_wait3A_315 = arith.constant 0 : i32
    %dma_wait3A_316 = tpu.memref_slice %arg3[%dma_wait3A_309, %add3A_18, %dma_wait3A_315] : memref<2x2048x1024xf32, #tpu.memory_space<hbm>> -> memref<1x16x1024xf32, #tpu.memory_space<hbm>>
    %dma_wait3A_317 = tpu.memref_squeeze %dma_wait3A_316 : memref<1x16x1024xf32, #tpu.memory_space<hbm>> -> memref<16x1024xf32, #tpu.memory_space<hbm>>
    %dma_wait3A_318 = arith.constant 0 : i32
    %dma_wait3A_319 = arith.constant 0 : i32
    %dma_wait3A_320 = tpu.memref_slice %arg9[%dma_wait3A_318, %dma_wait3A_310, %dma_wait3A_319] : memref<16x2x1024xf32, #tpu.memory_space<vmem>> -> memref<16x1x1024xf32, #tpu.memory_space<vmem>>
    %dma_wait3A_321 = tpu.memref_squeeze %dma_wait3A_320 : memref<16x1x1024xf32, #tpu.memory_space<vmem>> -> memref<16x1024xf32, #tpu.memory_space<vmem>>
    %dma_wait3A_322 = arith.constant 0 : i32
    %dma_wait3A_323 = tpu.memref_slice %arg3[%dma_wait3A_309, %add3A_18, %dma_wait3A_322] : memref<2x2048x1024xf32, #tpu.memory_space<hbm>> -> memref<1x16x1024xf32, #tpu.memory_space<hbm>>
    %dma_wait3A_324 = tpu.memref_squeeze %dma_wait3A_323 : memref<1x16x1024xf32, #tpu.memory_space<hbm>> -> memref<16x1024xf32, #tpu.memory_space<hbm>>
    tpu.wait_dma2 semaphore(%arg16 : memref<!tpu.dma_semaphore, #tpu.memory_space<semaphore_mem>>) src(%dma_wait3A_324 : memref<16x1024xf32, #tpu.memory_space<hbm>>) dst(%dma_wait3A_321 : memref<16x1024xf32, #tpu.memory_space<vmem>>)
    %dma_start3A_325 = arith.constant 0 : i32
    %dma_start3A_326 = arith.constant 0 : i32
    %dma_start3A_327 = tpu.memref_slice %arg7[%add3A_26, %dma_start3A_325, %dma_start3A_326] : memref<2049x2x1024xf32, #tpu.memory_space<hbm>> -> memref<16x2x1024xf32, #tpu.memory_space<hbm>>
    %dma_start3A_328 = arith.constant 0 : i32
    %dma_start3A_329 = arith.constant 0 : i32
    %dma_start3A_330 = tpu.memref_slice %arg7[%add3A_26, %dma_start3A_328, %dma_start3A_329] : memref<2049x2x1024xf32, #tpu.memory_space<hbm>> -> memref<16x2x1024xf32, #tpu.memory_space<hbm>>
    tpu.enqueue_dma source(%arg9 : memref<16x2x1024xf32, #tpu.memory_space<vmem>>) target(%dma_start3A_330 : memref<16x2x1024xf32, #tpu.memory_space<hbm>>) target_semaphore(%arg18 : memref<!tpu.dma_semaphore, #tpu.memory_space<semaphore_mem>>)
    %dma_wait3A_331 = arith.constant 0 : i32
    %dma_wait3A_332 = arith.constant 0 : i32
    %dma_wait3A_333 = tpu.memref_slice %arg7[%add3A_26, %dma_wait3A_331, %dma_wait3A_332] : memref<2049x2x1024xf32, #tpu.memory_space<hbm>> -> memref<16x2x1024xf32, #tpu.memory_space<hbm>>
    %dma_wait3A_334 = arith.constant 0 : i32
    %dma_wait3A_335 = arith.constant 0 : i32
    %dma_wait3A_336 = tpu.memref_slice %arg7[%add3A_26, %dma_wait3A_334, %dma_wait3A_335] : memref<2049x2x1024xf32, #tpu.memory_space<hbm>> -> memref<16x2x1024xf32, #tpu.memory_space<hbm>>
    tpu.wait_dma2 semaphore(%arg18 : memref<!tpu.dma_semaphore, #tpu.memory_space<semaphore_mem>>) src(%arg9 : memref<16x2x1024xf32, #tpu.memory_space<vmem>>) dst(%dma_wait3A_336 : memref<16x2x1024xf32, #tpu.memory_space<hbm>>)
    %convert_element_type3A_337 = arith.extui %eq3A_27 : i1 to i32
    %cond3A_338 = arith.constant 0 : i32
    %cond3A_339 = arith.cmpi ne, %convert_element_type3A_337, %cond3A_338 : i32
    scf.if %cond3A_339 {
      %dma_wait3A_340 = arith.constant 2048 : i32
      %dma_wait3A_341 = arith.constant 0 : i32
      %dma_wait3A_342 = arith.constant 0 : i32
      %dma_wait3A_343 = tpu.memref_slice %arg7[%dma_wait3A_340, %dma_wait3A_341, %dma_wait3A_342] : memref<2049x2x1024xf32, #tpu.memory_space<hbm>> -> memref<1x2x1024xf32, #tpu.memory_space<hbm>>
      %dma_wait3A_344 = arith.constant 2048 : i32
      %dma_wait3A_345 = arith.constant 0 : i32
      %dma_wait3A_346 = arith.constant 0 : i32
      %dma_wait3A_347 = tpu.memref_slice %arg7[%dma_wait3A_344, %dma_wait3A_345, %dma_wait3A_346] : memref<2049x2x1024xf32, #tpu.memory_space<hbm>> -> memref<1x2x1024xf32, #tpu.memory_space<hbm>>
      tpu.wait_dma2 semaphore(%arg19 : memref<!tpu.dma_semaphore, #tpu.memory_space<semaphore_mem>>) src(%arg14 : memref<1x2x1024xf32, #tpu.memory_space<vmem>>) dst(%dma_wait3A_347 : memref<1x2x1024xf32, #tpu.memory_space<hbm>>)
    } else {
    }
    return
  }
}

</mosaic_0001>

<sc_bundles>
// kernel: kernel.3.cloned.1.call-start
scs
__scs_entry_jumppad:
0x0: {  	(pc) =	sbr.rel $0x88, $3  }
0x1: {  	(tag) =	ssettag $0x0;
	lr =	simm.s32 $0x1  }
0x2: {  	[smem:$0x3F9C] =	sst lr;
	_ =	strace $0xD0000000  }
0x3: {  	_ = 	snop  }
0x4: {  	_ = 	snop  }
0x5: {  	_ = 	snop  }
0x6: {  	_ = 	snop  }
0x7: {  	_ = 	snop  }
__scs_overlays_trampoline_lowered:
0x8: {  	[smem:$0x3FAB] =	sst s0  }
0x9: {  	[smem:$0x3FAC] =	sst s1  }
0xa: {  	[smem:$0x3FAD] =	sst s2  }
0xb: {  	[smem:$0x3FAE] =	sst s3  }
0xc: {  	[smem:$0x3FAF] =	sst s4  }
0xd: {  	[smem:$0x3FB0] =	sst s5  }
0xe: {  	[smem:$0x3FB1] =	sst s6  }
0xf: {  	[smem:$0x3FB2] =	sst s7  }
0x10: {  	[smem:$0x3FB3] =	sst s8  }
0x11: {  	[smem:$0x3FB4] =	sst s9;
	s0 =	simm.s32 @!p0 $0x0  }
0x12: {  	s1 =	sld [smem:$0x3F9A];
	s0 =	simm.s32 @p0 $0x1  }
0x13: {  	[smem:$0x3FB5] =	sst s0;
	s0 =	simm.s32 @!p1 $0x0  }
0x14: {  	s2 =	sld [smem:$0x3F99];
	s0 =	simm.s32 @p1 $0x1  }
0x15: {  	[smem:$0x3FB6] =	sst s0;
	s0 =	simm.s32 @!p2 $0x0  }
0x16: {  	s3 =	sld [smem:$0x3FDB];
	s0 =	simm.s32 @p2 $0x1  }
0x17: {  	s4 =	simm.s32 $0x1BF5;
	[smem:$0x3FB8] =	sst s0  }
0x18: {  	s0 =	sld [smem:$0x3F9B];
	_ =	swait.ge [sflag:s4], $0x0  }
0x19: {  	s7 =	sld [smem:$0x3F9C]  }
0x1a: {  	s8 =	sadd.s32 $0xFFFFE003, lr  }
0x1b: {  	s9 =	sadd.s32 $0xFFFFFEF7, lr;
	s5 =	simm.s32 $0xFFFFFFFF;
	p2 =	slt.u32 s8, $0xFFFFF086  }
0x1c: {  	p1 =	slt.u32 s9, $0xF7A;
	s5 =	simm.s32 @!p2 $0x0  }
0x1d: {  	s5 =	simm.s32 @p1 $0x1;
	p0 =	seq.s32 s7, s2  }
0x1e: {  	s7 =	smul.u32 @!p0 $0xF7A, s2;
	p2 =	seq.s32 @!p0 s5, $0x0  }
0x1f: {  	s9 =	smul.u32 $0xF7A, s1;
	s8 =	simm.s32 @!p0 $0x1BF5;
	p2 =	por !p2, p0  }
0x20: {  	[sflag:s8] =	ssyncset.s32 @!p0 $0xFFFFF086;
	s6 =	sadd.s32 @!p0 s3, s7;
	s7 =	simm.s32 @!p0 $0x108  }
0x21: {  	s3 =	sadd.s32 s3, s9;
	s6 =	sadd.s32 @!p0 $0x88, s6;
	s7 =	simm.s32 @p2 $0x1082  }
0x22: {  	[simem:s7], [sflag:s8] =	dma.local @!p0 [hbm:s6], $0xF7A  }
0x23: {  	s9 =	sor.u32 $0xD0000000, s2;
	s6 =	simm.s32 $0x108;
	_ =	swait.ge @!p0 [sflag:s8], $0x0  }
0x24: {  	s3 =	sadd.s32 $0x88, s3;
	s6 =	simm.s32 @!p1 $0x1082;
	[sflag:s4] =	ssyncset.s32 $0xFFFFF086  }
0x25: {  	[simem:s6], [sflag:s4] =	dma.local [hbm:s3], $0xF7A  }
0x26: {  	[smem:$0x3F9C] =	sst s1;
	(tag) =	ssettag s2;
	_ =	strace s9  }
0x27: {  	s1 =	sld [smem:$0x3FAC]  }
0x28: {  	s2 =	sld [smem:$0x3FAD]  }
0x29: {  	s4 =	sld [smem:$0x3FAF]  }
0x2a: {  	p0 =	seq.s32 s5, $0x0;
	s5 =	sld [smem:$0x3FB0]  }
0x2b: {  	s6 =	sld [smem:$0x3FB1]  }
0x2c: {  	s7 =	sld [smem:$0x3FB2]  }
0x2d: {  	s3 =	simm.s32 $0x108;
	s8 =	sld [smem:$0x3FB3]  }
0x2e: {  	s3 =	simm.s32 @!p0 $0x1082;
	s9 =	sld [smem:$0x3FB4]  }
0x2f: {  	lr =	sadd.s32 s0, s3;
	s0 =	sld [smem:$0x3FAB]  }
0x30: {  	s3 =	sld [smem:$0x3FAE]  }
0x31: {  	[smem:$0x3FB7] =	sst s10  }
0x32: {  	s10 =	sld [smem:$0x3FB5];
	_ =	sdelay $0x3  }
0x33: {  	p0 =	seq.s32 s10, $0x1;
	s10 =	sld [smem:$0x3FB7];
	_ =	sdelay $0x3  }
0x34: {  	[smem:$0x3FB7] =	sst s10  }
0x35: {  	s10 =	sld [smem:$0x3FB6];
	_ =	sdelay $0x3  }
0x36: {  	p1 =	seq.s32 s10, $0x1;
	s10 =	sld [smem:$0x3FB7];
	_ =	sdelay $0x3  }
0x37: {  	[smem:$0x3FB7] =	sst s10  }
0x38: {  	s10 =	sld [smem:$0x3FB8]  }
0x39: {  	_ = 	snop;
	(pc) =	sbr.ind lr, $3  }
0x3a: {  	_ = 	snop  }
0x3b: {  	_ = 	snop  }
0x3c: {  	p2 =	seq.s32 s10, $0x1;
	s10 =	sld [smem:$0x3FB7]  }
0x3d: {  	_ =	shalt  }
0x3e: {  	_ =	shalt  }
0x3f: {  	_ =	shalt  }
0x40: {  	_ =	shalt  }
0x41: {  	_ =	shalt  }
0x42: {  	_ =	shalt  }
0x43: {  	_ =	shalt  }
0x44: {  	_ =	shalt  }
0x45: {  	_ =	shalt  }
0x46: {  	_ =	shalt  }
0x47: {  	_ =	shalt  }
0x48: {  	_ =	shalt  }
0x49: {  	_ =	shalt  }
0x4a: {  	_ =	shalt  }
0x4b: {  	_ =	shalt  }
0x4c: {  	_ =	shalt  }
0x4d: {  	_ =	shalt  }
0x4e: {  	_ =	shalt  }
0x4f: {  	_ =	shalt  }
0x50: {  	_ =	shalt  }
0x51: {  	_ =	shalt  }
0x52: {  	_ =	shalt  }
0x53: {  	_ =	shalt  }
0x54: {  	_ =	shalt  }
0x55: {  	_ =	shalt  }
0x56: {  	_ =	shalt  }
0x57: {  	_ =	shalt  }
0x58: {  	_ =	shalt  }
0x59: {  	_ =	shalt  }
0x5a: {  	_ =	shalt  }
0x5b: {  	_ =	shalt  }
0x5c: {  	_ =	shalt  }
0x5d: {  	_ =	shalt  }
0x5e: {  	_ =	shalt  }
0x5f: {  	_ =	shalt  }
0x60: {  	_ =	shalt  }
0x61: {  	_ =	shalt  }
0x62: {  	_ =	shalt  }
0x63: {  	_ =	shalt  }
0x64: {  	_ =	shalt  }
0x65: {  	_ =	shalt  }
0x66: {  	_ =	shalt  }
0x67: {  	_ =	shalt  }
0x68: {  	_ =	shalt  }
0x69: {  	_ =	shalt  }
0x6a: {  	_ =	shalt  }
0x6b: {  	_ =	shalt  }
0x6c: {  	_ =	shalt  }
0x6d: {  	_ =	shalt  }
0x6e: {  	_ =	shalt  }
0x6f: {  	_ =	shalt  }
0x70: {  	_ =	shalt  }
0x71: {  	_ =	shalt  }
0x72: {  	_ =	shalt  }
0x73: {  	_ =	shalt  }
0x74: {  	_ =	shalt  }
0x75: {  	_ =	shalt  }
0x76: {  	_ =	shalt  }
0x77: {  	_ =	shalt  }
0x78: {  	_ =	shalt  }
0x79: {  	_ =	shalt  }
0x7a: {  	_ =	shalt  }
0x7b: {  	_ =	shalt  }
0x7c: {  	_ =	shalt  }
0x7d: {  	_ =	shalt  }
0x7e: {  	_ =	shalt  }
0x7f: {  	_ =	shalt  }
0x80: {  	_ =	shalt  }
0x81: {  	_ =	shalt  }
0x82: {  	_ =	shalt  }
0x83: {  	_ =	shalt  }
0x84: {  	_ =	shalt  }
0x85: {  	_ =	shalt  }
0x86: {  	_ =	shalt  }
0x87: {  	_ =	shalt  }
.Lfunc_end0:
.L_simem_size_0:
called_computation_lowered:
.L_overlay_start_0:
0x88: {  	s2 =	sld [smem:$0x3FD9]  }
0x89: {  	s3 =	sld [smem:$0x3FFE];
	_ =	sdelay $0x1  }
0x8a: {  	s1 =	srdreg.scid  }
0x8b: {  	s0 =	sand.u32 $0x1, s1  }
0x8c: {  	s17 =	sshll.u32 s0, $0xA;
	s2 =	sadd.s32 s3, s2  }
0x8d: {  	s2 =	sadd.s32 s2, s17  }
0x8e: {  	[smem:$0x3FC3] =	sst s2  }
0x8f: {  	_ = 	snop  }
0x90: {  	s2 =	sld [smem:$0x3FC8]  }
0x91: {  	s18 =	sld [smem:$0x3FC6]  }
0x92: {  	s4 =	sld [smem:$0x3FC5]  }
0x93: {  	s5 =	sld [smem:$0x3FD0];
	(tm) =	ssettm $0x1  }
0x94: {  	s6 =	sld [smem:$0x3FFB];
	_ =	sdelay $0x3  }
0x95: {  	_ =	strace s6  }
0x96: {  	s6 =	sld [smem:$0x3FFC];
	_ =	sdelay $0x3  }
0x97: {  	_ =	strace s6  }
0x98: {  	s6 =	sld [smem:$0x3FFD];
	_ =	sdelay $0x3  }
0x99: {  	_ =	strace s6  }
0x9a: {  	_ =	strace $0x8FFFFFFF  }
0x9b: {  	s19 =	sld [smem:$0x3FDB];
	_ =	sdelay $0x1  }
0x9c: {  	s7 =	simm.s32 $_scs_section_size  }
0x9d: {  	s8 =	simm.s32 $_size__tile_overlayer_lowered;
	s9 =	simm.s32 $_tile_overlayer_lowered  }
0x9e: {  	s22 =	simm.s32 $0x1BFF;
	s21 =	sshll.u32 s9, $0x1;
	s6 =	sadd.s32 s7, s19  }
0x9f: {  	s10 =	simm.s32 $0x0;
	s20 =	sshll.u32 s8, $0x1;
	s8 =	sadd.s32 s21, s6  }
0xa0: {  	[timem:s10], [sflag:s22] =	dma.local [hbm:s8], s20  }
0xa1: {  	_ =	swait.ge [sflag:s22], s20  }
0xa2: {  	s7 =	ssub.s32 $0x0, s20;
	[sflag:s22] =	ssyncset.done $0x0  }
0xa3: {  	[sflag:s22] =	ssyncadd.s32 s7;
	_ =	sdelay $0x1  }
0xa4: {  	s23 =	simm.s32 $0x1B8B  }
0xa5: {  	_ =	swait.ge [sflag:s23], $0x1  }
0xa6: {  	[sflag:s23] =	ssyncset.done $0x0  }
0xa7: {  	s25 =	simm.s32 $0x1B8E;
	s24 =	sld [smem:$0x3FFE];
	[sflag:s23] =	ssyncadd.s32 $0xFFFFFFFF  }
0xa8: {  	s26 =	simm.s32 $execute0_lowered;
	[smem:$0x3FD2] =	sst s25  }
0xa9: {  	s8 =	sshll.u32 s26, $0x1;
	_ =	strace $0x80000046;
	[dreg:$0x1] =	wrdreg $0xFFFFFFFF  }
0xaa: {  	s28 =	simm.s32 $_size_execute0_lowered;
	s6 =	sadd.s32 s6, s8;
	[dreg:$0x0] =	wrdreg $0x0  }
0xab: {  	s8 =	sshll.u32 s28, $0x1;
	[dreg:$0x2] =	wrdreg s6  }
0xac: {  	[dreg:$0x3] =	wrdreg s8  }
0xad: {  	[dreg:$0x4] =	wrdreg $0xC0  }
0xae: {  	_ =	task [dreg:s10], $0x5FFFF  }
0xaf: {  	[dreg:$0x1] =	wrdreg $0xFFFFFFFF  }
0xb0: {  	[dreg:$0x0] =	wrdreg $0x60  }
0xb1: {  	[dreg:$0x2] =	wrdreg s24  }
0xb2: {  	[dreg:$0x3] =	wrdreg s2  }
0xb3: {  	[dreg:$0x4] =	wrdreg s18  }
0xb4: {  	[dreg:$0x5] =	wrdreg s4  }
0xb5: {  	[dreg:$0x6] =	wrdreg s5  }
0xb6: {  	[dreg:$0x7] =	wrdreg $0x9  }
0xb7: {  	_ =	task.clear_ibuf [dreg:s10], $0x8FFFF;
	_ =	strace $0x90000046  }
0xb8: {  	s29 =	simm.s32 $0x9;
	_ =	strace $0x80000048  }
0xb9: {  	_ =	swait.ge [sflag:s29], $0x1  }
0xba: {  	[sflag:s29] =	ssyncadd.s32 $0xFFFFFFFF  }
0xbb: {  	_ =	strace $0x90000048  }
0xbc: {  	_ =	sfence  }
0xbd: {  	s30 =	sld [smem:$0x0];
	_ =	sdelay $0x2  }
0xbe: {  	s31 =	sshll.u32 s1, $0xD;
	s1 =	sshrl.u32 s1, $0x2  }
0xbf: {  	s3 =	sand.u32 $0x4000, s31;
	s1 =	sadd.s32 s1, s30  }
0xc0: {  	s0 =	sor.u32 s3, s0;
	s1 =	sshll.u32 s1, $0x11  }
0xc1: {  	s0 =	sor.u32 s1, s0  }
0xc2: {  	s0 =	sadd.s32 $0x8F2B, s0  }
0xc3: {  	[sflag:s0] =	ssyncadd.remote.s32 $0x1  }
0xc4: {  	_ =	sfence.sel $0xFFFF  }
0xc5: {  	[dreg:$0x0] =	wrdreg $0xFFFFFFFF;
	(pc) =	sbr.abs _section_cstart, $3  }
0xc6: {  	[dreg:$0x1] =	wrdreg $0xFFFFFFFF  }
0xc7: {  	_ =	task.clear_ibuf [dreg:s10], $0x2FFFF;
	_ =	strace $0x9FFFFFFF  }
0xc8: {  	(tm) =	ssettm $0x7FFFFFFF  }
0xc9: {  	_ =	shalt  }
tec
execute0_lowered:
.L_overlay_start_1:
0x0: {  	(tag) =	ssettag $0x1  }
0x1: {  	s0 =	rddreg [dreg:$0x0]  }
0x2: {  	s1 =	rddreg [dreg:$0x1]  }
0x3: {  	s13 =	rddreg [dreg:$0x2]  }
0x4: {  	s24 =	rddreg [dreg:$0x3]  }
0x5: {  	s2 =	rddreg [dreg:$0x4]  }
0x6: {  	s4 =	simm.s32 $0x0;
	s3 =	srdreg.scid;
	s6 =	stileid.u32  }
0x7: {  	s29 =	simm.s32 $0x3;
	s30 =	simm.s32 $0x2;
	[smem:$0x7FF] =	sst s4  }
0x8: {  	s3 =	sand.u32 $0x1, s3;
	s6 =	sshll.u32 s6, $0x1;
	s7 =	sadd.s32 $0x600, s0  }
0x9: {  	s0 =	sadd.s32 $0x800, s0;
	_ =	strace $0x80000047;
	[dreg:$0x6] =	wrdreg s7  }
0xa: {  	s18 =	sadd.s32 $0x40000, s1;
	s14 =	sadd.s32 $0x100, s13;
	[dreg:$0x7] =	wrdreg s0  }
0xb: {  	s23 =	sadd.s32 $0x200, s13;
	s31 =	sadd.s32 $0x80000, s2;
	[dreg:$0x8] =	wrdreg s14  }
0xc: {  	s5 =	ssub.s32 $0x2, s3;
	s3 =	sor.u32 s3, s6;
	[dreg:$0x9] =	wrdreg s23  }
0xd: {  	s14 =	sadd.s32 $0x300, s13;
	[dreg:$0xa] =	wrdreg s31;
	s20 =	sshrl.u32 s5, $0x1  }
0xe: {  	s21 =	sshll.u32 s3, $0x6;
	s8 =	sshll.u32 s3, $0xD;
	s11 =	sshll.u32 s3, $0xE  }
0xf: {  	p0 =	sne.s32 s3, $0x1F;
	s3 =	simm.s32 $0x1;
	s0 =	ssub.s32 s5, s20  }
0x10: {  	s22 =	sor.u32 $0x10, s21;
	s12 =	sor.u32 $0x20, s21;
	s5 =	sor.u32 $0x30, s21  }
0x11: {  	s7 =	sadd.s32 s1, s8;
	s8 =	sadd.s32 s8, s18;
	s11 =	sadd.s32 s2, s11  }
0x12: {  	s20 =	sadd.s32 $0x200, s24;
	s10 =	sshll.u32 s22, $0x7;
	s16 =	sshll.u32 s12, $0x7  }
0x13: {  	s19 =	sshll.u32 s5, $0x7;
	s25 =	sshll.u32 s22, $0x8;
	s26 =	sshll.u32 s12, $0x8  }
0x14: {  	s5 =	sshll.u32 s5, $0x8;
	s28 =	sadd.s32 $0x400, s7;
	s9 =	sadd.s32 s1, s10  }
.Ltmp0:
0x15: {  	s10 =	sadd.s32 s10, s18;
	s15 =	sadd.s32 s1, s16;
	(pc) =	sbr.rel .LBB2_1-.Ltmp0, $4  }
0x16: {  	s16 =	sadd.s32 s16, s18;
	s17 =	sadd.s32 s1, s19;
	s18 =	sadd.s32 s19, s18  }
0x17: {  	s19 =	sadd.s32 $0x100, s24;
	s21 =	sadd.s32 s2, s25;
	s22 =	sadd.s32 s2, s26  }
0x18: {  	s23 =	sadd.s32 s2, s5;
	s25 =	smax.u32 s0, $0x1;
	s26 =	sadd.s32 $0x300, s24  }
0x19: {  	vm0 =	vmmov @!p0 $0xffff;
	s0 =	simm.s32 $0x4;
	s24 =	simm.s32 $0x5;
	s1 =	simm.s32 $0x0  }
.LBB2_35:
0x1a: {  	_ =	swait.ge [sflag:s29], $0x8000  }
0x1b: {  	[sflag:s29] =	ssyncset.done $0x0  }
0x1c: {  	[sflag:s29] =	ssyncadd.s32 $0xFFFF8000  }
0x1d: {  	_ =	swait.ge [sflag:s30], $0x4000  }
0x1e: {  	[sflag:s30] =	ssyncset.done $0x0  }
0x1f: {  	[sflag:s30] =	ssyncadd.s32 $0xFFFFC000  }
0x20: {  	_ =	swait.ge [sflag:s30], $0x4000  }
0x21: {  	[sflag:s30] =	ssyncset.done $0x0  }
0x22: {  	s2 =	simm.s32 $0x8000;
	s1 =	sadd.s32 $0x1, s1;
	[sflag:s30] =	ssyncadd.s32 $0xFFFFC000  }
0x23: {  	[hbm4b:s23+s4] =	stream.linear.scatter [tilespmem:s2], [sflag:$0x4], $0x8000, $0x38;
	[tilespmem:$0x14900] =	vst v63  }
0x24: {  	p1 =	sne.s32 s1, s25;
	_ =	swait.ge [sflag:s0], $0x8000  }
.Ltmp1:
0x25: {  	[sflag:s0] =	ssyncset.done $0x0;
	(pc) =	sbr.rel @!p1 .LBB2_36-.Ltmp1, $4  }
0x26: {  	s2 =	simm.s32 @!p0 $0x5;
	[sflag:s0] =	ssyncadd.s32 $0xFFFF8000  }
0x27: {  	_ =	swait.ge @!p0 [sflag:s2], $0x800  }
0x28: {  	[sflag:s2] =	ssyncset.done @!p0 $0x0  }
0x29: {  	[sflag:s2] =	ssyncadd.s32 @!p0 $0xFFFFF800  }
.LBB2_1:
0x2a: {  	s2 =	simm.s32 $0x0  }
0x2b: {  	[tilespmem:s2], [sflag:$0x1] =	stream.linear.gather [hbm4b:s7+s4], $0x80, $0x38;
	[tilespmem:$0x14900] =	vst v63  }
0x2c: {  	s12 =	sadd.s32 $0x10, s7;
	s5 =	simm.s32 $0x800  }
0x2d: {  	[tilespmem:s5], [sflag:$0x1] =	stream.linear.gather [hbm4b:s12+s4], $0x80, $0x38;
	[tilespmem:$0x14900] =	vst v63  }
0x2e: {  	s13 =	sadd.s32 $0x20, s7;
	s31 =	simm.s32 $0x1000  }
0x2f: {  	[tilespmem:s31], [sflag:$0x1] =	stream.linear.gather [hbm4b:s13+s4], $0x80, $0x38;
	[tilespmem:$0x14900] =	vst v63  }
0x30: {  	s6 =	sadd.s32 $0x30, s7;
	s2 =	simm.s32 $0x400;
	s12 =	simm.s32 $0x1800  }
0x31: {  	[tilespmem:s12], [sflag:$0x1] =	stream.linear.gather [hbm4b:s6+s4], $0x80, $0x38;
	[tilespmem:$0x14900] =	vst v63  }
0x32: {  	s5 =	sadd.s32 $0x80, s7;
	s13 =	sadd.s32 $0x40, s7;
	s31 =	simm.s32 $0x2000  }
0x33: {  	[tilespmem:s31], [sflag:$0x1] =	stream.linear.gather [hbm4b:s13+s4], $0x80, $0x38;
	[tilespmem:$0x14900] =	vst v63  }
0x34: {  	s6 =	sadd.s32 $0x50, s7;
	s12 =	simm.s32 $0x2800;
	s13 =	sadd.s32 $0x60, s7  }
0x35: {  	[tilespmem:s12], [sflag:$0x1] =	stream.linear.gather [hbm4b:s6+s4], $0x80, $0x38;
	[tilespmem:$0x14900] =	vst v63  }
0x36: {  	s31 =	simm.s32 $0x3000;
	s6 =	sadd.s32 $0x70, s7;
	s12 =	simm.s32 $0x3800  }
0x37: {  	[tilespmem:s31], [sflag:$0x1] =	stream.linear.gather [hbm4b:s13+s4], $0x80, $0x38;
	[tilespmem:$0x14900] =	vst v63  }
.LBB2_2:
0x38: {  	[tilespmem:s12], [sflag:$0x1] =	stream.linear.gather [hbm4b:s6+s4], $0x80, $0x38;
	[tilespmem:$0x14900] =	vst v63  }
0x39: {  	s12 =	sshra.s32 s2, $0x2;
	p1 =	sne.s32 s2, $0x1C00;
	s2 =	sadd.s32 $0x400, s2  }
0x3a: {  	[tilespmem:s12], [sflag:$0x1] =	stream.linear.gather [hbm4b:s5+s4], $0x80, $0x38;
	[tilespmem:$0x14900] =	vst v63  }
0x3b: {  	s6 =	sadd.s32 $0x10, s5;
	s31 =	sadd.s32 $0x800, s12  }
0x3c: {  	[tilespmem:s31], [sflag:$0x1] =	stream.linear.gather [hbm4b:s6+s4], $0x80, $0x38;
	[tilespmem:$0x14900] =	vst v63  }
0x3d: {  	s6 =	sadd.s32 $0x20, s5;
	s31 =	sadd.s32 $0x1000, s12  }
0x3e: {  	[tilespmem:s31], [sflag:$0x1] =	stream.linear.gather [hbm4b:s6+s4], $0x80, $0x38;
	[tilespmem:$0x14900] =	vst v63  }
0x3f: {  	s6 =	sadd.s32 $0x30, s5;
	s31 =	sadd.s32 $0x1800, s12  }
0x40: {  	[tilespmem:s31], [sflag:$0x1] =	stream.linear.gather [hbm4b:s6+s4], $0x80, $0x38;
	[tilespmem:$0x14900] =	vst v63  }
0x41: {  	s6 =	sadd.s32 $0x40, s5;
	s31 =	sadd.s32 $0x2000, s12  }
0x42: {  	[tilespmem:s31], [sflag:$0x1] =	stream.linear.gather [hbm4b:s6+s4], $0x80, $0x38;
	[tilespmem:$0x14900] =	vst v63  }
.Ltmp2:
0x43: {  	s6 =	sadd.s32 $0x50, s5;
	s31 =	sadd.s32 $0x2800, s12;
	(pc) =	sbr.rel @p1 .LBB2_2-.Ltmp2, $4  }
0x44: {  	[tilespmem:s31], [sflag:$0x1] =	stream.linear.gather [hbm4b:s6+s4], $0x80, $0x38;
	[tilespmem:$0x14900] =	vst v63  }
0x45: {  	s6 =	sadd.s32 $0x60, s5;
	s31 =	sadd.s32 $0x3000, s12  }
0x46: {  	[tilespmem:s31], [sflag:$0x1] =	stream.linear.gather [hbm4b:s6+s4], $0x80, $0x38;
	[tilespmem:$0x14900] =	vst v63  }
0x47: {  	s12 =	sadd.s32 $0x3800, s12;
	s6 =	sadd.s32 $0x70, s5;
	s5 =	sadd.s32 $0x80, s5  }
0x48: {  	[tilespmem:s12], [sflag:$0x1] =	stream.linear.gather [hbm4b:s6+s4], $0x80, $0x38;
	[tilespmem:$0x14900] =	vst v63  }
0x49: {  	s2 =	simm.s32 $0x4000  }
0x4a: {  	[tilespmem:s2], [sflag:$0x1] =	stream.linear.gather [hbm4b:s28+s4], $0x80, $0x38;
	[tilespmem:$0x14900] =	vst v63  }
0x4b: {  	s6 =	sadd.s32 $0x10, s28;
	s5 =	simm.s32 $0x4800  }
0x4c: {  	[tilespmem:s5], [sflag:$0x1] =	stream.linear.gather [hbm4b:s6+s4], $0x80, $0x38;
	[tilespmem:$0x14900] =	vst v63  }
0x4d: {  	s12 =	sadd.s32 $0x20, s28;
	s13 =	simm.s32 $0x5000  }
0x4e: {  	[tilespmem:s13], [sflag:$0x1] =	stream.linear.gather [hbm4b:s12+s4], $0x80, $0x38;
	[tilespmem:$0x14900] =	vst v63  }
0x4f: {  	s5 =	sadd.s32 $0x30, s28;
	s6 =	simm.s32 $0x5800  }
0x50: {  	[tilespmem:s6], [sflag:$0x1] =	stream.linear.gather [hbm4b:s5+s4], $0x80, $0x38;
	[tilespmem:$0x14900] =	vst v63  }
0x51: {  	s12 =	sadd.s32 $0x40, s28;
	s13 =	simm.s32 $0x6000  }
0x52: {  	[tilespmem:s13], [sflag:$0x1] =	stream.linear.gather [hbm4b:s12+s4], $0x80, $0x38;
	[tilespmem:$0x14900] =	vst v63  }
0x53: {  	s31 =	sadd.s32 $0x70, s28;
	s5 =	sadd.s32 $0x50, s28;
	s6 =	simm.s32 $0x6800  }
0x54: {  	[tilespmem:s6], [sflag:$0x1] =	stream.linear.gather [hbm4b:s5+s4], $0x80, $0x38;
	[tilespmem:$0x14900] =	vst v63  }
0x55: {  	s2 =	simm.s32 $0x100;
	s12 =	sadd.s32 $0x60, s28;
	s13 =	simm.s32 $0x7000  }
0x56: {  	[tilespmem:s13], [sflag:$0x1] =	stream.linear.gather [hbm4b:s12+s4], $0x80, $0x38;
	[tilespmem:$0x14900] =	vst v63  }
0x57: {  	s6 =	simm.s32 $0x800;
	s5 =	sadd.s32 $0x80, s28;
	s12 =	simm.s32 $0x7800  }
.LBB2_4:
0x58: {  	[tilespmem:s12], [sflag:$0x1] =	stream.linear.gather [hbm4b:s31+s4], $0x80, $0x38;
	[tilespmem:$0x14900] =	vst v63  }
0x59: {  	s12 =	smov.u32 s2;
	s2 =	smov.u32 s6  }
0x5a: {  	s13 =	sadd.s32 $0x400, s6;
	s2 =	sshra.s32 s2, $0x2;
	s31 =	sadd.s32 $0x4000, s12  }
0x5b: {  	[tilespmem:s31], [sflag:$0x1] =	stream.linear.gather [hbm4b:s5+s4], $0x80, $0x38;
	[tilespmem:$0x14900] =	vst v63  }
0x5c: {  	p1 =	sne.s32 s6, $0x1C00;
	s6 =	sadd.s32 $0x10, s5;
	s31 =	sadd.s32 $0x4800, s12  }
0x5d: {  	[tilespmem:s31], [sflag:$0x1] =	stream.linear.gather [hbm4b:s6+s4], $0x80, $0x38;
	[tilespmem:$0x14900] =	vst v63  }
0x5e: {  	s6 =	sadd.s32 $0x20, s5;
	s31 =	sadd.s32 $0x5000, s12  }
0x5f: {  	[tilespmem:s31], [sflag:$0x1] =	stream.linear.gather [hbm4b:s6+s4], $0x80, $0x38;
	[tilespmem:$0x14900] =	vst v63  }
0x60: {  	s6 =	sadd.s32 $0x30, s5;
	s31 =	sadd.s32 $0x5800, s12  }
0x61: {  	[tilespmem:s31], [sflag:$0x1] =	stream.linear.gather [hbm4b:s6+s4], $0x80, $0x38;
	[tilespmem:$0x14900] =	vst v63  }
0x62: {  	s6 =	sadd.s32 $0x40, s5;
	s31 =	sadd.s32 $0x6000, s12  }
0x63: {  	[tilespmem:s31], [sflag:$0x1] =	stream.linear.gather [hbm4b:s6+s4], $0x80, $0x38;
	[tilespmem:$0x14900] =	vst v63  }
.Ltmp3:
0x64: {  	s6 =	sadd.s32 $0x50, s5;
	s31 =	sadd.s32 $0x6800, s12;
	(pc) =	sbr.rel @p1 .LBB2_4-.Ltmp3, $4  }
0x65: {  	[tilespmem:s31], [sflag:$0x1] =	stream.linear.gather [hbm4b:s6+s4], $0x80, $0x38;
	[tilespmem:$0x14900] =	vst v63  }
0x66: {  	s6 =	sadd.s32 $0x60, s5;
	s31 =	sadd.s32 $0x7000, s12;
	s12 =	sadd.s32 $0x7800, s12  }
0x67: {  	[tilespmem:s31], [sflag:$0x1] =	stream.linear.gather [hbm4b:s6+s4], $0x80, $0x38;
	[tilespmem:$0x14900] =	vst v63  }
0x68: {  	s31 =	sadd.s32 $0x70, s5;
	s5 =	sadd.s32 $0x80, s5;
	s6 =	smov.u32 s13  }
0x69: {  	[tilespmem:s12], [sflag:$0x1] =	stream.linear.gather [hbm4b:s31+s4], $0x80, $0x38;
	[tilespmem:$0x14900] =	vst v63  }
0x6a: {  	s6 =	sadd.s32 $0x4000, s2  }
0x6b: {  	[tilespmem:s6], [sflag:$0x1] =	stream.linear.gather [hbm4b:s5+s4], $0x80, $0x38;
	[tilespmem:$0x14900] =	vst v63  }
0x6c: {  	s12 =	sadd.s32 $0x10, s5;
	s13 =	sadd.s32 $0x4800, s2  }
0x6d: {  	[tilespmem:s13], [sflag:$0x1] =	stream.linear.gather [hbm4b:s12+s4], $0x80, $0x38;
	[tilespmem:$0x14900] =	vst v63  }
0x6e: {  	s12 =	sadd.s32 $0x20, s5;
	s13 =	sadd.s32 $0x5000, s2  }
0x6f: {  	[tilespmem:s13], [sflag:$0x1] =	stream.linear.gather [hbm4b:s12+s4], $0x80, $0x38;
	[tilespmem:$0x14900] =	vst v63  }
0x70: {  	s12 =	sadd.s32 $0x30, s5;
	s13 =	sadd.s32 $0x5800, s2  }
0x71: {  	[tilespmem:s13], [sflag:$0x1] =	stream.linear.gather [hbm4b:s12+s4], $0x80, $0x38;
	[tilespmem:$0x14900] =	vst v63  }
0x72: {  	s12 =	sadd.s32 $0x40, s5;
	s13 =	sadd.s32 $0x6000, s2  }
0x73: {  	[tilespmem:s13], [sflag:$0x1] =	stream.linear.gather [hbm4b:s12+s4], $0x80, $0x38;
	[tilespmem:$0x14900] =	vst v63  }
0x74: {  	s12 =	sadd.s32 $0x50, s5;
	s13 =	sadd.s32 $0x6800, s2  }
0x75: {  	[tilespmem:s13], [sflag:$0x1] =	stream.linear.gather [hbm4b:s12+s4], $0x80, $0x38;
	[tilespmem:$0x14900] =	vst v63  }
0x76: {  	s12 =	sadd.s32 $0x60, s5;
	s13 =	sadd.s32 $0x7000, s2  }
0x77: {  	[tilespmem:s13], [sflag:$0x1] =	stream.linear.gather [hbm4b:s12+s4], $0x80, $0x38;
	[tilespmem:$0x14900] =	vst v63  }
0x78: {  	s6 =	sadd.s32 $0x70, s5;
	s12 =	sadd.s32 $0x7800, s2  }
0x79: {  	[tilespmem:s12], [sflag:$0x1] =	stream.linear.gather [hbm4b:s6+s4], $0x80, $0x38;
	[tilespmem:$0x14900] =	vst v63  }
0x7a: {  	s13 =	simm.s32 $0x80  }
0x7b: {  	[tilespmem:s13], [sflag:$0x1] =	stream.linear.gather [hbm4b:s8+s4], $0x80, $0x38;
	[tilespmem:$0x14900] =	vst v63  }
0x7c: {  	s5 =	sadd.s32 $0x10, s8;
	s6 =	simm.s32 $0x880  }
0x7d: {  	[tilespmem:s6], [sflag:$0x1] =	stream.linear.gather [hbm4b:s5+s4], $0x80, $0x38;
	[tilespmem:$0x14900] =	vst v63  }
0x7e: {  	s12 =	sadd.s32 $0x20, s8;
	s13 =	simm.s32 $0x1080  }
0x7f: {  	[tilespmem:s13], [sflag:$0x1] =	stream.linear.gather [hbm4b:s12+s4], $0x80, $0x38;
	[tilespmem:$0x14900] =	vst v63  }
0x80: {  	s5 =	sadd.s32 $0x30, s8;
	s6 =	simm.s32 $0x1880  }
0x81: {  	[tilespmem:s6], [sflag:$0x1] =	stream.linear.gather [hbm4b:s5+s4], $0x80, $0x38;
	[tilespmem:$0x14900] =	vst v63  }
0x82: {  	s12 =	sadd.s32 $0x40, s8;
	s13 =	simm.s32 $0x2080  }
0x83: {  	[tilespmem:s13], [sflag:$0x1] =	stream.linear.gather [hbm4b:s12+s4], $0x80, $0x38;
	[tilespmem:$0x14900] =	vst v63  }
0x84: {  	s31 =	sadd.s32 $0x70, s8;
	s5 =	sadd.s32 $0x50, s8;
	s6 =	simm.s32 $0x2880  }
0x85: {  	[tilespmem:s6], [sflag:$0x1] =	stream.linear.gather [hbm4b:s5+s4], $0x80, $0x38;
	[tilespmem:$0x14900] =	vst v63  }
0x86: {  	s2 =	simm.s32 $0x100;
	s12 =	sadd.s32 $0x60, s8;
	s13 =	simm.s32 $0x3080  }
0x87: {  	[tilespmem:s13], [sflag:$0x1] =	stream.linear.gather [hbm4b:s12+s4], $0x80, $0x38;
	[tilespmem:$0x14900] =	vst v63  }
0x88: {  	s6 =	simm.s32 $0x800;
	s5 =	sadd.s32 $0x80, s8;
	s12 =	simm.s32 $0x3880  }
.LBB2_6:
0x89: {  	[tilespmem:s12], [sflag:$0x1] =	stream.linear.gather [hbm4b:s31+s4], $0x80, $0x38;
	[tilespmem:$0x14900] =	vst v63  }
0x8a: {  	s12 =	smov.u32 s2;
	s2 =	smov.u32 s6  }
0x8b: {  	s13 =	sadd.s32 $0x400, s6;
	s2 =	sshra.s32 s2, $0x2;
	s31 =	sadd.s32 $0x80, s12  }
0x8c: {  	[tilespmem:s31], [sflag:$0x1] =	stream.linear.gather [hbm4b:s5+s4], $0x80, $0x38;
	[tilespmem:$0x14900] =	vst v63  }
0x8d: {  	p1 =	sne.s32 s6, $0x1C00;
	s6 =	sadd.s32 $0x10, s5;
	s31 =	sadd.s32 $0x880, s12  }
0x8e: {  	[tilespmem:s31], [sflag:$0x1] =	stream.linear.gather [hbm4b:s6+s4], $0x80, $0x38;
	[tilespmem:$0x14900] =	vst v63  }
0x8f: {  	s6 =	sadd.s32 $0x20, s5;
	s31 =	sadd.s32 $0x1080, s12  }
0x90: {  	[tilespmem:s31], [sflag:$0x1] =	stream.linear.gather [hbm4b:s6+s4], $0x80, $0x38;
	[tilespmem:$0x14900] =	vst v63  }
0x91: {  	s6 =	sadd.s32 $0x30, s5;
	s31 =	sadd.s32 $0x1880, s12  }
0x92: {  	[tilespmem:s31], [sflag:$0x1] =	stream.linear.gather [hbm4b:s6+s4], $0x80, $0x38;
	[tilespmem:$0x14900] =	vst v63  }
0x93: {  	s6 =	sadd.s32 $0x40, s5;
	s31 =	sadd.s32 $0x2080, s12  }
0x94: {  	[tilespmem:s31], [sflag:$0x1] =	stream.linear.gather [hbm4b:s6+s4], $0x80, $0x38;
	[tilespmem:$0x14900] =	vst v63  }
.Ltmp4:
0x95: {  	s6 =	sadd.s32 $0x50, s5;
	s31 =	sadd.s32 $0x2880, s12;
	(pc) =	sbr.rel @p1 .LBB2_6-.Ltmp4, $4  }
0x96: {  	[tilespmem:s31], [sflag:$0x1] =	stream.linear.gather [hbm4b:s6+s4], $0x80, $0x38;
	[tilespmem:$0x14900] =	vst v63  }
0x97: {  	s6 =	sadd.s32 $0x60, s5;
	s31 =	sadd.s32 $0x3080, s12;
	s12 =	sadd.s32 $0x3880, s12  }
0x98: {  	[tilespmem:s31], [sflag:$0x1] =	stream.linear.gather [hbm4b:s6+s4], $0x80, $0x38;
	[tilespmem:$0x14900] =	vst v63  }
0x99: {  	s31 =	sadd.s32 $0x70, s5;
	s5 =	sadd.s32 $0x80, s5;
	s6 =	smov.u32 s13  }
0x9a: {  	[tilespmem:s12], [sflag:$0x1] =	stream.linear.gather [hbm4b:s31+s4], $0x80, $0x38;
	[tilespmem:$0x14900] =	vst v63  }
0x9b: {  	s6 =	sadd.s32 $0x80, s2  }
0x9c: {  	[tilespmem:s6], [sflag:$0x1] =	stream.linear.gather [hbm4b:s5+s4], $0x80, $0x38;
	[tilespmem:$0x14900] =	vst v63  }
0x9d: {  	s12 =	sadd.s32 $0x10, s5;
	s13 =	sadd.s32 $0x880, s2  }
0x9e: {  	[tilespmem:s13], [sflag:$0x1] =	stream.linear.gather [hbm4b:s12+s4], $0x80, $0x38;
	[tilespmem:$0x14900] =	vst v63  }
0x9f: {  	s12 =	sadd.s32 $0x20, s5;
	s13 =	sadd.s32 $0x1080, s2  }
0xa0: {  	[tilespmem:s13], [sflag:$0x1] =	stream.linear.gather [hbm4b:s12+s4], $0x80, $0x38;
	[tilespmem:$0x14900] =	vst v63  }
0xa1: {  	s12 =	sadd.s32 $0x30, s5;
	s13 =	sadd.s32 $0x1880, s2  }
0xa2: {  	[tilespmem:s13], [sflag:$0x1] =	stream.linear.gather [hbm4b:s12+s4], $0x80, $0x38;
	[tilespmem:$0x14900] =	vst v63  }
0xa3: {  	s12 =	sadd.s32 $0x40, s5;
	s13 =	sadd.s32 $0x2080, s2  }
0xa4: {  	[tilespmem:s13], [sflag:$0x1] =	stream.linear.gather [hbm4b:s12+s4], $0x80, $0x38;
	[tilespmem:$0x14900] =	vst v63  }
0xa5: {  	s12 =	sadd.s32 $0x50, s5;
	s13 =	sadd.s32 $0x2880, s2  }
0xa6: {  	[tilespmem:s13], [sflag:$0x1] =	stream.linear.gather [hbm4b:s12+s4], $0x80, $0x38;
	[tilespmem:$0x14900] =	vst v63  }
0xa7: {  	s12 =	sadd.s32 $0x60, s5;
	s13 =	sadd.s32 $0x3080, s2  }
0xa8: {  	[tilespmem:s13], [sflag:$0x1] =	stream.linear.gather [hbm4b:s12+s4], $0x80, $0x38;
	[tilespmem:$0x14900] =	vst v63  }
0xa9: {  	s12 =	sadd.s32 $0x70, s5;
	s13 =	sadd.s32 $0x3880, s2  }
0xaa: {  	[tilespmem:s13], [sflag:$0x1] =	stream.linear.gather [hbm4b:s12+s4], $0x80, $0x38;
	[tilespmem:$0x14900] =	vst v63  }
0xab: {  	s6 =	simm.s32 $0x4080;
	s5 =	sadd.s32 $0x400, s8  }
0xac: {  	[tilespmem:s6], [sflag:$0x1] =	stream.linear.gather [hbm4b:s5+s4], $0x80, $0x38;
	[tilespmem:$0x14900] =	vst v63  }
0xad: {  	s12 =	sadd.s32 $0x10, s5;
	s13 =	simm.s32 $0x4880  }
0xae: {  	[tilespmem:s13], [sflag:$0x1] =	stream.linear.gather [hbm4b:s12+s4], $0x80, $0x38;
	[tilespmem:$0x14900] =	vst v63  }
0xaf: {  	s12 =	sadd.s32 $0x20, s5;
	s13 =	simm.s32 $0x5080  }
0xb0: {  	[tilespmem:s13], [sflag:$0x1] =	stream.linear.gather [hbm4b:s12+s4], $0x80, $0x38;
	[tilespmem:$0x14900] =	vst v63  }
0xb1: {  	s12 =	sadd.s32 $0x30, s5;
	s13 =	simm.s32 $0x5880  }
0xb2: {  	[tilespmem:s13], [sflag:$0x1] =	stream.linear.gather [hbm4b:s12+s4], $0x80, $0x38;
	[tilespmem:$0x14900] =	vst v63  }
0xb3: {  	s12 =	sadd.s32 $0x40, s5;
	s13 =	simm.s32 $0x6080  }
0xb4: {  	[tilespmem:s13], [sflag:$0x1] =	stream.linear.gather [hbm4b:s12+s4], $0x80, $0x38;
	[tilespmem:$0x14900] =	vst v63  }
0xb5: {  	s2 =	simm.s32 $0x100;
	s12 =	sadd.s32 $0x50, s5;
	s13 =	simm.s32 $0x6880  }
0xb6: {  	[tilespmem:s13], [sflag:$0x1] =	stream.linear.gather [hbm4b:s12+s4], $0x80, $0x38;
	[tilespmem:$0x14900] =	vst v63  }
0xb7: {  	s31 =	sadd.s32 $0x70, s5;
	s12 =	sadd.s32 $0x60, s5;
	s13 =	simm.s32 $0x7080  }
0xb8: {  	[tilespmem:s13], [sflag:$0x1] =	stream.linear.gather [hbm4b:s12+s4], $0x80, $0x38;
	[tilespmem:$0x14900] =	vst v63  }
0xb9: {  	s6 =	simm.s32 $0x800;
	s5 =	sadd.s32 $0x80, s5;
	s12 =	simm.s32 $0x7880  }
.LBB2_8:
0xba: {  	[tilespmem:s12], [sflag:$0x1] =	stream.linear.gather [hbm4b:s31+s4], $0x80, $0x38;
	[tilespmem:$0x14900] =	vst v63  }
0xbb: {  	s12 =	smov.u32 s2;
	s2 =	smov.u32 s6  }
0xbc: {  	s13 =	sadd.s32 $0x400, s6;
	s2 =	sshra.s32 s2, $0x2;
	s31 =	sadd.s32 $0x4080, s12  }
0xbd: {  	[tilespmem:s31], [sflag:$0x1] =	stream.linear.gather [hbm4b:s5+s4], $0x80, $0x38;
	[tilespmem:$0x14900] =	vst v63  }
0xbe: {  	p1 =	sne.s32 s6, $0x1C00;
	s6 =	sadd.s32 $0x10, s5;
	s31 =	sadd.s32 $0x4880, s12  }
0xbf: {  	[tilespmem:s31], [sflag:$0x1] =	stream.linear.gather [hbm4b:s6+s4], $0x80, $0x38;
	[tilespmem:$0x14900] =	vst v63  }
0xc0: {  	s6 =	sadd.s32 $0x20, s5;
	s31 =	sadd.s32 $0x5080, s12  }
0xc1: {  	[tilespmem:s31], [sflag:$0x1] =	stream.linear.gather [hbm4b:s6+s4], $0x80, $0x38;
	[tilespmem:$0x14900] =	vst v63  }
0xc2: {  	s6 =	sadd.s32 $0x30, s5;
	s31 =	sadd.s32 $0x5880, s12  }
0xc3: {  	[tilespmem:s31], [sflag:$0x1] =	stream.linear.gather [hbm4b:s6+s4], $0x80, $0x38;
	[tilespmem:$0x14900] =	vst v63  }
0xc4: {  	s6 =	sadd.s32 $0x40, s5;
	s31 =	sadd.s32 $0x6080, s12  }
0xc5: {  	[tilespmem:s31], [sflag:$0x1] =	stream.linear.gather [hbm4b:s6+s4], $0x80, $0x38;
	[tilespmem:$0x14900] =	vst v63  }
.Ltmp5:
0xc6: {  	s6 =	sadd.s32 $0x50, s5;
	s31 =	sadd.s32 $0x6880, s12;
	(pc) =	sbr.rel @p1 .LBB2_8-.Ltmp5, $4  }
0xc7: {  	[tilespmem:s31], [sflag:$0x1] =	stream.linear.gather [hbm4b:s6+s4], $0x80, $0x38;
	[tilespmem:$0x14900] =	vst v63  }
0xc8: {  	s6 =	sadd.s32 $0x60, s5;
	s31 =	sadd.s32 $0x7080, s12;
	s12 =	sadd.s32 $0x7880, s12  }
0xc9: {  	[tilespmem:s31], [sflag:$0x1] =	stream.linear.gather [hbm4b:s6+s4], $0x80, $0x38;
	[tilespmem:$0x14900] =	vst v63  }
0xca: {  	s31 =	sadd.s32 $0x70, s5;
	s5 =	sadd.s32 $0x80, s5;
	s6 =	smov.u32 s13  }
0xcb: {  	[tilespmem:s12], [sflag:$0x1] =	stream.linear.gather [hbm4b:s31+s4], $0x80, $0x38;
	[tilespmem:$0x14900] =	vst v63  }
0xcc: {  	s6 =	sadd.s32 $0x4080, s2  }
0xcd: {  	[tilespmem:s6], [sflag:$0x1] =	stream.linear.gather [hbm4b:s5+s4], $0x80, $0x38;
	[tilespmem:$0x14900] =	vst v63  }
0xce: {  	s12 =	sadd.s32 $0x10, s5;
	s13 =	sadd.s32 $0x4880, s2  }
0xcf: {  	[tilespmem:s13], [sflag:$0x1] =	stream.linear.gather [hbm4b:s12+s4], $0x80, $0x38;
	[tilespmem:$0x14900] =	vst v63  }
0xd0: {  	s12 =	sadd.s32 $0x20, s5;
	s13 =	sadd.s32 $0x5080, s2  }
0xd1: {  	[tilespmem:s13], [sflag:$0x1] =	stream.linear.gather [hbm4b:s12+s4], $0x80, $0x38;
	[tilespmem:$0x14900] =	vst v63  }
0xd2: {  	s12 =	sadd.s32 $0x30, s5;
	s13 =	sadd.s32 $0x5880, s2  }
0xd3: {  	[tilespmem:s13], [sflag:$0x1] =	stream.linear.gather [hbm4b:s12+s4], $0x80, $0x38;
	[tilespmem:$0x14900] =	vst v63  }
0xd4: {  	s12 =	sadd.s32 $0x40, s5;
	s13 =	sadd.s32 $0x6080, s2  }
0xd5: {  	[tilespmem:s13], [sflag:$0x1] =	stream.linear.gather [hbm4b:s12+s4], $0x80, $0x38;
	[tilespmem:$0x14900] =	vst v63  }
0xd6: {  	s12 =	sadd.s32 $0x50, s5;
	s13 =	sadd.s32 $0x6880, s2  }
0xd7: {  	[tilespmem:s13], [sflag:$0x1] =	stream.linear.gather [hbm4b:s12+s4], $0x80, $0x38;
	[tilespmem:$0x14900] =	vst v63  }
0xd8: {  	s12 =	sadd.s32 $0x60, s5;
	s13 =	sadd.s32 $0x7080, s2  }
0xd9: {  	[tilespmem:s13], [sflag:$0x1] =	stream.linear.gather [hbm4b:s12+s4], $0x80, $0x38;
	[tilespmem:$0x14900] =	vst v63  }
0xda: {  	s6 =	sadd.s32 $0x70, s5;
	s12 =	sadd.s32 $0x7880, s2  }
0xdb: {  	[tilespmem:s12], [sflag:$0x1] =	stream.linear.gather [hbm4b:s6+s4], $0x80, $0x38;
	[tilespmem:$0x14900] =	vst v63  }
0xdc: {  	s13 =	simm.s32 $0x8000  }
0xdd: {  	[tilespmem:s13], [sflag:$0x2] =	stream.linear.gather [hbm4b:s9+s4], $0x80, $0x38;
	[tilespmem:$0x14900] =	vst v63  }
0xde: {  	s5 =	sadd.s32 $0x10, s9;
	s6 =	simm.s32 $0x8800  }
0xdf: {  	[tilespmem:s6], [sflag:$0x2] =	stream.linear.gather [hbm4b:s5+s4], $0x80, $0x38;
	[tilespmem:$0x14900] =	vst v63  }
0xe0: {  	s12 =	sadd.s32 $0x20, s9;
	s13 =	simm.s32 $0x9000  }
0xe1: {  	[tilespmem:s13], [sflag:$0x2] =	stream.linear.gather [hbm4b:s12+s4], $0x80, $0x38;
	[tilespmem:$0x14900] =	vst v63  }
0xe2: {  	s5 =	sadd.s32 $0x30, s9;
	s6 =	simm.s32 $0x9800  }
0xe3: {  	[tilespmem:s6], [sflag:$0x2] =	stream.linear.gather [hbm4b:s5+s4], $0x80, $0x38;
	[tilespmem:$0x14900] =	vst v63  }
0xe4: {  	s12 =	sadd.s32 $0x40, s9;
	s13 =	simm.s32 $0xA000  }
0xe5: {  	[tilespmem:s13], [sflag:$0x2] =	stream.linear.gather [hbm4b:s12+s4], $0x80, $0x38;
	[tilespmem:$0x14900] =	vst v63  }
0xe6: {  	s31 =	sadd.s32 $0x70, s9;
	s5 =	sadd.s32 $0x50, s9;
	s6 =	simm.s32 $0xA800  }
0xe7: {  	[tilespmem:s6], [sflag:$0x2] =	stream.linear.gather [hbm4b:s5+s4], $0x80, $0x38;
	[tilespmem:$0x14900] =	vst v63  }
0xe8: {  	s2 =	simm.s32 $0x100;
	s12 =	sadd.s32 $0x60, s9;
	s13 =	simm.s32 $0xB000  }
0xe9: {  	[tilespmem:s13], [sflag:$0x2] =	stream.linear.gather [hbm4b:s12+s4], $0x80, $0x38;
	[tilespmem:$0x14900] =	vst v63  }
0xea: {  	s6 =	simm.s32 $0x800;
	s5 =	sadd.s32 $0x80, s9;
	s12 =	simm.s32 $0xB800  }
.LBB2_10:
0xeb: {  	[tilespmem:s12], [sflag:$0x2] =	stream.linear.gather [hbm4b:s31+s4], $0x80, $0x38;
	[tilespmem:$0x14900] =	vst v63  }
0xec: {  	s12 =	smov.u32 s2;
	s2 =	smov.u32 s6  }
0xed: {  	s13 =	sadd.s32 $0x400, s6;
	s2 =	sshra.s32 s2, $0x2;
	s31 =	sadd.s32 $0x8000, s12  }
0xee: {  	[tilespmem:s31], [sflag:$0x2] =	stream.linear.gather [hbm4b:s5+s4], $0x80, $0x38;
	[tilespmem:$0x14900] =	vst v63  }
0xef: {  	p1 =	sne.s32 s6, $0x1C00;
	s6 =	sadd.s32 $0x10, s5;
	s31 =	sadd.s32 $0x8800, s12  }
0xf0: {  	[tilespmem:s31], [sflag:$0x2] =	stream.linear.gather [hbm4b:s6+s4], $0x80, $0x38;
	[tilespmem:$0x14900] =	vst v63  }
0xf1: {  	s6 =	sadd.s32 $0x20, s5;
	s31 =	sadd.s32 $0x9000, s12  }
0xf2: {  	[tilespmem:s31], [sflag:$0x2] =	stream.linear.gather [hbm4b:s6+s4], $0x80, $0x38;
	[tilespmem:$0x14900] =	vst v63  }
0xf3: {  	s6 =	sadd.s32 $0x30, s5;
	s31 =	sadd.s32 $0x9800, s12  }
0xf4: {  	[tilespmem:s31], [sflag:$0x2] =	stream.linear.gather [hbm4b:s6+s4], $0x80, $0x38;
	[tilespmem:$0x14900] =	vst v63  }
0xf5: {  	s6 =	sadd.s32 $0x40, s5;
	s31 =	sadd.s32 $0xA000, s12  }
0xf6: {  	[tilespmem:s31], [sflag:$0x2] =	stream.linear.gather [hbm4b:s6+s4], $0x80, $0x38;
	[tilespmem:$0x14900] =	vst v63  }
.Ltmp6:
0xf7: {  	s6 =	sadd.s32 $0x50, s5;
	s31 =	sadd.s32 $0xA800, s12;
	(pc) =	sbr.rel @p1 .LBB2_10-.Ltmp6, $4  }
0xf8: {  	[tilespmem:s31], [sflag:$0x2] =	stream.linear.gather [hbm4b:s6+s4], $0x80, $0x38;
	[tilespmem:$0x14900] =	vst v63  }
0xf9: {  	s6 =	sadd.s32 $0x60, s5;
	s31 =	sadd.s32 $0xB000, s12;
	s12 =	sadd.s32 $0xB800, s12  }
0xfa: {  	[tilespmem:s31], [sflag:$0x2] =	stream.linear.gather [hbm4b:s6+s4], $0x80, $0x38;
	[tilespmem:$0x14900] =	vst v63  }
0xfb: {  	s31 =	sadd.s32 $0x70, s5;
	s5 =	sadd.s32 $0x80, s5;
	s6 =	smov.u32 s13  }
0xfc: {  	[tilespmem:s12], [sflag:$0x2] =	stream.linear.gather [hbm4b:s31+s4], $0x80, $0x38;
	[tilespmem:$0x14900] =	vst v63  }
0xfd: {  	s6 =	sadd.s32 $0x8000, s2  }
0xfe: {  	[tilespmem:s6], [sflag:$0x2] =	stream.linear.gather [hbm4b:s5+s4], $0x80, $0x38;
	[tilespmem:$0x14900] =	vst v63  }
0xff: {  	s12 =	sadd.s32 $0x10, s5;
	s13 =	sadd.s32 $0x8800, s2  }
0x100: {  	[tilespmem:s13], [sflag:$0x2] =	stream.linear.gather [hbm4b:s12+s4], $0x80, $0x38;
	[tilespmem:$0x14900] =	vst v63  }
0x101: {  	s12 =	sadd.s32 $0x20, s5;
	s13 =	sadd.s32 $0x9000, s2  }
0x102: {  	[tilespmem:s13], [sflag:$0x2] =	stream.linear.gather [hbm4b:s12+s4], $0x80, $0x38;
	[tilespmem:$0x14900] =	vst v63  }
0x103: {  	s12 =	sadd.s32 $0x30, s5;
	s13 =	sadd.s32 $0x9800, s2  }
0x104: {  	[tilespmem:s13], [sflag:$0x2] =	stream.linear.gather [hbm4b:s12+s4], $0x80, $0x38;
	[tilespmem:$0x14900] =	vst v63  }
0x105: {  	s12 =	sadd.s32 $0x40, s5;
	s13 =	sadd.s32 $0xA000, s2  }
0x106: {  	[tilespmem:s13], [sflag:$0x2] =	stream.linear.gather [hbm4b:s12+s4], $0x80, $0x38;
	[tilespmem:$0x14900] =	vst v63  }
0x107: {  	s12 =	sadd.s32 $0x50, s5;
	s13 =	sadd.s32 $0xA800, s2  }
0x108: {  	[tilespmem:s13], [sflag:$0x2] =	stream.linear.gather [hbm4b:s12+s4], $0x80, $0x38;
	[tilespmem:$0x14900] =	vst v63  }
0x109: {  	s12 =	sadd.s32 $0x60, s5;
	s13 =	sadd.s32 $0xB000, s2  }
0x10a: {  	[tilespmem:s13], [sflag:$0x2] =	stream.linear.gather [hbm4b:s12+s4], $0x80, $0x38;
	[tilespmem:$0x14900] =	vst v63  }
0x10b: {  	s12 =	sadd.s32 $0x70, s5;
	s13 =	sadd.s32 $0xB800, s2  }
0x10c: {  	[tilespmem:s13], [sflag:$0x2] =	stream.linear.gather [hbm4b:s12+s4], $0x80, $0x38;
	[tilespmem:$0x14900] =	vst v63  }
0x10d: {  	s6 =	simm.s32 $0xC000;
	s5 =	sadd.s32 $0x400, s9  }
0x10e: {  	[tilespmem:s6], [sflag:$0x2] =	stream.linear.gather [hbm4b:s5+s4], $0x80, $0x38;
	[tilespmem:$0x14900] =	vst v63  }
0x10f: {  	s12 =	sadd.s32 $0x10, s5;
	s13 =	simm.s32 $0xC800  }
0x110: {  	[tilespmem:s13], [sflag:$0x2] =	stream.linear.gather [hbm4b:s12+s4], $0x80, $0x38;
	[tilespmem:$0x14900] =	vst v63  }
0x111: {  	s12 =	sadd.s32 $0x20, s5;
	s13 =	simm.s32 $0xD000  }
0x112: {  	[tilespmem:s13], [sflag:$0x2] =	stream.linear.gather [hbm4b:s12+s4], $0x80, $0x38;
	[tilespmem:$0x14900] =	vst v63  }
0x113: {  	s12 =	sadd.s32 $0x30, s5;
	s13 =	simm.s32 $0xD800  }
0x114: {  	[tilespmem:s13], [sflag:$0x2] =	stream.linear.gather [hbm4b:s12+s4], $0x80, $0x38;
	[tilespmem:$0x14900] =	vst v63  }
0x115: {  	s12 =	sadd.s32 $0x40, s5;
	s13 =	simm.s32 $0xE000  }
0x116: {  	[tilespmem:s13], [sflag:$0x2] =	stream.linear.gather [hbm4b:s12+s4], $0x80, $0x38;
	[tilespmem:$0x14900] =	vst v63  }
0x117: {  	s2 =	simm.s32 $0x100;
	s12 =	sadd.s32 $0x50, s5;
	s13 =	simm.s32 $0xE800  }
0x118: {  	[tilespmem:s13], [sflag:$0x2] =	stream.linear.gather [hbm4b:s12+s4], $0x80, $0x38;
	[tilespmem:$0x14900] =	vst v63  }
0x119: {  	s31 =	sadd.s32 $0x70, s5;
	s12 =	sadd.s32 $0x60, s5;
	s13 =	simm.s32 $0xF000  }
0x11a: {  	[tilespmem:s13], [sflag:$0x2] =	stream.linear.gather [hbm4b:s12+s4], $0x80, $0x38;
	[tilespmem:$0x14900] =	vst v63  }
0x11b: {  	s6 =	simm.s32 $0x800;
	s5 =	sadd.s32 $0x80, s5;
	s12 =	simm.s32 $0xF800  }
.LBB2_12:
0x11c: {  	[tilespmem:s12], [sflag:$0x2] =	stream.linear.gather [hbm4b:s31+s4], $0x80, $0x38;
	[tilespmem:$0x14900] =	vst v63  }
0x11d: {  	s12 =	smov.u32 s2;
	s2 =	smov.u32 s6  }
0x11e: {  	s13 =	sadd.s32 $0x400, s6;
	s2 =	sshra.s32 s2, $0x2;
	s31 =	sadd.s32 $0xC000, s12  }
0x11f: {  	[tilespmem:s31], [sflag:$0x2] =	stream.linear.gather [hbm4b:s5+s4], $0x80, $0x38;
	[tilespmem:$0x14900] =	vst v63  }
0x120: {  	p1 =	sne.s32 s6, $0x1C00;
	s6 =	sadd.s32 $0x10, s5;
	s31 =	sadd.s32 $0xC800, s12  }
0x121: {  	[tilespmem:s31], [sflag:$0x2] =	stream.linear.gather [hbm4b:s6+s4], $0x80, $0x38;
	[tilespmem:$0x14900] =	vst v63  }
0x122: {  	s6 =	sadd.s32 $0x20, s5;
	s31 =	sadd.s32 $0xD000, s12  }
0x123: {  	[tilespmem:s31], [sflag:$0x2] =	stream.linear.gather [hbm4b:s6+s4], $0x80, $0x38;
	[tilespmem:$0x14900] =	vst v63  }
0x124: {  	s6 =	sadd.s32 $0x30, s5;
	s31 =	sadd.s32 $0xD800, s12  }
0x125: {  	[tilespmem:s31], [sflag:$0x2] =	stream.linear.gather [hbm4b:s6+s4], $0x80, $0x38;
	[tilespmem:$0x14900] =	vst v63  }
0x126: {  	s6 =	sadd.s32 $0x40, s5;
	s31 =	sadd.s32 $0xE000, s12  }
0x127: {  	[tilespmem:s31], [sflag:$0x2] =	stream.linear.gather [hbm4b:s6+s4], $0x80, $0x38;
	[tilespmem:$0x14900] =	vst v63  }
.Ltmp7:
0x128: {  	s6 =	sadd.s32 $0x50, s5;
	s31 =	sadd.s32 $0xE800, s12;
	(pc) =	sbr.rel @p1 .LBB2_12-.Ltmp7, $4  }
0x129: {  	[tilespmem:s31], [sflag:$0x2] =	stream.linear.gather [hbm4b:s6+s4], $0x80, $0x38;
	[tilespmem:$0x14900] =	vst v63  }
0x12a: {  	s6 =	sadd.s32 $0x60, s5;
	s31 =	sadd.s32 $0xF000, s12;
	s12 =	sadd.s32 $0xF800, s12  }
0x12b: {  	[tilespmem:s31], [sflag:$0x2] =	stream.linear.gather [hbm4b:s6+s4], $0x80, $0x38;
	[tilespmem:$0x14900] =	vst v63  }
0x12c: {  	s31 =	sadd.s32 $0x70, s5;
	s5 =	sadd.s32 $0x80, s5;
	s6 =	smov.u32 s13  }
0x12d: {  	[tilespmem:s12], [sflag:$0x2] =	stream.linear.gather [hbm4b:s31+s4], $0x80, $0x38;
	[tilespmem:$0x14900] =	vst v63  }
0x12e: {  	s6 =	sadd.s32 $0xC000, s2  }
0x12f: {  	[tilespmem:s6], [sflag:$0x2] =	stream.linear.gather [hbm4b:s5+s4], $0x80, $0x38;
	[tilespmem:$0x14900] =	vst v63  }
0x130: {  	s12 =	sadd.s32 $0x10, s5;
	s13 =	sadd.s32 $0xC800, s2  }
0x131: {  	[tilespmem:s13], [sflag:$0x2] =	stream.linear.gather [hbm4b:s12+s4], $0x80, $0x38;
	[tilespmem:$0x14900] =	vst v63  }
0x132: {  	s12 =	sadd.s32 $0x20, s5;
	s13 =	sadd.s32 $0xD000, s2  }
0x133: {  	[tilespmem:s13], [sflag:$0x2] =	stream.linear.gather [hbm4b:s12+s4], $0x80, $0x38;
	[tilespmem:$0x14900] =	vst v63  }
0x134: {  	s12 =	sadd.s32 $0x30, s5;
	s13 =	sadd.s32 $0xD800, s2  }
0x135: {  	[tilespmem:s13], [sflag:$0x2] =	stream.linear.gather [hbm4b:s12+s4], $0x80, $0x38;
	[tilespmem:$0x14900] =	vst v63  }
0x136: {  	s12 =	sadd.s32 $0x40, s5;
	s13 =	sadd.s32 $0xE000, s2  }
0x137: {  	[tilespmem:s13], [sflag:$0x2] =	stream.linear.gather [hbm4b:s12+s4], $0x80, $0x38;
	[tilespmem:$0x14900] =	vst v63  }
0x138: {  	s12 =	sadd.s32 $0x50, s5;
	s13 =	sadd.s32 $0xE800, s2  }
0x139: {  	[tilespmem:s13], [sflag:$0x2] =	stream.linear.gather [hbm4b:s12+s4], $0x80, $0x38;
	[tilespmem:$0x14900] =	vst v63  }
0x13a: {  	s12 =	sadd.s32 $0x60, s5;
	s13 =	sadd.s32 $0xF000, s2  }
0x13b: {  	[tilespmem:s13], [sflag:$0x2] =	stream.linear.gather [hbm4b:s12+s4], $0x80, $0x38;
	[tilespmem:$0x14900] =	vst v63  }
0x13c: {  	s6 =	sadd.s32 $0x70, s5;
	s12 =	sadd.s32 $0xF800, s2  }
0x13d: {  	[tilespmem:s12], [sflag:$0x2] =	stream.linear.gather [hbm4b:s6+s4], $0x80, $0x38;
	[tilespmem:$0x14900] =	vst v63  }
0x13e: {  	s13 =	simm.s32 $0x8080  }
0x13f: {  	[tilespmem:s13], [sflag:$0x2] =	stream.linear.gather [hbm4b:s10+s4], $0x80, $0x38;
	[tilespmem:$0x14900] =	vst v63  }
0x140: {  	s5 =	sadd.s32 $0x10, s10;
	s6 =	simm.s32 $0x8880  }
0x141: {  	[tilespmem:s6], [sflag:$0x2] =	stream.linear.gather [hbm4b:s5+s4], $0x80, $0x38;
	[tilespmem:$0x14900] =	vst v63  }
0x142: {  	s12 =	sadd.s32 $0x20, s10;
	s13 =	simm.s32 $0x9080  }
0x143: {  	[tilespmem:s13], [sflag:$0x2] =	stream.linear.gather [hbm4b:s12+s4], $0x80, $0x38;
	[tilespmem:$0x14900] =	vst v63  }
0x144: {  	s5 =	sadd.s32 $0x30, s10;
	s6 =	simm.s32 $0x9880  }
0x145: {  	[tilespmem:s6], [sflag:$0x2] =	stream.linear.gather [hbm4b:s5+s4], $0x80, $0x38;
	[tilespmem:$0x14900] =	vst v63  }
0x146: {  	s12 =	sadd.s32 $0x40, s10;
	s13 =	simm.s32 $0xA080  }
0x147: {  	[tilespmem:s13], [sflag:$0x2] =	stream.linear.gather [hbm4b:s12+s4], $0x80, $0x38;
	[tilespmem:$0x14900] =	vst v63  }
0x148: {  	s31 =	sadd.s32 $0x70, s10;
	s5 =	sadd.s32 $0x50, s10;
	s6 =	simm.s32 $0xA880  }
0x149: {  	[tilespmem:s6], [sflag:$0x2] =	stream.linear.gather [hbm4b:s5+s4], $0x80, $0x38;
	[tilespmem:$0x14900] =	vst v63  }
0x14a: {  	s2 =	simm.s32 $0x100;
	s12 =	sadd.s32 $0x60, s10;
	s13 =	simm.s32 $0xB080  }
0x14b: {  	[tilespmem:s13], [sflag:$0x2] =	stream.linear.gather [hbm4b:s12+s4], $0x80, $0x38;
	[tilespmem:$0x14900] =	vst v63  }
0x14c: {  	s6 =	simm.s32 $0x800;
	s5 =	sadd.s32 $0x80, s10;
	s12 =	simm.s32 $0xB880  }
.LBB2_14:
0x14d: {  	[tilespmem:s12], [sflag:$0x2] =	stream.linear.gather [hbm4b:s31+s4], $0x80, $0x38;
	[tilespmem:$0x14900] =	vst v63  }
0x14e: {  	s12 =	smov.u32 s2;
	s2 =	smov.u32 s6  }
0x14f: {  	s13 =	sadd.s32 $0x400, s6;
	s2 =	sshra.s32 s2, $0x2;
	s31 =	sadd.s32 $0x8080, s12  }
0x150: {  	[tilespmem:s31], [sflag:$0x2] =	stream.linear.gather [hbm4b:s5+s4], $0x80, $0x38;
	[tilespmem:$0x14900] =	vst v63  }
0x151: {  	p1 =	sne.s32 s6, $0x1C00;
	s6 =	sadd.s32 $0x10, s5;
	s31 =	sadd.s32 $0x8880, s12  }
0x152: {  	[tilespmem:s31], [sflag:$0x2] =	stream.linear.gather [hbm4b:s6+s4], $0x80, $0x38;
	[tilespmem:$0x14900] =	vst v63  }
0x153: {  	s6 =	sadd.s32 $0x20, s5;
	s31 =	sadd.s32 $0x9080, s12  }
0x154: {  	[tilespmem:s31], [sflag:$0x2] =	stream.linear.gather [hbm4b:s6+s4], $0x80, $0x38;
	[tilespmem:$0x14900] =	vst v63  }
0x155: {  	s6 =	sadd.s32 $0x30, s5;
	s31 =	sadd.s32 $0x9880, s12  }
0x156: {  	[tilespmem:s31], [sflag:$0x2] =	stream.linear.gather [hbm4b:s6+s4], $0x80, $0x38;
	[tilespmem:$0x14900] =	vst v63  }
0x157: {  	s6 =	sadd.s32 $0x40, s5;
	s31 =	sadd.s32 $0xA080, s12  }
0x158: {  	[tilespmem:s31], [sflag:$0x2] =	stream.linear.gather [hbm4b:s6+s4], $0x80, $0x38;
	[tilespmem:$0x14900] =	vst v63  }
.Ltmp8:
0x159: {  	s6 =	sadd.s32 $0x50, s5;
	s31 =	sadd.s32 $0xA880, s12;
	(pc) =	sbr.rel @p1 .LBB2_14-.Ltmp8, $4  }
0x15a: {  	[tilespmem:s31], [sflag:$0x2] =	stream.linear.gather [hbm4b:s6+s4], $0x80, $0x38;
	[tilespmem:$0x14900] =	vst v63  }
0x15b: {  	s6 =	sadd.s32 $0x60, s5;
	s31 =	sadd.s32 $0xB080, s12;
	s12 =	sadd.s32 $0xB880, s12  }
0x15c: {  	[tilespmem:s31], [sflag:$0x2] =	stream.linear.gather [hbm4b:s6+s4], $0x80, $0x38;
	[tilespmem:$0x14900] =	vst v63  }
0x15d: {  	s31 =	sadd.s32 $0x70, s5;
	s5 =	sadd.s32 $0x80, s5;
	s6 =	smov.u32 s13  }
0x15e: {  	[tilespmem:s12], [sflag:$0x2] =	stream.linear.gather [hbm4b:s31+s4], $0x80, $0x38;
	[tilespmem:$0x14900] =	vst v63  }
0x15f: {  	s6 =	sadd.s32 $0x8080, s2  }
0x160: {  	[tilespmem:s6], [sflag:$0x2] =	stream.linear.gather [hbm4b:s5+s4], $0x80, $0x38;
	[tilespmem:$0x14900] =	vst v63  }
0x161: {  	s12 =	sadd.s32 $0x10, s5;
	s13 =	sadd.s32 $0x8880, s2  }
0x162: {  	[tilespmem:s13], [sflag:$0x2] =	stream.linear.gather [hbm4b:s12+s4], $0x80, $0x38;
	[tilespmem:$0x14900] =	vst v63  }
0x163: {  	s12 =	sadd.s32 $0x20, s5;
	s13 =	sadd.s32 $0x9080, s2  }
0x164: {  	[tilespmem:s13], [sflag:$0x2] =	stream.linear.gather [hbm4b:s12+s4], $0x80, $0x38;
	[tilespmem:$0x14900] =	vst v63  }
0x165: {  	s12 =	sadd.s32 $0x30, s5;
	s13 =	sadd.s32 $0x9880, s2  }
0x166: {  	[tilespmem:s13], [sflag:$0x2] =	stream.linear.gather [hbm4b:s12+s4], $0x80, $0x38;
	[tilespmem:$0x14900] =	vst v63  }
0x167: {  	s12 =	sadd.s32 $0x40, s5;
	s13 =	sadd.s32 $0xA080, s2  }
0x168: {  	[tilespmem:s13], [sflag:$0x2] =	stream.linear.gather [hbm4b:s12+s4], $0x80, $0x38;
	[tilespmem:$0x14900] =	vst v63  }
0x169: {  	s12 =	sadd.s32 $0x50, s5;
	s13 =	sadd.s32 $0xA880, s2  }
0x16a: {  	[tilespmem:s13], [sflag:$0x2] =	stream.linear.gather [hbm4b:s12+s4], $0x80, $0x38;
	[tilespmem:$0x14900] =	vst v63  }
0x16b: {  	s12 =	sadd.s32 $0x60, s5;
	s13 =	sadd.s32 $0xB080, s2  }
0x16c: {  	[tilespmem:s13], [sflag:$0x2] =	stream.linear.gather [hbm4b:s12+s4], $0x80, $0x38;
	[tilespmem:$0x14900] =	vst v63  }
0x16d: {  	s12 =	sadd.s32 $0x70, s5;
	s13 =	sadd.s32 $0xB880, s2  }
0x16e: {  	[tilespmem:s13], [sflag:$0x2] =	stream.linear.gather [hbm4b:s12+s4], $0x80, $0x38;
	[tilespmem:$0x14900] =	vst v63  }
0x16f: {  	s6 =	simm.s32 $0xC080;
	s5 =	sadd.s32 $0x400, s10  }
0x170: {  	[tilespmem:s6], [sflag:$0x2] =	stream.linear.gather [hbm4b:s5+s4], $0x80, $0x38;
	[tilespmem:$0x14900] =	vst v63  }
0x171: {  	s12 =	sadd.s32 $0x10, s5;
	s13 =	simm.s32 $0xC880  }
0x172: {  	[tilespmem:s13], [sflag:$0x2] =	stream.linear.gather [hbm4b:s12+s4], $0x80, $0x38;
	[tilespmem:$0x14900] =	vst v63  }
0x173: {  	s12 =	sadd.s32 $0x20, s5;
	s13 =	simm.s32 $0xD080  }
0x174: {  	[tilespmem:s13], [sflag:$0x2] =	stream.linear.gather [hbm4b:s12+s4], $0x80, $0x38;
	[tilespmem:$0x14900] =	vst v63  }
0x175: {  	s12 =	sadd.s32 $0x30, s5;
	s13 =	simm.s32 $0xD880  }
0x176: {  	[tilespmem:s13], [sflag:$0x2] =	stream.linear.gather [hbm4b:s12+s4], $0x80, $0x38;
	[tilespmem:$0x14900] =	vst v63  }
0x177: {  	s12 =	sadd.s32 $0x40, s5;
	s13 =	simm.s32 $0xE080  }
0x178: {  	[tilespmem:s13], [sflag:$0x2] =	stream.linear.gather [hbm4b:s12+s4], $0x80, $0x38;
	[tilespmem:$0x14900] =	vst v63  }
0x179: {  	s2 =	simm.s32 $0x100;
	s12 =	sadd.s32 $0x50, s5;
	s13 =	simm.s32 $0xE880  }
0x17a: {  	[tilespmem:s13], [sflag:$0x2] =	stream.linear.gather [hbm4b:s12+s4], $0x80, $0x38;
	[tilespmem:$0x14900] =	vst v63  }
0x17b: {  	s31 =	sadd.s32 $0x70, s5;
	s12 =	sadd.s32 $0x60, s5;
	s13 =	simm.s32 $0xF080  }
0x17c: {  	[tilespmem:s13], [sflag:$0x2] =	stream.linear.gather [hbm4b:s12+s4], $0x80, $0x38;
	[tilespmem:$0x14900] =	vst v63  }
0x17d: {  	s6 =	simm.s32 $0x800;
	s5 =	sadd.s32 $0x80, s5;
	s12 =	simm.s32 $0xF880  }
.LBB2_16:
0x17e: {  	[tilespmem:s12], [sflag:$0x2] =	stream.linear.gather [hbm4b:s31+s4], $0x80, $0x38;
	[tilespmem:$0x14900] =	vst v63  }
0x17f: {  	s12 =	smov.u32 s2;
	s2 =	smov.u32 s6  }
0x180: {  	s13 =	sadd.s32 $0x400, s6;
	s2 =	sshra.s32 s2, $0x2;
	s31 =	sadd.s32 $0xC080, s12  }
0x181: {  	[tilespmem:s31], [sflag:$0x2] =	stream.linear.gather [hbm4b:s5+s4], $0x80, $0x38;
	[tilespmem:$0x14900] =	vst v63  }
0x182: {  	p1 =	sne.s32 s6, $0x1C00;
	s6 =	sadd.s32 $0x10, s5;
	s31 =	sadd.s32 $0xC880, s12  }
0x183: {  	[tilespmem:s31], [sflag:$0x2] =	stream.linear.gather [hbm4b:s6+s4], $0x80, $0x38;
	[tilespmem:$0x14900] =	vst v63  }
0x184: {  	s6 =	sadd.s32 $0x20, s5;
	s31 =	sadd.s32 $0xD080, s12  }
0x185: {  	[tilespmem:s31], [sflag:$0x2] =	stream.linear.gather [hbm4b:s6+s4], $0x80, $0x38;
	[tilespmem:$0x14900] =	vst v63  }
0x186: {  	s6 =	sadd.s32 $0x30, s5;
	s31 =	sadd.s32 $0xD880, s12  }
0x187: {  	[tilespmem:s31], [sflag:$0x2] =	stream.linear.gather [hbm4b:s6+s4], $0x80, $0x38;
	[tilespmem:$0x14900] =	vst v63  }
0x188: {  	s6 =	sadd.s32 $0x40, s5;
	s31 =	sadd.s32 $0xE080, s12  }
0x189: {  	[tilespmem:s31], [sflag:$0x2] =	stream.linear.gather [hbm4b:s6+s4], $0x80, $0x38;
	[tilespmem:$0x14900] =	vst v63  }
.Ltmp9:
0x18a: {  	s6 =	sadd.s32 $0x50, s5;
	s31 =	sadd.s32 $0xE880, s12;
	(pc) =	sbr.rel @p1 .LBB2_16-.Ltmp9, $4  }
0x18b: {  	[tilespmem:s31], [sflag:$0x2] =	stream.linear.gather [hbm4b:s6+s4], $0x80, $0x38;
	[tilespmem:$0x14900] =	vst v63  }
0x18c: {  	s6 =	sadd.s32 $0x60, s5;
	s31 =	sadd.s32 $0xF080, s12;
	s12 =	sadd.s32 $0xF880, s12  }
0x18d: {  	[tilespmem:s31], [sflag:$0x2] =	stream.linear.gather [hbm4b:s6+s4], $0x80, $0x38;
	[tilespmem:$0x14900] =	vst v63  }
0x18e: {  	s31 =	sadd.s32 $0x70, s5;
	s5 =	sadd.s32 $0x80, s5;
	s6 =	smov.u32 s13  }
0x18f: {  	[tilespmem:s12], [sflag:$0x2] =	stream.linear.gather [hbm4b:s31+s4], $0x80, $0x38;
	[tilespmem:$0x14900] =	vst v63  }
0x190: {  	s6 =	sadd.s32 $0xC080, s2  }
0x191: {  	[tilespmem:s6], [sflag:$0x2] =	stream.linear.gather [hbm4b:s5+s4], $0x80, $0x38;
	[tilespmem:$0x14900] =	vst v63  }
0x192: {  	s13 =	sadd.s32 $0x10, s5;
	s31 =	sadd.s32 $0xC880, s2  }
0x193: {  	[tilespmem:s31], [sflag:$0x2] =	stream.linear.gather [hbm4b:s13+s4], $0x80, $0x38;
	[tilespmem:$0x14900] =	vst v63  }
0x194: {  	s13 =	sadd.s32 $0x20, s5;
	s31 =	sadd.s32 $0xD080, s2  }
0x195: {  	[tilespmem:s31], [sflag:$0x2] =	stream.linear.gather [hbm4b:s13+s4], $0x80, $0x38;
	[tilespmem:$0x14900] =	vst v63  }
0x196: {  	s13 =	sadd.s32 $0x30, s5;
	s31 =	sadd.s32 $0xD880, s2  }
0x197: {  	[tilespmem:s31], [sflag:$0x2] =	stream.linear.gather [hbm4b:s13+s4], $0x80, $0x38;
	[tilespmem:$0x14900] =	vst v63  }
0x198: {  	s13 =	sadd.s32 $0x40, s5;
	s31 =	sadd.s32 $0xE080, s2  }
0x199: {  	[tilespmem:s31], [sflag:$0x2] =	stream.linear.gather [hbm4b:s13+s4], $0x80, $0x38;
	[tilespmem:$0x14900] =	vst v63  }
0x19a: {  	s13 =	sadd.s32 $0x50, s5;
	s31 =	sadd.s32 $0xE880, s2  }
0x19b: {  	[tilespmem:s31], [sflag:$0x2] =	stream.linear.gather [hbm4b:s13+s4], $0x80, $0x38;
	[tilespmem:$0x14900] =	vst v63  }
0x19c: {  	s13 =	sadd.s32 $0x60, s5;
	s31 =	sadd.s32 $0xF080, s2  }
0x19d: {  	[tilespmem:s31], [sflag:$0x2] =	stream.linear.gather [hbm4b:s13+s4], $0x80, $0x38;
	[tilespmem:$0x14900] =	vst v63  }
0x19e: {  	s13 =	sadd.s32 $0x70, s5;
	s31 =	sadd.s32 $0xF880, s2;
	s2 =	simm.s32 @p0 $0x1  }
0x19f: {  	[tilespmem:s31], [sflag:$0x2] =	stream.linear.gather [hbm4b:s13+s4], $0x80, $0x38;
	[tilespmem:$0x14900] =	vst v63  }
0x1a0: {  	_ =	swait.ge @p0 [sflag:s2], $0x4000  }
0x1a1: {  	[sflag:s2] =	ssyncset.done @p0 $0x0  }
0x1a2: {  	[sflag:s2] =	ssyncadd.s32 @p0 $0xFFFFC000  }
0x1a3: {  	_ =	swait.ge @p0 [sflag:s2], $0x4000  }
0x1a4: {  	[sflag:s2] =	ssyncset.done @p0 $0x0  }
0x1a5: {  	[sflag:s2] =	ssyncadd.s32 @p0 $0xFFFFC000;
	s2 =	simm.s32 @p0 $0x0  }
0x1a6: {  	[hbm4b:s11+s2] =	stream.linear.scatter @p0 [tilespmem:s2], [sflag:$0x3], $0x8000, $0x38;
	[tilespmem:$0x14900] =	vst v63  }
0x1a7: {  	s5 =	simm.s32 @!p0 $0x10000;
	s6 =	rddreg [dreg:$0x6];
	s2 =	simm.s32 @!p0 $0x0  }
0x1a8: {  	[tilespmem:s5], [sflag:$0x5] =	stream.linear.gather @!p0 [hbm4b:s6+s2], $0x80, $0x38;
	[tilespmem:$0x14900] =	vst v63  }
0x1a9: {  	s5 =	simm.s32 @!p0 $0x10080;
	s6 =	rddreg [dreg:$0x7]  }
0x1aa: {  	[tilespmem:s5], [sflag:$0x5] =	stream.linear.gather @!p0 [hbm4b:s6+s2], $0x80, $0x38;
	[tilespmem:$0x14900] =	vst v63  }
0x1ab: {  	s5 =	simm.s32 @!p0 $0x1  }
0x1ac: {  	_ =	swait.ge @!p0 [sflag:s5], $0x4000  }
0x1ad: {  	[sflag:s5] =	ssyncset.done @!p0 $0x0  }
0x1ae: {  	[sflag:s5] =	ssyncadd.s32 @!p0 $0xFFFFC000  }
0x1af: {  	_ =	swait.ge @!p0 [sflag:s5], $0x4000  }
0x1b0: {  	[sflag:s5] =	ssyncset.done @!p0 $0x0  }
0x1b1: {  	[sflag:s5] =	ssyncadd.s32 @!p0 $0xFFFFC000;
	s5 =	simm.s32 @!p0 $0x5  }
0x1b2: {  	[hbm4b:s11+s2] =	stream.linear.scatter @!p0 [tilespmem:s2], [sflag:$0x3], $0x8000, $0x38;
	[tilespmem:$0x14900] =	vst v63  }
0x1b3: {  	_ =	swait.ge @!p0 [sflag:s5], $0x80  }
0x1b4: {  	[sflag:s5] =	ssyncset.done @!p0 $0x0  }
0x1b5: {  	[sflag:s5] =	ssyncadd.s32 @!p0 $0xFFFFFF80  }
0x1b6: {  	_ =	swait.ge @!p0 [sflag:s5], $0x80  }
0x1b7: {  	[sflag:s5] =	ssyncset.done @!p0 $0x0  }
0x1b8: {  	[sflag:s5] =	ssyncadd.s32 @!p0 $0xFFFFFF80  }
0x1b9: {  	v0 =	vld.msk @!p0 [tilespmem:$0x10000], $0xff;
	_ =	sdelay $0x4  }
0x1ba: {  	v1 =	vshll.u32 @!p0 v0, $0x3  }
0x1bb: {  	v2 =	vlaneseq.u32 @!p0;
	v0 =	vand.u32 @!p0 $0x7, v0;
	v1 =	vand.u32 @!p0 $0xFFFFFFC0, v1  }
0x1bc: {  	v0 =	vor.u32 @!p0 v0, v1;
	v1 =	vand.u32 @!p0 $0x7, v2;
	v2 =	vshrl.u32 @!p0 v2, $0x3  }
0x1bd: {  	v0 =	vperm.xlane @!p0 v0, v1;
	v2 =	vmul.u32 @!p0 $0x8, v2;
	_ =	sdelay $0x1  }
0x1be: {  	v0 =	vadd.s32 @!p0 v2, v0;
	_ =	sdelay $0x3  }
0x1bf: {  	s5 =	simm.s32 @!p0 $0x10100;
	s6 =	rddreg [dreg:$0x2]  }
0x1c0: {  	[tilespmem:s5], [sflag:$0x5] =	stream.indirect_vreg.gather @!p0 [hbm4b:s6+s2], $0x80, v0, vm0, $0xb8;
	[tilespmem:$0x14900] =	vst v63  }
0x1c1: {  	s5 =	simm.s32 @!p0 $0x10900;
	s6 =	rddreg [dreg:$0x8]  }
0x1c2: {  	[tilespmem:s5], [sflag:$0x5] =	stream.indirect_vreg.gather @!p0 [hbm4b:s6+s2], $0x80, v0, vm0, $0xb8;
	[tilespmem:$0x14900] =	vst v63  }
0x1c3: {  	s5 =	simm.s32 @!p0 $0x11100;
	s6 =	rddreg [dreg:$0x9]  }
0x1c4: {  	[tilespmem:s5], [sflag:$0x5] =	stream.indirect_vreg.gather @!p0 [hbm4b:s6+s2], $0x80, v0, vm0, $0xb8;
	[tilespmem:$0x14900] =	vst v63  }
0x1c5: {  	s5 =	simm.s32 @!p0 $0x11900  }
0x1c6: {  	[tilespmem:s5], [sflag:$0x5] =	stream.indirect_vreg.gather @!p0 [hbm4b:s14+s2], $0x80, v0, vm0, $0xb8;
	[tilespmem:$0x14900] =	vst v63  }
0x1c7: {  	v0 =	vld.msk @!p0 [tilespmem:$0x10080], $0xff;
	_ =	sdelay $0x4  }
0x1c8: {  	v3 =	vshll.u32 @!p0 v0, $0x3  }
0x1c9: {  	v0 =	vand.u32 @!p0 $0x7, v0;
	v3 =	vand.u32 @!p0 $0xFFFFFFC0, v3  }
0x1ca: {  	v0 =	vor.u32 @!p0 v0, v3  }
0x1cb: {  	v0 =	vperm.xlane @!p0 v0, v1;
	_ =	sdelay $0x1  }
0x1cc: {  	v0 =	vadd.s32 @!p0 v2, v0;
	_ =	sdelay $0x3  }
0x1cd: {  	s6 =	rddreg [dreg:$0x3];
	s5 =	simm.s32 @!p0 $0x12100  }
0x1ce: {  	[tilespmem:s5], [sflag:$0x5] =	stream.indirect_vreg.gather @!p0 [hbm4b:s6+s2], $0x80, v0, vm0, $0xb8;
	[tilespmem:$0x14900] =	vst v63  }
0x1cf: {  	s5 =	simm.s32 @!p0 $0x12900  }
0x1d0: {  	[tilespmem:s5], [sflag:$0x5] =	stream.indirect_vreg.gather @!p0 [hbm4b:s19+s2], $0x80, v0, vm0, $0xb8;
	[tilespmem:$0x14900] =	vst v63  }
0x1d1: {  	s5 =	simm.s32 @!p0 $0x13100  }
0x1d2: {  	[tilespmem:s5], [sflag:$0x5] =	stream.indirect_vreg.gather @!p0 [hbm4b:s20+s2], $0x80, v0, vm0, $0xb8;
	[tilespmem:$0x14900] =	vst v63  }
0x1d3: {  	s5 =	simm.s32 @!p0 $0x13900  }
0x1d4: {  	[tilespmem:s5], [sflag:$0x5] =	stream.indirect_vreg.gather @!p0 [hbm4b:s26+s2], $0x80, v0, vm0, $0xb8;
	[tilespmem:$0x14900] =	vst v63  }
0x1d5: {  	_ =	swait.ge [sflag:s29], $0x8000  }
0x1d6: {  	[sflag:s29] =	ssyncset.done $0x0  }
0x1d7: {  	s5 =	simm.s32 $0x0;
	[sflag:s29] =	ssyncadd.s32 $0xFFFF8000  }
0x1d8: {  	[tilespmem:s5], [sflag:$0x1] =	stream.linear.gather [hbm4b:s15+s4], $0x80, $0x38;
	[tilespmem:$0x14900] =	vst v63  }
0x1d9: {  	s12 =	simm.s32 $0x800;
	s6 =	sadd.s32 $0x10, s15  }
0x1da: {  	[tilespmem:s12], [sflag:$0x1] =	stream.linear.gather [hbm4b:s6+s4], $0x80, $0x38;
	[tilespmem:$0x14900] =	vst v63  }
0x1db: {  	s13 =	sadd.s32 $0x20, s15;
	s31 =	simm.s32 $0x1000  }
0x1dc: {  	[tilespmem:s31], [sflag:$0x1] =	stream.linear.gather [hbm4b:s13+s4], $0x80, $0x38;
	[tilespmem:$0x14900] =	vst v63  }
0x1dd: {  	s2 =	simm.s32 $0x400;
	s6 =	sadd.s32 $0x30, s15;
	s12 =	simm.s32 $0x1800  }
0x1de: {  	[tilespmem:s12], [sflag:$0x1] =	stream.linear.gather [hbm4b:s6+s4], $0x80, $0x38;
	[tilespmem:$0x14900] =	vst v63  }
0x1df: {  	s5 =	sadd.s32 $0x80, s15;
	s13 =	sadd.s32 $0x40, s15;
	s31 =	simm.s32 $0x2000  }
0x1e0: {  	[tilespmem:s31], [sflag:$0x1] =	stream.linear.gather [hbm4b:s13+s4], $0x80, $0x38;
	[tilespmem:$0x14900] =	vst v63  }
0x1e1: {  	s6 =	sadd.s32 $0x50, s15;
	s12 =	simm.s32 $0x2800;
	s13 =	sadd.s32 $0x60, s15  }
0x1e2: {  	[tilespmem:s12], [sflag:$0x1] =	stream.linear.gather [hbm4b:s6+s4], $0x80, $0x38;
	[tilespmem:$0x14900] =	vst v63  }
0x1e3: {  	s31 =	simm.s32 $0x3000;
	s6 =	sadd.s32 $0x70, s15;
	s12 =	simm.s32 $0x3800  }
0x1e4: {  	[tilespmem:s31], [sflag:$0x1] =	stream.linear.gather [hbm4b:s13+s4], $0x80, $0x38;
	[tilespmem:$0x14900] =	vst v63  }
.LBB2_18:
0x1e5: {  	[tilespmem:s12], [sflag:$0x1] =	stream.linear.gather [hbm4b:s6+s4], $0x80, $0x38;
	[tilespmem:$0x14900] =	vst v63  }
0x1e6: {  	s12 =	sshra.s32 s2, $0x2;
	p1 =	sne.s32 s2, $0x1C00;
	s2 =	sadd.s32 $0x400, s2  }
0x1e7: {  	[tilespmem:s12], [sflag:$0x1] =	stream.linear.gather [hbm4b:s5+s4], $0x80, $0x38;
	[tilespmem:$0x14900] =	vst v63  }
0x1e8: {  	s6 =	sadd.s32 $0x10, s5;
	s13 =	sadd.s32 $0x800, s12  }
0x1e9: {  	[tilespmem:s13], [sflag:$0x1] =	stream.linear.gather [hbm4b:s6+s4], $0x80, $0x38;
	[tilespmem:$0x14900] =	vst v63  }
0x1ea: {  	s6 =	sadd.s32 $0x20, s5;
	s13 =	sadd.s32 $0x1000, s12  }
0x1eb: {  	[tilespmem:s13], [sflag:$0x1] =	stream.linear.gather [hbm4b:s6+s4], $0x80, $0x38;
	[tilespmem:$0x14900] =	vst v63  }
0x1ec: {  	s6 =	sadd.s32 $0x30, s5;
	s13 =	sadd.s32 $0x1800, s12  }
0x1ed: {  	[tilespmem:s13], [sflag:$0x1] =	stream.linear.gather [hbm4b:s6+s4], $0x80, $0x38;
	[tilespmem:$0x14900] =	vst v63  }
0x1ee: {  	s6 =	sadd.s32 $0x40, s5;
	s13 =	sadd.s32 $0x2000, s12  }
0x1ef: {  	[tilespmem:s13], [sflag:$0x1] =	stream.linear.gather [hbm4b:s6+s4], $0x80, $0x38;
	[tilespmem:$0x14900] =	vst v63  }
.Ltmp10:
0x1f0: {  	s6 =	sadd.s32 $0x50, s5;
	s13 =	sadd.s32 $0x2800, s12;
	(pc) =	sbr.rel @p1 .LBB2_18-.Ltmp10, $4  }
0x1f1: {  	[tilespmem:s13], [sflag:$0x1] =	stream.linear.gather [hbm4b:s6+s4], $0x80, $0x38;
	[tilespmem:$0x14900] =	vst v63  }
0x1f2: {  	s6 =	sadd.s32 $0x60, s5;
	s13 =	sadd.s32 $0x3000, s12  }
0x1f3: {  	[tilespmem:s13], [sflag:$0x1] =	stream.linear.gather [hbm4b:s6+s4], $0x80, $0x38;
	[tilespmem:$0x14900] =	vst v63  }
0x1f4: {  	s12 =	sadd.s32 $0x3800, s12;
	s6 =	sadd.s32 $0x70, s5;
	s5 =	sadd.s32 $0x80, s5  }
0x1f5: {  	[tilespmem:s12], [sflag:$0x1] =	stream.linear.gather [hbm4b:s6+s4], $0x80, $0x38;
	[tilespmem:$0x14900] =	vst v63  }
0x1f6: {  	s5 =	sadd.s32 $0x400, s15;
	s2 =	simm.s32 $0x4000  }
0x1f7: {  	[tilespmem:s2], [sflag:$0x1] =	stream.linear.gather [hbm4b:s5+s4], $0x80, $0x38;
	[tilespmem:$0x14900] =	vst v63  }
0x1f8: {  	s13 =	simm.s32 $0x4800;
	s12 =	sadd.s32 $0x10, s5  }
0x1f9: {  	[tilespmem:s13], [sflag:$0x1] =	stream.linear.gather [hbm4b:s12+s4], $0x80, $0x38;
	[tilespmem:$0x14900] =	vst v63  }
0x1fa: {  	s12 =	sadd.s32 $0x20, s5;
	s13 =	simm.s32 $0x5000  }
0x1fb: {  	[tilespmem:s13], [sflag:$0x1] =	stream.linear.gather [hbm4b:s12+s4], $0x80, $0x38;
	[tilespmem:$0x14900] =	vst v63  }
0x1fc: {  	s12 =	sadd.s32 $0x30, s5;
	s13 =	simm.s32 $0x5800  }
0x1fd: {  	[tilespmem:s13], [sflag:$0x1] =	stream.linear.gather [hbm4b:s12+s4], $0x80, $0x38;
	[tilespmem:$0x14900] =	vst v63  }
0x1fe: {  	s12 =	sadd.s32 $0x40, s5;
	s13 =	simm.s32 $0x6000  }
0x1ff: {  	[tilespmem:s13], [sflag:$0x1] =	stream.linear.gather [hbm4b:s12+s4], $0x80, $0x38;
	[tilespmem:$0x14900] =	vst v63  }
0x200: {  	s6 =	simm.s32 $0x800;
	s12 =	sadd.s32 $0x50, s5;
	s13 =	simm.s32 $0x6800  }
0x201: {  	[tilespmem:s13], [sflag:$0x1] =	stream.linear.gather [hbm4b:s12+s4], $0x80, $0x38;
	[tilespmem:$0x14900] =	vst v63  }
0x202: {  	s31 =	sadd.s32 $0x70, s5;
	s12 =	sadd.s32 $0x60, s5;
	s13 =	simm.s32 $0x7000  }
0x203: {  	[tilespmem:s13], [sflag:$0x1] =	stream.linear.gather [hbm4b:s12+s4], $0x80, $0x38;
	[tilespmem:$0x14900] =	vst v63  }
0x204: {  	s2 =	simm.s32 $0x100;
	s5 =	sadd.s32 $0x80, s5;
	s12 =	simm.s32 $0x7800  }
.LBB2_20:
0x205: {  	[tilespmem:s12], [sflag:$0x1] =	stream.linear.gather [hbm4b:s31+s4], $0x80, $0x38;
	[tilespmem:$0x14900] =	vst v63  }
0x206: {  	s12 =	smov.u32 s2;
	s2 =	smov.u32 s6  }
0x207: {  	s13 =	sadd.s32 $0x400, s6;
	s2 =	sshra.s32 s2, $0x2;
	s31 =	sadd.s32 $0x4000, s12  }
0x208: {  	[tilespmem:s31], [sflag:$0x1] =	stream.linear.gather [hbm4b:s5+s4], $0x80, $0x38;
	[tilespmem:$0x14900] =	vst v63  }
0x209: {  	p1 =	sne.s32 s6, $0x1C00;
	s6 =	sadd.s32 $0x10, s5;
	s31 =	sadd.s32 $0x4800, s12  }
0x20a: {  	[tilespmem:s31], [sflag:$0x1] =	stream.linear.gather [hbm4b:s6+s4], $0x80, $0x38;
	[tilespmem:$0x14900] =	vst v63  }
0x20b: {  	s6 =	sadd.s32 $0x20, s5;
	s31 =	sadd.s32 $0x5000, s12  }
0x20c: {  	[tilespmem:s31], [sflag:$0x1] =	stream.linear.gather [hbm4b:s6+s4], $0x80, $0x38;
	[tilespmem:$0x14900] =	vst v63  }
0x20d: {  	s6 =	sadd.s32 $0x30, s5;
	s31 =	sadd.s32 $0x5800, s12  }
0x20e: {  	[tilespmem:s31], [sflag:$0x1] =	stream.linear.gather [hbm4b:s6+s4], $0x80, $0x38;
	[tilespmem:$0x14900] =	vst v63  }
0x20f: {  	s6 =	sadd.s32 $0x40, s5;
	s31 =	sadd.s32 $0x6000, s12  }
0x210: {  	[tilespmem:s31], [sflag:$0x1] =	stream.linear.gather [hbm4b:s6+s4], $0x80, $0x38;
	[tilespmem:$0x14900] =	vst v63  }
.Ltmp11:
0x211: {  	s6 =	sadd.s32 $0x50, s5;
	s31 =	sadd.s32 $0x6800, s12;
	(pc) =	sbr.rel @p1 .LBB2_20-.Ltmp11, $4  }
0x212: {  	[tilespmem:s31], [sflag:$0x1] =	stream.linear.gather [hbm4b:s6+s4], $0x80, $0x38;
	[tilespmem:$0x14900] =	vst v63  }
0x213: {  	s6 =	sadd.s32 $0x60, s5;
	s31 =	sadd.s32 $0x7000, s12;
	s12 =	sadd.s32 $0x7800, s12  }
0x214: {  	[tilespmem:s31], [sflag:$0x1] =	stream.linear.gather [hbm4b:s6+s4], $0x80, $0x38;
	[tilespmem:$0x14900] =	vst v63  }
0x215: {  	s31 =	sadd.s32 $0x70, s5;
	s5 =	sadd.s32 $0x80, s5;
	s6 =	smov.u32 s13  }
0x216: {  	[tilespmem:s12], [sflag:$0x1] =	stream.linear.gather [hbm4b:s31+s4], $0x80, $0x38;
	[tilespmem:$0x14900] =	vst v63  }
0x217: {  	s6 =	sadd.s32 $0x4000, s2  }
0x218: {  	[tilespmem:s6], [sflag:$0x1] =	stream.linear.gather [hbm4b:s5+s4], $0x80, $0x38;
	[tilespmem:$0x14900] =	vst v63  }
0x219: {  	s12 =	sadd.s32 $0x10, s5;
	s13 =	sadd.s32 $0x4800, s2  }
0x21a: {  	[tilespmem:s13], [sflag:$0x1] =	stream.linear.gather [hbm4b:s12+s4], $0x80, $0x38;
	[tilespmem:$0x14900] =	vst v63  }
0x21b: {  	s12 =	sadd.s32 $0x20, s5;
	s13 =	sadd.s32 $0x5000, s2  }
0x21c: {  	[tilespmem:s13], [sflag:$0x1] =	stream.linear.gather [hbm4b:s12+s4], $0x80, $0x38;
	[tilespmem:$0x14900] =	vst v63  }
0x21d: {  	s12 =	sadd.s32 $0x30, s5;
	s13 =	sadd.s32 $0x5800, s2  }
0x21e: {  	[tilespmem:s13], [sflag:$0x1] =	stream.linear.gather [hbm4b:s12+s4], $0x80, $0x38;
	[tilespmem:$0x14900] =	vst v63  }
0x21f: {  	s12 =	sadd.s32 $0x40, s5;
	s13 =	sadd.s32 $0x6000, s2  }
0x220: {  	[tilespmem:s13], [sflag:$0x1] =	stream.linear.gather [hbm4b:s12+s4], $0x80, $0x38;
	[tilespmem:$0x14900] =	vst v63  }
0x221: {  	s12 =	sadd.s32 $0x50, s5;
	s13 =	sadd.s32 $0x6800, s2  }
0x222: {  	[tilespmem:s13], [sflag:$0x1] =	stream.linear.gather [hbm4b:s12+s4], $0x80, $0x38;
	[tilespmem:$0x14900] =	vst v63  }
0x223: {  	s12 =	sadd.s32 $0x60, s5;
	s13 =	sadd.s32 $0x7000, s2  }
0x224: {  	[tilespmem:s13], [sflag:$0x1] =	stream.linear.gather [hbm4b:s12+s4], $0x80, $0x38;
	[tilespmem:$0x14900] =	vst v63  }
0x225: {  	s6 =	sadd.s32 $0x70, s5;
	s12 =	sadd.s32 $0x7800, s2  }
0x226: {  	[tilespmem:s12], [sflag:$0x1] =	stream.linear.gather [hbm4b:s6+s4], $0x80, $0x38;
	[tilespmem:$0x14900] =	vst v63  }
0x227: {  	s13 =	simm.s32 $0x80  }
0x228: {  	[tilespmem:s13], [sflag:$0x1] =	stream.linear.gather [hbm4b:s16+s4], $0x80, $0x38;
	[tilespmem:$0x14900] =	vst v63  }
0x229: {  	s5 =	sadd.s32 $0x10, s16;
	s6 =	simm.s32 $0x880  }
0x22a: {  	[tilespmem:s6], [sflag:$0x1] =	stream.linear.gather [hbm4b:s5+s4], $0x80, $0x38;
	[tilespmem:$0x14900] =	vst v63  }
0x22b: {  	s12 =	sadd.s32 $0x20, s16;
	s13 =	simm.s32 $0x1080  }
0x22c: {  	[tilespmem:s13], [sflag:$0x1] =	stream.linear.gather [hbm4b:s12+s4], $0x80, $0x38;
	[tilespmem:$0x14900] =	vst v63  }
0x22d: {  	s5 =	sadd.s32 $0x30, s16;
	s6 =	simm.s32 $0x1880  }
0x22e: {  	[tilespmem:s6], [sflag:$0x1] =	stream.linear.gather [hbm4b:s5+s4], $0x80, $0x38;
	[tilespmem:$0x14900] =	vst v63  }
0x22f: {  	s12 =	sadd.s32 $0x40, s16;
	s13 =	simm.s32 $0x2080  }
0x230: {  	[tilespmem:s13], [sflag:$0x1] =	stream.linear.gather [hbm4b:s12+s4], $0x80, $0x38;
	[tilespmem:$0x14900] =	vst v63  }
0x231: {  	s31 =	sadd.s32 $0x70, s16;
	s5 =	sadd.s32 $0x50, s16;
	s6 =	simm.s32 $0x2880  }
0x232: {  	[tilespmem:s6], [sflag:$0x1] =	stream.linear.gather [hbm4b:s5+s4], $0x80, $0x38;
	[tilespmem:$0x14900] =	vst v63  }
0x233: {  	s2 =	simm.s32 $0x100;
	s12 =	sadd.s32 $0x60, s16;
	s13 =	simm.s32 $0x3080  }
0x234: {  	[tilespmem:s13], [sflag:$0x1] =	stream.linear.gather [hbm4b:s12+s4], $0x80, $0x38;
	[tilespmem:$0x14900] =	vst v63  }
0x235: {  	s6 =	simm.s32 $0x800;
	s5 =	sadd.s32 $0x80, s16;
	s12 =	simm.s32 $0x3880  }
.LBB2_22:
0x236: {  	[tilespmem:s12], [sflag:$0x1] =	stream.linear.gather [hbm4b:s31+s4], $0x80, $0x38;
	[tilespmem:$0x14900] =	vst v63  }
0x237: {  	s12 =	smov.u32 s2;
	s2 =	smov.u32 s6  }
0x238: {  	s13 =	sadd.s32 $0x400, s6;
	s2 =	sshra.s32 s2, $0x2;
	s31 =	sadd.s32 $0x80, s12  }
0x239: {  	[tilespmem:s31], [sflag:$0x1] =	stream.linear.gather [hbm4b:s5+s4], $0x80, $0x38;
	[tilespmem:$0x14900] =	vst v63  }
0x23a: {  	p1 =	sne.s32 s6, $0x1C00;
	s6 =	sadd.s32 $0x10, s5;
	s31 =	sadd.s32 $0x880, s12  }
0x23b: {  	[tilespmem:s31], [sflag:$0x1] =	stream.linear.gather [hbm4b:s6+s4], $0x80, $0x38;
	[tilespmem:$0x14900] =	vst v63  }
0x23c: {  	s6 =	sadd.s32 $0x20, s5;
	s31 =	sadd.s32 $0x1080, s12  }
0x23d: {  	[tilespmem:s31], [sflag:$0x1] =	stream.linear.gather [hbm4b:s6+s4], $0x80, $0x38;
	[tilespmem:$0x14900] =	vst v63  }
0x23e: {  	s6 =	sadd.s32 $0x30, s5;
	s31 =	sadd.s32 $0x1880, s12  }
0x23f: {  	[tilespmem:s31], [sflag:$0x1] =	stream.linear.gather [hbm4b:s6+s4], $0x80, $0x38;
	[tilespmem:$0x14900] =	vst v63  }
0x240: {  	s6 =	sadd.s32 $0x40, s5;
	s31 =	sadd.s32 $0x2080, s12  }
0x241: {  	[tilespmem:s31], [sflag:$0x1] =	stream.linear.gather [hbm4b:s6+s4], $0x80, $0x38;
	[tilespmem:$0x14900] =	vst v63  }
.Ltmp12:
0x242: {  	s6 =	sadd.s32 $0x50, s5;
	s31 =	sadd.s32 $0x2880, s12;
	(pc) =	sbr.rel @p1 .LBB2_22-.Ltmp12, $4  }
0x243: {  	[tilespmem:s31], [sflag:$0x1] =	stream.linear.gather [hbm4b:s6+s4], $0x80, $0x38;
	[tilespmem:$0x14900] =	vst v63  }
0x244: {  	s6 =	sadd.s32 $0x60, s5;
	s31 =	sadd.s32 $0x3080, s12;
	s12 =	sadd.s32 $0x3880, s12  }
0x245: {  	[tilespmem:s31], [sflag:$0x1] =	stream.linear.gather [hbm4b:s6+s4], $0x80, $0x38;
	[tilespmem:$0x14900] =	vst v63  }
0x246: {  	s31 =	sadd.s32 $0x70, s5;
	s5 =	sadd.s32 $0x80, s5;
	s6 =	smov.u32 s13  }
0x247: {  	[tilespmem:s12], [sflag:$0x1] =	stream.linear.gather [hbm4b:s31+s4], $0x80, $0x38;
	[tilespmem:$0x14900] =	vst v63  }
0x248: {  	s6 =	sadd.s32 $0x80, s2  }
0x249: {  	[tilespmem:s6], [sflag:$0x1] =	stream.linear.gather [hbm4b:s5+s4], $0x80, $0x38;
	[tilespmem:$0x14900] =	vst v63  }
0x24a: {  	s12 =	sadd.s32 $0x10, s5;
	s13 =	sadd.s32 $0x880, s2  }
0x24b: {  	[tilespmem:s13], [sflag:$0x1] =	stream.linear.gather [hbm4b:s12+s4], $0x80, $0x38;
	[tilespmem:$0x14900] =	vst v63  }
0x24c: {  	s12 =	sadd.s32 $0x20, s5;
	s13 =	sadd.s32 $0x1080, s2  }
0x24d: {  	[tilespmem:s13], [sflag:$0x1] =	stream.linear.gather [hbm4b:s12+s4], $0x80, $0x38;
	[tilespmem:$0x14900] =	vst v63  }
0x24e: {  	s12 =	sadd.s32 $0x30, s5;
	s13 =	sadd.s32 $0x1880, s2  }
0x24f: {  	[tilespmem:s13], [sflag:$0x1] =	stream.linear.gather [hbm4b:s12+s4], $0x80, $0x38;
	[tilespmem:$0x14900] =	vst v63  }
0x250: {  	s12 =	sadd.s32 $0x40, s5;
	s13 =	sadd.s32 $0x2080, s2  }
0x251: {  	[tilespmem:s13], [sflag:$0x1] =	stream.linear.gather [hbm4b:s12+s4], $0x80, $0x38;
	[tilespmem:$0x14900] =	vst v63  }
0x252: {  	s12 =	sadd.s32 $0x50, s5;
	s13 =	sadd.s32 $0x2880, s2  }
0x253: {  	[tilespmem:s13], [sflag:$0x1] =	stream.linear.gather [hbm4b:s12+s4], $0x80, $0x38;
	[tilespmem:$0x14900] =	vst v63  }
0x254: {  	s12 =	sadd.s32 $0x60, s5;
	s13 =	sadd.s32 $0x3080, s2  }
0x255: {  	[tilespmem:s13], [sflag:$0x1] =	stream.linear.gather [hbm4b:s12+s4], $0x80, $0x38;
	[tilespmem:$0x14900] =	vst v63  }
0x256: {  	s12 =	sadd.s32 $0x70, s5;
	s13 =	sadd.s32 $0x3880, s2  }
0x257: {  	[tilespmem:s13], [sflag:$0x1] =	stream.linear.gather [hbm4b:s12+s4], $0x80, $0x38;
	[tilespmem:$0x14900] =	vst v63  }
0x258: {  	s6 =	simm.s32 $0x4080;
	s5 =	sadd.s32 $0x400, s16  }
0x259: {  	[tilespmem:s6], [sflag:$0x1] =	stream.linear.gather [hbm4b:s5+s4], $0x80, $0x38;
	[tilespmem:$0x14900] =	vst v63  }
0x25a: {  	s12 =	sadd.s32 $0x10, s5;
	s13 =	simm.s32 $0x4880  }
0x25b: {  	[tilespmem:s13], [sflag:$0x1] =	stream.linear.gather [hbm4b:s12+s4], $0x80, $0x38;
	[tilespmem:$0x14900] =	vst v63  }
0x25c: {  	s12 =	sadd.s32 $0x20, s5;
	s13 =	simm.s32 $0x5080  }
0x25d: {  	[tilespmem:s13], [sflag:$0x1] =	stream.linear.gather [hbm4b:s12+s4], $0x80, $0x38;
	[tilespmem:$0x14900] =	vst v63  }
0x25e: {  	s12 =	sadd.s32 $0x30, s5;
	s13 =	simm.s32 $0x5880  }
0x25f: {  	[tilespmem:s13], [sflag:$0x1] =	stream.linear.gather [hbm4b:s12+s4], $0x80, $0x38;
	[tilespmem:$0x14900] =	vst v63  }
0x260: {  	s12 =	sadd.s32 $0x40, s5;
	s13 =	simm.s32 $0x6080  }
0x261: {  	[tilespmem:s13], [sflag:$0x1] =	stream.linear.gather [hbm4b:s12+s4], $0x80, $0x38;
	[tilespmem:$0x14900] =	vst v63  }
0x262: {  	s2 =	simm.s32 $0x100;
	s12 =	sadd.s32 $0x50, s5;
	s13 =	simm.s32 $0x6880  }
0x263: {  	[tilespmem:s13], [sflag:$0x1] =	stream.linear.gather [hbm4b:s12+s4], $0x80, $0x38;
	[tilespmem:$0x14900] =	vst v63  }
0x264: {  	s31 =	sadd.s32 $0x70, s5;
	s12 =	sadd.s32 $0x60, s5;
	s13 =	simm.s32 $0x7080  }
0x265: {  	[tilespmem:s13], [sflag:$0x1] =	stream.linear.gather [hbm4b:s12+s4], $0x80, $0x38;
	[tilespmem:$0x14900] =	vst v63  }
0x266: {  	s6 =	simm.s32 $0x800;
	s5 =	sadd.s32 $0x80, s5;
	s12 =	simm.s32 $0x7880  }
.LBB2_24:
0x267: {  	[tilespmem:s12], [sflag:$0x1] =	stream.linear.gather [hbm4b:s31+s4], $0x80, $0x38;
	[tilespmem:$0x14900] =	vst v63  }
0x268: {  	s12 =	smov.u32 s2;
	s2 =	smov.u32 s6  }
0x269: {  	s13 =	sadd.s32 $0x400, s6;
	s2 =	sshra.s32 s2, $0x2;
	s31 =	sadd.s32 $0x4080, s12  }
0x26a: {  	[tilespmem:s31], [sflag:$0x1] =	stream.linear.gather [hbm4b:s5+s4], $0x80, $0x38;
	[tilespmem:$0x14900] =	vst v63  }
0x26b: {  	p1 =	sne.s32 s6, $0x1C00;
	s6 =	sadd.s32 $0x10, s5;
	s31 =	sadd.s32 $0x4880, s12  }
0x26c: {  	[tilespmem:s31], [sflag:$0x1] =	stream.linear.gather [hbm4b:s6+s4], $0x80, $0x38;
	[tilespmem:$0x14900] =	vst v63  }
0x26d: {  	s6 =	sadd.s32 $0x20, s5;
	s31 =	sadd.s32 $0x5080, s12  }
0x26e: {  	[tilespmem:s31], [sflag:$0x1] =	stream.linear.gather [hbm4b:s6+s4], $0x80, $0x38;
	[tilespmem:$0x14900] =	vst v63  }
0x26f: {  	s6 =	sadd.s32 $0x30, s5;
	s31 =	sadd.s32 $0x5880, s12  }
0x270: {  	[tilespmem:s31], [sflag:$0x1] =	stream.linear.gather [hbm4b:s6+s4], $0x80, $0x38;
	[tilespmem:$0x14900] =	vst v63  }
0x271: {  	s6 =	sadd.s32 $0x40, s5;
	s31 =	sadd.s32 $0x6080, s12  }
0x272: {  	[tilespmem:s31], [sflag:$0x1] =	stream.linear.gather [hbm4b:s6+s4], $0x80, $0x38;
	[tilespmem:$0x14900] =	vst v63  }
.Ltmp13:
0x273: {  	s6 =	sadd.s32 $0x50, s5;
	s31 =	sadd.s32 $0x6880, s12;
	(pc) =	sbr.rel @p1 .LBB2_24-.Ltmp13, $4  }
0x274: {  	[tilespmem:s31], [sflag:$0x1] =	stream.linear.gather [hbm4b:s6+s4], $0x80, $0x38;
	[tilespmem:$0x14900] =	vst v63  }
0x275: {  	s6 =	sadd.s32 $0x60, s5;
	s31 =	sadd.s32 $0x7080, s12;
	s12 =	sadd.s32 $0x7880, s12  }
0x276: {  	[tilespmem:s31], [sflag:$0x1] =	stream.linear.gather [hbm4b:s6+s4], $0x80, $0x38;
	[tilespmem:$0x14900] =	vst v63  }
0x277: {  	s31 =	sadd.s32 $0x70, s5;
	s5 =	sadd.s32 $0x80, s5;
	s6 =	smov.u32 s13  }
0x278: {  	[tilespmem:s12], [sflag:$0x1] =	stream.linear.gather [hbm4b:s31+s4], $0x80, $0x38;
	[tilespmem:$0x14900] =	vst v63  }
0x279: {  	s6 =	sadd.s32 $0x4080, s2  }
0x27a: {  	[tilespmem:s6], [sflag:$0x1] =	stream.linear.gather [hbm4b:s5+s4], $0x80, $0x38;
	[tilespmem:$0x14900] =	vst v63  }
0x27b: {  	s12 =	sadd.s32 $0x10, s5;
	s13 =	sadd.s32 $0x4880, s2  }
0x27c: {  	[tilespmem:s13], [sflag:$0x1] =	stream.linear.gather [hbm4b:s12+s4], $0x80, $0x38;
	[tilespmem:$0x14900] =	vst v63  }
0x27d: {  	s12 =	sadd.s32 $0x20, s5;
	s13 =	sadd.s32 $0x5080, s2  }
0x27e: {  	[tilespmem:s13], [sflag:$0x1] =	stream.linear.gather [hbm4b:s12+s4], $0x80, $0x38;
	[tilespmem:$0x14900] =	vst v63  }
0x27f: {  	s12 =	sadd.s32 $0x30, s5;
	s13 =	sadd.s32 $0x5880, s2  }
0x280: {  	[tilespmem:s13], [sflag:$0x1] =	stream.linear.gather [hbm4b:s12+s4], $0x80, $0x38;
	[tilespmem:$0x14900] =	vst v63  }
0x281: {  	s12 =	sadd.s32 $0x40, s5;
	s13 =	sadd.s32 $0x6080, s2  }
0x282: {  	[tilespmem:s13], [sflag:$0x1] =	stream.linear.gather [hbm4b:s12+s4], $0x80, $0x38;
	[tilespmem:$0x14900] =	vst v63  }
0x283: {  	s12 =	sadd.s32 $0x50, s5;
	s13 =	sadd.s32 $0x6880, s2  }
0x284: {  	[tilespmem:s13], [sflag:$0x1] =	stream.linear.gather [hbm4b:s12+s4], $0x80, $0x38;
	[tilespmem:$0x14900] =	vst v63  }
0x285: {  	s12 =	sadd.s32 $0x60, s5;
	s13 =	sadd.s32 $0x7080, s2  }
0x286: {  	[tilespmem:s13], [sflag:$0x1] =	stream.linear.gather [hbm4b:s12+s4], $0x80, $0x38;
	[tilespmem:$0x14900] =	vst v63  }
0x287: {  	s12 =	sadd.s32 $0x70, s5;
	s13 =	sadd.s32 $0x7880, s2  }
0x288: {  	[tilespmem:s13], [sflag:$0x1] =	stream.linear.gather [hbm4b:s12+s4], $0x80, $0x38;
	[tilespmem:$0x14900] =	vst v63  }
0x289: {  	_ =	swait.ge [sflag:s30], $0x4000  }
0x28a: {  	[sflag:s30] =	ssyncset.done $0x0  }
0x28b: {  	[sflag:s30] =	ssyncadd.s32 $0xFFFFC000  }
0x28c: {  	_ =	swait.ge [sflag:s30], $0x4000  }
0x28d: {  	[sflag:s30] =	ssyncset.done $0x0  }
0x28e: {  	s6 =	simm.s32 $0x0;
	s12 =	simm.s32 $0x8000;
	[sflag:s30] =	ssyncadd.s32 $0xFFFFC000  }
0x28f: {  	[hbm4b:s21+s6] =	stream.linear.scatter [tilespmem:s12], [sflag:$0x4], $0x8000, $0x38;
	[tilespmem:$0x14900] =	vst v63  }
0x290: {  	_ =	swait.ge [sflag:s0], $0x8000  }
0x291: {  	[sflag:s0] =	ssyncset.done $0x0  }
0x292: {  	s13 =	simm.s32 $0x8000;
	[sflag:s0] =	ssyncadd.s32 $0xFFFF8000  }
0x293: {  	[tilespmem:s13], [sflag:$0x2] =	stream.linear.gather [hbm4b:s17+s4], $0x80, $0x38;
	[tilespmem:$0x14900] =	vst v63  }
0x294: {  	s5 =	sadd.s32 $0x10, s17;
	s6 =	simm.s32 $0x8800  }
0x295: {  	[tilespmem:s6], [sflag:$0x2] =	stream.linear.gather [hbm4b:s5+s4], $0x80, $0x38;
	[tilespmem:$0x14900] =	vst v63  }
0x296: {  	s12 =	sadd.s32 $0x20, s17;
	s13 =	simm.s32 $0x9000  }
0x297: {  	[tilespmem:s13], [sflag:$0x2] =	stream.linear.gather [hbm4b:s12+s4], $0x80, $0x38;
	[tilespmem:$0x14900] =	vst v63  }
0x298: {  	s5 =	sadd.s32 $0x30, s17;
	s6 =	simm.s32 $0x9800  }
0x299: {  	[tilespmem:s6], [sflag:$0x2] =	stream.linear.gather [hbm4b:s5+s4], $0x80, $0x38;
	[tilespmem:$0x14900] =	vst v63  }
0x29a: {  	s12 =	sadd.s32 $0x40, s17;
	s13 =	simm.s32 $0xA000  }
0x29b: {  	[tilespmem:s13], [sflag:$0x2] =	stream.linear.gather [hbm4b:s12+s4], $0x80, $0x38;
	[tilespmem:$0x14900] =	vst v63  }
0x29c: {  	s31 =	sadd.s32 $0x70, s17;
	s5 =	sadd.s32 $0x50, s17;
	s6 =	simm.s32 $0xA800  }
0x29d: {  	[tilespmem:s6], [sflag:$0x2] =	stream.linear.gather [hbm4b:s5+s4], $0x80, $0x38;
	[tilespmem:$0x14900] =	vst v63  }
0x29e: {  	s2 =	simm.s32 $0x100;
	s12 =	sadd.s32 $0x60, s17;
	s13 =	simm.s32 $0xB000  }
0x29f: {  	[tilespmem:s13], [sflag:$0x2] =	stream.linear.gather [hbm4b:s12+s4], $0x80, $0x38;
	[tilespmem:$0x14900] =	vst v63  }
0x2a0: {  	s6 =	simm.s32 $0x800;
	s5 =	sadd.s32 $0x80, s17;
	s12 =	simm.s32 $0xB800  }
.LBB2_26:
0x2a1: {  	[tilespmem:s12], [sflag:$0x2] =	stream.linear.gather [hbm4b:s31+s4], $0x80, $0x38;
	[tilespmem:$0x14900] =	vst v63  }
0x2a2: {  	s12 =	smov.u32 s2;
	s2 =	smov.u32 s6  }
0x2a3: {  	s13 =	sadd.s32 $0x400, s6;
	s2 =	sshra.s32 s2, $0x2;
	s31 =	sadd.s32 $0x8000, s12  }
0x2a4: {  	[tilespmem:s31], [sflag:$0x2] =	stream.linear.gather [hbm4b:s5+s4], $0x80, $0x38;
	[tilespmem:$0x14900] =	vst v63  }
0x2a5: {  	p1 =	sne.s32 s6, $0x1C00;
	s6 =	sadd.s32 $0x10, s5;
	s31 =	sadd.s32 $0x8800, s12  }
0x2a6: {  	[tilespmem:s31], [sflag:$0x2] =	stream.linear.gather [hbm4b:s6+s4], $0x80, $0x38;
	[tilespmem:$0x14900] =	vst v63  }
0x2a7: {  	s6 =	sadd.s32 $0x20, s5;
	s31 =	sadd.s32 $0x9000, s12  }
0x2a8: {  	[tilespmem:s31], [sflag:$0x2] =	stream.linear.gather [hbm4b:s6+s4], $0x80, $0x38;
	[tilespmem:$0x14900] =	vst v63  }
0x2a9: {  	s6 =	sadd.s32 $0x30, s5;
	s31 =	sadd.s32 $0x9800, s12  }
0x2aa: {  	[tilespmem:s31], [sflag:$0x2] =	stream.linear.gather [hbm4b:s6+s4], $0x80, $0x38;
	[tilespmem:$0x14900] =	vst v63  }
0x2ab: {  	s6 =	sadd.s32 $0x40, s5;
	s31 =	sadd.s32 $0xA000, s12  }
0x2ac: {  	[tilespmem:s31], [sflag:$0x2] =	stream.linear.gather [hbm4b:s6+s4], $0x80, $0x38;
	[tilespmem:$0x14900] =	vst v63  }
.Ltmp14:
0x2ad: {  	s6 =	sadd.s32 $0x50, s5;
	s31 =	sadd.s32 $0xA800, s12;
	(pc) =	sbr.rel @p1 .LBB2_26-.Ltmp14, $4  }
0x2ae: {  	[tilespmem:s31], [sflag:$0x2] =	stream.linear.gather [hbm4b:s6+s4], $0x80, $0x38;
	[tilespmem:$0x14900] =	vst v63  }
0x2af: {  	s6 =	sadd.s32 $0x60, s5;
	s31 =	sadd.s32 $0xB000, s12;
	s12 =	sadd.s32 $0xB800, s12  }
0x2b0: {  	[tilespmem:s31], [sflag:$0x2] =	stream.linear.gather [hbm4b:s6+s4], $0x80, $0x38;
	[tilespmem:$0x14900] =	vst v63  }
0x2b1: {  	s31 =	sadd.s32 $0x70, s5;
	s5 =	sadd.s32 $0x80, s5;
	s6 =	smov.u32 s13  }
0x2b2: {  	[tilespmem:s12], [sflag:$0x2] =	stream.linear.gather [hbm4b:s31+s4], $0x80, $0x38;
	[tilespmem:$0x14900] =	vst v63  }
0x2b3: {  	s6 =	sadd.s32 $0x8000, s2  }
0x2b4: {  	[tilespmem:s6], [sflag:$0x2] =	stream.linear.gather [hbm4b:s5+s4], $0x80, $0x38;
	[tilespmem:$0x14900] =	vst v63  }
0x2b5: {  	s12 =	sadd.s32 $0x10, s5;
	s13 =	sadd.s32 $0x8800, s2  }
0x2b6: {  	[tilespmem:s13], [sflag:$0x2] =	stream.linear.gather [hbm4b:s12+s4], $0x80, $0x38;
	[tilespmem:$0x14900] =	vst v63  }
0x2b7: {  	s12 =	sadd.s32 $0x20, s5;
	s13 =	sadd.s32 $0x9000, s2  }
0x2b8: {  	[tilespmem:s13], [sflag:$0x2] =	stream.linear.gather [hbm4b:s12+s4], $0x80, $0x38;
	[tilespmem:$0x14900] =	vst v63  }
0x2b9: {  	s12 =	sadd.s32 $0x30, s5;
	s13 =	sadd.s32 $0x9800, s2  }
0x2ba: {  	[tilespmem:s13], [sflag:$0x2] =	stream.linear.gather [hbm4b:s12+s4], $0x80, $0x38;
	[tilespmem:$0x14900] =	vst v63  }
0x2bb: {  	s12 =	sadd.s32 $0x40, s5;
	s13 =	sadd.s32 $0xA000, s2  }
0x2bc: {  	[tilespmem:s13], [sflag:$0x2] =	stream.linear.gather [hbm4b:s12+s4], $0x80, $0x38;
	[tilespmem:$0x14900] =	vst v63  }
0x2bd: {  	s12 =	sadd.s32 $0x50, s5;
	s13 =	sadd.s32 $0xA800, s2  }
0x2be: {  	[tilespmem:s13], [sflag:$0x2] =	stream.linear.gather [hbm4b:s12+s4], $0x80, $0x38;
	[tilespmem:$0x14900] =	vst v63  }
0x2bf: {  	s12 =	sadd.s32 $0x60, s5;
	s13 =	sadd.s32 $0xB000, s2  }
0x2c0: {  	[tilespmem:s13], [sflag:$0x2] =	stream.linear.gather [hbm4b:s12+s4], $0x80, $0x38;
	[tilespmem:$0x14900] =	vst v63  }
0x2c1: {  	s12 =	sadd.s32 $0x70, s5;
	s13 =	sadd.s32 $0xB800, s2  }
0x2c2: {  	[tilespmem:s13], [sflag:$0x2] =	stream.linear.gather [hbm4b:s12+s4], $0x80, $0x38;
	[tilespmem:$0x14900] =	vst v63  }
0x2c3: {  	s6 =	simm.s32 $0xC000;
	s5 =	sadd.s32 $0x400, s17  }
0x2c4: {  	[tilespmem:s6], [sflag:$0x2] =	stream.linear.gather [hbm4b:s5+s4], $0x80, $0x38;
	[tilespmem:$0x14900] =	vst v63  }
0x2c5: {  	s12 =	sadd.s32 $0x10, s5;
	s13 =	simm.s32 $0xC800  }
0x2c6: {  	[tilespmem:s13], [sflag:$0x2] =	stream.linear.gather [hbm4b:s12+s4], $0x80, $0x38;
	[tilespmem:$0x14900] =	vst v63  }
0x2c7: {  	s12 =	sadd.s32 $0x20, s5;
	s13 =	simm.s32 $0xD000  }
0x2c8: {  	[tilespmem:s13], [sflag:$0x2] =	stream.linear.gather [hbm4b:s12+s4], $0x80, $0x38;
	[tilespmem:$0x14900] =	vst v63  }
0x2c9: {  	s12 =	sadd.s32 $0x30, s5;
	s13 =	simm.s32 $0xD800  }
0x2ca: {  	[tilespmem:s13], [sflag:$0x2] =	stream.linear.gather [hbm4b:s12+s4], $0x80, $0x38;
	[tilespmem:$0x14900] =	vst v63  }
0x2cb: {  	s12 =	sadd.s32 $0x40, s5;
	s13 =	simm.s32 $0xE000  }
0x2cc: {  	[tilespmem:s13], [sflag:$0x2] =	stream.linear.gather [hbm4b:s12+s4], $0x80, $0x38;
	[tilespmem:$0x14900] =	vst v63  }
0x2cd: {  	s2 =	simm.s32 $0x100;
	s12 =	sadd.s32 $0x50, s5;
	s13 =	simm.s32 $0xE800  }
0x2ce: {  	[tilespmem:s13], [sflag:$0x2] =	stream.linear.gather [hbm4b:s12+s4], $0x80, $0x38;
	[tilespmem:$0x14900] =	vst v63  }
0x2cf: {  	s31 =	sadd.s32 $0x70, s5;
	s12 =	sadd.s32 $0x60, s5;
	s13 =	simm.s32 $0xF000  }
0x2d0: {  	[tilespmem:s13], [sflag:$0x2] =	stream.linear.gather [hbm4b:s12+s4], $0x80, $0x38;
	[tilespmem:$0x14900] =	vst v63  }
0x2d1: {  	s6 =	simm.s32 $0x800;
	s5 =	sadd.s32 $0x80, s5;
	s12 =	simm.s32 $0xF800  }
.LBB2_28:
0x2d2: {  	[tilespmem:s12], [sflag:$0x2] =	stream.linear.gather [hbm4b:s31+s4], $0x80, $0x38;
	[tilespmem:$0x14900] =	vst v63  }
0x2d3: {  	s12 =	smov.u32 s2;
	s2 =	smov.u32 s6  }
0x2d4: {  	s13 =	sadd.s32 $0x400, s6;
	s2 =	sshra.s32 s2, $0x2;
	s31 =	sadd.s32 $0xC000, s12  }
0x2d5: {  	[tilespmem:s31], [sflag:$0x2] =	stream.linear.gather [hbm4b:s5+s4], $0x80, $0x38;
	[tilespmem:$0x14900] =	vst v63  }
0x2d6: {  	p1 =	sne.s32 s6, $0x1C00;
	s6 =	sadd.s32 $0x10, s5;
	s31 =	sadd.s32 $0xC800, s12  }
0x2d7: {  	[tilespmem:s31], [sflag:$0x2] =	stream.linear.gather [hbm4b:s6+s4], $0x80, $0x38;
	[tilespmem:$0x14900] =	vst v63  }
0x2d8: {  	s6 =	sadd.s32 $0x20, s5;
	s31 =	sadd.s32 $0xD000, s12  }
0x2d9: {  	[tilespmem:s31], [sflag:$0x2] =	stream.linear.gather [hbm4b:s6+s4], $0x80, $0x38;
	[tilespmem:$0x14900] =	vst v63  }
0x2da: {  	s6 =	sadd.s32 $0x30, s5;
	s31 =	sadd.s32 $0xD800, s12  }
0x2db: {  	[tilespmem:s31], [sflag:$0x2] =	stream.linear.gather [hbm4b:s6+s4], $0x80, $0x38;
	[tilespmem:$0x14900] =	vst v63  }
0x2dc: {  	s6 =	sadd.s32 $0x40, s5;
	s31 =	sadd.s32 $0xE000, s12  }
0x2dd: {  	[tilespmem:s31], [sflag:$0x2] =	stream.linear.gather [hbm4b:s6+s4], $0x80, $0x38;
	[tilespmem:$0x14900] =	vst v63  }
.Ltmp15:
0x2de: {  	s6 =	sadd.s32 $0x50, s5;
	s31 =	sadd.s32 $0xE800, s12;
	(pc) =	sbr.rel @p1 .LBB2_28-.Ltmp15, $4  }
0x2df: {  	[tilespmem:s31], [sflag:$0x2] =	stream.linear.gather [hbm4b:s6+s4], $0x80, $0x38;
	[tilespmem:$0x14900] =	vst v63  }
0x2e0: {  	s6 =	sadd.s32 $0x60, s5;
	s31 =	sadd.s32 $0xF000, s12;
	s12 =	sadd.s32 $0xF800, s12  }
0x2e1: {  	[tilespmem:s31], [sflag:$0x2] =	stream.linear.gather [hbm4b:s6+s4], $0x80, $0x38;
	[tilespmem:$0x14900] =	vst v63  }
0x2e2: {  	s31 =	sadd.s32 $0x70, s5;
	s5 =	sadd.s32 $0x80, s5;
	s6 =	smov.u32 s13  }
0x2e3: {  	[tilespmem:s12], [sflag:$0x2] =	stream.linear.gather [hbm4b:s31+s4], $0x80, $0x38;
	[tilespmem:$0x14900] =	vst v63  }
0x2e4: {  	s6 =	sadd.s32 $0xC000, s2  }
0x2e5: {  	[tilespmem:s6], [sflag:$0x2] =	stream.linear.gather [hbm4b:s5+s4], $0x80, $0x38;
	[tilespmem:$0x14900] =	vst v63  }
0x2e6: {  	s12 =	sadd.s32 $0x10, s5;
	s13 =	sadd.s32 $0xC800, s2  }
0x2e7: {  	[tilespmem:s13], [sflag:$0x2] =	stream.linear.gather [hbm4b:s12+s4], $0x80, $0x38;
	[tilespmem:$0x14900] =	vst v63  }
0x2e8: {  	s12 =	sadd.s32 $0x20, s5;
	s13 =	sadd.s32 $0xD000, s2  }
0x2e9: {  	[tilespmem:s13], [sflag:$0x2] =	stream.linear.gather [hbm4b:s12+s4], $0x80, $0x38;
	[tilespmem:$0x14900] =	vst v63  }
0x2ea: {  	s12 =	sadd.s32 $0x30, s5;
	s13 =	sadd.s32 $0xD800, s2  }
0x2eb: {  	[tilespmem:s13], [sflag:$0x2] =	stream.linear.gather [hbm4b:s12+s4], $0x80, $0x38;
	[tilespmem:$0x14900] =	vst v63  }
0x2ec: {  	s12 =	sadd.s32 $0x40, s5;
	s13 =	sadd.s32 $0xE000, s2  }
0x2ed: {  	[tilespmem:s13], [sflag:$0x2] =	stream.linear.gather [hbm4b:s12+s4], $0x80, $0x38;
	[tilespmem:$0x14900] =	vst v63  }
0x2ee: {  	s12 =	sadd.s32 $0x50, s5;
	s13 =	sadd.s32 $0xE800, s2  }
0x2ef: {  	[tilespmem:s13], [sflag:$0x2] =	stream.linear.gather [hbm4b:s12+s4], $0x80, $0x38;
	[tilespmem:$0x14900] =	vst v63  }
0x2f0: {  	s12 =	sadd.s32 $0x60, s5;
	s13 =	sadd.s32 $0xF000, s2  }
0x2f1: {  	[tilespmem:s13], [sflag:$0x2] =	stream.linear.gather [hbm4b:s12+s4], $0x80, $0x38;
	[tilespmem:$0x14900] =	vst v63  }
0x2f2: {  	s6 =	sadd.s32 $0x70, s5;
	s12 =	sadd.s32 $0xF800, s2  }
0x2f3: {  	[tilespmem:s12], [sflag:$0x2] =	stream.linear.gather [hbm4b:s6+s4], $0x80, $0x38;
	[tilespmem:$0x14900] =	vst v63  }
0x2f4: {  	s13 =	simm.s32 $0x8080  }
0x2f5: {  	[tilespmem:s13], [sflag:$0x2] =	stream.linear.gather [hbm4b:s18+s4], $0x80, $0x38;
	[tilespmem:$0x14900] =	vst v63  }
0x2f6: {  	s5 =	sadd.s32 $0x10, s18;
	s6 =	simm.s32 $0x8880  }
0x2f7: {  	[tilespmem:s6], [sflag:$0x2] =	stream.linear.gather [hbm4b:s5+s4], $0x80, $0x38;
	[tilespmem:$0x14900] =	vst v63  }
0x2f8: {  	s12 =	sadd.s32 $0x20, s18;
	s13 =	simm.s32 $0x9080  }
0x2f9: {  	[tilespmem:s13], [sflag:$0x2] =	stream.linear.gather [hbm4b:s12+s4], $0x80, $0x38;
	[tilespmem:$0x14900] =	vst v63  }
0x2fa: {  	s5 =	sadd.s32 $0x30, s18;
	s6 =	simm.s32 $0x9880  }
0x2fb: {  	[tilespmem:s6], [sflag:$0x2] =	stream.linear.gather [hbm4b:s5+s4], $0x80, $0x38;
	[tilespmem:$0x14900] =	vst v63  }
0x2fc: {  	s12 =	sadd.s32 $0x40, s18;
	s13 =	simm.s32 $0xA080  }
0x2fd: {  	[tilespmem:s13], [sflag:$0x2] =	stream.linear.gather [hbm4b:s12+s4], $0x80, $0x38;
	[tilespmem:$0x14900] =	vst v63  }
0x2fe: {  	s31 =	sadd.s32 $0x70, s18;
	s5 =	sadd.s32 $0x50, s18;
	s6 =	simm.s32 $0xA880  }
0x2ff: {  	[tilespmem:s6], [sflag:$0x2] =	stream.linear.gather [hbm4b:s5+s4], $0x80, $0x38;
	[tilespmem:$0x14900] =	vst v63  }
0x300: {  	s2 =	simm.s32 $0x100;
	s12 =	sadd.s32 $0x60, s18;
	s13 =	simm.s32 $0xB080  }
0x301: {  	[tilespmem:s13], [sflag:$0x2] =	stream.linear.gather [hbm4b:s12+s4], $0x80, $0x38;
	[tilespmem:$0x14900] =	vst v63  }
0x302: {  	s6 =	simm.s32 $0x800;
	s5 =	sadd.s32 $0x80, s18;
	s12 =	simm.s32 $0xB880  }
.LBB2_30:
0x303: {  	[tilespmem:s12], [sflag:$0x2] =	stream.linear.gather [hbm4b:s31+s4], $0x80, $0x38;
	[tilespmem:$0x14900] =	vst v63  }
0x304: {  	s12 =	smov.u32 s2;
	s2 =	smov.u32 s6  }
0x305: {  	s13 =	sadd.s32 $0x400, s6;
	s2 =	sshra.s32 s2, $0x2;
	s31 =	sadd.s32 $0x8080, s12  }
0x306: {  	[tilespmem:s31], [sflag:$0x2] =	stream.linear.gather [hbm4b:s5+s4], $0x80, $0x38;
	[tilespmem:$0x14900] =	vst v63  }
0x307: {  	p1 =	sne.s32 s6, $0x1C00;
	s6 =	sadd.s32 $0x10, s5;
	s31 =	sadd.s32 $0x8880, s12  }
0x308: {  	[tilespmem:s31], [sflag:$0x2] =	stream.linear.gather [hbm4b:s6+s4], $0x80, $0x38;
	[tilespmem:$0x14900] =	vst v63  }
0x309: {  	s6 =	sadd.s32 $0x20, s5;
	s31 =	sadd.s32 $0x9080, s12  }
0x30a: {  	[tilespmem:s31], [sflag:$0x2] =	stream.linear.gather [hbm4b:s6+s4], $0x80, $0x38;
	[tilespmem:$0x14900] =	vst v63  }
0x30b: {  	s6 =	sadd.s32 $0x30, s5;
	s31 =	sadd.s32 $0x9880, s12  }
0x30c: {  	[tilespmem:s31], [sflag:$0x2] =	stream.linear.gather [hbm4b:s6+s4], $0x80, $0x38;
	[tilespmem:$0x14900] =	vst v63  }
0x30d: {  	s6 =	sadd.s32 $0x40, s5;
	s31 =	sadd.s32 $0xA080, s12  }
0x30e: {  	[tilespmem:s31], [sflag:$0x2] =	stream.linear.gather [hbm4b:s6+s4], $0x80, $0x38;
	[tilespmem:$0x14900] =	vst v63  }
.Ltmp16:
0x30f: {  	s6 =	sadd.s32 $0x50, s5;
	s31 =	sadd.s32 $0xA880, s12;
	(pc) =	sbr.rel @p1 .LBB2_30-.Ltmp16, $4  }
0x310: {  	[tilespmem:s31], [sflag:$0x2] =	stream.linear.gather [hbm4b:s6+s4], $0x80, $0x38;
	[tilespmem:$0x14900] =	vst v63  }
0x311: {  	s6 =	sadd.s32 $0x60, s5;
	s31 =	sadd.s32 $0xB080, s12;
	s12 =	sadd.s32 $0xB880, s12  }
0x312: {  	[tilespmem:s31], [sflag:$0x2] =	stream.linear.gather [hbm4b:s6+s4], $0x80, $0x38;
	[tilespmem:$0x14900] =	vst v63  }
0x313: {  	s31 =	sadd.s32 $0x70, s5;
	s5 =	sadd.s32 $0x80, s5;
	s6 =	smov.u32 s13  }
0x314: {  	[tilespmem:s12], [sflag:$0x2] =	stream.linear.gather [hbm4b:s31+s4], $0x80, $0x38;
	[tilespmem:$0x14900] =	vst v63  }
0x315: {  	s6 =	sadd.s32 $0x8080, s2  }
0x316: {  	[tilespmem:s6], [sflag:$0x2] =	stream.linear.gather [hbm4b:s5+s4], $0x80, $0x38;
	[tilespmem:$0x14900] =	vst v63  }
0x317: {  	s12 =	sadd.s32 $0x10, s5;
	s13 =	sadd.s32 $0x8880, s2  }
0x318: {  	[tilespmem:s13], [sflag:$0x2] =	stream.linear.gather [hbm4b:s12+s4], $0x80, $0x38;
	[tilespmem:$0x14900] =	vst v63  }
0x319: {  	s12 =	sadd.s32 $0x20, s5;
	s13 =	sadd.s32 $0x9080, s2  }
0x31a: {  	[tilespmem:s13], [sflag:$0x2] =	stream.linear.gather [hbm4b:s12+s4], $0x80, $0x38;
	[tilespmem:$0x14900] =	vst v63  }
0x31b: {  	s12 =	sadd.s32 $0x30, s5;
	s13 =	sadd.s32 $0x9880, s2  }
0x31c: {  	[tilespmem:s13], [sflag:$0x2] =	stream.linear.gather [hbm4b:s12+s4], $0x80, $0x38;
	[tilespmem:$0x14900] =	vst v63  }
0x31d: {  	s12 =	sadd.s32 $0x40, s5;
	s13 =	sadd.s32 $0xA080, s2  }
0x31e: {  	[tilespmem:s13], [sflag:$0x2] =	stream.linear.gather [hbm4b:s12+s4], $0x80, $0x38;
	[tilespmem:$0x14900] =	vst v63  }
0x31f: {  	s12 =	sadd.s32 $0x50, s5;
	s13 =	sadd.s32 $0xA880, s2  }
0x320: {  	[tilespmem:s13], [sflag:$0x2] =	stream.linear.gather [hbm4b:s12+s4], $0x80, $0x38;
	[tilespmem:$0x14900] =	vst v63  }
0x321: {  	s12 =	sadd.s32 $0x60, s5;
	s13 =	sadd.s32 $0xB080, s2  }
0x322: {  	[tilespmem:s13], [sflag:$0x2] =	stream.linear.gather [hbm4b:s12+s4], $0x80, $0x38;
	[tilespmem:$0x14900] =	vst v63  }
0x323: {  	s12 =	sadd.s32 $0x70, s5;
	s13 =	sadd.s32 $0xB880, s2  }
0x324: {  	[tilespmem:s13], [sflag:$0x2] =	stream.linear.gather [hbm4b:s12+s4], $0x80, $0x38;
	[tilespmem:$0x14900] =	vst v63  }
0x325: {  	s6 =	simm.s32 $0xC080;
	s5 =	sadd.s32 $0x400, s18  }
0x326: {  	[tilespmem:s6], [sflag:$0x2] =	stream.linear.gather [hbm4b:s5+s4], $0x80, $0x38;
	[tilespmem:$0x14900] =	vst v63  }
0x327: {  	s12 =	sadd.s32 $0x10, s5;
	s13 =	simm.s32 $0xC880  }
0x328: {  	[tilespmem:s13], [sflag:$0x2] =	stream.linear.gather [hbm4b:s12+s4], $0x80, $0x38;
	[tilespmem:$0x14900] =	vst v63  }
0x329: {  	s12 =	sadd.s32 $0x20, s5;
	s13 =	simm.s32 $0xD080  }
0x32a: {  	[tilespmem:s13], [sflag:$0x2] =	stream.linear.gather [hbm4b:s12+s4], $0x80, $0x38;
	[tilespmem:$0x14900] =	vst v63  }
0x32b: {  	s12 =	sadd.s32 $0x30, s5;
	s13 =	simm.s32 $0xD880  }
0x32c: {  	[tilespmem:s13], [sflag:$0x2] =	stream.linear.gather [hbm4b:s12+s4], $0x80, $0x38;
	[tilespmem:$0x14900] =	vst v63  }
0x32d: {  	s12 =	sadd.s32 $0x40, s5;
	s13 =	simm.s32 $0xE080  }
0x32e: {  	[tilespmem:s13], [sflag:$0x2] =	stream.linear.gather [hbm4b:s12+s4], $0x80, $0x38;
	[tilespmem:$0x14900] =	vst v63  }
0x32f: {  	s2 =	simm.s32 $0x100;
	s12 =	sadd.s32 $0x50, s5;
	s13 =	simm.s32 $0xE880  }
0x330: {  	[tilespmem:s13], [sflag:$0x2] =	stream.linear.gather [hbm4b:s12+s4], $0x80, $0x38;
	[tilespmem:$0x14900] =	vst v63  }
0x331: {  	s31 =	sadd.s32 $0x70, s5;
	s12 =	sadd.s32 $0x60, s5;
	s13 =	simm.s32 $0xF080  }
0x332: {  	[tilespmem:s13], [sflag:$0x2] =	stream.linear.gather [hbm4b:s12+s4], $0x80, $0x38;
	[tilespmem:$0x14900] =	vst v63  }
0x333: {  	s6 =	simm.s32 $0x800;
	s5 =	sadd.s32 $0x80, s5;
	s12 =	simm.s32 $0xF880  }
.LBB2_32:
0x334: {  	[tilespmem:s12], [sflag:$0x2] =	stream.linear.gather [hbm4b:s31+s4], $0x80, $0x38;
	[tilespmem:$0x14900] =	vst v63  }
0x335: {  	s12 =	smov.u32 s2;
	s2 =	smov.u32 s6  }
0x336: {  	s13 =	sadd.s32 $0x400, s6;
	s2 =	sshra.s32 s2, $0x2;
	s31 =	sadd.s32 $0xC080, s12  }
0x337: {  	[tilespmem:s31], [sflag:$0x2] =	stream.linear.gather [hbm4b:s5+s4], $0x80, $0x38;
	[tilespmem:$0x14900] =	vst v63  }
0x338: {  	p1 =	sne.s32 s6, $0x1C00;
	s6 =	sadd.s32 $0x10, s5;
	s31 =	sadd.s32 $0xC880, s12  }
0x339: {  	[tilespmem:s31], [sflag:$0x2] =	stream.linear.gather [hbm4b:s6+s4], $0x80, $0x38;
	[tilespmem:$0x14900] =	vst v63  }
0x33a: {  	s6 =	sadd.s32 $0x20, s5;
	s31 =	sadd.s32 $0xD080, s12  }
0x33b: {  	[tilespmem:s31], [sflag:$0x2] =	stream.linear.gather [hbm4b:s6+s4], $0x80, $0x38;
	[tilespmem:$0x14900] =	vst v63  }
0x33c: {  	s6 =	sadd.s32 $0x30, s5;
	s31 =	sadd.s32 $0xD880, s12  }
0x33d: {  	[tilespmem:s31], [sflag:$0x2] =	stream.linear.gather [hbm4b:s6+s4], $0x80, $0x38;
	[tilespmem:$0x14900] =	vst v63  }
0x33e: {  	s6 =	sadd.s32 $0x40, s5;
	s31 =	sadd.s32 $0xE080, s12  }
0x33f: {  	[tilespmem:s31], [sflag:$0x2] =	stream.linear.gather [hbm4b:s6+s4], $0x80, $0x38;
	[tilespmem:$0x14900] =	vst v63  }
.Ltmp17:
0x340: {  	s6 =	sadd.s32 $0x50, s5;
	s31 =	sadd.s32 $0xE880, s12;
	(pc) =	sbr.rel @p1 .LBB2_32-.Ltmp17, $4  }
0x341: {  	[tilespmem:s31], [sflag:$0x2] =	stream.linear.gather [hbm4b:s6+s4], $0x80, $0x38;
	[tilespmem:$0x14900] =	vst v63  }
0x342: {  	s6 =	sadd.s32 $0x60, s5;
	s31 =	sadd.s32 $0xF080, s12;
	s12 =	sadd.s32 $0xF880, s12  }
0x343: {  	[tilespmem:s31], [sflag:$0x2] =	stream.linear.gather [hbm4b:s6+s4], $0x80, $0x38;
	[tilespmem:$0x14900] =	vst v63  }
0x344: {  	s31 =	sadd.s32 $0x70, s5;
	s5 =	sadd.s32 $0x80, s5;
	s6 =	smov.u32 s13  }
0x345: {  	[tilespmem:s12], [sflag:$0x2] =	stream.linear.gather [hbm4b:s31+s4], $0x80, $0x38;
	[tilespmem:$0x14900] =	vst v63  }
0x346: {  	s6 =	sadd.s32 $0xC080, s2  }
0x347: {  	[tilespmem:s6], [sflag:$0x2] =	stream.linear.gather [hbm4b:s5+s4], $0x80, $0x38;
	[tilespmem:$0x14900] =	vst v63  }
0x348: {  	s13 =	sadd.s32 $0x10, s5;
	s31 =	sadd.s32 $0xC880, s2  }
0x349: {  	[tilespmem:s31], [sflag:$0x2] =	stream.linear.gather [hbm4b:s13+s4], $0x80, $0x38;
	[tilespmem:$0x14900] =	vst v63  }
0x34a: {  	s13 =	sadd.s32 $0x20, s5;
	s31 =	sadd.s32 $0xD080, s2  }
0x34b: {  	[tilespmem:s31], [sflag:$0x2] =	stream.linear.gather [hbm4b:s13+s4], $0x80, $0x38;
	[tilespmem:$0x14900] =	vst v63  }
0x34c: {  	s13 =	sadd.s32 $0x30, s5;
	s31 =	sadd.s32 $0xD880, s2  }
0x34d: {  	[tilespmem:s31], [sflag:$0x2] =	stream.linear.gather [hbm4b:s13+s4], $0x80, $0x38;
	[tilespmem:$0x14900] =	vst v63  }
0x34e: {  	s13 =	sadd.s32 $0x40, s5;
	s31 =	sadd.s32 $0xE080, s2  }
0x34f: {  	[tilespmem:s31], [sflag:$0x2] =	stream.linear.gather [hbm4b:s13+s4], $0x80, $0x38;
	[tilespmem:$0x14900] =	vst v63  }
0x350: {  	s13 =	sadd.s32 $0x50, s5;
	s31 =	sadd.s32 $0xE880, s2  }
0x351: {  	[tilespmem:s31], [sflag:$0x2] =	stream.linear.gather [hbm4b:s13+s4], $0x80, $0x38;
	[tilespmem:$0x14900] =	vst v63  }
0x352: {  	s13 =	sadd.s32 $0x60, s5;
	s31 =	sadd.s32 $0xF080, s2  }
0x353: {  	[tilespmem:s31], [sflag:$0x2] =	stream.linear.gather [hbm4b:s13+s4], $0x80, $0x38;
	[tilespmem:$0x14900] =	vst v63  }
0x354: {  	s13 =	sadd.s32 $0x70, s5;
	s31 =	sadd.s32 $0xF880, s2  }
0x355: {  	[tilespmem:s31], [sflag:$0x2] =	stream.linear.gather [hbm4b:s13+s4], $0x80, $0x38;
	[tilespmem:$0x14900] =	vst v63  }
0x356: {  	_ =	swait.ge [sflag:s3], $0x4000  }
0x357: {  	[sflag:s3] =	ssyncset.done $0x0  }
.Ltmp18:
0x358: {  	[sflag:s3] =	ssyncadd.s32 $0xFFFFC000;
	(pc) =	sbr.rel @p0 .LBB2_35-.Ltmp18, $4  }
0x359: {  	_ =	swait.ge [sflag:s3], $0x4000  }
0x35a: {  	[sflag:s3] =	ssyncset.done $0x0  }
0x35b: {  	[sflag:s3] =	ssyncadd.s32 $0xFFFFC000  }
0x35c: {  	[hbm4b:s22+s4] =	stream.linear.scatter [tilespmem:s4], [sflag:$0x3], $0x8000, $0x38;
	[tilespmem:$0x14900] =	vst v63  }
0x35d: {  	_ =	swait.ge [sflag:s24], $0x2000  }
0x35e: {  	[sflag:s24] =	ssyncset.done $0x0  }
0x35f: {  	[sflag:s24] =	ssyncadd.s32 $0xFFFFE000  }
0x360: {  	_ =	swait.ge [sflag:s24], $0x2000  }
0x361: {  	[sflag:s24] =	ssyncset.done $0x0  }
0x362: {  	[sflag:s24] =	ssyncadd.s32 $0xFFFFE000  }
0x363: {  	v0 =	vld [tilespmem:$0x10100]  }
0x364: {  	v1 =	vld [tilespmem:$0x12100]  }
0x365: {  	v2 =	vld [tilespmem:$0x10110]  }
0x366: {  	v3 =	vld [tilespmem:$0x12110]  }
0x367: {  	v4 =	vld [tilespmem:$0x10120]  }
0x368: {  	v5 =	vld [tilespmem:$0x12120]  }
0x369: {  	v53 =	vld [tilespmem:$0x10130];
	v0 =	vadd.f32 v1, v0  }
0x36a: {  	v6 =	vld [tilespmem:$0x12130]  }
0x36b: {  	v11 =	vld [tilespmem:$0x10520];
	v2 =	vadd.f32 v3, v2;
	[tilespmem:$0x14100] =	vst v0  }
0x36c: {  	v12 =	vld [tilespmem:$0x12520];
	[tilespmem:$0x14180] =	vst v0  }
0x36d: {  	v54 =	vld [tilespmem:$0x10140];
	v4 =	vadd.f32 v5, v4;
	[tilespmem:$0x14110] =	vst v2  }
0x36e: {  	v55 =	vld [tilespmem:$0x12140];
	[tilespmem:$0x14190] =	vst v2  }
0x36f: {  	v56 =	vld [tilespmem:$0x10150];
	v1 =	vadd.f32 v6, v53;
	[tilespmem:$0x14120] =	vst v4  }
0x370: {  	v57 =	vld [tilespmem:$0x12150];
	[tilespmem:$0x141A0] =	vst v4  }
0x371: {  	v58 =	vld [tilespmem:$0x10160];
	v3 =	vadd.f32 v12, v11;
	[tilespmem:$0x14130] =	vst v1  }
0x372: {  	v59 =	vld [tilespmem:$0x12160];
	[tilespmem:$0x141B0] =	vst v1  }
0x373: {  	v60 =	vld [tilespmem:$0x10170];
	v0 =	vadd.f32 v55, v54;
	[tilespmem:$0x14220] =	vst v3  }
0x374: {  	v61 =	vld [tilespmem:$0x12170];
	[tilespmem:$0x142A0] =	vst v3  }
0x375: {  	v19 =	vld [tilespmem:$0x10560];
	v2 =	vadd.f32 v57, v56;
	[tilespmem:$0x14140] =	vst v0  }
0x376: {  	v20 =	vld [tilespmem:$0x12560];
	[tilespmem:$0x141C0] =	vst v0  }
0x377: {  	v62 =	vld [tilespmem:$0x10500];
	v4 =	vadd.f32 v59, v58;
	[tilespmem:$0x14150] =	vst v2  }
0x378: {  	v63 =	vld [tilespmem:$0x12500];
	[tilespmem:$0x141D0] =	vst v2  }
0x379: {  	v9 =	vld [tilespmem:$0x10510];
	v1 =	vadd.f32 v61, v60;
	[tilespmem:$0x14160] =	vst v4  }
0x37a: {  	v10 =	vld [tilespmem:$0x12510];
	[tilespmem:$0x141E0] =	vst v4  }
0x37b: {  	v13 =	vld [tilespmem:$0x10530];
	v3 =	vadd.f32 v20, v19;
	[tilespmem:$0x14170] =	vst v1  }
0x37c: {  	v14 =	vld [tilespmem:$0x12530];
	[tilespmem:$0x141F0] =	vst v1  }
0x37d: {  	v27 =	vld [tilespmem:$0x10920];
	v0 =	vadd.f32 v63, v62;
	[tilespmem:$0x14260] =	vst v3  }
0x37e: {  	v28 =	vld [tilespmem:$0x12920];
	[tilespmem:$0x142E0] =	vst v3  }
0x37f: {  	v15 =	vld [tilespmem:$0x10540];
	v2 =	vadd.f32 v10, v9;
	[tilespmem:$0x14200] =	vst v0  }
0x380: {  	v16 =	vld [tilespmem:$0x12540];
	[tilespmem:$0x14280] =	vst v0  }
0x381: {  	v17 =	vld [tilespmem:$0x10550];
	v1 =	vadd.f32 v14, v13;
	[tilespmem:$0x14210] =	vst v2  }
0x382: {  	v18 =	vld [tilespmem:$0x12550];
	[tilespmem:$0x14290] =	vst v2  }
0x383: {  	v21 =	vld [tilespmem:$0x10570];
	v3 =	vadd.f32 v28, v27;
	[tilespmem:$0x14230] =	vst v1  }
0x384: {  	v22 =	vld [tilespmem:$0x12570];
	[tilespmem:$0x142B0] =	vst v1  }
0x385: {  	v35 =	vld [tilespmem:$0x10960];
	v0 =	vadd.f32 v16, v15;
	[tilespmem:$0x14320] =	vst v3  }
0x386: {  	v36 =	vld [tilespmem:$0x12960];
	[tilespmem:$0x143A0] =	vst v3  }
0x387: {  	v23 =	vld [tilespmem:$0x10900];
	v2 =	vadd.f32 v18, v17;
	[tilespmem:$0x14240] =	vst v0  }
0x388: {  	v24 =	vld [tilespmem:$0x12900];
	[tilespmem:$0x142C0] =	vst v0  }
0x389: {  	v25 =	vld [tilespmem:$0x10910];
	v1 =	vadd.f32 v22, v21;
	[tilespmem:$0x14250] =	vst v2  }
0x38a: {  	v26 =	vld [tilespmem:$0x12910];
	[tilespmem:$0x142D0] =	vst v2  }
0x38b: {  	v29 =	vld [tilespmem:$0x10930];
	v3 =	vadd.f32 v36, v35;
	[tilespmem:$0x14270] =	vst v1  }
0x38c: {  	v30 =	vld [tilespmem:$0x12930];
	[tilespmem:$0x142F0] =	vst v1  }
0x38d: {  	v43 =	vld [tilespmem:$0x10D20];
	v0 =	vadd.f32 v24, v23;
	[tilespmem:$0x14360] =	vst v3  }
0x38e: {  	v44 =	vld [tilespmem:$0x12D20];
	[tilespmem:$0x143E0] =	vst v3  }
0x38f: {  	v31 =	vld [tilespmem:$0x10940];
	v2 =	vadd.f32 v26, v25;
	[tilespmem:$0x14300] =	vst v0  }
0x390: {  	v32 =	vld [tilespmem:$0x12940];
	[tilespmem:$0x14380] =	vst v0  }
0x391: {  	v33 =	vld [tilespmem:$0x10950];
	v1 =	vadd.f32 v30, v29;
	[tilespmem:$0x14310] =	vst v2  }
0x392: {  	v34 =	vld [tilespmem:$0x12950];
	[tilespmem:$0x14390] =	vst v2  }
0x393: {  	v37 =	vld [tilespmem:$0x10970];
	v3 =	vadd.f32 v44, v43;
	[tilespmem:$0x14330] =	vst v1  }
0x394: {  	v38 =	vld [tilespmem:$0x12970];
	[tilespmem:$0x143B0] =	vst v1  }
0x395: {  	v51 =	vld [tilespmem:$0x10D60];
	v0 =	vadd.f32 v32, v31;
	[tilespmem:$0x14420] =	vst v3  }
0x396: {  	v52 =	vld [tilespmem:$0x12D60];
	[tilespmem:$0x144A0] =	vst v3  }
0x397: {  	v39 =	vld [tilespmem:$0x10D00];
	v2 =	vadd.f32 v34, v33;
	[tilespmem:$0x14340] =	vst v0  }
0x398: {  	v40 =	vld [tilespmem:$0x12D00];
	[tilespmem:$0x143C0] =	vst v0  }
0x399: {  	v41 =	vld [tilespmem:$0x10D10];
	v1 =	vadd.f32 v38, v37;
	[tilespmem:$0x14350] =	vst v2  }
0x39a: {  	v42 =	vld [tilespmem:$0x12D10];
	[tilespmem:$0x143D0] =	vst v2  }
0x39b: {  	v45 =	vld [tilespmem:$0x10D30];
	v3 =	vadd.f32 v52, v51;
	[tilespmem:$0x14370] =	vst v1  }
0x39c: {  	v46 =	vld [tilespmem:$0x12D30];
	[tilespmem:$0x143F0] =	vst v1  }
0x39d: {  	v59 =	vld [tilespmem:$0x11120];
	v0 =	vadd.f32 v40, v39;
	[tilespmem:$0x14460] =	vst v3  }
0x39e: {  	v60 =	vld [tilespmem:$0x13120];
	[tilespmem:$0x144E0] =	vst v3  }
0x39f: {  	v47 =	vld [tilespmem:$0x10D40];
	v2 =	vadd.f32 v42, v41;
	[tilespmem:$0x14400] =	vst v0  }
0x3a0: {  	v48 =	vld [tilespmem:$0x12D40];
	[tilespmem:$0x14480] =	vst v0  }
0x3a1: {  	v49 =	vld [tilespmem:$0x10D50];
	v1 =	vadd.f32 v46, v45;
	[tilespmem:$0x14410] =	vst v2  }
0x3a2: {  	v50 =	vld [tilespmem:$0x12D50];
	[tilespmem:$0x14490] =	vst v2  }
0x3a3: {  	v53 =	vld [tilespmem:$0x10D70];
	v3 =	vadd.f32 v60, v59;
	[tilespmem:$0x14430] =	vst v1  }
0x3a4: {  	v54 =	vld [tilespmem:$0x12D70];
	[tilespmem:$0x144B0] =	vst v1  }
0x3a5: {  	v11 =	vld [tilespmem:$0x11160];
	v0 =	vadd.f32 v48, v47;
	[tilespmem:$0x14520] =	vst v3  }
0x3a6: {  	v12 =	vld [tilespmem:$0x13160];
	[tilespmem:$0x145A0] =	vst v3  }
0x3a7: {  	v55 =	vld [tilespmem:$0x11100];
	v2 =	vadd.f32 v50, v49;
	[tilespmem:$0x14440] =	vst v0  }
0x3a8: {  	v56 =	vld [tilespmem:$0x13100];
	[tilespmem:$0x144C0] =	vst v0  }
0x3a9: {  	v57 =	vld [tilespmem:$0x11110];
	v1 =	vadd.f32 v54, v53;
	[tilespmem:$0x14450] =	vst v2  }
0x3aa: {  	v58 =	vld [tilespmem:$0x13110];
	[tilespmem:$0x144D0] =	vst v2  }
0x3ab: {  	v61 =	vld [tilespmem:$0x11130];
	v3 =	vadd.f32 v12, v11;
	[tilespmem:$0x14470] =	vst v1  }
0x3ac: {  	v62 =	vld [tilespmem:$0x13130];
	[tilespmem:$0x144F0] =	vst v1  }
0x3ad: {  	v19 =	vld [tilespmem:$0x11520];
	v0 =	vadd.f32 v56, v55;
	[tilespmem:$0x14560] =	vst v3  }
0x3ae: {  	v20 =	vld [tilespmem:$0x13520];
	[tilespmem:$0x145E0] =	vst v3  }
0x3af: {  	v8 =	vld [tilespmem:$0x13140];
	v2 =	vadd.f32 v58, v57;
	[tilespmem:$0x14500] =	vst v0  }
0x3b0: {  	v63 =	vld [tilespmem:$0x11140];
	[tilespmem:$0x14580] =	vst v0  }
0x3b1: {  	v9 =	vld [tilespmem:$0x11150];
	v1 =	vadd.f32 v62, v61;
	[tilespmem:$0x14510] =	vst v2  }
0x3b2: {  	v10 =	vld [tilespmem:$0x13150];
	[tilespmem:$0x14590] =	vst v2  }
0x3b3: {  	v13 =	vld [tilespmem:$0x11170];
	v3 =	vadd.f32 v20, v19;
	[tilespmem:$0x14530] =	vst v1  }
0x3b4: {  	v14 =	vld [tilespmem:$0x13170];
	[tilespmem:$0x145B0] =	vst v1  }
0x3b5: {  	v27 =	vld [tilespmem:$0x11560];
	v0 =	vadd.f32 v8, v63;
	[tilespmem:$0x14620] =	vst v3  }
0x3b6: {  	v28 =	vld [tilespmem:$0x13560];
	[tilespmem:$0x146A0] =	vst v3  }
0x3b7: {  	v59 =	vld [tilespmem:$0x11D60];
	v2 =	vadd.f32 v10, v9;
	[tilespmem:$0x14540] =	vst v0  }
0x3b8: {  	v60 =	vld [tilespmem:$0x13D60];
	[tilespmem:$0x145C0] =	vst v0  }
0x3b9: {  	v15 =	vld [tilespmem:$0x11500];
	v1 =	vadd.f32 v14, v13;
	[tilespmem:$0x14550] =	vst v2  }
0x3ba: {  	v16 =	vld [tilespmem:$0x13500];
	[tilespmem:$0x145D0] =	vst v2  }
0x3bb: {  	v17 =	vld [tilespmem:$0x11510];
	v3 =	vadd.f32 v28, v27;
	[tilespmem:$0x14570] =	vst v1  }
0x3bc: {  	v18 =	vld [tilespmem:$0x13510];
	[tilespmem:$0x145F0] =	vst v1  }
0x3bd: {  	v21 =	vld [tilespmem:$0x11530];
	v63 =	vadd.f32 v60, v59;
	[tilespmem:$0x14660] =	vst v3  }
0x3be: {  	v22 =	vld [tilespmem:$0x13530];
	[tilespmem:$0x146E0] =	vst v3  }
0x3bf: {  	v35 =	vld [tilespmem:$0x11920];
	v0 =	vadd.f32 v16, v15;
	[tilespmem:$0x14860] =	vst v63  }
0x3c0: {  	v36 =	vld [tilespmem:$0x13920];
	[tilespmem:$0x148E0] =	vst v63  }
0x3c1: {  	v23 =	vld [tilespmem:$0x11540];
	v2 =	vadd.f32 v18, v17;
	[tilespmem:$0x14600] =	vst v0  }
0x3c2: {  	v24 =	vld [tilespmem:$0x13540];
	[tilespmem:$0x14680] =	vst v0  }
0x3c3: {  	v25 =	vld [tilespmem:$0x11550];
	v1 =	vadd.f32 v22, v21;
	[tilespmem:$0x14610] =	vst v2  }
0x3c4: {  	v26 =	vld [tilespmem:$0x13550];
	[tilespmem:$0x14690] =	vst v2  }
0x3c5: {  	v29 =	vld [tilespmem:$0x11570];
	v3 =	vadd.f32 v36, v35;
	[tilespmem:$0x14630] =	vst v1  }
0x3c6: {  	v30 =	vld [tilespmem:$0x13570];
	[tilespmem:$0x146B0] =	vst v1  }
0x3c7: {  	v43 =	vld [tilespmem:$0x11960];
	v0 =	vadd.f32 v24, v23;
	[tilespmem:$0x14720] =	vst v3  }
0x3c8: {  	v44 =	vld [tilespmem:$0x13960];
	[tilespmem:$0x147A0] =	vst v3  }
0x3c9: {  	v31 =	vld [tilespmem:$0x11900];
	v2 =	vadd.f32 v26, v25;
	[tilespmem:$0x14640] =	vst v0  }
0x3ca: {  	v32 =	vld [tilespmem:$0x13900];
	[tilespmem:$0x146C0] =	vst v0  }
0x3cb: {  	v33 =	vld [tilespmem:$0x11910];
	v1 =	vadd.f32 v30, v29;
	[tilespmem:$0x14650] =	vst v2  }
0x3cc: {  	v34 =	vld [tilespmem:$0x13910];
	[tilespmem:$0x146D0] =	vst v2  }
0x3cd: {  	v37 =	vld [tilespmem:$0x11930];
	v3 =	vadd.f32 v44, v43;
	[tilespmem:$0x14670] =	vst v1  }
0x3ce: {  	v38 =	vld [tilespmem:$0x13930];
	[tilespmem:$0x146F0] =	vst v1  }
0x3cf: {  	v51 =	vld [tilespmem:$0x11D20];
	v0 =	vadd.f32 v32, v31;
	[tilespmem:$0x14760] =	vst v3  }
0x3d0: {  	v52 =	vld [tilespmem:$0x13D20];
	[tilespmem:$0x147E0] =	vst v3  }
0x3d1: {  	v39 =	vld [tilespmem:$0x11940];
	v2 =	vadd.f32 v34, v33;
	[tilespmem:$0x14700] =	vst v0  }
0x3d2: {  	v40 =	vld [tilespmem:$0x13940];
	[tilespmem:$0x14780] =	vst v0  }
0x3d3: {  	v41 =	vld [tilespmem:$0x11950];
	v1 =	vadd.f32 v38, v37;
	[tilespmem:$0x14710] =	vst v2  }
0x3d4: {  	v42 =	vld [tilespmem:$0x13950];
	[tilespmem:$0x14790] =	vst v2  }
0x3d5: {  	v45 =	vld [tilespmem:$0x11970];
	v3 =	vadd.f32 v52, v51;
	[tilespmem:$0x14730] =	vst v1  }
0x3d6: {  	v46 =	vld [tilespmem:$0x13970];
	[tilespmem:$0x147B0] =	vst v1  }
0x3d7: {  	v47 =	vld [tilespmem:$0x11D00];
	v0 =	vadd.f32 v40, v39;
	[tilespmem:$0x14820] =	vst v3  }
0x3d8: {  	v48 =	vld [tilespmem:$0x13D00];
	[tilespmem:$0x148A0] =	vst v3  }
0x3d9: {  	v49 =	vld [tilespmem:$0x11D10];
	v2 =	vadd.f32 v42, v41;
	[tilespmem:$0x14740] =	vst v0  }
0x3da: {  	v50 =	vld [tilespmem:$0x13D10];
	[tilespmem:$0x147C0] =	vst v0  }
0x3db: {  	v53 =	vld [tilespmem:$0x11D30];
	v1 =	vadd.f32 v46, v45;
	[tilespmem:$0x14750] =	vst v2  }
0x3dc: {  	v54 =	vld [tilespmem:$0x13D30];
	[tilespmem:$0x147D0] =	vst v2  }
0x3dd: {  	v55 =	vld [tilespmem:$0x11D40];
	[tilespmem:$0x14770] =	vst v1;
	v0 =	vadd.f32 v48, v47  }
0x3de: {  	v56 =	vld [tilespmem:$0x13D40];
	[tilespmem:$0x147F0] =	vst v1  }
0x3df: {  	v57 =	vld [tilespmem:$0x11D50];
	v2 =	vadd.f32 v50, v49;
	[tilespmem:$0x14800] =	vst v0  }
0x3e0: {  	v58 =	vld [tilespmem:$0x13D50];
	[tilespmem:$0x14880] =	vst v0  }
0x3e1: {  	v61 =	vld [tilespmem:$0x11D70];
	v1 =	vadd.f32 v54, v53;
	[tilespmem:$0x14810] =	vst v2  }
0x3e2: {  	v62 =	vld [tilespmem:$0x13D70];
	[tilespmem:$0x14890] =	vst v2  }
0x3e3: {  	[tilespmem:$0x14830] =	vst v1;
	v0 =	vadd.f32 v56, v55  }
0x3e4: {  	[tilespmem:$0x148B0] =	vst v1  }
0x3e5: {  	v2 =	vadd.f32 v58, v57;
	[tilespmem:$0x14840] =	vst v0  }
0x3e6: {  	[tilespmem:$0x148C0] =	vst v0  }
.Ltmp19:
0x3e7: {  	v1 =	vadd.f32 v62, v61;
	[tilespmem:$0x14850] =	vst v2;
	(pc) =	sbr.rel .LBB2_35-.Ltmp19, $4  }
0x3e8: {  	[tilespmem:$0x148D0] =	vst v2  }
0x3e9: {  	[tilespmem:$0x14870] =	vst v1  }
0x3ea: {  	s5 =	simm.s32 $0x14100;
	s2 =	rddreg [dreg:$0xa];
	[tilespmem:$0x148F0] =	vst v1  }
0x3eb: {  	[hbm4b:s2+s4] =	stream.linear.scatter [tilespmem:s5], [sflag:$0x5], $0x800, $0x38;
	[tilespmem:$0x14900] =	vst v63  }
.LBB2_36:
0x3ec: {  	_ =	sfence.sel $0x180000  }
0x3ed: {  	[bflag:$0x0] =	sbarrier.arrive $0xFFFF  }
0x3ee: {  	_ =	strace $0x90000047  }
0x3ef: {  	s0 =	stileid.u32;
	[bflag:$0x2] =	sbarrier.arrive $0xFFFF  }
0x3f0: {  	p0 =	sne.s32 s0, $0x0;
	s0 =	rddreg [dreg:$0x5]  }
0x3f1: {  	s0 =	sadd.s32 @!p0 $0x100000, s0  }
0x3f2: {  	[sflag:s0] =	ssyncadd.tile.s32 @!p0 $0x1;
	_ =	shalt  }
.Lfunc_end2:
_tile_overlayer_lowered:
.L_overlay_start_2:
0x3f3: {  	(tag) =	ssettag $0x2  }
0x3f4: {  	s0 =	rddreg [dreg:$0x0];
	s2 =	stileid.u32  }
0x3f5: {  	s1 =	rddreg [dreg:$0x1];
	p0 =	sne.s32 s2, $0x0  }
0x3f6: {  	s3 =	rddreg [dreg:$0x2];
	[bflag:$0x3] =	sbarrier.arrive $0xFFFF;
	s2 =	simm.s32 @!p0 $0x1C06  }
0x3f7: {  	[timem:s3], [sflag:s2] =	dma.local @!p0 [hbm:s0], s1  }
0x3f8: {  	s0 =	simm.s32 @!p0 $0x6  }
0x3f9: {  	_ =	swait.ge @!p0 [sflag:s0], s1  }
0x3fa: {  	s1 =	ssub.s32 @!p0 $0x0, s1;
	[sflag:s0] =	ssyncset.done @!p0 $0x0  }
0x3fb: {  	[sflag:s0] =	ssyncadd.s32 @!p0 s1  }
0x3fc: {  	[bflag:$0x3] =	sbarrier.arrive $0xFFFF  }
0x3fd: {  	_ =	shalt  }

</sc_bundles>
